<compile_context>
chip_gen: v7x
topology: tpu7x:2x2x1
jax: 0.10.2.dev20260603
libtpu: 0.0.44.dev20260713+nightly
codegen_flags: <defaults>
</compile_context>

<pallas_src>
import functools

import jax
import jax.numpy as jnp
from jax import lax
from jax.experimental import pallas as pl
from jax.experimental.pallas import tpu as pltpu
from jax.experimental.pallas import tpu_sc as plsc

N = 50000
E = 1600000
D = 256
NP = 50176
CB = 32
NBLK = 16
R = 1024
GRID = NP // R
NROW = NP // 128

NTILE = 16
NSC = 2
CHUNK = 80

_mesh = plsc.VectorSubcoreMesh(core_axis_name="c", subcore_axis_name="s")


def _deg_kernel(dst_hbm, degp_hbm, ones_v, didx, vbuf, shared):
    cid = lax.axis_index("c")
    sid = lax.axis_index("s")
    nloc = NP // NTILE

    def zinit(j, _):
        vbuf[pl.ds(j * 16, 16)] = jnp.zeros((16,), jnp.float32)
        return _

    lax.fori_loop(0, nloc // 16, zinit, None)

    def oinit(j, _):
        ones_v[pl.ds(j * 16, 16)] = jnp.ones((16,), jnp.float32)
        return _

    lax.fori_loop(0, CHUNK // 16, oinit, None)

    pltpu.sync_copy(vbuf, shared.at[pl.ds(sid * nloc, nloc)])
    plsc.subcore_barrier()

    ept = E // (NSC * NTILE)
    base = (cid * NTILE + sid) * ept

    def chunk(k, _):
        pltpu.sync_copy(dst_hbm.at[pl.ds(base + k * CHUNK, CHUNK)], didx)
        pltpu.sync_copy(ones_v, shared.at[didx], add=True)
        return _

    lax.fori_loop(0, ept // CHUNK, chunk, None)
    plsc.subcore_barrier()

    pltpu.sync_copy(shared.at[pl.ds(sid * nloc, nloc)], vbuf)
    pltpu.sync_copy(vbuf, degp_hbm.at[pl.ds(cid * NP + sid * nloc, nloc)])


def _deg_call(dst):
    k = functools.partial(
        pl.kernel,
        out_type=jax.ShapeDtypeStruct((NSC * NP,), jnp.float32),
        mesh=_mesh,
        compiler_params=pltpu.CompilerParams(use_tc_tiling_on_sc=False),
        scratch_types=[
            pltpu.VMEM((CHUNK,), jnp.float32),
            pltpu.VMEM((CHUNK,), jnp.int32),
            pltpu.VMEM((NP // NTILE,), jnp.float32),
            pltpu.VMEM_SHARED((NP,), jnp.float32),
        ],
    )(_deg_kernel)
    return k(dst)


NSB = 4
RNG = 4
RNGR = NP // RNG
RPT = RNGR // NTILE
ZR = 56


def _msg_kernel(src_hbm, dst_hbm, pd_hbm, m_hbm, zbuf, sidx, didx, rows,
                shared):
    cid = lax.axis_index("c")
    sid = lax.axis_index("s")

    def zinit(i, _):
        for jj in range(8):
            zbuf[i, pl.ds(jj * 16, 16)] = jnp.zeros((16,), jnp.float32)
        return _

    lax.fori_loop(0, ZR, zinit, None)

    ept = E // NTILE
    ebase = sid * ept
    lane = lax.iota(jnp.int32, 16)

    def per_pass(p, _):
        sb = cid * (NSB // NSC) + (p % (NSB // NSC))
        rng = p // (NSB // NSC)

        def zcp(i, _):
            pltpu.sync_copy(zbuf, shared.at[pl.ds(sid * RPT + i * ZR, ZR)])
            return _

        lax.fori_loop(0, RPT // ZR, zcp, None)
        plsc.subcore_barrier()

        def chunk(k, _):
            off = ebase + k * CHUNK
            pltpu.sync_copy(src_hbm.at[pl.ds(off, CHUNK)], sidx)
            pltpu.sync_copy(dst_hbm.at[pl.ds(off, CHUNK)], didx)

            def fixup(j, _):
                sl = pl.ds(j * 16, 16)
                sidx[sl] = sidx[sl] + sb * NP
                dloc = didx[sl] - rng * RNGR
                ok = (dloc >= 0) & (dloc < RNGR)
                didx[sl] = jnp.where(ok, dloc, RNGR + lane)
                return _

            lax.fori_loop(0, CHUNK // 16, fixup, None)
            pltpu.sync_copy(pd_hbm.at[sidx], rows)
            pltpu.sync_copy(rows, shared.at[didx], add=True)
            return _

        lax.fori_loop(0, ept // CHUNK, chunk, None)
        plsc.subcore_barrier()

        def wcp(i, _):
            roff = sid * RPT + i * ZR
            pltpu.sync_copy(shared.at[pl.ds(roff, ZR)], zbuf)
            pltpu.sync_copy(zbuf, m_hbm.at[pl.ds(sb * NP + rng * RNGR + roff, ZR)])
            return _

        lax.fori_loop(0, RPT // ZR, wcp, None)
        plsc.subcore_barrier()
        return _

    lax.fori_loop(0, (NSB // NSC) * RNG, per_pass, None)


def _msg_call(src, dst, pd_flat):
    k = functools.partial(
        pl.kernel,
        out_type=jax.ShapeDtypeStruct((NSB * NP, 128), jnp.float32),
        mesh=_mesh,
        compiler_params=pltpu.CompilerParams(use_tc_tiling_on_sc=False),
        scratch_types=[
            pltpu.VMEM((ZR, 128), jnp.float32),
            pltpu.VMEM((CHUNK,), jnp.int32),
            pltpu.VMEM((CHUNK,), jnp.int32),
            pltpu.VMEM((CHUNK, 128), jnp.float32),
            pltpu.VMEM_SHARED((RNGR + 16, 128), jnp.float32),
        ],
    )(_msg_kernel)
    return k(src, dst, pd_flat)


def _scal_kernel(src_hbm, dst_hbm, u1_hbm, u2_hbm, tp_hbm,
                 sidx, didx, r1, r2, vbuf, sh1, sh2):
    cid = lax.axis_index("c")
    sid = lax.axis_index("s")
    nloc = NP // NTILE

    def zinit(j, _):
        vbuf[pl.ds(j * 16, 16)] = jnp.zeros((16,), jnp.float32)
        return _

    lax.fori_loop(0, nloc // 16, zinit, None)
    pltpu.sync_copy(vbuf, sh1.at[pl.ds(sid * nloc, nloc)])
    pltpu.sync_copy(vbuf, sh2.at[pl.ds(sid * nloc, nloc)])
    plsc.subcore_barrier()

    ept = E // (NSC * NTILE)
    base = (cid * NTILE + sid) * ept

    def chunk(k, _):
        off = base + k * CHUNK
        pltpu.sync_copy(src_hbm.at[pl.ds(off, CHUNK)], sidx)
        pltpu.sync_copy(dst_hbm.at[pl.ds(off, CHUNK)], didx)
        pltpu.sync_copy(u1_hbm.at[sidx], r1)
        pltpu.sync_copy(u2_hbm.at[sidx], r2)
        pltpu.sync_copy(r1, sh1.at[didx], add=True)
        pltpu.sync_copy(r2, sh2.at[didx], add=True)
        return _

    lax.fori_loop(0, ept // CHUNK, chunk, None)
    plsc.subcore_barrier()

    pltpu.sync_copy(sh1.at[pl.ds(sid * nloc, nloc)], vbuf)
    pltpu.sync_copy(vbuf, tp_hbm.at[pl.ds((cid * 2 + 0) * NP + sid * nloc, nloc)])
    pltpu.sync_copy(sh2.at[pl.ds(sid * nloc, nloc)], vbuf)
    pltpu.sync_copy(vbuf, tp_hbm.at[pl.ds((cid * 2 + 1) * NP + sid * nloc, nloc)])


def _scal_call(src, dst, u1, u2):
    k = functools.partial(
        pl.kernel,
        out_type=jax.ShapeDtypeStruct((NSC * 2 * NP,), jnp.float32),
        mesh=_mesh,
        compiler_params=pltpu.CompilerParams(use_tc_tiling_on_sc=False),
        scratch_types=[
            pltpu.VMEM((CHUNK,), jnp.int32),
            pltpu.VMEM((CHUNK,), jnp.int32),
            pltpu.VMEM((CHUNK,), jnp.float32),
            pltpu.VMEM((CHUNK,), jnp.float32),
            pltpu.VMEM((NP // NTILE,), jnp.float32),
            pltpu.VMEM_SHARED((NP,), jnp.float32),
            pltpu.VMEM_SHARED((NP,), jnp.float32),
        ],
    )(_scal_kernel)
    return k(src, dst, u1, u2)


def _tc1_kernel(x1_ref, x2_ref, dm_ref, w0_ref, dg0_ref, dg1_ref, pd_ref, dis_ref):
    w0p = dm_ref[...][:, None] * w0_ref[...]
    p1 = jnp.dot(x1_ref[...], w0p, preferred_element_type=jnp.float32)
    p2 = jnp.dot(x2_ref[...], w0p, preferred_element_type=jnp.float32)
    deg = dg0_ref[...] + dg1_ref[...]
    dis2 = jnp.where(deg > 0.0, lax.rsqrt(jnp.maximum(deg, 1e-12)), 0.0)
    dis_ref[...] = dis2
    for sb in range(NSB):
        cols = []
        for q in range(NSB):
            c = sb * NSB + q
            p = p1 if c < NBLK // 2 else p2
            cc = c % (NBLK // 2)
            cols.append(p[:, cc * CB:(cc + 1) * CB])
        pd_ref[sb, :, :] = jnp.concatenate(cols, axis=1) * dis2


def _tc1_call(x1, x2, dm, w0, dg0, dg1):
    return pl.pallas_call(
        _tc1_kernel,
        grid=(GRID,),
        in_specs=[
            pl.BlockSpec((R, D), lambda i: (i, 0)),
            pl.BlockSpec((R, D), lambda i: (i, 0)),
            pl.BlockSpec((D,), lambda i: (0,)),
            pl.BlockSpec((D, D), lambda i: (0, 0)),
            pl.BlockSpec((R, 1), lambda i: (i, 0)),
            pl.BlockSpec((R, 1), lambda i: (i, 0)),
        ],
        out_specs=[
            pl.BlockSpec((NSB, R, 128), lambda i: (0, i, 0)),
            pl.BlockSpec((R, 1), lambda i: (i, 0)),
        ],
        out_shape=[
            jax.ShapeDtypeStruct((NSB, NP, 128), jnp.float32),
            jax.ShapeDtypeStruct((NP, 1), jnp.float32),
        ],
    )(x1, x2, dm, w0, dg0, dg1)


def _tc2_kernel(m_ref, dis_ref, b0_ref, a0_ref, w1_ref, wp_ref, u1_ref, u2_ref):
    wp_vec = jnp.sum(wp_ref[...], axis=1, keepdims=True)
    w1p = jnp.dot(w1_ref[...], wp_vec, preferred_element_type=jnp.float32)
    dis2 = dis_ref[...]
    a0 = a0_ref[0]
    b0 = b0_ref[...]
    m = m_ref[...]
    halves = []
    for h in range(2):
        gs = []
        for cc in range(NBLK // 2):
            c = h * (NBLK // 2) + cc
            sb, q = c // NSB, c % NSB
            z = m[sb, :, q * CB:(q + 1) * CB] * dis2 + b0[cc * CB:(cc + 1) * CB]
            gs.append(jnp.where(z >= 0.0, z, a0 * z))
        g = jnp.concatenate(gs, axis=1)
        halves.append(jnp.dot(g, w1p, preferred_element_type=jnp.float32))
    u1_ref[...] = halves[0] * dis2
    u2_ref[...] = halves[1] * dis2


def _tc2_call(m_blocked, dis, b0, a0, w1, wp):
    return pl.pallas_call(
        _tc2_kernel,
        grid=(GRID,),
        in_specs=[
            pl.BlockSpec((NSB, R, 128), lambda i: (0, i, 0)),
            pl.BlockSpec((R, 1), lambda i: (i, 0)),
            pl.BlockSpec((D,), lambda i: (0,)),
            pl.BlockSpec((1,), lambda i: (0,)),
            pl.BlockSpec((D, D), lambda i: (0, 0)),
            pl.BlockSpec((D, D), lambda i: (0, 0)),
        ],
        out_specs=[
            pl.BlockSpec((R, 1), lambda i: (i, 0)),
            pl.BlockSpec((R, 1), lambda i: (i, 0)),
        ],
        out_shape=[
            jax.ShapeDtypeStruct((NP, 1), jnp.float32),
            jax.ShapeDtypeStruct((NP, 1), jnp.float32),
        ],
    )(m_blocked, dis, b0, a0, w1, wp)


def _tc3_kernel(t00_ref, t01_ref, t10_ref, t11_ref, dis_ref, b1_ref, wp_ref,
                bp_ref, out_ref):
    i = pl.program_id(0)
    wp_vec = jnp.sum(wp_ref[...], axis=1)
    cst = jnp.sum(b1_ref[...] * wp_vec) + jnp.sum(bp_ref[...])
    dis = dis_ref[...]
    s1 = dis * (t00_ref[...] + t10_ref[...]) + cst
    s2 = dis * (t01_ref[...] + t11_ref[...]) + cst
    l1 = jnp.maximum(-s1, 0.0) + jnp.log1p(jnp.exp(-jnp.abs(s1)))
    l2 = jnp.maximum(s2, 0.0) + jnp.log1p(jnp.exp(-jnp.abs(s2)))
    nid = i * R + lax.broadcasted_iota(jnp.int32, (R, 1), 0)
    valid = nid < N
    part = jnp.sum(jnp.where(valid, l1 + l2, 0.0))

    @pl.when(i == 0)
    def _():
        out_ref[0, 0] = 0.0

    out_ref[0, 0] += part

    @pl.when(i == GRID - 1)
    def _():
        out_ref[0, 0] = out_ref[0, 0] * (1.0 / (2.0 * N))


def _tc3_call(tp, dis, b1, wp, bp):
    return pl.pallas_call(
        _tc3_kernel,
        grid=(GRID,),
        in_specs=[
            pl.BlockSpec((R, 1), lambda i: (i, 0)),
            pl.BlockSpec((R, 1), lambda i: (i, 0)),
            pl.BlockSpec((R, 1), lambda i: (i, 0)),
            pl.BlockSpec((R, 1), lambda i: (i, 0)),
            pl.BlockSpec((R, 1), lambda i: (i, 0)),
            pl.BlockSpec((D,), lambda i: (0,)),
            pl.BlockSpec((D, D), lambda i: (0, 0)),
            pl.BlockSpec((D,), lambda i: (0,)),
        ],
        out_specs=pl.BlockSpec((1, 1), lambda i: (0, 0),
                               memory_space=pltpu.SMEM),
        out_shape=jax.ShapeDtypeStruct((1, 1), jnp.float32),
    )(tp[0, 0], tp[0, 1], tp[1, 0], tp[1, 1], dis, b1, wp, bp)


def kernel(features, corrupt_feat, edge_index, drop_mask, W0, b0, a0, W1, b1, a1, Wp, bp):
    src = edge_index[0].astype(jnp.int32)
    dst = edge_index[1].astype(jnp.int32)

    degp = _deg_call(dst).reshape(NSC, NP, 1)
    pd, dis = _tc1_call(features, corrupt_feat, drop_mask, W0, degp[0], degp[1])
    pdf = pd.reshape(NSB * NP, 128)
    macc = [jnp.zeros((NP, 128), jnp.float32).at[dst].add(
        pdf[b * NP:(b + 1) * NP][src]) for b in range(NSB)]
    m_flat = jnp.concatenate(macc, axis=0)
    u1, u2 = _tc2_call(m_flat.reshape(NSB, NP, 128), dis, b0, a0, W1, Wp)
    tp = _scal_call(src, dst, u1.reshape(NP), u2.reshape(NP))
    tp = tp.reshape(NSC, 2, NP, 1)
    loss = _tc3_call(tp, dis, b1, Wp, bp)
    return loss[0, 0]

# --- scband reference (transcript-rebuilt; emitter-appended) ---
"""Pipeline reference for scband-model-ggd-38001870635086 (READ-ONLY COPY).

The authoritative reference and input builder live on the scoring server;
editing this copy changes nothing except your own understanding.
"""

import jax, jax.numpy as jnp
import numpy as np

N_NODES = 50000
N_EDGES = 1600000
D = 256
H = 256
N_LAYERS = 2
DROP_FEAT = 0.2


def _gcn_norm(edge_index, n_nodes):
    src, dst = edge_index[0], edge_index[1]
    deg = jnp.zeros((n_nodes,), jnp.float32).at[dst].add(1.0)
    deg_inv_sqrt = jnp.where(deg > 0, 1.0 / jnp.sqrt(jnp.maximum(deg, 1e-12)), 0.0)
    return deg_inv_sqrt[src] * deg_inv_sqrt[dst]


def _gcn_layer(x, edge_index, norm, W, b, prelu_a, n_nodes, apply_act):
    src, dst = edge_index[0], edge_index[1]
    xw = x @ W
    msg = xw[src] * norm[:, None]
    out = jnp.zeros((n_nodes, xw.shape[1]), x.dtype).at[dst].add(msg)
    out = out + b
    if apply_act:
        out = jnp.where(out >= 0, out, prelu_a * out)
    return out


def _encoder(features, edge_index, norm, params):
    h = features
    for i in range(N_LAYERS):
        apply_act = i < N_LAYERS - 1
        h = _gcn_layer(h, edge_index, norm, params['W%d' % i], params['b%d' % i], params['a%d' % i], N_NODES, apply_act)
    return h


def setup_inputs(seed: int = 0) -> dict:
    key = jax.random.key(seed)
    ks = jax.random.split(key, 12)
    features = jax.random.normal(ks[0], (N_NODES, D), jnp.float32)
    corrupt_feat = jax.random.normal(ks[1], (N_NODES, D), jnp.float32)
    edge_index = jax.random.randint(ks[2], (2, N_EDGES), 0, N_NODES, jnp.int64)
    # fixed dropout mask over feature columns (deterministic stand-in for random.sample)
    n_drop = int(D * DROP_FEAT)
    perm = jax.random.permutation(ks[3], D)
    drop_mask = jnp.ones((D,), jnp.float32).at[perm[:n_drop]].set(0.0)
    W0 = jax.random.normal(ks[4], (D, H), jnp.float32) * (1.0 / np.sqrt(D))
    b0 = jnp.zeros((H,), jnp.float32)
    a0 = jnp.full((1,), 0.25, jnp.float32)
    W1 = jax.random.normal(ks[5], (H, H), jnp.float32) * (1.0 / np.sqrt(H))
    b1 = jnp.zeros((H,), jnp.float32)
    a1 = jnp.full((1,), 0.25, jnp.float32)
    Wp = jax.random.normal(ks[6], (H, H), jnp.float32) * (1.0 / np.sqrt(H))
    bp = jnp.zeros((H,), jnp.float32)
    return {
        'features': features,
        'corrupt_feat': corrupt_feat,
        'edge_index': edge_index,
        'drop_mask': drop_mask,
        'W0': W0, 'b0': b0, 'a0': a0,
        'W1': W1, 'b1': b1, 'a1': a1,
        'Wp': Wp, 'bp': bp,
    }


def reference(features, corrupt_feat, edge_index, drop_mask, W0, b0, a0, W1, b1, a1, Wp, bp):
    aug_feat = features * drop_mask[None, :]
    aug_corrupt = corrupt_feat * drop_mask[None, :]
    norm = _gcn_norm(edge_index, N_NODES)
    params = {'W0': W0, 'b0': b0, 'a0': a0, 'W1': W1, 'b1': b1, 'a1': a1}
    h1 = _encoder(aug_feat, edge_index, norm, params)
    h2 = _encoder(aug_corrupt, edge_index, norm, params)
    sc1 = h1 @ Wp + bp
    sc2 = h2 @ Wp + bp
    sc1 = sc1.sum(1)[None, :]
    sc2 = sc2.sum(1)[None, :]
    logits = jnp.concatenate((sc1, sc2), axis=1)
    lbl = jnp.concatenate((jnp.ones((1, N_NODES), jnp.float32), jnp.zeros((1, N_NODES), jnp.float32)), axis=1)
    # BCEWithLogitsLoss (mean)
    loss = jnp.mean(jnp.maximum(logits, 0.0) - logits * lbl + jnp.log1p(jnp.exp(-jnp.abs(logits))))
    return loss

if __name__ == "__main__":
    import jax
    _d = setup_inputs()
    print(jax.jit(kernel)(*tuple(_d.values())))

</pallas_src>

<mosaic_0001>
#map = affine_map<(d0, d1) -> (0)>
module attributes {stable_mosaic.version = 14 : i64} {
  func.func @_deg_kernel(%arg0: i32, %arg1: i32, %arg2: memref<1600000xi32, #tpu.memory_space<hbm>>, %arg3: memref<100352xf32, #tpu.memory_space<hbm>>, %arg4: memref<80xf32, #tpu.memory_space<vmem>>, %arg5: memref<80xi32, #tpu.memory_space<vmem>>, %arg6: memref<3136xf32, #tpu.memory_space<vmem>>, %arg7: memref<50176xf32, #tpu.memory_space<vmem_shared>>) attributes {dimension_semantics = [#tpu.dimension_semantics<core_parallel>, #tpu.dimension_semantics<subcore_parallel>], iteration_bounds = array<i64: 2, 16>, scalar_prefetch = 0 : i64, scratch_operands = 4 : i64, tpu.core_type = #tpu.core_type<sc_vector_subcore>, window_params = [{transform_indices = #map}, {transform_indices = #map}]} {
    %scan3A = arith.constant 0 : i32
    %scan3A_0 = arith.constant 196 : i32
    %scan3A_1 = arith.addi %scan3A, %scan3A_0 : i32
    %scan3A_2 = arith.constant 1 : i32
    scf.for %scan3A_27 = %scan3A to %scan3A_1 step %scan3A_2  : i32 {
      %broadcast_in_dim3A = arith.constant 0.000000e+00 : f32
      %broadcast_in_dim3A_28 = vector.broadcast %broadcast_in_dim3A : f32 to vector<16xf32>
      %mul3A_29 = arith.constant 16 : i32
      %mul3A_30 = arith.muli %scan3A_27, %mul3A_29 : i32
      %swap3A = arith.index_cast %mul3A_30 : i32 to index
      %swap3A_31 = tpu.vector_load %arg6[%swap3A] {strides = array<i32>} : memref<3136xf32, #tpu.memory_space<vmem>>, vector<16xf32>,
      %swap3A_32 = vector.shape_cast %swap3A_31 : vector<16xf32> to vector<16xf32>
      %swap3A_33 = vector.shape_cast %broadcast_in_dim3A_28 : vector<16xf32> to vector<16xf32>
      tpu.vector_store %arg6[%swap3A], %swap3A_33 {strides = array<i32>} : memref<3136xf32, #tpu.memory_space<vmem>>, vector<16xf32>,
    }
    %scan3A_3 = arith.constant 196 : i32
    %scan3A_4 = arith.constant 0 : i32
    %scan3A_5 = arith.constant 5 : i32
    %scan3A_6 = arith.addi %scan3A_4, %scan3A_5 : i32
    %scan3A_7 = arith.constant 1 : i32
    scf.for %scan3A_27 = %scan3A_4 to %scan3A_6 step %scan3A_7  : i32 {
      %broadcast_in_dim3A = arith.constant 1.000000e+00 : f32
      %broadcast_in_dim3A_28 = vector.broadcast %broadcast_in_dim3A : f32 to vector<16xf32>
      %mul3A_29 = arith.constant 16 : i32
      %mul3A_30 = arith.muli %scan3A_27, %mul3A_29 : i32
      %swap3A = arith.index_cast %mul3A_30 : i32 to index
      %swap3A_31 = tpu.vector_load %arg4[%swap3A] {strides = array<i32>} : memref<80xf32, #tpu.memory_space<vmem>>, vector<16xf32>,
      %swap3A_32 = vector.shape_cast %swap3A_31 : vector<16xf32> to vector<16xf32>
      %swap3A_33 = vector.shape_cast %broadcast_in_dim3A_28 : vector<16xf32> to vector<16xf32>
      tpu.vector_store %arg4[%swap3A], %swap3A_33 {strides = array<i32>} : memref<80xf32, #tpu.memory_space<vmem>>, vector<16xf32>,
    }
    %scan3A_8 = arith.constant 5 : i32
    %mul3A = arith.constant 3136 : i32
    %mul3A_9 = arith.muli %arg1, %mul3A : i32
    "tpu.region"() ({
      %run_scoped3A = tpu.sem_alloc : memref<!tpu.dma_semaphore, #tpu.memory_space<semaphore_mem>>
      %dma_start3A = tpu.memref_slice %arg7[%mul3A_9] : memref<50176xf32, #tpu.memory_space<vmem_shared>> -> memref<3136xf32, #tpu.memory_space<vmem_shared>>
      %dma_start3A_27 = tpu.memref_slice %arg7[%mul3A_9] : memref<50176xf32, #tpu.memory_space<vmem_shared>> -> memref<3136xf32, #tpu.memory_space<vmem_shared>>
      tpu.enqueue_dma source(%arg6 : memref<3136xf32, #tpu.memory_space<vmem>>) target(%dma_start3A_27 : memref<3136xf32, #tpu.memory_space<vmem_shared>>) target_semaphore(%run_scoped3A : memref<!tpu.dma_semaphore, #tpu.memory_space<semaphore_mem>>)
      %dma_wait3A = tpu.memref_slice %arg7[%mul3A_9] : memref<50176xf32, #tpu.memory_space<vmem_shared>> -> memref<3136xf32, #tpu.memory_space<vmem_shared>>
      %dma_wait3A_28 = tpu.memref_slice %arg7[%mul3A_9] : memref<50176xf32, #tpu.memory_space<vmem_shared>> -> memref<3136xf32, #tpu.memory_space<vmem_shared>>
      tpu.wait_dma2 semaphore(%run_scoped3A : memref<!tpu.dma_semaphore, #tpu.memory_space<semaphore_mem>>) src(%arg6 : memref<3136xf32, #tpu.memory_space<vmem>>) dst(%dma_wait3A_28 : memref<3136xf32, #tpu.memory_space<vmem_shared>>)
      tpu.yield
    }) : () -> ()
    %barrier3A = arith.constant 0 : index
    tpu.barrier barrier_id(%barrier3A)
    %mul3A_10 = arith.constant 16 : i32
    %mul3A_11 = arith.muli %arg0, %mul3A_10 : i32
    %add3A = arith.addi %mul3A_11, %arg1 : i32
    %mul3A_12 = arith.constant 50000 : i32
    %mul3A_13 = arith.muli %add3A, %mul3A_12 : i32
    %scan3A_14 = arith.constant 0 : i32
    %scan3A_15 = arith.constant 625 : i32
    %scan3A_16 = arith.addi %scan3A_14, %scan3A_15 : i32
    %scan3A_17 = arith.constant 1 : i32
    scf.for %scan3A_27 = %scan3A_14 to %scan3A_16 step %scan3A_17  : i32 {
      %mul3A_28 = arith.constant 80 : i32
      %mul3A_29 = arith.muli %scan3A_27, %mul3A_28 : i32
      %add3A_30 = arith.addi %mul3A_13, %mul3A_29 : i32
      "tpu.region"() ({
        %run_scoped3A = tpu.sem_alloc : memref<!tpu.dma_semaphore, #tpu.memory_space<semaphore_mem>>
        %dma_start3A = tpu.memref_slice %arg2[%add3A_30] : memref<1600000xi32, #tpu.memory_space<hbm>> -> memref<80xi32, #tpu.memory_space<hbm>>
        %dma_start3A_31 = tpu.memref_slice %arg2[%add3A_30] : memref<1600000xi32, #tpu.memory_space<hbm>> -> memref<80xi32, #tpu.memory_space<hbm>>
        tpu.enqueue_dma source(%dma_start3A_31 : memref<80xi32, #tpu.memory_space<hbm>>) target(%arg5 : memref<80xi32, #tpu.memory_space<vmem>>) target_semaphore(%run_scoped3A : memref<!tpu.dma_semaphore, #tpu.memory_space<semaphore_mem>>)
        %dma_wait3A = tpu.memref_slice %arg2[%add3A_30] : memref<1600000xi32, #tpu.memory_space<hbm>> -> memref<80xi32, #tpu.memory_space<hbm>>
        %dma_wait3A_32 = tpu.memref_slice %arg2[%add3A_30] : memref<1600000xi32, #tpu.memory_space<hbm>> -> memref<80xi32, #tpu.memory_space<hbm>>
        tpu.wait_dma2 semaphore(%run_scoped3A : memref<!tpu.dma_semaphore, #tpu.memory_space<semaphore_mem>>) src(%dma_wait3A_32 : memref<80xi32, #tpu.memory_space<hbm>>) dst(%arg5 : memref<80xi32, #tpu.memory_space<vmem>>)
        tpu.yield
      }) : () -> ()
      "tpu.region"() ({
        %run_scoped3A = tpu.sem_alloc : memref<!tpu.dma_semaphore, #tpu.memory_space<semaphore_mem>>
        %dma_start3A = arith.constant 0 : i32
        %dma_start3A_31 = tpu.memref_slice %arg7[%dma_start3A] : memref<50176xf32, #tpu.memory_space<vmem_shared>> -> memref<50176xf32, #tpu.memory_space<vmem_shared>>
        tpu.enqueue_indirect_dma source(%arg4 : memref<80xf32, #tpu.memory_space<vmem>>) target(%dma_start3A_31 : memref<50176xf32, #tpu.memory_space<vmem_shared>>) offsets(%arg5 : memref<80xi32, #tpu.memory_space<vmem>>) semaphore(%run_scoped3A : memref<!tpu.dma_semaphore, #tpu.memory_space<semaphore_mem>>) {add = true}
        %dma_wait3A = arith.constant 0 : i32
        %dma_wait3A_32 = tpu.memref_slice %arg7[%dma_wait3A] : memref<50176xf32, #tpu.memory_space<vmem_shared>> -> memref<50176xf32, #tpu.memory_space<vmem_shared>>
        tpu.wait_indirect_dma semaphore(%run_scoped3A : memref<!tpu.dma_semaphore, #tpu.memory_space<semaphore_mem>>) src(%arg4 : memref<80xf32, #tpu.memory_space<vmem>>) dst(%dma_wait3A_32 : memref<50176xf32, #tpu.memory_space<vmem_shared>>)
        tpu.yield
      }) : () -> ()
    }
    %scan3A_18 = arith.constant 625 : i32
    %barrier3A_19 = arith.constant 0 : index
    tpu.barrier barrier_id(%barrier3A_19)
    %mul3A_20 = arith.constant 3136 : i32
    %mul3A_21 = arith.muli %arg1, %mul3A_20 : i32
    "tpu.region"() ({
      %run_scoped3A = tpu.sem_alloc : memref<!tpu.dma_semaphore, #tpu.memory_space<semaphore_mem>>
      %dma_start3A = tpu.memref_slice %arg7[%mul3A_21] : memref<50176xf32, #tpu.memory_space<vmem_shared>> -> memref<3136xf32, #tpu.memory_space<vmem_shared>>
      %dma_start3A_27 = tpu.memref_slice %arg7[%mul3A_21] : memref<50176xf32, #tpu.memory_space<vmem_shared>> -> memref<3136xf32, #tpu.memory_space<vmem_shared>>
      tpu.enqueue_dma source(%dma_start3A_27 : memref<3136xf32, #tpu.memory_space<vmem_shared>>) target(%arg6 : memref<3136xf32, #tpu.memory_space<vmem>>) target_semaphore(%run_scoped3A : memref<!tpu.dma_semaphore, #tpu.memory_space<semaphore_mem>>)
      %dma_wait3A = tpu.memref_slice %arg7[%mul3A_21] : memref<50176xf32, #tpu.memory_space<vmem_shared>> -> memref<3136xf32, #tpu.memory_space<vmem_shared>>
      %dma_wait3A_28 = tpu.memref_slice %arg7[%mul3A_21] : memref<50176xf32, #tpu.memory_space<vmem_shared>> -> memref<3136xf32, #tpu.memory_space<vmem_shared>>
      tpu.wait_dma2 semaphore(%run_scoped3A : memref<!tpu.dma_semaphore, #tpu.memory_space<semaphore_mem>>) src(%dma_wait3A_28 : memref<3136xf32, #tpu.memory_space<vmem_shared>>) dst(%arg6 : memref<3136xf32, #tpu.memory_space<vmem>>)
      tpu.yield
    }) : () -> ()
    %mul3A_22 = arith.constant 50176 : i32
    %mul3A_23 = arith.muli %arg0, %mul3A_22 : i32
    %mul3A_24 = arith.constant 3136 : i32
    %mul3A_25 = arith.muli %arg1, %mul3A_24 : i32
    %add3A_26 = arith.addi %mul3A_23, %mul3A_25 : i32
    "tpu.region"() ({
      %run_scoped3A = tpu.sem_alloc : memref<!tpu.dma_semaphore, #tpu.memory_space<semaphore_mem>>
      %dma_start3A = tpu.memref_slice %arg3[%add3A_26] : memref<100352xf32, #tpu.memory_space<hbm>> -> memref<3136xf32, #tpu.memory_space<hbm>>
      %dma_start3A_27 = tpu.memref_slice %arg3[%add3A_26] : memref<100352xf32, #tpu.memory_space<hbm>> -> memref<3136xf32, #tpu.memory_space<hbm>>
      tpu.enqueue_dma source(%arg6 : memref<3136xf32, #tpu.memory_space<vmem>>) target(%dma_start3A_27 : memref<3136xf32, #tpu.memory_space<hbm>>) target_semaphore(%run_scoped3A : memref<!tpu.dma_semaphore, #tpu.memory_space<semaphore_mem>>)
      %dma_wait3A = tpu.memref_slice %arg3[%add3A_26] : memref<100352xf32, #tpu.memory_space<hbm>> -> memref<3136xf32, #tpu.memory_space<hbm>>
      %dma_wait3A_28 = tpu.memref_slice %arg3[%add3A_26] : memref<100352xf32, #tpu.memory_space<hbm>> -> memref<3136xf32, #tpu.memory_space<hbm>>
      tpu.wait_dma2 semaphore(%run_scoped3A : memref<!tpu.dma_semaphore, #tpu.memory_space<semaphore_mem>>) src(%arg6 : memref<3136xf32, #tpu.memory_space<vmem>>) dst(%dma_wait3A_28 : memref<3136xf32, #tpu.memory_space<hbm>>)
      tpu.yield
    }) : () -> ()
    return
  }
}

#map = affine_map<(d0, d1) -> (0)>
module attributes {stable_mosaic.version = 14 : i64} {
  func.func @_scal_kernel(%arg0: i32, %arg1: i32, %arg2: memref<1600000xi32, #tpu.memory_space<hbm>>, %arg3: memref<1600000xi32, #tpu.memory_space<hbm>>, %arg4: memref<50176xf32, #tpu.memory_space<hbm>>, %arg5: memref<50176xf32, #tpu.memory_space<hbm>>, %arg6: memref<200704xf32, #tpu.memory_space<hbm>>, %arg7: memref<80xi32, #tpu.memory_space<vmem>>, %arg8: memref<80xi32, #tpu.memory_space<vmem>>, %arg9: memref<80xf32, #tpu.memory_space<vmem>>, %arg10: memref<80xf32, #tpu.memory_space<vmem>>, %arg11: memref<3136xf32, #tpu.memory_space<vmem>>, %arg12: memref<50176xf32, #tpu.memory_space<vmem_shared>>, %arg13: memref<50176xf32, #tpu.memory_space<vmem_shared>>) attributes {dimension_semantics = [#tpu.dimension_semantics<core_parallel>, #tpu.dimension_semantics<subcore_parallel>], iteration_bounds = array<i64: 2, 16>, scalar_prefetch = 0 : i64, scratch_operands = 7 : i64, tpu.core_type = #tpu.core_type<sc_vector_subcore>, window_params = [{transform_indices = #map}, {transform_indices = #map}, {transform_indices = #map}, {transform_indices = #map}, {transform_indices = #map}]} {
    %scan3A = arith.constant 0 : i32
    %scan3A_0 = arith.constant 196 : i32
    %scan3A_1 = arith.addi %scan3A, %scan3A_0 : i32
    %scan3A_2 = arith.constant 1 : i32
    scf.for %scan3A_39 = %scan3A to %scan3A_1 step %scan3A_2  : i32 {
      %broadcast_in_dim3A = arith.constant 0.000000e+00 : f32
      %broadcast_in_dim3A_40 = vector.broadcast %broadcast_in_dim3A : f32 to vector<16xf32>
      %mul3A_41 = arith.constant 16 : i32
      %mul3A_42 = arith.muli %scan3A_39, %mul3A_41 : i32
      %swap3A = arith.index_cast %mul3A_42 : i32 to index
      %swap3A_43 = tpu.vector_load %arg11[%swap3A] {strides = array<i32>} : memref<3136xf32, #tpu.memory_space<vmem>>, vector<16xf32>,
      %swap3A_44 = vector.shape_cast %swap3A_43 : vector<16xf32> to vector<16xf32>
      %swap3A_45 = vector.shape_cast %broadcast_in_dim3A_40 : vector<16xf32> to vector<16xf32>
      tpu.vector_store %arg11[%swap3A], %swap3A_45 {strides = array<i32>} : memref<3136xf32, #tpu.memory_space<vmem>>, vector<16xf32>,
    }
    %scan3A_3 = arith.constant 196 : i32
    %mul3A = arith.constant 3136 : i32
    %mul3A_4 = arith.muli %arg1, %mul3A : i32
    "tpu.region"() ({
      %run_scoped3A = tpu.sem_alloc : memref<!tpu.dma_semaphore, #tpu.memory_space<semaphore_mem>>
      %dma_start3A = tpu.memref_slice %arg12[%mul3A_4] : memref<50176xf32, #tpu.memory_space<vmem_shared>> -> memref<3136xf32, #tpu.memory_space<vmem_shared>>
      %dma_start3A_39 = tpu.memref_slice %arg12[%mul3A_4] : memref<50176xf32, #tpu.memory_space<vmem_shared>> -> memref<3136xf32, #tpu.memory_space<vmem_shared>>
      tpu.enqueue_dma source(%arg11 : memref<3136xf32, #tpu.memory_space<vmem>>) target(%dma_start3A_39 : memref<3136xf32, #tpu.memory_space<vmem_shared>>) target_semaphore(%run_scoped3A : memref<!tpu.dma_semaphore, #tpu.memory_space<semaphore_mem>>)
      %dma_wait3A = tpu.memref_slice %arg12[%mul3A_4] : memref<50176xf32, #tpu.memory_space<vmem_shared>> -> memref<3136xf32, #tpu.memory_space<vmem_shared>>
      %dma_wait3A_40 = tpu.memref_slice %arg12[%mul3A_4] : memref<50176xf32, #tpu.memory_space<vmem_shared>> -> memref<3136xf32, #tpu.memory_space<vmem_shared>>
      tpu.wait_dma2 semaphore(%run_scoped3A : memref<!tpu.dma_semaphore, #tpu.memory_space<semaphore_mem>>) src(%arg11 : memref<3136xf32, #tpu.memory_space<vmem>>) dst(%dma_wait3A_40 : memref<3136xf32, #tpu.memory_space<vmem_shared>>)
      tpu.yield
    }) : () -> ()
    %mul3A_5 = arith.constant 3136 : i32
    %mul3A_6 = arith.muli %arg1, %mul3A_5 : i32
    "tpu.region"() ({
      %run_scoped3A = tpu.sem_alloc : memref<!tpu.dma_semaphore, #tpu.memory_space<semaphore_mem>>
      %dma_start3A = tpu.memref_slice %arg13[%mul3A_6] : memref<50176xf32, #tpu.memory_space<vmem_shared>> -> memref<3136xf32, #tpu.memory_space<vmem_shared>>
      %dma_start3A_39 = tpu.memref_slice %arg13[%mul3A_6] : memref<50176xf32, #tpu.memory_space<vmem_shared>> -> memref<3136xf32, #tpu.memory_space<vmem_shared>>
      tpu.enqueue_dma source(%arg11 : memref<3136xf32, #tpu.memory_space<vmem>>) target(%dma_start3A_39 : memref<3136xf32, #tpu.memory_space<vmem_shared>>) target_semaphore(%run_scoped3A : memref<!tpu.dma_semaphore, #tpu.memory_space<semaphore_mem>>)
      %dma_wait3A = tpu.memref_slice %arg13[%mul3A_6] : memref<50176xf32, #tpu.memory_space<vmem_shared>> -> memref<3136xf32, #tpu.memory_space<vmem_shared>>
      %dma_wait3A_40 = tpu.memref_slice %arg13[%mul3A_6] : memref<50176xf32, #tpu.memory_space<vmem_shared>> -> memref<3136xf32, #tpu.memory_space<vmem_shared>>
      tpu.wait_dma2 semaphore(%run_scoped3A : memref<!tpu.dma_semaphore, #tpu.memory_space<semaphore_mem>>) src(%arg11 : memref<3136xf32, #tpu.memory_space<vmem>>) dst(%dma_wait3A_40 : memref<3136xf32, #tpu.memory_space<vmem_shared>>)
      tpu.yield
    }) : () -> ()
    %barrier3A = arith.constant 0 : index
    tpu.barrier barrier_id(%barrier3A)
    %mul3A_7 = arith.constant 16 : i32
    %mul3A_8 = arith.muli %arg0, %mul3A_7 : i32
    %add3A = arith.addi %mul3A_8, %arg1 : i32
    %mul3A_9 = arith.constant 50000 : i32
    %mul3A_10 = arith.muli %add3A, %mul3A_9 : i32
    %scan3A_11 = arith.constant 0 : i32
    %scan3A_12 = arith.constant 625 : i32
    %scan3A_13 = arith.addi %scan3A_11, %scan3A_12 : i32
    %scan3A_14 = arith.constant 1 : i32
    scf.for %scan3A_39 = %scan3A_11 to %scan3A_13 step %scan3A_14  : i32 {
      %mul3A_40 = arith.constant 80 : i32
      %mul3A_41 = arith.muli %scan3A_39, %mul3A_40 : i32
      %add3A_42 = arith.addi %mul3A_10, %mul3A_41 : i32
      "tpu.region"() ({
        %run_scoped3A = tpu.sem_alloc : memref<!tpu.dma_semaphore, #tpu.memory_space<semaphore_mem>>
        %dma_start3A = tpu.memref_slice %arg2[%add3A_42] : memref<1600000xi32, #tpu.memory_space<hbm>> -> memref<80xi32, #tpu.memory_space<hbm>>
        %dma_start3A_43 = tpu.memref_slice %arg2[%add3A_42] : memref<1600000xi32, #tpu.memory_space<hbm>> -> memref<80xi32, #tpu.memory_space<hbm>>
        tpu.enqueue_dma source(%dma_start3A_43 : memref<80xi32, #tpu.memory_space<hbm>>) target(%arg7 : memref<80xi32, #tpu.memory_space<vmem>>) target_semaphore(%run_scoped3A : memref<!tpu.dma_semaphore, #tpu.memory_space<semaphore_mem>>)
        %dma_wait3A = tpu.memref_slice %arg2[%add3A_42] : memref<1600000xi32, #tpu.memory_space<hbm>> -> memref<80xi32, #tpu.memory_space<hbm>>
        %dma_wait3A_44 = tpu.memref_slice %arg2[%add3A_42] : memref<1600000xi32, #tpu.memory_space<hbm>> -> memref<80xi32, #tpu.memory_space<hbm>>
        tpu.wait_dma2 semaphore(%run_scoped3A : memref<!tpu.dma_semaphore, #tpu.memory_space<semaphore_mem>>) src(%dma_wait3A_44 : memref<80xi32, #tpu.memory_space<hbm>>) dst(%arg7 : memref<80xi32, #tpu.memory_space<vmem>>)
        tpu.yield
      }) : () -> ()
      "tpu.region"() ({
        %run_scoped3A = tpu.sem_alloc : memref<!tpu.dma_semaphore, #tpu.memory_space<semaphore_mem>>
        %dma_start3A = tpu.memref_slice %arg3[%add3A_42] : memref<1600000xi32, #tpu.memory_space<hbm>> -> memref<80xi32, #tpu.memory_space<hbm>>
        %dma_start3A_43 = tpu.memref_slice %arg3[%add3A_42] : memref<1600000xi32, #tpu.memory_space<hbm>> -> memref<80xi32, #tpu.memory_space<hbm>>
        tpu.enqueue_dma source(%dma_start3A_43 : memref<80xi32, #tpu.memory_space<hbm>>) target(%arg8 : memref<80xi32, #tpu.memory_space<vmem>>) target_semaphore(%run_scoped3A : memref<!tpu.dma_semaphore, #tpu.memory_space<semaphore_mem>>)
        %dma_wait3A = tpu.memref_slice %arg3[%add3A_42] : memref<1600000xi32, #tpu.memory_space<hbm>> -> memref<80xi32, #tpu.memory_space<hbm>>
        %dma_wait3A_44 = tpu.memref_slice %arg3[%add3A_42] : memref<1600000xi32, #tpu.memory_space<hbm>> -> memref<80xi32, #tpu.memory_space<hbm>>
        tpu.wait_dma2 semaphore(%run_scoped3A : memref<!tpu.dma_semaphore, #tpu.memory_space<semaphore_mem>>) src(%dma_wait3A_44 : memref<80xi32, #tpu.memory_space<hbm>>) dst(%arg8 : memref<80xi32, #tpu.memory_space<vmem>>)
        tpu.yield
      }) : () -> ()
      "tpu.region"() ({
        %run_scoped3A = tpu.sem_alloc : memref<!tpu.dma_semaphore, #tpu.memory_space<semaphore_mem>>
        %dma_start3A = arith.constant 0 : i32
        %dma_start3A_43 = tpu.memref_slice %arg4[%dma_start3A] : memref<50176xf32, #tpu.memory_space<hbm>> -> memref<50176xf32, #tpu.memory_space<hbm>>
        tpu.enqueue_indirect_dma source(%dma_start3A_43 : memref<50176xf32, #tpu.memory_space<hbm>>) target(%arg9 : memref<80xf32, #tpu.memory_space<vmem>>) offsets(%arg7 : memref<80xi32, #tpu.memory_space<vmem>>) semaphore(%run_scoped3A : memref<!tpu.dma_semaphore, #tpu.memory_space<semaphore_mem>>)
        %dma_wait3A = arith.constant 0 : i32
        %dma_wait3A_44 = tpu.memref_slice %arg4[%dma_wait3A] : memref<50176xf32, #tpu.memory_space<hbm>> -> memref<50176xf32, #tpu.memory_space<hbm>>
        tpu.wait_indirect_dma semaphore(%run_scoped3A : memref<!tpu.dma_semaphore, #tpu.memory_space<semaphore_mem>>) src(%dma_wait3A_44 : memref<50176xf32, #tpu.memory_space<hbm>>) dst(%arg9 : memref<80xf32, #tpu.memory_space<vmem>>)
        tpu.yield
      }) : () -> ()
      "tpu.region"() ({
        %run_scoped3A = tpu.sem_alloc : memref<!tpu.dma_semaphore, #tpu.memory_space<semaphore_mem>>
        %dma_start3A = arith.constant 0 : i32
        %dma_start3A_43 = tpu.memref_slice %arg5[%dma_start3A] : memref<50176xf32, #tpu.memory_space<hbm>> -> memref<50176xf32, #tpu.memory_space<hbm>>
        tpu.enqueue_indirect_dma source(%dma_start3A_43 : memref<50176xf32, #tpu.memory_space<hbm>>) target(%arg10 : memref<80xf32, #tpu.memory_space<vmem>>) offsets(%arg7 : memref<80xi32, #tpu.memory_space<vmem>>) semaphore(%run_scoped3A : memref<!tpu.dma_semaphore, #tpu.memory_space<semaphore_mem>>)
        %dma_wait3A = arith.constant 0 : i32
        %dma_wait3A_44 = tpu.memref_slice %arg5[%dma_wait3A] : memref<50176xf32, #tpu.memory_space<hbm>> -> memref<50176xf32, #tpu.memory_space<hbm>>
        tpu.wait_indirect_dma semaphore(%run_scoped3A : memref<!tpu.dma_semaphore, #tpu.memory_space<semaphore_mem>>) src(%dma_wait3A_44 : memref<50176xf32, #tpu.memory_space<hbm>>) dst(%arg10 : memref<80xf32, #tpu.memory_space<vmem>>)
        tpu.yield
      }) : () -> ()
      "tpu.region"() ({
        %run_scoped3A = tpu.sem_alloc : memref<!tpu.dma_semaphore, #tpu.memory_space<semaphore_mem>>
        %dma_start3A = arith.constant 0 : i32
        %dma_start3A_43 = tpu.memref_slice %arg12[%dma_start3A] : memref<50176xf32, #tpu.memory_space<vmem_shared>> -> memref<50176xf32, #tpu.memory_space<vmem_shared>>
        tpu.enqueue_indirect_dma source(%arg9 : memref<80xf32, #tpu.memory_space<vmem>>) target(%dma_start3A_43 : memref<50176xf32, #tpu.memory_space<vmem_shared>>) offsets(%arg8 : memref<80xi32, #tpu.memory_space<vmem>>) semaphore(%run_scoped3A : memref<!tpu.dma_semaphore, #tpu.memory_space<semaphore_mem>>) {add = true}
        %dma_wait3A = arith.constant 0 : i32
        %dma_wait3A_44 = tpu.memref_slice %arg12[%dma_wait3A] : memref<50176xf32, #tpu.memory_space<vmem_shared>> -> memref<50176xf32, #tpu.memory_space<vmem_shared>>
        tpu.wait_indirect_dma semaphore(%run_scoped3A : memref<!tpu.dma_semaphore, #tpu.memory_space<semaphore_mem>>) src(%arg9 : memref<80xf32, #tpu.memory_space<vmem>>) dst(%dma_wait3A_44 : memref<50176xf32, #tpu.memory_space<vmem_shared>>)
        tpu.yield
      }) : () -> ()
      "tpu.region"() ({
        %run_scoped3A = tpu.sem_alloc : memref<!tpu.dma_semaphore, #tpu.memory_space<semaphore_mem>>
        %dma_start3A = arith.constant 0 : i32
        %dma_start3A_43 = tpu.memref_slice %arg13[%dma_start3A] : memref<50176xf32, #tpu.memory_space<vmem_shared>> -> memref<50176xf32, #tpu.memory_space<vmem_shared>>
        tpu.enqueue_indirect_dma source(%arg10 : memref<80xf32, #tpu.memory_space<vmem>>) target(%dma_start3A_43 : memref<50176xf32, #tpu.memory_space<vmem_shared>>) offsets(%arg8 : memref<80xi32, #tpu.memory_space<vmem>>) semaphore(%run_scoped3A : memref<!tpu.dma_semaphore, #tpu.memory_space<semaphore_mem>>) {add = true}
        %dma_wait3A = arith.constant 0 : i32
        %dma_wait3A_44 = tpu.memref_slice %arg13[%dma_wait3A] : memref<50176xf32, #tpu.memory_space<vmem_shared>> -> memref<50176xf32, #tpu.memory_space<vmem_shared>>
        tpu.wait_indirect_dma semaphore(%run_scoped3A : memref<!tpu.dma_semaphore, #tpu.memory_space<semaphore_mem>>) src(%arg10 : memref<80xf32, #tpu.memory_space<vmem>>) dst(%dma_wait3A_44 : memref<50176xf32, #tpu.memory_space<vmem_shared>>)
        tpu.yield
      }) : () -> ()
    }
    %scan3A_15 = arith.constant 625 : i32
    %barrier3A_16 = arith.constant 0 : index
    tpu.barrier barrier_id(%barrier3A_16)
    %mul3A_17 = arith.constant 3136 : i32
    %mul3A_18 = arith.muli %arg1, %mul3A_17 : i32
    "tpu.region"() ({
      %run_scoped3A = tpu.sem_alloc : memref<!tpu.dma_semaphore, #tpu.memory_space<semaphore_mem>>
      %dma_start3A = tpu.memref_slice %arg12[%mul3A_18] : memref<50176xf32, #tpu.memory_space<vmem_shared>> -> memref<3136xf32, #tpu.memory_space<vmem_shared>>
      %dma_start3A_39 = tpu.memref_slice %arg12[%mul3A_18] : memref<50176xf32, #tpu.memory_space<vmem_shared>> -> memref<3136xf32, #tpu.memory_space<vmem_shared>>
      tpu.enqueue_dma source(%dma_start3A_39 : memref<3136xf32, #tpu.memory_space<vmem_shared>>) target(%arg11 : memref<3136xf32, #tpu.memory_space<vmem>>) target_semaphore(%run_scoped3A : memref<!tpu.dma_semaphore, #tpu.memory_space<semaphore_mem>>)
      %dma_wait3A = tpu.memref_slice %arg12[%mul3A_18] : memref<50176xf32, #tpu.memory_space<vmem_shared>> -> memref<3136xf32, #tpu.memory_space<vmem_shared>>
      %dma_wait3A_40 = tpu.memref_slice %arg12[%mul3A_18] : memref<50176xf32, #tpu.memory_space<vmem_shared>> -> memref<3136xf32, #tpu.memory_space<vmem_shared>>
      tpu.wait_dma2 semaphore(%run_scoped3A : memref<!tpu.dma_semaphore, #tpu.memory_space<semaphore_mem>>) src(%dma_wait3A_40 : memref<3136xf32, #tpu.memory_space<vmem_shared>>) dst(%arg11 : memref<3136xf32, #tpu.memory_space<vmem>>)
      tpu.yield
    }) : () -> ()
    %mul3A_19 = arith.constant 2 : i32
    %mul3A_20 = arith.muli %arg0, %mul3A_19 : i32
    %add3A_21 = arith.constant 0 : i32
    %add3A_22 = arith.addi %mul3A_20, %add3A_21 : i32
    %mul3A_23 = arith.constant 50176 : i32
    %mul3A_24 = arith.muli %add3A_22, %mul3A_23 : i32
    %mul3A_25 = arith.constant 3136 : i32
    %mul3A_26 = arith.muli %arg1, %mul3A_25 : i32
    %add3A_27 = arith.addi %mul3A_24, %mul3A_26 : i32
    "tpu.region"() ({
      %run_scoped3A = tpu.sem_alloc : memref<!tpu.dma_semaphore, #tpu.memory_space<semaphore_mem>>
      %dma_start3A = tpu.memref_slice %arg6[%add3A_27] : memref<200704xf32, #tpu.memory_space<hbm>> -> memref<3136xf32, #tpu.memory_space<hbm>>
      %dma_start3A_39 = tpu.memref_slice %arg6[%add3A_27] : memref<200704xf32, #tpu.memory_space<hbm>> -> memref<3136xf32, #tpu.memory_space<hbm>>
      tpu.enqueue_dma source(%arg11 : memref<3136xf32, #tpu.memory_space<vmem>>) target(%dma_start3A_39 : memref<3136xf32, #tpu.memory_space<hbm>>) target_semaphore(%run_scoped3A : memref<!tpu.dma_semaphore, #tpu.memory_space<semaphore_mem>>)
      %dma_wait3A = tpu.memref_slice %arg6[%add3A_27] : memref<200704xf32, #tpu.memory_space<hbm>> -> memref<3136xf32, #tpu.memory_space<hbm>>
      %dma_wait3A_40 = tpu.memref_slice %arg6[%add3A_27] : memref<200704xf32, #tpu.memory_space<hbm>> -> memref<3136xf32, #tpu.memory_space<hbm>>
      tpu.wait_dma2 semaphore(%run_scoped3A : memref<!tpu.dma_semaphore, #tpu.memory_space<semaphore_mem>>) src(%arg11 : memref<3136xf32, #tpu.memory_space<vmem>>) dst(%dma_wait3A_40 : memref<3136xf32, #tpu.memory_space<hbm>>)
      tpu.yield
    }) : () -> ()
    %mul3A_28 = arith.constant 3136 : i32
    %mul3A_29 = arith.muli %arg1, %mul3A_28 : i32
    "tpu.region"() ({
      %run_scoped3A = tpu.sem_alloc : memref<!tpu.dma_semaphore, #tpu.memory_space<semaphore_mem>>
      %dma_start3A = tpu.memref_slice %arg13[%mul3A_29] : memref<50176xf32, #tpu.memory_space<vmem_shared>> -> memref<3136xf32, #tpu.memory_space<vmem_shared>>
      %dma_start3A_39 = tpu.memref_slice %arg13[%mul3A_29] : memref<50176xf32, #tpu.memory_space<vmem_shared>> -> memref<3136xf32, #tpu.memory_space<vmem_shared>>
      tpu.enqueue_dma source(%dma_start3A_39 : memref<3136xf32, #tpu.memory_space<vmem_shared>>) target(%arg11 : memref<3136xf32, #tpu.memory_space<vmem>>) target_semaphore(%run_scoped3A : memref<!tpu.dma_semaphore, #tpu.memory_space<semaphore_mem>>)
      %dma_wait3A = tpu.memref_slice %arg13[%mul3A_29] : memref<50176xf32, #tpu.memory_space<vmem_shared>> -> memref<3136xf32, #tpu.memory_space<vmem_shared>>
      %dma_wait3A_40 = tpu.memref_slice %arg13[%mul3A_29] : memref<50176xf32, #tpu.memory_space<vmem_shared>> -> memref<3136xf32, #tpu.memory_space<vmem_shared>>
      tpu.wait_dma2 semaphore(%run_scoped3A : memref<!tpu.dma_semaphore, #tpu.memory_space<semaphore_mem>>) src(%dma_wait3A_40 : memref<3136xf32, #tpu.memory_space<vmem_shared>>) dst(%arg11 : memref<3136xf32, #tpu.memory_space<vmem>>)
      tpu.yield
    }) : () -> ()
    %mul3A_30 = arith.constant 2 : i32
    %mul3A_31 = arith.muli %arg0, %mul3A_30 : i32
    %add3A_32 = arith.constant 1 : i32
    %add3A_33 = arith.addi %mul3A_31, %add3A_32 : i32
    %mul3A_34 = arith.constant 50176 : i32
    %mul3A_35 = arith.muli %add3A_33, %mul3A_34 : i32
    %mul3A_36 = arith.constant 3136 : i32
    %mul3A_37 = arith.muli %arg1, %mul3A_36 : i32
    %add3A_38 = arith.addi %mul3A_35, %mul3A_37 : i32
    "tpu.region"() ({
      %run_scoped3A = tpu.sem_alloc : memref<!tpu.dma_semaphore, #tpu.memory_space<semaphore_mem>>
      %dma_start3A = tpu.memref_slice %arg6[%add3A_38] : memref<200704xf32, #tpu.memory_space<hbm>> -> memref<3136xf32, #tpu.memory_space<hbm>>
      %dma_start3A_39 = tpu.memref_slice %arg6[%add3A_38] : memref<200704xf32, #tpu.memory_space<hbm>> -> memref<3136xf32, #tpu.memory_space<hbm>>
      tpu.enqueue_dma source(%arg11 : memref<3136xf32, #tpu.memory_space<vmem>>) target(%dma_start3A_39 : memref<3136xf32, #tpu.memory_space<hbm>>) target_semaphore(%run_scoped3A : memref<!tpu.dma_semaphore, #tpu.memory_space<semaphore_mem>>)
      %dma_wait3A = tpu.memref_slice %arg6[%add3A_38] : memref<200704xf32, #tpu.memory_space<hbm>> -> memref<3136xf32, #tpu.memory_space<hbm>>
      %dma_wait3A_40 = tpu.memref_slice %arg6[%add3A_38] : memref<200704xf32, #tpu.memory_space<hbm>> -> memref<3136xf32, #tpu.memory_space<hbm>>
      tpu.wait_dma2 semaphore(%run_scoped3A : memref<!tpu.dma_semaphore, #tpu.memory_space<semaphore_mem>>) src(%arg11 : memref<3136xf32, #tpu.memory_space<vmem>>) dst(%dma_wait3A_40 : memref<3136xf32, #tpu.memory_space<hbm>>)
      tpu.yield
    }) : () -> ()
    return
  }
}

module attributes {stable_mosaic.version = 14 : i64} {
  func.func @_tc1_kernel(%arg0: i32, %arg1: memref<1024x256xf32, #tpu.memory_space<vmem>>, %arg2: memref<1024x256xf32, #tpu.memory_space<vmem>>, %arg3: memref<256xf32, #tpu.memory_space<vmem>>, %arg4: memref<256x256xf32, #tpu.memory_space<vmem>>, %arg5: memref<1024x1xf32, #tpu.memory_space<vmem>>, %arg6: memref<1024x1xf32, #tpu.memory_space<vmem>>, %arg7: memref<4x1024x128xf32, #tpu.memory_space<vmem>>, %arg8: memref<1024x1xf32, #tpu.memory_space<vmem>>) attributes {dimension_semantics = [#tpu.dimension_semantics<arbitrary>], iteration_bounds = array<i64: 49>, scalar_prefetch = 0 : i64, scratch_operands = 0 : i64, tpu.core_type = #tpu.core_type<tc>, window_params = [{transform_indices = @transform_0, window_bounds = array<i64: 1024, 256>}, {transform_indices = @transform_1, window_bounds = array<i64: 1024, 256>}, {pipeline_mode = #tpu.pipeline_mode<synchronous>, transform_indices = @transform_2, window_bounds = array<i64: 256>}, {pipeline_mode = #tpu.pipeline_mode<synchronous>, transform_indices = @transform_3, window_bounds = array<i64: 256, 256>}, {transform_indices = @transform_4, window_bounds = array<i64: 1024, 1>}, {transform_indices = @transform_5, window_bounds = array<i64: 1024, 1>}, {transform_indices = @transform_6, window_bounds = array<i64: 4, 1024, 128>}, {transform_indices = @transform_7, window_bounds = array<i64: 1024, 1>}]} {
    %get3A = arith.constant 0 : index
    %get3A_0 = vector.load %arg3[%get3A] : memref<256xf32, #tpu.memory_space<vmem>>, vector<256xf32>
    %broadcast_in_dim3A = vector.shape_cast %get3A_0 : vector<256xf32> to vector<256x1xf32>
    %get3A_1 = arith.constant 0 : index
    %get3A_2 = arith.constant 0 : index
    %get3A_3 = vector.load %arg4[%get3A_1, %get3A_2] : memref<256x256xf32, #tpu.memory_space<vmem>>, vector<256x256xf32>
    %mul3A = vector.broadcast %broadcast_in_dim3A : vector<256x1xf32> to vector<256x256xf32>
    %mul3A_4 = arith.mulf %mul3A, %get3A_3 : vector<256x256xf32>
    %get3A_5 = arith.constant 0 : index
    %get3A_6 = arith.constant 0 : index
    %get3A_7 = vector.load %arg1[%get3A_5, %get3A_6] : memref<1024x256xf32, #tpu.memory_space<vmem>>, vector<1024x256xf32>
    %dot_general3A = arith.constant dense<0.000000e+00> : vector<1024x256xf32>
    %dot_general3A_8 = tpu.matmul %get3A_7, %mul3A_4, %dot_general3A {dimension_numbers = #tpu.dot_dimension_numbers<[1], [0], [0], [1], [0, 0, 1, 1], [], []>, transpose_lhs_hint = false} : vector<1024x256xf32>, vector<256x256xf32>, vector<1024x256xf32> -> vector<1024x256xf32>
    %get3A_9 = arith.constant 0 : index
    %get3A_10 = arith.constant 0 : index
    %get3A_11 = vector.load %arg2[%get3A_9, %get3A_10] : memref<1024x256xf32, #tpu.memory_space<vmem>>, vector<1024x256xf32>
    %dot_general3A_12 = arith.constant dense<0.000000e+00> : vector<1024x256xf32>
    %dot_general3A_13 = tpu.matmul %get3A_11, %mul3A_4, %dot_general3A_12 {dimension_numbers = #tpu.dot_dimension_numbers<[1], [0], [0], [1], [0, 0, 1, 1], [], []>, transpose_lhs_hint = false} : vector<1024x256xf32>, vector<256x256xf32>, vector<1024x256xf32> -> vector<1024x256xf32>
    %get3A_14 = arith.constant 0 : index
    %get3A_15 = arith.constant 0 : index
    %get3A_16 = vector.load %arg5[%get3A_14, %get3A_15] : memref<1024x1xf32, #tpu.memory_space<vmem>>, vector<1024x1xf32>
    %get3A_17 = arith.constant 0 : index
    %get3A_18 = arith.constant 0 : index
    %get3A_19 = vector.load %arg6[%get3A_17, %get3A_18] : memref<1024x1xf32, #tpu.memory_space<vmem>>, vector<1024x1xf32>
    %add3A = arith.addf %get3A_16, %get3A_19 : vector<1024x1xf32>
    %gt3A = arith.constant 0.000000e+00 : f32
    %gt3A_20 = vector.broadcast %gt3A : f32 to vector<1024x1xf32>
    %gt3A_21 = arith.cmpf ogt, %add3A, %gt3A_20 : vector<1024x1xf32>
    %max3A = arith.constant 9.99999996E-13 : f32
    %max3A_22 = vector.broadcast %max3A : f32 to vector<1024x1xf32>
    %max3A_23 = arith.maximumf %add3A, %max3A_22 : vector<1024x1xf32>
    %rsqrt3A = math.rsqrt %max3A_23 : vector<1024x1xf32>
    %jit3A = arith.constant 0.000000e+00 : f32
    %broadcast_in_dim3A_24 = vector.broadcast %jit3A : f32 to vector<1024x1xf32>
    %select_n3A = arith.select %gt3A_21, %rsqrt3A, %broadcast_in_dim3A_24 : vector<1024x1xi1>, vector<1024x1xf32>
    %swap3A = arith.constant 0 : index
    %swap3A_25 = arith.constant 0 : index
    %swap3A_26 = vector.load %arg8[%swap3A, %swap3A_25] : memref<1024x1xf32, #tpu.memory_space<vmem>>, vector<1024x1xf32>
    tpu.vector_store %arg8[%swap3A, %swap3A_25], %select_n3A {strides = array<i32>} : memref<1024x1xf32, #tpu.memory_space<vmem>>, vector<1024x1xf32>,
    %slice3A = vector.extract_strided_slice %dot_general3A_8 {offsets = [0, 0], sizes = [1024, 32], strides = [1, 1]} : vector<1024x256xf32> to vector<1024x32xf32>
    %slice3A_27 = vector.extract_strided_slice %dot_general3A_8 {offsets = [0, 32], sizes = [1024, 32], strides = [1, 1]} : vector<1024x256xf32> to vector<1024x32xf32>
    %slice3A_28 = vector.extract_strided_slice %dot_general3A_8 {offsets = [0, 64], sizes = [1024, 32], strides = [1, 1]} : vector<1024x256xf32> to vector<1024x32xf32>
    %slice3A_29 = vector.extract_strided_slice %dot_general3A_8 {offsets = [0, 96], sizes = [1024, 32], strides = [1, 1]} : vector<1024x256xf32> to vector<1024x32xf32>
    %concatenate3A = tpu.concatenate %slice3A, %slice3A_27, %slice3A_28, %slice3A_29 in 1 : vector<1024x32xf32>, vector<1024x32xf32>, vector<1024x32xf32>, vector<1024x32xf32> -> vector<1024x128xf32>
    %mul3A_30 = vector.broadcast %select_n3A : vector<1024x1xf32> to vector<1024x128xf32>
    %mul3A_31 = arith.mulf %concatenate3A, %mul3A_30 : vector<1024x128xf32>
    %swap3A_32 = arith.constant 0 : index
    %swap3A_33 = arith.constant 0 : index
    %swap3A_34 = arith.constant 0 : index
    %swap3A_35 = vector.load %arg7[%swap3A_32, %swap3A_33, %swap3A_34] : memref<4x1024x128xf32, #tpu.memory_space<vmem>>, vector<1x1024x128xf32>
    %swap3A_36 = vector.shape_cast %swap3A_35 : vector<1x1024x128xf32> to vector<1024x128xf32>
    %swap3A_37 = vector.shape_cast %mul3A_31 : vector<1024x128xf32> to vector<1x1024x128xf32>
    tpu.vector_store %arg7[%swap3A_32, %swap3A_33, %swap3A_34], %swap3A_37 {strides = array<i32>} : memref<4x1024x128xf32, #tpu.memory_space<vmem>>, vector<1x1024x128xf32>,
    %slice3A_38 = vector.extract_strided_slice %dot_general3A_8 {offsets = [0, 128], sizes = [1024, 32], strides = [1, 1]} : vector<1024x256xf32> to vector<1024x32xf32>
    %slice3A_39 = vector.extract_strided_slice %dot_general3A_8 {offsets = [0, 160], sizes = [1024, 32], strides = [1, 1]} : vector<1024x256xf32> to vector<1024x32xf32>
    %slice3A_40 = vector.extract_strided_slice %dot_general3A_8 {offsets = [0, 192], sizes = [1024, 32], strides = [1, 1]} : vector<1024x256xf32> to vector<1024x32xf32>
    %slice3A_41 = vector.extract_strided_slice %dot_general3A_8 {offsets = [0, 224], sizes = [1024, 32], strides = [1, 1]} : vector<1024x256xf32> to vector<1024x32xf32>
    %concatenate3A_42 = tpu.concatenate %slice3A_38, %slice3A_39, %slice3A_40, %slice3A_41 in 1 : vector<1024x32xf32>, vector<1024x32xf32>, vector<1024x32xf32>, vector<1024x32xf32> -> vector<1024x128xf32>
    %mul3A_43 = vector.broadcast %select_n3A : vector<1024x1xf32> to vector<1024x128xf32>
    %mul3A_44 = arith.mulf %concatenate3A_42, %mul3A_43 : vector<1024x128xf32>
    %swap3A_45 = arith.constant 1 : index
    %swap3A_46 = arith.constant 0 : index
    %swap3A_47 = arith.constant 0 : index
    %swap3A_48 = vector.load %arg7[%swap3A_45, %swap3A_46, %swap3A_47] : memref<4x1024x128xf32, #tpu.memory_space<vmem>>, vector<1x1024x128xf32>
    %swap3A_49 = vector.shape_cast %swap3A_48 : vector<1x1024x128xf32> to vector<1024x128xf32>
    %swap3A_50 = vector.shape_cast %mul3A_44 : vector<1024x128xf32> to vector<1x1024x128xf32>
    tpu.vector_store %arg7[%swap3A_45, %swap3A_46, %swap3A_47], %swap3A_50 {strides = array<i32>} : memref<4x1024x128xf32, #tpu.memory_space<vmem>>, vector<1x1024x128xf32>,
    %slice3A_51 = vector.extract_strided_slice %dot_general3A_13 {offsets = [0, 0], sizes = [1024, 32], strides = [1, 1]} : vector<1024x256xf32> to vector<1024x32xf32>
    %slice3A_52 = vector.extract_strided_slice %dot_general3A_13 {offsets = [0, 32], sizes = [1024, 32], strides = [1, 1]} : vector<1024x256xf32> to vector<1024x32xf32>
    %slice3A_53 = vector.extract_strided_slice %dot_general3A_13 {offsets = [0, 64], sizes = [1024, 32], strides = [1, 1]} : vector<1024x256xf32> to vector<1024x32xf32>
    %slice3A_54 = vector.extract_strided_slice %dot_general3A_13 {offsets = [0, 96], sizes = [1024, 32], strides = [1, 1]} : vector<1024x256xf32> to vector<1024x32xf32>
    %concatenate3A_55 = tpu.concatenate %slice3A_51, %slice3A_52, %slice3A_53, %slice3A_54 in 1 : vector<1024x32xf32>, vector<1024x32xf32>, vector<1024x32xf32>, vector<1024x32xf32> -> vector<1024x128xf32>
    %mul3A_56 = vector.broadcast %select_n3A : vector<1024x1xf32> to vector<1024x128xf32>
    %mul3A_57 = arith.mulf %concatenate3A_55, %mul3A_56 : vector<1024x128xf32>
    %swap3A_58 = arith.constant 2 : index
    %swap3A_59 = arith.constant 0 : index
    %swap3A_60 = arith.constant 0 : index
    %swap3A_61 = vector.load %arg7[%swap3A_58, %swap3A_59, %swap3A_60] : memref<4x1024x128xf32, #tpu.memory_space<vmem>>, vector<1x1024x128xf32>
    %swap3A_62 = vector.shape_cast %swap3A_61 : vector<1x1024x128xf32> to vector<1024x128xf32>
    %swap3A_63 = vector.shape_cast %mul3A_57 : vector<1024x128xf32> to vector<1x1024x128xf32>
    tpu.vector_store %arg7[%swap3A_58, %swap3A_59, %swap3A_60], %swap3A_63 {strides = array<i32>} : memref<4x1024x128xf32, #tpu.memory_space<vmem>>, vector<1x1024x128xf32>,
    %slice3A_64 = vector.extract_strided_slice %dot_general3A_13 {offsets = [0, 128], sizes = [1024, 32], strides = [1, 1]} : vector<1024x256xf32> to vector<1024x32xf32>
    %slice3A_65 = vector.extract_strided_slice %dot_general3A_13 {offsets = [0, 160], sizes = [1024, 32], strides = [1, 1]} : vector<1024x256xf32> to vector<1024x32xf32>
    %slice3A_66 = vector.extract_strided_slice %dot_general3A_13 {offsets = [0, 192], sizes = [1024, 32], strides = [1, 1]} : vector<1024x256xf32> to vector<1024x32xf32>
    %slice3A_67 = vector.extract_strided_slice %dot_general3A_13 {offsets = [0, 224], sizes = [1024, 32], strides = [1, 1]} : vector<1024x256xf32> to vector<1024x32xf32>
    %concatenate3A_68 = tpu.concatenate %slice3A_64, %slice3A_65, %slice3A_66, %slice3A_67 in 1 : vector<1024x32xf32>, vector<1024x32xf32>, vector<1024x32xf32>, vector<1024x32xf32> -> vector<1024x128xf32>
    %mul3A_69 = vector.broadcast %select_n3A : vector<1024x1xf32> to vector<1024x128xf32>
    %mul3A_70 = arith.mulf %concatenate3A_68, %mul3A_69 : vector<1024x128xf32>
    %swap3A_71 = arith.constant 3 : index
    %swap3A_72 = arith.constant 0 : index
    %swap3A_73 = arith.constant 0 : index
    %swap3A_74 = vector.load %arg7[%swap3A_71, %swap3A_72, %swap3A_73] : memref<4x1024x128xf32, #tpu.memory_space<vmem>>, vector<1x1024x128xf32>
    %swap3A_75 = vector.shape_cast %swap3A_74 : vector<1x1024x128xf32> to vector<1024x128xf32>
    %swap3A_76 = vector.shape_cast %mul3A_70 : vector<1024x128xf32> to vector<1x1024x128xf32>
    tpu.vector_store %arg7[%swap3A_71, %swap3A_72, %swap3A_73], %swap3A_76 {strides = array<i32>} : memref<4x1024x128xf32, #tpu.memory_space<vmem>>, vector<1x1024x128xf32>,
    return
  }
  func.func @transform_0(%arg0: i32) -> (i32, i32) {
    %c0_i32 = arith.constant 0 : i32
    %c0_i32_0 = arith.constant 0 : i32
    return %arg0, %c0_i32 : i32, i32
  }
  func.func @transform_1(%arg0: i32) -> (i32, i32) {
    %c0_i32 = arith.constant 0 : i32
    %c0_i32_0 = arith.constant 0 : i32
    return %arg0, %c0_i32 : i32, i32
  }
  func.func @transform_2(%arg0: i32) -> i32 {
    %c0_i32 = arith.constant 0 : i32
    %c0_i32_0 = arith.constant 0 : i32
    return %c0_i32 : i32
  }
  func.func @transform_3(%arg0: i32) -> (i32, i32) {
    %c0_i32 = arith.constant 0 : i32
    %c0_i32_0 = arith.constant 0 : i32
    %c0_i32_1 = arith.constant 0 : i32
    return %c0_i32, %c0_i32_0 : i32, i32
  }
  func.func @transform_4(%arg0: i32) -> (i32, i32) {
    %c0_i32 = arith.constant 0 : i32
    %c0_i32_0 = arith.constant 0 : i32
    return %arg0, %c0_i32 : i32, i32
  }
  func.func @transform_5(%arg0: i32) -> (i32, i32) {
    %c0_i32 = arith.constant 0 : i32
    %c0_i32_0 = arith.constant 0 : i32
    return %arg0, %c0_i32 : i32, i32
  }
  func.func @transform_6(%arg0: i32) -> (i32, i32, i32) {
    %c0_i32 = arith.constant 0 : i32
    %c0_i32_0 = arith.constant 0 : i32
    %c0_i32_1 = arith.constant 0 : i32
    return %c0_i32, %arg0, %c0_i32_0 : i32, i32, i32
  }
  func.func @transform_7(%arg0: i32) -> (i32, i32) {
    %c0_i32 = arith.constant 0 : i32
    %c0_i32_0 = arith.constant 0 : i32
    return %arg0, %c0_i32 : i32, i32
  }
}

module attributes {stable_mosaic.version = 14 : i64} {
  func.func @_tc2_kernel(%arg0: i32, %arg1: memref<4x1024x128xf32, #tpu.memory_space<vmem>>, %arg2: memref<1024x1xf32, #tpu.memory_space<vmem>>, %arg3: memref<256xf32, #tpu.memory_space<vmem>>, %arg4: memref<1xf32, #tpu.memory_space<vmem>>, %arg5: memref<256x256xf32, #tpu.memory_space<vmem>>, %arg6: memref<256x256xf32, #tpu.memory_space<vmem>>, %arg7: memref<1024x1xf32, #tpu.memory_space<vmem>>, %arg8: memref<1024x1xf32, #tpu.memory_space<vmem>>) attributes {dimension_semantics = [#tpu.dimension_semantics<arbitrary>], iteration_bounds = array<i64: 49>, scalar_prefetch = 0 : i64, scratch_operands = 0 : i64, tpu.core_type = #tpu.core_type<tc>, window_params = [{transform_indices = @transform_0, window_bounds = array<i64: 4, 1024, 128>}, {transform_indices = @transform_1, window_bounds = array<i64: 1024, 1>}, {pipeline_mode = #tpu.pipeline_mode<synchronous>, transform_indices = @transform_2, window_bounds = array<i64: 256>}, {pipeline_mode = #tpu.pipeline_mode<synchronous>, transform_indices = @transform_3, window_bounds = array<i64: 1>}, {pipeline_mode = #tpu.pipeline_mode<synchronous>, transform_indices = @transform_4, window_bounds = array<i64: 256, 256>}, {pipeline_mode = #tpu.pipeline_mode<synchronous>, transform_indices = @transform_5, window_bounds = array<i64: 256, 256>}, {transform_indices = @transform_6, window_bounds = array<i64: 1024, 1>}, {transform_indices = @transform_7, window_bounds = array<i64: 1024, 1>}]} {
    %get3A = arith.constant 0 : index
    %get3A_0 = arith.constant 0 : index
    %get3A_1 = vector.load %arg6[%get3A, %get3A_0] : memref<256x256xf32, #tpu.memory_space<vmem>>, vector<256x256xf32>
    %reduce_sum3A = arith.constant dense<0.000000e+00> : vector<256xf32>
    %reduce_sum3A_2 = vector.multi_reduction <add>, %get3A_1, %reduce_sum3A [1] : vector<256x256xf32> to vector<256xf32>
    %broadcast_in_dim3A = vector.shape_cast %reduce_sum3A_2 : vector<256xf32> to vector<256x1xf32>
    %get3A_3 = arith.constant 0 : index
    %get3A_4 = arith.constant 0 : index
    %get3A_5 = vector.load %arg5[%get3A_3, %get3A_4] : memref<256x256xf32, #tpu.memory_space<vmem>>, vector<256x256xf32>
    %dot_general3A = arith.constant dense<0.000000e+00> : vector<256x1xf32>
    %dot_general3A_6 = tpu.matmul %get3A_5, %broadcast_in_dim3A, %dot_general3A {dimension_numbers = #tpu.dot_dimension_numbers<[1], [0], [0], [1], [0, 0, 1, 1], [], []>, transpose_lhs_hint = false} : vector<256x256xf32>, vector<256x1xf32>, vector<256x1xf32> -> vector<256x1xf32>
    %get3A_7 = arith.constant 0 : index
    %get3A_8 = arith.constant 0 : index
    %get3A_9 = vector.load %arg2[%get3A_7, %get3A_8] : memref<1024x1xf32, #tpu.memory_space<vmem>>, vector<1024x1xf32>
    %get3A_10 = arith.constant 0 : index
    %get3A_11 = vector.load %arg4[%get3A_10] : memref<1xf32, #tpu.memory_space<vmem>>, vector<1xf32>
    %get3A_12 = vector.extract %get3A_11[0] : f32 from vector<1xf32>
    %get3A_13 = arith.constant 0 : index
    %get3A_14 = vector.load %arg3[%get3A_13] : memref<256xf32, #tpu.memory_space<vmem>>, vector<256xf32>
    %get3A_15 = arith.constant 0 : index
    %get3A_16 = arith.constant 0 : index
    %get3A_17 = arith.constant 0 : index
    %get3A_18 = vector.load %arg1[%get3A_15, %get3A_16, %get3A_17] : memref<4x1024x128xf32, #tpu.memory_space<vmem>>, vector<4x1024x128xf32>
    %slice3A = vector.extract_strided_slice %get3A_18 {offsets = [0, 0, 0], sizes = [1, 1024, 32], strides = [1, 1, 1]} : vector<4x1024x128xf32> to vector<1x1024x32xf32>
    %squeeze3A = vector.shape_cast %slice3A : vector<1x1024x32xf32> to vector<1024x32xf32>
    %mul3A = vector.broadcast %get3A_9 : vector<1024x1xf32> to vector<1024x32xf32>
    %mul3A_19 = arith.mulf %squeeze3A, %mul3A : vector<1024x32xf32>
    %slice3A_20 = vector.extract_strided_slice %get3A_14 {offsets = [0], sizes = [32], strides = [1]} : vector<256xf32> to vector<32xf32>
    %broadcast_in_dim3A_21 = vector.shape_cast %slice3A_20 : vector<32xf32> to vector<1x32xf32>
    %add3A = vector.broadcast %broadcast_in_dim3A_21 : vector<1x32xf32> to vector<1024x32xf32>
    %add3A_22 = arith.addf %mul3A_19, %add3A : vector<1024x32xf32>
    %ge3A = arith.constant 0.000000e+00 : f32
    %ge3A_23 = vector.broadcast %ge3A : f32 to vector<1024x32xf32>
    %ge3A_24 = arith.cmpf oge, %add3A_22, %ge3A_23 : vector<1024x32xf32>
    %mul3A_25 = vector.broadcast %get3A_12 : f32 to vector<1024x32xf32>
    %mul3A_26 = arith.mulf %mul3A_25, %add3A_22 : vector<1024x32xf32>
    %select_n3A = arith.select %ge3A_24, %add3A_22, %mul3A_26 : vector<1024x32xi1>, vector<1024x32xf32>
    %slice3A_27 = vector.extract_strided_slice %get3A_18 {offsets = [0, 0, 32], sizes = [1, 1024, 32], strides = [1, 1, 1]} : vector<4x1024x128xf32> to vector<1x1024x32xf32>
    %squeeze3A_28 = vector.shape_cast %slice3A_27 : vector<1x1024x32xf32> to vector<1024x32xf32>
    %mul3A_29 = vector.broadcast %get3A_9 : vector<1024x1xf32> to vector<1024x32xf32>
    %mul3A_30 = arith.mulf %squeeze3A_28, %mul3A_29 : vector<1024x32xf32>
    %slice3A_31 = vector.extract_strided_slice %get3A_14 {offsets = [32], sizes = [32], strides = [1]} : vector<256xf32> to vector<32xf32>
    %broadcast_in_dim3A_32 = vector.shape_cast %slice3A_31 : vector<32xf32> to vector<1x32xf32>
    %add3A_33 = vector.broadcast %broadcast_in_dim3A_32 : vector<1x32xf32> to vector<1024x32xf32>
    %add3A_34 = arith.addf %mul3A_30, %add3A_33 : vector<1024x32xf32>
    %ge3A_35 = arith.constant 0.000000e+00 : f32
    %ge3A_36 = vector.broadcast %ge3A_35 : f32 to vector<1024x32xf32>
    %ge3A_37 = arith.cmpf oge, %add3A_34, %ge3A_36 : vector<1024x32xf32>
    %mul3A_38 = vector.broadcast %get3A_12 : f32 to vector<1024x32xf32>
    %mul3A_39 = arith.mulf %mul3A_38, %add3A_34 : vector<1024x32xf32>
    %select_n3A_40 = arith.select %ge3A_37, %add3A_34, %mul3A_39 : vector<1024x32xi1>, vector<1024x32xf32>
    %slice3A_41 = vector.extract_strided_slice %get3A_18 {offsets = [0, 0, 64], sizes = [1, 1024, 32], strides = [1, 1, 1]} : vector<4x1024x128xf32> to vector<1x1024x32xf32>
    %squeeze3A_42 = vector.shape_cast %slice3A_41 : vector<1x1024x32xf32> to vector<1024x32xf32>
    %mul3A_43 = vector.broadcast %get3A_9 : vector<1024x1xf32> to vector<1024x32xf32>
    %mul3A_44 = arith.mulf %squeeze3A_42, %mul3A_43 : vector<1024x32xf32>
    %slice3A_45 = vector.extract_strided_slice %get3A_14 {offsets = [64], sizes = [32], strides = [1]} : vector<256xf32> to vector<32xf32>
    %broadcast_in_dim3A_46 = vector.shape_cast %slice3A_45 : vector<32xf32> to vector<1x32xf32>
    %add3A_47 = vector.broadcast %broadcast_in_dim3A_46 : vector<1x32xf32> to vector<1024x32xf32>
    %add3A_48 = arith.addf %mul3A_44, %add3A_47 : vector<1024x32xf32>
    %ge3A_49 = arith.constant 0.000000e+00 : f32
    %ge3A_50 = vector.broadcast %ge3A_49 : f32 to vector<1024x32xf32>
    %ge3A_51 = arith.cmpf oge, %add3A_48, %ge3A_50 : vector<1024x32xf32>
    %mul3A_52 = vector.broadcast %get3A_12 : f32 to vector<1024x32xf32>
    %mul3A_53 = arith.mulf %mul3A_52, %add3A_48 : vector<1024x32xf32>
    %select_n3A_54 = arith.select %ge3A_51, %add3A_48, %mul3A_53 : vector<1024x32xi1>, vector<1024x32xf32>
    %slice3A_55 = vector.extract_strided_slice %get3A_18 {offsets = [0, 0, 96], sizes = [1, 1024, 32], strides = [1, 1, 1]} : vector<4x1024x128xf32> to vector<1x1024x32xf32>
    %squeeze3A_56 = vector.shape_cast %slice3A_55 : vector<1x1024x32xf32> to vector<1024x32xf32>
    %mul3A_57 = vector.broadcast %get3A_9 : vector<1024x1xf32> to vector<1024x32xf32>
    %mul3A_58 = arith.mulf %squeeze3A_56, %mul3A_57 : vector<1024x32xf32>
    %slice3A_59 = vector.extract_strided_slice %get3A_14 {offsets = [96], sizes = [32], strides = [1]} : vector<256xf32> to vector<32xf32>
    %broadcast_in_dim3A_60 = vector.shape_cast %slice3A_59 : vector<32xf32> to vector<1x32xf32>
    %add3A_61 = vector.broadcast %broadcast_in_dim3A_60 : vector<1x32xf32> to vector<1024x32xf32>
    %add3A_62 = arith.addf %mul3A_58, %add3A_61 : vector<1024x32xf32>
    %ge3A_63 = arith.constant 0.000000e+00 : f32
    %ge3A_64 = vector.broadcast %ge3A_63 : f32 to vector<1024x32xf32>
    %ge3A_65 = arith.cmpf oge, %add3A_62, %ge3A_64 : vector<1024x32xf32>
    %mul3A_66 = vector.broadcast %get3A_12 : f32 to vector<1024x32xf32>
    %mul3A_67 = arith.mulf %mul3A_66, %add3A_62 : vector<1024x32xf32>
    %select_n3A_68 = arith.select %ge3A_65, %add3A_62, %mul3A_67 : vector<1024x32xi1>, vector<1024x32xf32>
    %slice3A_69 = vector.extract_strided_slice %get3A_18 {offsets = [1, 0, 0], sizes = [1, 1024, 32], strides = [1, 1, 1]} : vector<4x1024x128xf32> to vector<1x1024x32xf32>
    %squeeze3A_70 = vector.shape_cast %slice3A_69 : vector<1x1024x32xf32> to vector<1024x32xf32>
    %mul3A_71 = vector.broadcast %get3A_9 : vector<1024x1xf32> to vector<1024x32xf32>
    %mul3A_72 = arith.mulf %squeeze3A_70, %mul3A_71 : vector<1024x32xf32>
    %slice3A_73 = vector.extract_strided_slice %get3A_14 {offsets = [128], sizes = [32], strides = [1]} : vector<256xf32> to vector<32xf32>
    %broadcast_in_dim3A_74 = vector.shape_cast %slice3A_73 : vector<32xf32> to vector<1x32xf32>
    %add3A_75 = vector.broadcast %broadcast_in_dim3A_74 : vector<1x32xf32> to vector<1024x32xf32>
    %add3A_76 = arith.addf %mul3A_72, %add3A_75 : vector<1024x32xf32>
    %ge3A_77 = arith.constant 0.000000e+00 : f32
    %ge3A_78 = vector.broadcast %ge3A_77 : f32 to vector<1024x32xf32>
    %ge3A_79 = arith.cmpf oge, %add3A_76, %ge3A_78 : vector<1024x32xf32>
    %mul3A_80 = vector.broadcast %get3A_12 : f32 to vector<1024x32xf32>
    %mul3A_81 = arith.mulf %mul3A_80, %add3A_76 : vector<1024x32xf32>
    %select_n3A_82 = arith.select %ge3A_79, %add3A_76, %mul3A_81 : vector<1024x32xi1>, vector<1024x32xf32>
    %slice3A_83 = vector.extract_strided_slice %get3A_18 {offsets = [1, 0, 32], sizes = [1, 1024, 32], strides = [1, 1, 1]} : vector<4x1024x128xf32> to vector<1x1024x32xf32>
    %squeeze3A_84 = vector.shape_cast %slice3A_83 : vector<1x1024x32xf32> to vector<1024x32xf32>
    %mul3A_85 = vector.broadcast %get3A_9 : vector<1024x1xf32> to vector<1024x32xf32>
    %mul3A_86 = arith.mulf %squeeze3A_84, %mul3A_85 : vector<1024x32xf32>
    %slice3A_87 = vector.extract_strided_slice %get3A_14 {offsets = [160], sizes = [32], strides = [1]} : vector<256xf32> to vector<32xf32>
    %broadcast_in_dim3A_88 = vector.shape_cast %slice3A_87 : vector<32xf32> to vector<1x32xf32>
    %add3A_89 = vector.broadcast %broadcast_in_dim3A_88 : vector<1x32xf32> to vector<1024x32xf32>
    %add3A_90 = arith.addf %mul3A_86, %add3A_89 : vector<1024x32xf32>
    %ge3A_91 = arith.constant 0.000000e+00 : f32
    %ge3A_92 = vector.broadcast %ge3A_91 : f32 to vector<1024x32xf32>
    %ge3A_93 = arith.cmpf oge, %add3A_90, %ge3A_92 : vector<1024x32xf32>
    %mul3A_94 = vector.broadcast %get3A_12 : f32 to vector<1024x32xf32>
    %mul3A_95 = arith.mulf %mul3A_94, %add3A_90 : vector<1024x32xf32>
    %select_n3A_96 = arith.select %ge3A_93, %add3A_90, %mul3A_95 : vector<1024x32xi1>, vector<1024x32xf32>
    %slice3A_97 = vector.extract_strided_slice %get3A_18 {offsets = [1, 0, 64], sizes = [1, 1024, 32], strides = [1, 1, 1]} : vector<4x1024x128xf32> to vector<1x1024x32xf32>
    %squeeze3A_98 = vector.shape_cast %slice3A_97 : vector<1x1024x32xf32> to vector<1024x32xf32>
    %mul3A_99 = vector.broadcast %get3A_9 : vector<1024x1xf32> to vector<1024x32xf32>
    %mul3A_100 = arith.mulf %squeeze3A_98, %mul3A_99 : vector<1024x32xf32>
    %slice3A_101 = vector.extract_strided_slice %get3A_14 {offsets = [192], sizes = [32], strides = [1]} : vector<256xf32> to vector<32xf32>
    %broadcast_in_dim3A_102 = vector.shape_cast %slice3A_101 : vector<32xf32> to vector<1x32xf32>
    %add3A_103 = vector.broadcast %broadcast_in_dim3A_102 : vector<1x32xf32> to vector<1024x32xf32>
    %add3A_104 = arith.addf %mul3A_100, %add3A_103 : vector<1024x32xf32>
    %ge3A_105 = arith.constant 0.000000e+00 : f32
    %ge3A_106 = vector.broadcast %ge3A_105 : f32 to vector<1024x32xf32>
    %ge3A_107 = arith.cmpf oge, %add3A_104, %ge3A_106 : vector<1024x32xf32>
    %mul3A_108 = vector.broadcast %get3A_12 : f32 to vector<1024x32xf32>
    %mul3A_109 = arith.mulf %mul3A_108, %add3A_104 : vector<1024x32xf32>
    %select_n3A_110 = arith.select %ge3A_107, %add3A_104, %mul3A_109 : vector<1024x32xi1>, vector<1024x32xf32>
    %slice3A_111 = vector.extract_strided_slice %get3A_18 {offsets = [1, 0, 96], sizes = [1, 1024, 32], strides = [1, 1, 1]} : vector<4x1024x128xf32> to vector<1x1024x32xf32>
    %squeeze3A_112 = vector.shape_cast %slice3A_111 : vector<1x1024x32xf32> to vector<1024x32xf32>
    %mul3A_113 = vector.broadcast %get3A_9 : vector<1024x1xf32> to vector<1024x32xf32>
    %mul3A_114 = arith.mulf %squeeze3A_112, %mul3A_113 : vector<1024x32xf32>
    %slice3A_115 = vector.extract_strided_slice %get3A_14 {offsets = [224], sizes = [32], strides = [1]} : vector<256xf32> to vector<32xf32>
    %broadcast_in_dim3A_116 = vector.shape_cast %slice3A_115 : vector<32xf32> to vector<1x32xf32>
    %add3A_117 = vector.broadcast %broadcast_in_dim3A_116 : vector<1x32xf32> to vector<1024x32xf32>
    %add3A_118 = arith.addf %mul3A_114, %add3A_117 : vector<1024x32xf32>
    %ge3A_119 = arith.constant 0.000000e+00 : f32
    %ge3A_120 = vector.broadcast %ge3A_119 : f32 to vector<1024x32xf32>
    %ge3A_121 = arith.cmpf oge, %add3A_118, %ge3A_120 : vector<1024x32xf32>
    %mul3A_122 = vector.broadcast %get3A_12 : f32 to vector<1024x32xf32>
    %mul3A_123 = arith.mulf %mul3A_122, %add3A_118 : vector<1024x32xf32>
    %select_n3A_124 = arith.select %ge3A_121, %add3A_118, %mul3A_123 : vector<1024x32xi1>, vector<1024x32xf32>
    %concatenate3A = tpu.concatenate %select_n3A, %select_n3A_40, %select_n3A_54, %select_n3A_68, %select_n3A_82, %select_n3A_96, %select_n3A_110, %select_n3A_124 in 1 : vector<1024x32xf32>, vector<1024x32xf32>, vector<1024x32xf32>, vector<1024x32xf32>, vector<1024x32xf32>, vector<1024x32xf32>, vector<1024x32xf32>, vector<1024x32xf32> -> vector<1024x256xf32>
    %dot_general3A_125 = arith.constant dense<0.000000e+00> : vector<1024x1xf32>
    %dot_general3A_126 = tpu.matmul %concatenate3A, %dot_general3A_6, %dot_general3A_125 {dimension_numbers = #tpu.dot_dimension_numbers<[1], [0], [0], [1], [0, 0, 1, 1], [], []>, transpose_lhs_hint = false} : vector<1024x256xf32>, vector<256x1xf32>, vector<1024x1xf32> -> vector<1024x1xf32>
    %slice3A_127 = vector.extract_strided_slice %get3A_18 {offsets = [2, 0, 0], sizes = [1, 1024, 32], strides = [1, 1, 1]} : vector<4x1024x128xf32> to vector<1x1024x32xf32>
    %squeeze3A_128 = vector.shape_cast %slice3A_127 : vector<1x1024x32xf32> to vector<1024x32xf32>
    %mul3A_129 = vector.broadcast %get3A_9 : vector<1024x1xf32> to vector<1024x32xf32>
    %mul3A_130 = arith.mulf %squeeze3A_128, %mul3A_129 : vector<1024x32xf32>
    %slice3A_131 = vector.extract_strided_slice %get3A_14 {offsets = [0], sizes = [32], strides = [1]} : vector<256xf32> to vector<32xf32>
    %broadcast_in_dim3A_132 = vector.shape_cast %slice3A_131 : vector<32xf32> to vector<1x32xf32>
    %add3A_133 = vector.broadcast %broadcast_in_dim3A_132 : vector<1x32xf32> to vector<1024x32xf32>
    %add3A_134 = arith.addf %mul3A_130, %add3A_133 : vector<1024x32xf32>
    %ge3A_135 = arith.constant 0.000000e+00 : f32
    %ge3A_136 = vector.broadcast %ge3A_135 : f32 to vector<1024x32xf32>
    %ge3A_137 = arith.cmpf oge, %add3A_134, %ge3A_136 : vector<1024x32xf32>
    %mul3A_138 = vector.broadcast %get3A_12 : f32 to vector<1024x32xf32>
    %mul3A_139 = arith.mulf %mul3A_138, %add3A_134 : vector<1024x32xf32>
    %select_n3A_140 = arith.select %ge3A_137, %add3A_134, %mul3A_139 : vector<1024x32xi1>, vector<1024x32xf32>
    %slice3A_141 = vector.extract_strided_slice %get3A_18 {offsets = [2, 0, 32], sizes = [1, 1024, 32], strides = [1, 1, 1]} : vector<4x1024x128xf32> to vector<1x1024x32xf32>
    %squeeze3A_142 = vector.shape_cast %slice3A_141 : vector<1x1024x32xf32> to vector<1024x32xf32>
    %mul3A_143 = vector.broadcast %get3A_9 : vector<1024x1xf32> to vector<1024x32xf32>
    %mul3A_144 = arith.mulf %squeeze3A_142, %mul3A_143 : vector<1024x32xf32>
    %slice3A_145 = vector.extract_strided_slice %get3A_14 {offsets = [32], sizes = [32], strides = [1]} : vector<256xf32> to vector<32xf32>
    %broadcast_in_dim3A_146 = vector.shape_cast %slice3A_145 : vector<32xf32> to vector<1x32xf32>
    %add3A_147 = vector.broadcast %broadcast_in_dim3A_146 : vector<1x32xf32> to vector<1024x32xf32>
    %add3A_148 = arith.addf %mul3A_144, %add3A_147 : vector<1024x32xf32>
    %ge3A_149 = arith.constant 0.000000e+00 : f32
    %ge3A_150 = vector.broadcast %ge3A_149 : f32 to vector<1024x32xf32>
    %ge3A_151 = arith.cmpf oge, %add3A_148, %ge3A_150 : vector<1024x32xf32>
    %mul3A_152 = vector.broadcast %get3A_12 : f32 to vector<1024x32xf32>
    %mul3A_153 = arith.mulf %mul3A_152, %add3A_148 : vector<1024x32xf32>
    %select_n3A_154 = arith.select %ge3A_151, %add3A_148, %mul3A_153 : vector<1024x32xi1>, vector<1024x32xf32>
    %slice3A_155 = vector.extract_strided_slice %get3A_18 {offsets = [2, 0, 64], sizes = [1, 1024, 32], strides = [1, 1, 1]} : vector<4x1024x128xf32> to vector<1x1024x32xf32>
    %squeeze3A_156 = vector.shape_cast %slice3A_155 : vector<1x1024x32xf32> to vector<1024x32xf32>
    %mul3A_157 = vector.broadcast %get3A_9 : vector<1024x1xf32> to vector<1024x32xf32>
    %mul3A_158 = arith.mulf %squeeze3A_156, %mul3A_157 : vector<1024x32xf32>
    %slice3A_159 = vector.extract_strided_slice %get3A_14 {offsets = [64], sizes = [32], strides = [1]} : vector<256xf32> to vector<32xf32>
    %broadcast_in_dim3A_160 = vector.shape_cast %slice3A_159 : vector<32xf32> to vector<1x32xf32>
    %add3A_161 = vector.broadcast %broadcast_in_dim3A_160 : vector<1x32xf32> to vector<1024x32xf32>
    %add3A_162 = arith.addf %mul3A_158, %add3A_161 : vector<1024x32xf32>
    %ge3A_163 = arith.constant 0.000000e+00 : f32
    %ge3A_164 = vector.broadcast %ge3A_163 : f32 to vector<1024x32xf32>
    %ge3A_165 = arith.cmpf oge, %add3A_162, %ge3A_164 : vector<1024x32xf32>
    %mul3A_166 = vector.broadcast %get3A_12 : f32 to vector<1024x32xf32>
    %mul3A_167 = arith.mulf %mul3A_166, %add3A_162 : vector<1024x32xf32>
    %select_n3A_168 = arith.select %ge3A_165, %add3A_162, %mul3A_167 : vector<1024x32xi1>, vector<1024x32xf32>
    %slice3A_169 = vector.extract_strided_slice %get3A_18 {offsets = [2, 0, 96], sizes = [1, 1024, 32], strides = [1, 1, 1]} : vector<4x1024x128xf32> to vector<1x1024x32xf32>
    %squeeze3A_170 = vector.shape_cast %slice3A_169 : vector<1x1024x32xf32> to vector<1024x32xf32>
    %mul3A_171 = vector.broadcast %get3A_9 : vector<1024x1xf32> to vector<1024x32xf32>
    %mul3A_172 = arith.mulf %squeeze3A_170, %mul3A_171 : vector<1024x32xf32>
    %slice3A_173 = vector.extract_strided_slice %get3A_14 {offsets = [96], sizes = [32], strides = [1]} : vector<256xf32> to vector<32xf32>
    %broadcast_in_dim3A_174 = vector.shape_cast %slice3A_173 : vector<32xf32> to vector<1x32xf32>
    %add3A_175 = vector.broadcast %broadcast_in_dim3A_174 : vector<1x32xf32> to vector<1024x32xf32>
    %add3A_176 = arith.addf %mul3A_172, %add3A_175 : vector<1024x32xf32>
    %ge3A_177 = arith.constant 0.000000e+00 : f32
    %ge3A_178 = vector.broadcast %ge3A_177 : f32 to vector<1024x32xf32>
    %ge3A_179 = arith.cmpf oge, %add3A_176, %ge3A_178 : vector<1024x32xf32>
    %mul3A_180 = vector.broadcast %get3A_12 : f32 to vector<1024x32xf32>
    %mul3A_181 = arith.mulf %mul3A_180, %add3A_176 : vector<1024x32xf32>
    %select_n3A_182 = arith.select %ge3A_179, %add3A_176, %mul3A_181 : vector<1024x32xi1>, vector<1024x32xf32>
    %slice3A_183 = vector.extract_strided_slice %get3A_18 {offsets = [3, 0, 0], sizes = [1, 1024, 32], strides = [1, 1, 1]} : vector<4x1024x128xf32> to vector<1x1024x32xf32>
    %squeeze3A_184 = vector.shape_cast %slice3A_183 : vector<1x1024x32xf32> to vector<1024x32xf32>
    %mul3A_185 = vector.broadcast %get3A_9 : vector<1024x1xf32> to vector<1024x32xf32>
    %mul3A_186 = arith.mulf %squeeze3A_184, %mul3A_185 : vector<1024x32xf32>
    %slice3A_187 = vector.extract_strided_slice %get3A_14 {offsets = [128], sizes = [32], strides = [1]} : vector<256xf32> to vector<32xf32>
    %broadcast_in_dim3A_188 = vector.shape_cast %slice3A_187 : vector<32xf32> to vector<1x32xf32>
    %add3A_189 = vector.broadcast %broadcast_in_dim3A_188 : vector<1x32xf32> to vector<1024x32xf32>
    %add3A_190 = arith.addf %mul3A_186, %add3A_189 : vector<1024x32xf32>
    %ge3A_191 = arith.constant 0.000000e+00 : f32
    %ge3A_192 = vector.broadcast %ge3A_191 : f32 to vector<1024x32xf32>
    %ge3A_193 = arith.cmpf oge, %add3A_190, %ge3A_192 : vector<1024x32xf32>
    %mul3A_194 = vector.broadcast %get3A_12 : f32 to vector<1024x32xf32>
    %mul3A_195 = arith.mulf %mul3A_194, %add3A_190 : vector<1024x32xf32>
    %select_n3A_196 = arith.select %ge3A_193, %add3A_190, %mul3A_195 : vector<1024x32xi1>, vector<1024x32xf32>
    %slice3A_197 = vector.extract_strided_slice %get3A_18 {offsets = [3, 0, 32], sizes = [1, 1024, 32], strides = [1, 1, 1]} : vector<4x1024x128xf32> to vector<1x1024x32xf32>
    %squeeze3A_198 = vector.shape_cast %slice3A_197 : vector<1x1024x32xf32> to vector<1024x32xf32>
    %mul3A_199 = vector.broadcast %get3A_9 : vector<1024x1xf32> to vector<1024x32xf32>
    %mul3A_200 = arith.mulf %squeeze3A_198, %mul3A_199 : vector<1024x32xf32>
    %slice3A_201 = vector.extract_strided_slice %get3A_14 {offsets = [160], sizes = [32], strides = [1]} : vector<256xf32> to vector<32xf32>
    %broadcast_in_dim3A_202 = vector.shape_cast %slice3A_201 : vector<32xf32> to vector<1x32xf32>
    %add3A_203 = vector.broadcast %broadcast_in_dim3A_202 : vector<1x32xf32> to vector<1024x32xf32>
    %add3A_204 = arith.addf %mul3A_200, %add3A_203 : vector<1024x32xf32>
    %ge3A_205 = arith.constant 0.000000e+00 : f32
    %ge3A_206 = vector.broadcast %ge3A_205 : f32 to vector<1024x32xf32>
    %ge3A_207 = arith.cmpf oge, %add3A_204, %ge3A_206 : vector<1024x32xf32>
    %mul3A_208 = vector.broadcast %get3A_12 : f32 to vector<1024x32xf32>
    %mul3A_209 = arith.mulf %mul3A_208, %add3A_204 : vector<1024x32xf32>
    %select_n3A_210 = arith.select %ge3A_207, %add3A_204, %mul3A_209 : vector<1024x32xi1>, vector<1024x32xf32>
    %slice3A_211 = vector.extract_strided_slice %get3A_18 {offsets = [3, 0, 64], sizes = [1, 1024, 32], strides = [1, 1, 1]} : vector<4x1024x128xf32> to vector<1x1024x32xf32>
    %squeeze3A_212 = vector.shape_cast %slice3A_211 : vector<1x1024x32xf32> to vector<1024x32xf32>
    %mul3A_213 = vector.broadcast %get3A_9 : vector<1024x1xf32> to vector<1024x32xf32>
    %mul3A_214 = arith.mulf %squeeze3A_212, %mul3A_213 : vector<1024x32xf32>
    %slice3A_215 = vector.extract_strided_slice %get3A_14 {offsets = [192], sizes = [32], strides = [1]} : vector<256xf32> to vector<32xf32>
    %broadcast_in_dim3A_216 = vector.shape_cast %slice3A_215 : vector<32xf32> to vector<1x32xf32>
    %add3A_217 = vector.broadcast %broadcast_in_dim3A_216 : vector<1x32xf32> to vector<1024x32xf32>
    %add3A_218 = arith.addf %mul3A_214, %add3A_217 : vector<1024x32xf32>
    %ge3A_219 = arith.constant 0.000000e+00 : f32
    %ge3A_220 = vector.broadcast %ge3A_219 : f32 to vector<1024x32xf32>
    %ge3A_221 = arith.cmpf oge, %add3A_218, %ge3A_220 : vector<1024x32xf32>
    %mul3A_222 = vector.broadcast %get3A_12 : f32 to vector<1024x32xf32>
    %mul3A_223 = arith.mulf %mul3A_222, %add3A_218 : vector<1024x32xf32>
    %select_n3A_224 = arith.select %ge3A_221, %add3A_218, %mul3A_223 : vector<1024x32xi1>, vector<1024x32xf32>
    %slice3A_225 = vector.extract_strided_slice %get3A_18 {offsets = [3, 0, 96], sizes = [1, 1024, 32], strides = [1, 1, 1]} : vector<4x1024x128xf32> to vector<1x1024x32xf32>
    %squeeze3A_226 = vector.shape_cast %slice3A_225 : vector<1x1024x32xf32> to vector<1024x32xf32>
    %mul3A_227 = vector.broadcast %get3A_9 : vector<1024x1xf32> to vector<1024x32xf32>
    %mul3A_228 = arith.mulf %squeeze3A_226, %mul3A_227 : vector<1024x32xf32>
    %slice3A_229 = vector.extract_strided_slice %get3A_14 {offsets = [224], sizes = [32], strides = [1]} : vector<256xf32> to vector<32xf32>
    %broadcast_in_dim3A_230 = vector.shape_cast %slice3A_229 : vector<32xf32> to vector<1x32xf32>
    %add3A_231 = vector.broadcast %broadcast_in_dim3A_230 : vector<1x32xf32> to vector<1024x32xf32>
    %add3A_232 = arith.addf %mul3A_228, %add3A_231 : vector<1024x32xf32>
    %ge3A_233 = arith.constant 0.000000e+00 : f32
    %ge3A_234 = vector.broadcast %ge3A_233 : f32 to vector<1024x32xf32>
    %ge3A_235 = arith.cmpf oge, %add3A_232, %ge3A_234 : vector<1024x32xf32>
    %mul3A_236 = vector.broadcast %get3A_12 : f32 to vector<1024x32xf32>
    %mul3A_237 = arith.mulf %mul3A_236, %add3A_232 : vector<1024x32xf32>
    %select_n3A_238 = arith.select %ge3A_235, %add3A_232, %mul3A_237 : vector<1024x32xi1>, vector<1024x32xf32>
    %concatenate3A_239 = tpu.concatenate %select_n3A_140, %select_n3A_154, %select_n3A_168, %select_n3A_182, %select_n3A_196, %select_n3A_210, %select_n3A_224, %select_n3A_238 in 1 : vector<1024x32xf32>, vector<1024x32xf32>, vector<1024x32xf32>, vector<1024x32xf32>, vector<1024x32xf32>, vector<1024x32xf32>, vector<1024x32xf32>, vector<1024x32xf32> -> vector<1024x256xf32>
    %dot_general3A_240 = arith.constant dense<0.000000e+00> : vector<1024x1xf32>
    %dot_general3A_241 = tpu.matmul %concatenate3A_239, %dot_general3A_6, %dot_general3A_240 {dimension_numbers = #tpu.dot_dimension_numbers<[1], [0], [0], [1], [0, 0, 1, 1], [], []>, transpose_lhs_hint = false} : vector<1024x256xf32>, vector<256x1xf32>, vector<1024x1xf32> -> vector<1024x1xf32>
    %mul3A_242 = arith.mulf %dot_general3A_126, %get3A_9 : vector<1024x1xf32>
    %swap3A = arith.constant 0 : index
    %swap3A_243 = arith.constant 0 : index
    %swap3A_244 = vector.load %arg7[%swap3A, %swap3A_243] : memref<1024x1xf32, #tpu.memory_space<vmem>>, vector<1024x1xf32>
    tpu.vector_store %arg7[%swap3A, %swap3A_243], %mul3A_242 {strides = array<i32>} : memref<1024x1xf32, #tpu.memory_space<vmem>>, vector<1024x1xf32>,
    %mul3A_245 = arith.mulf %dot_general3A_241, %get3A_9 : vector<1024x1xf32>
    %swap3A_246 = arith.constant 0 : index
    %swap3A_247 = arith.constant 0 : index
    %swap3A_248 = vector.load %arg8[%swap3A_246, %swap3A_247] : memref<1024x1xf32, #tpu.memory_space<vmem>>, vector<1024x1xf32>
    tpu.vector_store %arg8[%swap3A_246, %swap3A_247], %mul3A_245 {strides = array<i32>} : memref<1024x1xf32, #tpu.memory_space<vmem>>, vector<1024x1xf32>,
    return
  }
  func.func @transform_0(%arg0: i32) -> (i32, i32, i32) {
    %c0_i32 = arith.constant 0 : i32
    %c0_i32_0 = arith.constant 0 : i32
    %c0_i32_1 = arith.constant 0 : i32
    return %c0_i32, %arg0, %c0_i32_0 : i32, i32, i32
  }
  func.func @transform_1(%arg0: i32) -> (i32, i32) {
    %c0_i32 = arith.constant 0 : i32
    %c0_i32_0 = arith.constant 0 : i32
    return %arg0, %c0_i32 : i32, i32
  }
  func.func @transform_2(%arg0: i32) -> i32 {
    %c0_i32 = arith.constant 0 : i32
    %c0_i32_0 = arith.constant 0 : i32
    return %c0_i32 : i32
  }
  func.func @transform_3(%arg0: i32) -> i32 {
    %c0_i32 = arith.constant 0 : i32
    %c0_i32_0 = arith.constant 0 : i32
    return %c0_i32 : i32
  }
  func.func @transform_4(%arg0: i32) -> (i32, i32) {
    %c0_i32 = arith.constant 0 : i32
    %c0_i32_0 = arith.constant 0 : i32
    %c0_i32_1 = arith.constant 0 : i32
    return %c0_i32, %c0_i32_0 : i32, i32
  }
  func.func @transform_5(%arg0: i32) -> (i32, i32) {
    %c0_i32 = arith.constant 0 : i32
    %c0_i32_0 = arith.constant 0 : i32
    %c0_i32_1 = arith.constant 0 : i32
    return %c0_i32, %c0_i32_0 : i32, i32
  }
  func.func @transform_6(%arg0: i32) -> (i32, i32) {
    %c0_i32 = arith.constant 0 : i32
    %c0_i32_0 = arith.constant 0 : i32
    return %arg0, %c0_i32 : i32, i32
  }
  func.func @transform_7(%arg0: i32) -> (i32, i32) {
    %c0_i32 = arith.constant 0 : i32
    %c0_i32_0 = arith.constant 0 : i32
    return %arg0, %c0_i32 : i32, i32
  }
}

module attributes {stable_mosaic.version = 14 : i64} {
  func.func @_tc3_kernel(%arg0: i32, %arg1: memref<1024x1xf32, #tpu.memory_space<vmem>>, %arg2: memref<1024x1xf32, #tpu.memory_space<vmem>>, %arg3: memref<1024x1xf32, #tpu.memory_space<vmem>>, %arg4: memref<1024x1xf32, #tpu.memory_space<vmem>>, %arg5: memref<1024x1xf32, #tpu.memory_space<vmem>>, %arg6: memref<256xf32, #tpu.memory_space<vmem>>, %arg7: memref<256x256xf32, #tpu.memory_space<vmem>>, %arg8: memref<256xf32, #tpu.memory_space<vmem>>, %arg9: memref<1x1xf32, #tpu.memory_space<smem>>) attributes {dimension_semantics = [#tpu.dimension_semantics<arbitrary>], iteration_bounds = array<i64: 49>, scalar_prefetch = 0 : i64, scratch_operands = 0 : i64, tpu.core_type = #tpu.core_type<tc>, window_params = [{transform_indices = @transform_0, window_bounds = array<i64: 1024, 1>}, {transform_indices = @transform_1, window_bounds = array<i64: 1024, 1>}, {transform_indices = @transform_2, window_bounds = array<i64: 1024, 1>}, {transform_indices = @transform_3, window_bounds = array<i64: 1024, 1>}, {transform_indices = @transform_4, window_bounds = array<i64: 1024, 1>}, {pipeline_mode = #tpu.pipeline_mode<synchronous>, transform_indices = @transform_5, window_bounds = array<i64: 256>}, {pipeline_mode = #tpu.pipeline_mode<synchronous>, transform_indices = @transform_6, window_bounds = array<i64: 256, 256>}, {pipeline_mode = #tpu.pipeline_mode<synchronous>, transform_indices = @transform_7, window_bounds = array<i64: 256>}, {transform_indices = @transform_8, window_bounds = array<i64: 1, 1>}]} {
    %get3A = arith.constant 0 : index
    %get3A_0 = arith.constant 0 : index
    %get3A_1 = vector.load %arg7[%get3A, %get3A_0] : memref<256x256xf32, #tpu.memory_space<vmem>>, vector<256x256xf32>
    %reduce_sum3A = arith.constant dense<0.000000e+00> : vector<256xf32>
    %reduce_sum3A_2 = vector.multi_reduction <add>, %get3A_1, %reduce_sum3A [1] : vector<256x256xf32> to vector<256xf32>
    %get3A_3 = arith.constant 0 : index
    %get3A_4 = vector.load %arg6[%get3A_3] : memref<256xf32, #tpu.memory_space<vmem>>, vector<256xf32>
    %mul3A = arith.mulf %get3A_4, %reduce_sum3A_2 : vector<256xf32>
    %reduce_sum3A_5 = vector.shape_cast %mul3A : vector<256xf32> to vector<1x256xf32>
    %reduce_sum3A_6 = arith.constant dense<0.000000e+00> : vector<1xf32>
    %reduce_sum3A_7 = vector.multi_reduction <add>, %reduce_sum3A_5, %reduce_sum3A_6 [1] : vector<1x256xf32> to vector<1xf32>
    %reduce_sum3A_8 = vector.shape_cast %reduce_sum3A_7 : vector<1xf32> to vector<1x1xf32>
    %reduce_sum3A_9 = vector.extract %reduce_sum3A_8[0, 0] : f32 from vector<1x1xf32>
    %get3A_10 = arith.constant 0 : index
    %get3A_11 = vector.load %arg8[%get3A_10] : memref<256xf32, #tpu.memory_space<vmem>>, vector<256xf32>
    %reduce_sum3A_12 = vector.shape_cast %get3A_11 : vector<256xf32> to vector<1x256xf32>
    %reduce_sum3A_13 = arith.constant dense<0.000000e+00> : vector<1xf32>
    %reduce_sum3A_14 = vector.multi_reduction <add>, %reduce_sum3A_12, %reduce_sum3A_13 [1] : vector<1x256xf32> to vector<1xf32>
    %reduce_sum3A_15 = vector.shape_cast %reduce_sum3A_14 : vector<1xf32> to vector<1x1xf32>
    %reduce_sum3A_16 = vector.extract %reduce_sum3A_15[0, 0] : f32 from vector<1x1xf32>
    %add3A = arith.addf %reduce_sum3A_9, %reduce_sum3A_16 : f32
    %get3A_17 = arith.constant 0 : index
    %get3A_18 = arith.constant 0 : index
    %get3A_19 = vector.load %arg5[%get3A_17, %get3A_18] : memref<1024x1xf32, #tpu.memory_space<vmem>>, vector<1024x1xf32>
    %get3A_20 = arith.constant 0 : index
    %get3A_21 = arith.constant 0 : index
    %get3A_22 = vector.load %arg1[%get3A_20, %get3A_21] : memref<1024x1xf32, #tpu.memory_space<vmem>>, vector<1024x1xf32>
    %get3A_23 = arith.constant 0 : index
    %get3A_24 = arith.constant 0 : index
    %get3A_25 = vector.load %arg3[%get3A_23, %get3A_24] : memref<1024x1xf32, #tpu.memory_space<vmem>>, vector<1024x1xf32>
    %add3A_26 = arith.addf %get3A_22, %get3A_25 : vector<1024x1xf32>
    %mul3A_27 = arith.mulf %get3A_19, %add3A_26 : vector<1024x1xf32>
    %add3A_28 = vector.broadcast %add3A : f32 to vector<1024x1xf32>
    %add3A_29 = arith.addf %mul3A_27, %add3A_28 : vector<1024x1xf32>
    %get3A_30 = arith.constant 0 : index
    %get3A_31 = arith.constant 0 : index
    %get3A_32 = vector.load %arg2[%get3A_30, %get3A_31] : memref<1024x1xf32, #tpu.memory_space<vmem>>, vector<1024x1xf32>
    %get3A_33 = arith.constant 0 : index
    %get3A_34 = arith.constant 0 : index
    %get3A_35 = vector.load %arg4[%get3A_33, %get3A_34] : memref<1024x1xf32, #tpu.memory_space<vmem>>, vector<1024x1xf32>
    %add3A_36 = arith.addf %get3A_32, %get3A_35 : vector<1024x1xf32>
    %mul3A_37 = arith.mulf %get3A_19, %add3A_36 : vector<1024x1xf32>
    %add3A_38 = vector.broadcast %add3A : f32 to vector<1024x1xf32>
    %add3A_39 = arith.addf %mul3A_37, %add3A_38 : vector<1024x1xf32>
    %neg3A = arith.constant 0.000000e+00 : f32
    %neg3A_40 = vector.broadcast %neg3A : f32 to vector<1024x1xf32>
    %neg3A_41 = arith.subf %neg3A_40, %add3A_29 : vector<1024x1xf32>
    %max3A = arith.constant 0.000000e+00 : f32
    %max3A_42 = vector.broadcast %max3A : f32 to vector<1024x1xf32>
    %max3A_43 = arith.maximumf %neg3A_41, %max3A_42 : vector<1024x1xf32>
    %abs3A = math.absf %add3A_29 : vector<1024x1xf32>
    %neg3A_44 = arith.constant 0.000000e+00 : f32
    %neg3A_45 = vector.broadcast %neg3A_44 : f32 to vector<1024x1xf32>
    %neg3A_46 = arith.subf %neg3A_45, %abs3A : vector<1024x1xf32>
    %exp3A = math.exp %neg3A_46 : vector<1024x1xf32>
    %log1p3A = math.log1p %exp3A : vector<1024x1xf32>
    %add3A_47 = arith.addf %max3A_43, %log1p3A : vector<1024x1xf32>
    %max3A_48 = arith.constant 0.000000e+00 : f32
    %max3A_49 = vector.broadcast %max3A_48 : f32 to vector<1024x1xf32>
    %max3A_50 = arith.maximumf %add3A_39, %max3A_49 : vector<1024x1xf32>
    %abs3A_51 = math.absf %add3A_39 : vector<1024x1xf32>
    %neg3A_52 = arith.constant 0.000000e+00 : f32
    %neg3A_53 = vector.broadcast %neg3A_52 : f32 to vector<1024x1xf32>
    %neg3A_54 = arith.subf %neg3A_53, %abs3A_51 : vector<1024x1xf32>
    %exp3A_55 = math.exp %neg3A_54 : vector<1024x1xf32>
    %log1p3A_56 = math.log1p %exp3A_55 : vector<1024x1xf32>
    %add3A_57 = arith.addf %max3A_50, %log1p3A_56 : vector<1024x1xf32>
    %mul3A_58 = arith.constant 1024 : i32
    %mul3A_59 = arith.muli %arg0, %mul3A_58 : i32
    %iota3A = tpu.iota {dimensions = array<i32: 0>} : vector<1024x1xi32>
    %add3A_60 = vector.broadcast %mul3A_59 : i32 to vector<1024x1xi32>
    %add3A_61 = arith.addi %add3A_60, %iota3A : vector<1024x1xi32>
    %lt3A = arith.constant 50000 : i32
    %lt3A_62 = vector.broadcast %lt3A : i32 to vector<1024x1xi32>
    %lt3A_63 = arith.cmpi slt, %add3A_61, %lt3A_62 : vector<1024x1xi32>
    %add3A_64 = arith.addf %add3A_47, %add3A_57 : vector<1024x1xf32>
    %jit3A = arith.constant 0.000000e+00 : f32
    %broadcast_in_dim3A = vector.broadcast %jit3A : f32 to vector<1024x1xf32>
    %select_n3A = arith.select %lt3A_63, %add3A_64, %broadcast_in_dim3A : vector<1024x1xi1>, vector<1024x1xf32>
    %reduce_sum3A_65 = vector.shape_cast %select_n3A : vector<1024x1xf32> to vector<1x1024x1xf32>
    %reduce_sum3A_66 = arith.constant dense<0.000000e+00> : vector<1xf32>
    %reduce_sum3A_67 = vector.multi_reduction <add>, %reduce_sum3A_65, %reduce_sum3A_66 [1, 2] : vector<1x1024x1xf32> to vector<1xf32>
    %reduce_sum3A_68 = vector.shape_cast %reduce_sum3A_67 : vector<1xf32> to vector<1x1x1xf32>
    %reduce_sum3A_69 = vector.extract %reduce_sum3A_68[0, 0, 0] : f32 from vector<1x1x1xf32>
    %eq3A = arith.constant 0 : i32
    %eq3A_70 = arith.cmpi eq, %arg0, %eq3A : i32
    %convert_element_type3A = arith.extui %eq3A_70 : i1 to i32
    %cond3A = arith.constant 0 : i32
    %cond3A_71 = arith.cmpi ne, %convert_element_type3A, %cond3A : i32
    scf.if %cond3A_71 {
      %swap3A_83 = arith.constant 0.000000e+00 : f32
      %swap3A_84 = arith.constant 0 : index
      %swap3A_85 = arith.constant 0 : index
      %swap3A_86 = memref.load %arg9[%swap3A_84, %swap3A_85] : memref<1x1xf32, #tpu.memory_space<smem>>
      memref.store %swap3A_83, %arg9[%swap3A_84, %swap3A_85] : memref<1x1xf32, #tpu.memory_space<smem>>
    } else {
    }
    %get3A_72 = arith.constant 0 : index
    %get3A_73 = arith.constant 0 : index
    %get3A_74 = memref.load %arg9[%get3A_72, %get3A_73] : memref<1x1xf32, #tpu.memory_space<smem>>
    %add3A_75 = arith.addf %get3A_74, %reduce_sum3A_69 : f32
    %swap3A = arith.constant 0 : index
    %swap3A_76 = arith.constant 0 : index
    %swap3A_77 = memref.load %arg9[%swap3A, %swap3A_76] : memref<1x1xf32, #tpu.memory_space<smem>>
    memref.store %add3A_75, %arg9[%swap3A, %swap3A_76] : memref<1x1xf32, #tpu.memory_space<smem>>
    %eq3A_78 = arith.constant 48 : i32
    %eq3A_79 = arith.cmpi eq, %arg0, %eq3A_78 : i32
    %convert_element_type3A_80 = arith.extui %eq3A_79 : i1 to i32
    %cond3A_81 = arith.constant 0 : i32
    %cond3A_82 = arith.cmpi ne, %convert_element_type3A_80, %cond3A_81 : i32
    scf.if %cond3A_82 {
      %get3A_83 = arith.constant 0 : index
      %get3A_84 = arith.constant 0 : index
      %get3A_85 = memref.load %arg9[%get3A_83, %get3A_84] : memref<1x1xf32, #tpu.memory_space<smem>>
      %mul3A_86 = arith.constant 9.99999974E-6 : f32
      %mul3A_87 = arith.mulf %get3A_85, %mul3A_86 : f32
      %swap3A_88 = arith.constant 0 : index
      %swap3A_89 = arith.constant 0 : index
      %swap3A_90 = memref.load %arg9[%swap3A_88, %swap3A_89] : memref<1x1xf32, #tpu.memory_space<smem>>
      memref.store %mul3A_87, %arg9[%swap3A_88, %swap3A_89] : memref<1x1xf32, #tpu.memory_space<smem>>
    } else {
    }
    return
  }
  func.func @transform_0(%arg0: i32) -> (i32, i32) {
    %c0_i32 = arith.constant 0 : i32
    %c0_i32_0 = arith.constant 0 : i32
    return %arg0, %c0_i32 : i32, i32
  }
  func.func @transform_1(%arg0: i32) -> (i32, i32) {
    %c0_i32 = arith.constant 0 : i32
    %c0_i32_0 = arith.constant 0 : i32
    return %arg0, %c0_i32 : i32, i32
  }
  func.func @transform_2(%arg0: i32) -> (i32, i32) {
    %c0_i32 = arith.constant 0 : i32
    %c0_i32_0 = arith.constant 0 : i32
    return %arg0, %c0_i32 : i32, i32
  }
  func.func @transform_3(%arg0: i32) -> (i32, i32) {
    %c0_i32 = arith.constant 0 : i32
    %c0_i32_0 = arith.constant 0 : i32
    return %arg0, %c0_i32 : i32, i32
  }
  func.func @transform_4(%arg0: i32) -> (i32, i32) {
    %c0_i32 = arith.constant 0 : i32
    %c0_i32_0 = arith.constant 0 : i32
    return %arg0, %c0_i32 : i32, i32
  }
  func.func @transform_5(%arg0: i32) -> i32 {
    %c0_i32 = arith.constant 0 : i32
    %c0_i32_0 = arith.constant 0 : i32
    return %c0_i32 : i32
  }
  func.func @transform_6(%arg0: i32) -> (i32, i32) {
    %c0_i32 = arith.constant 0 : i32
    %c0_i32_0 = arith.constant 0 : i32
    %c0_i32_1 = arith.constant 0 : i32
    return %c0_i32, %c0_i32_0 : i32, i32
  }
  func.func @transform_7(%arg0: i32) -> i32 {
    %c0_i32 = arith.constant 0 : i32
    %c0_i32_0 = arith.constant 0 : i32
    return %c0_i32 : i32
  }
  func.func @transform_8(%arg0: i32) -> (i32, i32) {
    %c0_i32 = arith.constant 0 : i32
    %c0_i32_0 = arith.constant 0 : i32
    %c0_i32_1 = arith.constant 0 : i32
    return %c0_i32, %c0_i32_0 : i32, i32
  }
}

</mosaic_0001>

<sc_bundles>
// kernel: kernel.10.cloned.1.call-start
scs
__scs_entry_jumppad:
0x0: {  	(pc) =	sbr.rel $0x88, $3  }
0x1: {  	(tag) =	ssettag $0x0;
	lr =	simm.s32 $0x1  }
0x2: {  	[smem:$0x3F96] =	sst lr;
	_ =	strace $0xD0000000  }
0x3: {  	_ = 	snop  }
0x4: {  	_ = 	snop  }
0x5: {  	_ = 	snop  }
0x6: {  	_ = 	snop  }
0x7: {  	_ = 	snop  }
__scs_overlays_trampoline_lowered:
0x8: {  	[smem:$0x3FA5] =	sst s0  }
0x9: {  	[smem:$0x3FA6] =	sst s1  }
0xa: {  	[smem:$0x3FA7] =	sst s2  }
0xb: {  	[smem:$0x3FA8] =	sst s3  }
0xc: {  	[smem:$0x3FA9] =	sst s4  }
0xd: {  	[smem:$0x3FAA] =	sst s5  }
0xe: {  	[smem:$0x3FAB] =	sst s6  }
0xf: {  	[smem:$0x3FAC] =	sst s7  }
0x10: {  	[smem:$0x3FAD] =	sst s8  }
0x11: {  	[smem:$0x3FAE] =	sst s9;
	s0 =	simm.s32 @!p0 $0x0  }
0x12: {  	s1 =	sld [smem:$0x3F94];
	s0 =	simm.s32 @p0 $0x1  }
0x13: {  	[smem:$0x3FAF] =	sst s0;
	s0 =	simm.s32 @!p1 $0x0  }
0x14: {  	s2 =	sld [smem:$0x3F93];
	s0 =	simm.s32 @p1 $0x1  }
0x15: {  	[smem:$0x3FB0] =	sst s0;
	s0 =	simm.s32 @!p2 $0x0  }
0x16: {  	s3 =	sld [smem:$0x3FDB];
	s0 =	simm.s32 @p2 $0x1  }
0x17: {  	s4 =	simm.s32 $0x1BF5;
	[smem:$0x3FB2] =	sst s0  }
0x18: {  	s0 =	sld [smem:$0x3F95];
	_ =	swait.ge [sflag:s4], $0x0  }
0x19: {  	s7 =	sld [smem:$0x3F96]  }
0x1a: {  	s8 =	sadd.s32 $0xFFFFE003, lr  }
0x1b: {  	s9 =	sadd.s32 $0xFFFFFEF7, lr;
	s5 =	simm.s32 $0xFFFFFFFF;
	p2 =	slt.u32 s8, $0xFFFFF086  }
0x1c: {  	p1 =	slt.u32 s9, $0xF7A;
	s5 =	simm.s32 @!p2 $0x0  }
0x1d: {  	s5 =	simm.s32 @p1 $0x1;
	p0 =	seq.s32 s7, s2  }
0x1e: {  	s7 =	smul.u32 @!p0 $0xF7A, s2;
	p2 =	seq.s32 @!p0 s5, $0x0  }
0x1f: {  	s9 =	smul.u32 $0xF7A, s1;
	s8 =	simm.s32 @!p0 $0x1BF5;
	p2 =	por !p2, p0  }
0x20: {  	[sflag:s8] =	ssyncset.s32 @!p0 $0xFFFFF086;
	s6 =	sadd.s32 @!p0 s3, s7;
	s7 =	simm.s32 @!p0 $0x108  }
0x21: {  	s3 =	sadd.s32 s3, s9;
	s6 =	sadd.s32 @!p0 $0x88, s6;
	s7 =	simm.s32 @p2 $0x1082  }
0x22: {  	[simem:s7], [sflag:s8] =	dma.local @!p0 [hbm:s6], $0xF7A  }
0x23: {  	s9 =	sor.u32 $0xD0000000, s2;
	s6 =	simm.s32 $0x108;
	_ =	swait.ge @!p0 [sflag:s8], $0x0  }
0x24: {  	s3 =	sadd.s32 $0x88, s3;
	s6 =	simm.s32 @!p1 $0x1082;
	[sflag:s4] =	ssyncset.s32 $0xFFFFF086  }
0x25: {  	[simem:s6], [sflag:s4] =	dma.local [hbm:s3], $0xF7A  }
0x26: {  	[smem:$0x3F96] =	sst s1;
	(tag) =	ssettag s2;
	_ =	strace s9  }
0x27: {  	s1 =	sld [smem:$0x3FA6]  }
0x28: {  	s2 =	sld [smem:$0x3FA7]  }
0x29: {  	s4 =	sld [smem:$0x3FA9]  }
0x2a: {  	p0 =	seq.s32 s5, $0x0;
	s5 =	sld [smem:$0x3FAA]  }
0x2b: {  	s6 =	sld [smem:$0x3FAB]  }
0x2c: {  	s7 =	sld [smem:$0x3FAC]  }
0x2d: {  	s3 =	simm.s32 $0x108;
	s8 =	sld [smem:$0x3FAD]  }
0x2e: {  	s3 =	simm.s32 @!p0 $0x1082;
	s9 =	sld [smem:$0x3FAE]  }
0x2f: {  	lr =	sadd.s32 s0, s3;
	s0 =	sld [smem:$0x3FA5]  }
0x30: {  	s3 =	sld [smem:$0x3FA8]  }
0x31: {  	[smem:$0x3FB1] =	sst s10  }
0x32: {  	s10 =	sld [smem:$0x3FAF];
	_ =	sdelay $0x3  }
0x33: {  	p0 =	seq.s32 s10, $0x1;
	s10 =	sld [smem:$0x3FB1];
	_ =	sdelay $0x3  }
0x34: {  	[smem:$0x3FB1] =	sst s10  }
0x35: {  	s10 =	sld [smem:$0x3FB0];
	_ =	sdelay $0x3  }
0x36: {  	p1 =	seq.s32 s10, $0x1;
	s10 =	sld [smem:$0x3FB1];
	_ =	sdelay $0x3  }
0x37: {  	[smem:$0x3FB1] =	sst s10  }
0x38: {  	s10 =	sld [smem:$0x3FB2]  }
0x39: {  	_ = 	snop;
	(pc) =	sbr.ind lr, $3  }
0x3a: {  	_ = 	snop  }
0x3b: {  	_ = 	snop  }
0x3c: {  	p2 =	seq.s32 s10, $0x1;
	s10 =	sld [smem:$0x3FB1]  }
0x3d: {  	_ =	shalt  }
0x3e: {  	_ =	shalt  }
0x3f: {  	_ =	shalt  }
0x40: {  	_ =	shalt  }
0x41: {  	_ =	shalt  }
0x42: {  	_ =	shalt  }
0x43: {  	_ =	shalt  }
0x44: {  	_ =	shalt  }
0x45: {  	_ =	shalt  }
0x46: {  	_ =	shalt  }
0x47: {  	_ =	shalt  }
0x48: {  	_ =	shalt  }
0x49: {  	_ =	shalt  }
0x4a: {  	_ =	shalt  }
0x4b: {  	_ =	shalt  }
0x4c: {  	_ =	shalt  }
0x4d: {  	_ =	shalt  }
0x4e: {  	_ =	shalt  }
0x4f: {  	_ =	shalt  }
0x50: {  	_ =	shalt  }
0x51: {  	_ =	shalt  }
0x52: {  	_ =	shalt  }
0x53: {  	_ =	shalt  }
0x54: {  	_ =	shalt  }
0x55: {  	_ =	shalt  }
0x56: {  	_ =	shalt  }
0x57: {  	_ =	shalt  }
0x58: {  	_ =	shalt  }
0x59: {  	_ =	shalt  }
0x5a: {  	_ =	shalt  }
0x5b: {  	_ =	shalt  }
0x5c: {  	_ =	shalt  }
0x5d: {  	_ =	shalt  }
0x5e: {  	_ =	shalt  }
0x5f: {  	_ =	shalt  }
0x60: {  	_ =	shalt  }
0x61: {  	_ =	shalt  }
0x62: {  	_ =	shalt  }
0x63: {  	_ =	shalt  }
0x64: {  	_ =	shalt  }
0x65: {  	_ =	shalt  }
0x66: {  	_ =	shalt  }
0x67: {  	_ =	shalt  }
0x68: {  	_ =	shalt  }
0x69: {  	_ =	shalt  }
0x6a: {  	_ =	shalt  }
0x6b: {  	_ =	shalt  }
0x6c: {  	_ =	shalt  }
0x6d: {  	_ =	shalt  }
0x6e: {  	_ =	shalt  }
0x6f: {  	_ =	shalt  }
0x70: {  	_ =	shalt  }
0x71: {  	_ =	shalt  }
0x72: {  	_ =	shalt  }
0x73: {  	_ =	shalt  }
0x74: {  	_ =	shalt  }
0x75: {  	_ =	shalt  }
0x76: {  	_ =	shalt  }
0x77: {  	_ =	shalt  }
0x78: {  	_ =	shalt  }
0x79: {  	_ =	shalt  }
0x7a: {  	_ =	shalt  }
0x7b: {  	_ =	shalt  }
0x7c: {  	_ =	shalt  }
0x7d: {  	_ =	shalt  }
0x7e: {  	_ =	shalt  }
0x7f: {  	_ =	shalt  }
0x80: {  	_ =	shalt  }
0x81: {  	_ =	shalt  }
0x82: {  	_ =	shalt  }
0x83: {  	_ =	shalt  }
0x84: {  	_ =	shalt  }
0x85: {  	_ =	shalt  }
0x86: {  	_ =	shalt  }
0x87: {  	_ =	shalt  }
.Lfunc_end0:
.L_simem_size_0:
called_computation.5_lowered:
.L_overlay_start_0:
0x88: {  	s2 =	sld [smem:$0x3FD9]  }
0x89: {  	s3 =	sld [smem:$0x3FFE];
	_ =	sdelay $0x1  }
0x8a: {  	s1 =	srdreg.scid  }
0x8b: {  	s0 =	sand.u32 $0x1, s1  }
0x8c: {  	s16 =	sshll.u32 s0, $0xA;
	s2 =	sadd.s32 s3, s2  }
0x8d: {  	s2 =	sadd.s32 s2, s16  }
0x8e: {  	[smem:$0x3FBD] =	sst s2  }
0x8f: {  	_ = 	snop  }
0x90: {  	(tm) =	ssettm $0x1  }
0x91: {  	s17 =	sld [smem:$0x3FFB];
	_ =	sdelay $0x3  }
0x92: {  	_ =	strace s17  }
0x93: {  	s2 =	sld [smem:$0x3FFC];
	_ =	sdelay $0x3  }
0x94: {  	_ =	strace s2  }
0x95: {  	s2 =	sld [smem:$0x3FFD];
	_ =	sdelay $0x3  }
0x96: {  	_ =	strace s2  }
0x97: {  	_ =	strace $0x8FFFFFFF  }
0x98: {  	s18 =	sld [smem:$0x3FDB];
	_ =	sdelay $0x1  }
0x99: {  	s19 =	simm.s32 $_scs_section_size  }
0x9a: {  	s4 =	simm.s32 $_size__tile_overlayer_lowered;
	s5 =	simm.s32 $_tile_overlayer_lowered  }
0x9b: {  	s22 =	simm.s32 $0x1BFF;
	s21 =	sshll.u32 s5, $0x1;
	s2 =	sadd.s32 s19, s18  }
0x9c: {  	s6 =	simm.s32 $0x0;
	s20 =	sshll.u32 s4, $0x1;
	s4 =	sadd.s32 s21, s2  }
0x9d: {  	[timem:s6], [sflag:s22] =	dma.local [hbm:s4], s20  }
0x9e: {  	_ =	swait.ge [sflag:s22], s20  }
0x9f: {  	s3 =	ssub.s32 $0x0, s20;
	[sflag:s22] =	ssyncset.done $0x0  }
0xa0: {  	[sflag:s22] =	ssyncadd.s32 s3;
	_ =	sdelay $0x1  }
0xa1: {  	s23 =	simm.s32 $0x1B8B  }
0xa2: {  	_ =	swait.ge [sflag:s23], $0x1  }
0xa3: {  	[sflag:s23] =	ssyncset.done $0x0  }
0xa4: {  	s25 =	simm.s32 $0x1B8E;
	s24 =	sld [smem:$0x3FFE];
	[sflag:s23] =	ssyncadd.s32 $0xFFFFFFFF  }
0xa5: {  	s26 =	simm.s32 $execute0_lowered;
	[smem:$0x3FD2] =	sst s25  }
0xa6: {  	s4 =	sshll.u32 s26, $0x1;
	_ =	strace $0x80000061;
	[dreg:$0x1] =	wrdreg $0xFFFFFFFF  }
0xa7: {  	s28 =	simm.s32 $_size_execute0_lowered;
	s2 =	sadd.s32 s2, s4;
	[dreg:$0x0] =	wrdreg $0x0  }
0xa8: {  	s4 =	sshll.u32 s28, $0x1;
	[dreg:$0x2] =	wrdreg s2  }
0xa9: {  	[dreg:$0x3] =	wrdreg s4  }
0xaa: {  	[dreg:$0x4] =	wrdreg $0xC0  }
0xab: {  	_ =	task [dreg:s6], $0x5FFFF  }
0xac: {  	[dreg:$0x1] =	wrdreg $0xFFFFFFFF  }
0xad: {  	[dreg:$0x0] =	wrdreg $0x60  }
0xae: {  	[dreg:$0x2] =	wrdreg s24  }
0xaf: {  	[dreg:$0x3] =	wrdreg $0xD800  }
0xb0: {  	[dreg:$0x4] =	wrdreg $0x19C00  }
0xb1: {  	[dreg:$0x5] =	wrdreg $0x9  }
0xb2: {  	_ =	task.clear_ibuf [dreg:s6], $0x6FFFF;
	_ =	strace $0x90000061  }
0xb3: {  	s29 =	simm.s32 $0x9;
	_ =	strace $0x80000063  }
0xb4: {  	_ =	swait.ge [sflag:s29], $0x1  }
0xb5: {  	[sflag:s29] =	ssyncadd.s32 $0xFFFFFFFF  }
0xb6: {  	_ =	strace $0x90000063  }
0xb7: {  	_ =	sfence  }
0xb8: {  	s30 =	sld [smem:$0x0];
	_ =	sdelay $0x2  }
0xb9: {  	s31 =	sshll.u32 s1, $0xD;
	s1 =	sshrl.u32 s1, $0x2  }
0xba: {  	s3 =	sand.u32 $0x4000, s31;
	s1 =	sadd.s32 s1, s30  }
0xbb: {  	s0 =	sor.u32 s3, s0;
	s1 =	sshll.u32 s1, $0x11  }
0xbc: {  	s0 =	sor.u32 s1, s0  }
0xbd: {  	s0 =	sadd.s32 $0x8F2B, s0  }
0xbe: {  	[sflag:s0] =	ssyncadd.remote.s32 $0x1  }
0xbf: {  	_ =	sfence.sel $0xFFFF  }
0xc0: {  	[dreg:$0x0] =	wrdreg $0xFFFFFFFF;
	(pc) =	sbr.abs _section_cstart, $3  }
0xc1: {  	[dreg:$0x1] =	wrdreg $0xFFFFFFFF  }
0xc2: {  	_ =	task.clear_ibuf [dreg:s6], $0x2FFFF;
	_ =	strace $0x9FFFFFFF  }
0xc3: {  	(tm) =	ssettm $0x7FFFFFFF  }
tec
execute0_lowered:
.L_overlay_start_1:
0x0: {  	(tag) =	ssettag $0x1  }
0x1: {  	s7 =	rddreg [dreg:$0x0]  }
0x2: {  	s2 =	rddreg [dreg:$0x1]  }
0x3: {  	s3 =	rddreg [dreg:$0x2]  }
0x4: {  	s0 =	srdreg.scid;
	s1 =	rddreg [dreg:$0x3]  }
0x5: {  	s4 =	simm.s32 $0x0;
	s14 =	simm.s32 $0x140;
	s6 =	sand.u32 $0x1, s0  }
0x6: {  	s15 =	simm.s32 $0x1;
	s0 =	stileid.u32;
	s5 =	smul.u32 $0xC3500, s6  }
0x7: {  	s16 =	simm.s32 $0x50;
	s17 =	simm.s32 $0xA0;
	s8 =	smul.u32 $0xC350, s0  }
0x8: {  	s18 =	simm.s32 $0xF0;
	s19 =	simm.s32 $0x0;
	s31 =	smul.u32 $0xC40, s0  }
0x9: {  	[smem:$0x7FF] =	sst s4;
	s9 =	smul.u32 $0x18800, s6;
	s10 =	ssub.s32 $0x2, s6  }
0xa: {  	_ =	strace $0x80000062;
	s6 =	sadd.s32 $0x62000, s7;
	s11 =	sshrl.u32 s10, $0x1  }
0xb: {  	s5 =	sadd.s32 s8, s5;
	s9 =	sadd.s32 s31, s9;
	s11 =	ssub.s32 s10, s11  }
0xc: {  	s8 =	sadd.s32 s31, s3;
	s5 =	sshrl.u32 s5, $0x3;
	s9 =	sshrl.u32 s9, $0x3  }
0xd: {  	s11 =	smax.u32 s11, $0x1;
	s13 =	sadd.s32 s5, s7;
	s12 =	sadd.s32 s9, s7  }
0xe: {  	s5 =	sadd.s32 $0x1EA000, s7;
	s7 =	sadd.s32 s31, s2;
	s9 =	sadd.s32 $0x63A00, s12  }
0xf: {  	v0 =	vimm.f32 $0.0e+00;
	s10 =	sadd.s32 $0x65280, s12;
	s12 =	sadd.s32 $0x400, s13;
	s13 =	sadd.s32 $0x31200, s13  }
.LBB2_1:
0x10: {  	s20 =	simm.s32 $0x40;
	s21 =	simm.s32 $0x0  }
.LBB2_2:
0x11: {  	p0 =	sne.s32 s20, $0x30C0;
	[tilespmem:s21+$0x140] =	vst v0;
	s21 =	smov.u32 s20;
	s20 =	sadd.s32 $0x40, s20  }
.Ltmp0:
0x12: {  	(pc) =	sbr.rel @p0 .LBB2_2-.Ltmp0, $2  }
0x13: {  	_ =	sdelay $0x2  }
0x14: {  	s21 =	sshra.s32 s21, $0x2  }
0x15: {  	[tilespmem:s21+$0x140] =	vst v0  }
0x16: {  	[spmem:s7] =	stream.linear.scatter [tilespmem:s14], [sflag:$0x1], $0xC40, $0x38;
	[tilespmem:$0x2600] =	vst v63  }
0x17: {  	_ =	swait.ge [sflag:s15], $0xC40  }
0x18: {  	[sflag:s15] =	ssyncset.done $0x0  }
0x19: {  	[sflag:s15] =	ssyncadd.s32 $0xFFFFF3C0  }
0x1a: {  	[spmem:s8] =	stream.linear.scatter [tilespmem:s14], [sflag:$0x1], $0xC40, $0x38;
	[tilespmem:$0x2600] =	vst v63  }
0x1b: {  	_ =	swait.ge [sflag:s15], $0xC40  }
0x1c: {  	[sflag:s15] =	ssyncset.done $0x0  }
0x1d: {  	[sflag:s15] =	ssyncadd.s32 $0xFFFFF3C0  }
0x1e: {  	s20 =	sadd.s32 $0x0, s13;
	[bflag:$0x0] =	sbarrier.arrive $0xFFFF  }
0x1f: {  	[tilespmem:s4], [sflag:$0x1] =	stream.linear.gather [hbm4b:s20+s4], $0x50, $0x38;
	[tilespmem:$0x2600] =	vst v63  }
0x20: {  	_ =	swait.ge [sflag:s15], $0x50  }
0x21: {  	[sflag:s15] =	ssyncset.done $0x0  }
0x22: {  	s31 =	sadd.s32 $0x0, s12;
	[sflag:s15] =	ssyncadd.s32 $0xFFFFFFB0  }
0x23: {  	[tilespmem:s16], [sflag:$0x1] =	stream.linear.gather [hbm4b:s31+s4], $0x50, $0x38;
	[tilespmem:$0x2600] =	vst v63  }
0x24: {  	_ =	swait.ge [sflag:s15], $0x50  }
0x25: {  	[sflag:s15] =	ssyncset.done $0x0  }
0x26: {  	[sflag:s15] =	ssyncadd.s32 $0xFFFFFFB0  }
0x27: {  	[tilespmem:s17], [sflag:$0x1] =	stream.indirect.gather [hbm4b:s5+s16], $0x1, s4, s16, $0xb8;
	[tilespmem:$0x2600] =	vst v63  }
0x28: {  	_ =	swait.ge [sflag:s15], $0x50  }
0x29: {  	[sflag:s15] =	ssyncset.done $0x0  }
0x2a: {  	[sflag:s15] =	ssyncadd.s32 $0xFFFFFFB0  }
0x2b: {  	[tilespmem:s18], [sflag:$0x1] =	stream.indirect.gather [hbm4b:s6+s16], $0x1, s4, s16, $0xb8;
	[tilespmem:$0x2600] =	vst v63  }
0x2c: {  	_ =	swait.ge [sflag:s15], $0x50  }
0x2d: {  	[sflag:s15] =	ssyncset.done $0x0  }
0x2e: {  	[sflag:s15] =	ssyncadd.s32 $0xFFFFFFB0  }
0x2f: {  	[spmem:s2] =	stream.indirect.scatter.add.f32 [tilespmem:s17], [sflag:$0x1], $0x1, s16, s16, $0xb8;
	[tilespmem:$0x2600] =	vst v63  }
0x30: {  	_ =	swait.ge [sflag:s15], $0x50  }
0x31: {  	[sflag:s15] =	ssyncset.done $0x0  }
0x32: {  	[sflag:s15] =	ssyncadd.s32 $0xFFFFFFB0  }
0x33: {  	[spmem:s3] =	stream.indirect.scatter.add.f32 [tilespmem:s18], [sflag:$0x1], $0x1, s16, s16, $0xb8;
	[tilespmem:$0x2600] =	vst v63  }
0x34: {  	_ =	swait.ge [sflag:s15], $0x50  }
0x35: {  	s21 =	simm.s32 $0x14;
	s20 =	simm.s32 $0xA;
	[sflag:s15] =	ssyncset.done $0x0  }
.LBB2_4:
0x36: {  	s22 =	sadd.s32 s20, s13  }
0x37: {  	[sflag:s15] =	ssyncadd.s32 $0xFFFFFFB0;
	s23 =	smov.u32 s21;
	s24 =	sadd.s32 $0xA, s21  }
0x38: {  	[tilespmem:s4], [sflag:$0x1] =	stream.linear.gather [hbm4b:s22+s4], $0x50, $0x38;
	[tilespmem:$0x2600] =	vst v63  }
0x39: {  	p0 =	sne.s32 s21, $0x1860;
	_ =	swait.ge [sflag:s15], $0x50  }
0x3a: {  	[sflag:s15] =	ssyncset.done $0x0  }
0x3b: {  	s21 =	sadd.s32 s20, s12;
	s20 =	smov.u32 s23;
	[sflag:s15] =	ssyncadd.s32 $0xFFFFFFB0  }
0x3c: {  	[tilespmem:s16], [sflag:$0x1] =	stream.linear.gather [hbm4b:s21+s4], $0x50, $0x38;
	[tilespmem:$0x2600] =	vst v63  }
0x3d: {  	_ =	swait.ge [sflag:s15], $0x50  }
0x3e: {  	[sflag:s15] =	ssyncset.done $0x0  }
0x3f: {  	[sflag:s15] =	ssyncadd.s32 $0xFFFFFFB0  }
0x40: {  	[tilespmem:s17], [sflag:$0x1] =	stream.indirect.gather [hbm4b:s5+s16], $0x1, s4, s16, $0xb8;
	[tilespmem:$0x2600] =	vst v63  }
0x41: {  	_ =	swait.ge [sflag:s15], $0x50  }
0x42: {  	[sflag:s15] =	ssyncset.done $0x0  }
0x43: {  	[sflag:s15] =	ssyncadd.s32 $0xFFFFFFB0  }
0x44: {  	[tilespmem:s18], [sflag:$0x1] =	stream.indirect.gather [hbm4b:s6+s16], $0x1, s4, s16, $0xb8;
	[tilespmem:$0x2600] =	vst v63  }
0x45: {  	_ =	swait.ge [sflag:s15], $0x50  }
0x46: {  	[sflag:s15] =	ssyncset.done $0x0  }
0x47: {  	[sflag:s15] =	ssyncadd.s32 $0xFFFFFFB0  }
0x48: {  	[spmem:s2] =	stream.indirect.scatter.add.f32 [tilespmem:s17], [sflag:$0x1], $0x1, s16, s16, $0xb8;
	[tilespmem:$0x2600] =	vst v63  }
0x49: {  	_ =	swait.ge [sflag:s15], $0x50  }
.Ltmp1:
0x4a: {  	[sflag:s15] =	ssyncset.done $0x0;
	(pc) =	sbr.rel @p0 .LBB2_4-.Ltmp1, $4  }
0x4b: {  	[sflag:s15] =	ssyncadd.s32 $0xFFFFFFB0  }
0x4c: {  	[spmem:s3] =	stream.indirect.scatter.add.f32 [tilespmem:s18], [sflag:$0x1], $0x1, s16, s16, $0xb8;
	[tilespmem:$0x2600] =	vst v63  }
0x4d: {  	_ =	swait.ge [sflag:s15], $0x50  }
0x4e: {  	s21 =	smov.u32 s24;
	[sflag:s15] =	ssyncset.done $0x0  }
0x4f: {  	s21 =	sadd.s32 s20, s13;
	[sflag:s15] =	ssyncadd.s32 $0xFFFFFFB0  }
0x50: {  	[tilespmem:s4], [sflag:$0x1] =	stream.linear.gather [hbm4b:s21+s4], $0x50, $0x38;
	[tilespmem:$0x2600] =	vst v63  }
0x51: {  	_ =	swait.ge [sflag:s15], $0x50  }
0x52: {  	[sflag:s15] =	ssyncset.done $0x0  }
0x53: {  	s31 =	sadd.s32 s20, s12;
	[sflag:s15] =	ssyncadd.s32 $0xFFFFFFB0  }
0x54: {  	[tilespmem:s16], [sflag:$0x1] =	stream.linear.gather [hbm4b:s31+s4], $0x50, $0x38;
	[tilespmem:$0x2600] =	vst v63  }
0x55: {  	_ =	swait.ge [sflag:s15], $0x50  }
0x56: {  	[sflag:s15] =	ssyncset.done $0x0  }
0x57: {  	[sflag:s15] =	ssyncadd.s32 $0xFFFFFFB0  }
0x58: {  	[tilespmem:s17], [sflag:$0x1] =	stream.indirect.gather [hbm4b:s5+s16], $0x1, s4, s16, $0xb8;
	[tilespmem:$0x2600] =	vst v63  }
0x59: {  	_ =	swait.ge [sflag:s15], $0x50  }
0x5a: {  	[sflag:s15] =	ssyncset.done $0x0  }
0x5b: {  	[sflag:s15] =	ssyncadd.s32 $0xFFFFFFB0  }
0x5c: {  	[tilespmem:s18], [sflag:$0x1] =	stream.indirect.gather [hbm4b:s6+s16], $0x1, s4, s16, $0xb8;
	[tilespmem:$0x2600] =	vst v63  }
0x5d: {  	_ =	swait.ge [sflag:s15], $0x50  }
0x5e: {  	[sflag:s15] =	ssyncset.done $0x0  }
0x5f: {  	[sflag:s15] =	ssyncadd.s32 $0xFFFFFFB0  }
0x60: {  	[spmem:s2] =	stream.indirect.scatter.add.f32 [tilespmem:s17], [sflag:$0x1], $0x1, s16, s16, $0xb8;
	[tilespmem:$0x2600] =	vst v63  }
0x61: {  	_ =	swait.ge [sflag:s15], $0x50  }
0x62: {  	[sflag:s15] =	ssyncset.done $0x0  }
0x63: {  	[sflag:s15] =	ssyncadd.s32 $0xFFFFFFB0  }
0x64: {  	[spmem:s3] =	stream.indirect.scatter.add.f32 [tilespmem:s18], [sflag:$0x1], $0x1, s16, s16, $0xb8;
	[tilespmem:$0x2600] =	vst v63  }
0x65: {  	_ =	swait.ge [sflag:s15], $0x50  }
0x66: {  	[sflag:s15] =	ssyncset.done $0x0  }
0x67: {  	[sflag:s15] =	ssyncadd.s32 $0xFFFFFFB0  }
0x68: {  	[bflag:$0x0] =	sbarrier.arrive $0xFFFF  }
0x69: {  	[tilespmem:s14], [sflag:$0x1] =	stream.linear.gather [spmem:s7], $0xC40, $0x38;
	[tilespmem:$0x2600] =	vst v63  }
0x6a: {  	_ =	swait.ge [sflag:s15], $0xC40  }
0x6b: {  	[sflag:s15] =	ssyncset.done $0x0  }
0x6c: {  	[sflag:s15] =	ssyncadd.s32 $0xFFFFF3C0  }
0x6d: {  	[hbm4b:s9+s4] =	stream.linear.scatter [tilespmem:s14], [sflag:$0x1], $0xC40, $0x38;
	[tilespmem:$0x2600] =	vst v63  }
0x6e: {  	_ =	swait.ge [sflag:s15], $0xC40  }
0x6f: {  	[sflag:s15] =	ssyncset.done $0x0  }
0x70: {  	[sflag:s15] =	ssyncadd.s32 $0xFFFFF3C0  }
0x71: {  	[tilespmem:s14], [sflag:$0x1] =	stream.linear.gather [spmem:s8], $0xC40, $0x38;
	[tilespmem:$0x2600] =	vst v63  }
0x72: {  	s19 =	sadd.s32 $0x1, s19;
	_ =	swait.ge [sflag:s15], $0xC40  }
0x73: {  	p0 =	sne.s32 s19, s11;
	[sflag:s15] =	ssyncset.done $0x0  }
.Ltmp2:
0x74: {  	[sflag:s15] =	ssyncadd.s32 $0xFFFFF3C0;
	(pc) =	sbr.rel @p0 .LBB2_1-.Ltmp2, $4  }
0x75: {  	[hbm4b:s10+s4] =	stream.linear.scatter [tilespmem:s14], [sflag:$0x1], $0xC40, $0x38;
	[tilespmem:$0x2600] =	vst v63  }
0x76: {  	_ =	swait.ge [sflag:s15], $0xC40  }
0x77: {  	[sflag:s15] =	ssyncset.done $0x0  }
0x78: {  	[sflag:s15] =	ssyncadd.s32 $0xFFFFF3C0  }
0x79: {  	_ =	sfence.sel $0x180000  }
0x7a: {  	[bflag:$0x0] =	sbarrier.arrive $0xFFFF  }
0x7b: {  	p0 =	sne.s32 s0, $0x0;
	_ =	strace $0x90000062  }
0x7c: {  	s0 =	sadd.s32 @!p0 $0x100000, s1;
	[bflag:$0x2] =	sbarrier.arrive $0xFFFF  }
0x7d: {  	[sflag:s0] =	ssyncadd.tile.s32 @!p0 $0x1;
	_ =	shalt  }
.Lfunc_end2:
_tile_overlayer_lowered:
.L_overlay_start_2:
0x7e: {  	(tag) =	ssettag $0x2  }
0x7f: {  	s0 =	rddreg [dreg:$0x0];
	s2 =	stileid.u32  }
0x80: {  	s1 =	rddreg [dreg:$0x1];
	p0 =	sne.s32 s2, $0x0  }
0x81: {  	s3 =	rddreg [dreg:$0x2];
	[bflag:$0x3] =	sbarrier.arrive $0xFFFF;
	s2 =	simm.s32 @!p0 $0x1C01  }
0x82: {  	[timem:s3], [sflag:s2] =	dma.local @!p0 [hbm:s0], s1  }
0x83: {  	s0 =	simm.s32 @!p0 $0x1  }
0x84: {  	_ =	swait.ge @!p0 [sflag:s0], s1  }
0x85: {  	s1 =	ssub.s32 @!p0 $0x0, s1;
	[sflag:s0] =	ssyncset.done @!p0 $0x0  }
0x86: {  	[sflag:s0] =	ssyncadd.s32 @!p0 s1  }
0x87: {  	[bflag:$0x3] =	sbarrier.arrive $0xFFFF  }
0x88: {  	_ =	shalt  }

// kernel: kernel.7.cloned.1.call-start
scs
__scs_entry_jumppad:
0x0: {  	(pc) =	sbr.rel $0x88, $3  }
0x1: {  	(tag) =	ssettag $0x0;
	lr =	simm.s32 $0x1  }
0x2: {  	[smem:$0x3F96] =	sst lr;
	_ =	strace $0xD0000000  }
0x3: {  	_ = 	snop  }
0x4: {  	_ = 	snop  }
0x5: {  	_ = 	snop  }
0x6: {  	_ = 	snop  }
0x7: {  	_ = 	snop  }
__scs_overlays_trampoline_lowered:
0x8: {  	[smem:$0x3FA5] =	sst s0  }
0x9: {  	[smem:$0x3FA6] =	sst s1  }
0xa: {  	[smem:$0x3FA7] =	sst s2  }
0xb: {  	[smem:$0x3FA8] =	sst s3  }
0xc: {  	[smem:$0x3FA9] =	sst s4  }
0xd: {  	[smem:$0x3FAA] =	sst s5  }
0xe: {  	[smem:$0x3FAB] =	sst s6  }
0xf: {  	[smem:$0x3FAC] =	sst s7  }
0x10: {  	[smem:$0x3FAD] =	sst s8  }
0x11: {  	[smem:$0x3FAE] =	sst s9;
	s0 =	simm.s32 @!p0 $0x0  }
0x12: {  	s1 =	sld [smem:$0x3F94];
	s0 =	simm.s32 @p0 $0x1  }
0x13: {  	[smem:$0x3FAF] =	sst s0;
	s0 =	simm.s32 @!p1 $0x0  }
0x14: {  	s2 =	sld [smem:$0x3F93];
	s0 =	simm.s32 @p1 $0x1  }
0x15: {  	[smem:$0x3FB0] =	sst s0;
	s0 =	simm.s32 @!p2 $0x0  }
0x16: {  	s3 =	sld [smem:$0x3FDB];
	s0 =	simm.s32 @p2 $0x1  }
0x17: {  	s4 =	simm.s32 $0x1BF5;
	[smem:$0x3FB2] =	sst s0  }
0x18: {  	s0 =	sld [smem:$0x3F95];
	_ =	swait.ge [sflag:s4], $0x0  }
0x19: {  	s7 =	sld [smem:$0x3F96]  }
0x1a: {  	s8 =	sadd.s32 $0xFFFFE003, lr  }
0x1b: {  	s9 =	sadd.s32 $0xFFFFFEF7, lr;
	s5 =	simm.s32 $0xFFFFFFFF;
	p2 =	slt.u32 s8, $0xFFFFF086  }
0x1c: {  	p1 =	slt.u32 s9, $0xF7A;
	s5 =	simm.s32 @!p2 $0x0  }
0x1d: {  	s5 =	simm.s32 @p1 $0x1;
	p0 =	seq.s32 s7, s2  }
0x1e: {  	s7 =	smul.u32 @!p0 $0xF7A, s2;
	p2 =	seq.s32 @!p0 s5, $0x0  }
0x1f: {  	s9 =	smul.u32 $0xF7A, s1;
	s8 =	simm.s32 @!p0 $0x1BF5;
	p2 =	por !p2, p0  }
0x20: {  	[sflag:s8] =	ssyncset.s32 @!p0 $0xFFFFF086;
	s6 =	sadd.s32 @!p0 s3, s7;
	s7 =	simm.s32 @!p0 $0x108  }
0x21: {  	s3 =	sadd.s32 s3, s9;
	s6 =	sadd.s32 @!p0 $0x88, s6;
	s7 =	simm.s32 @p2 $0x1082  }
0x22: {  	[simem:s7], [sflag:s8] =	dma.local @!p0 [hbm:s6], $0xF7A  }
0x23: {  	s9 =	sor.u32 $0xD0000000, s2;
	s6 =	simm.s32 $0x108;
	_ =	swait.ge @!p0 [sflag:s8], $0x0  }
0x24: {  	s3 =	sadd.s32 $0x88, s3;
	s6 =	simm.s32 @!p1 $0x1082;
	[sflag:s4] =	ssyncset.s32 $0xFFFFF086  }
0x25: {  	[simem:s6], [sflag:s4] =	dma.local [hbm:s3], $0xF7A  }
0x26: {  	[smem:$0x3F96] =	sst s1;
	(tag) =	ssettag s2;
	_ =	strace s9  }
0x27: {  	s1 =	sld [smem:$0x3FA6]  }
0x28: {  	s2 =	sld [smem:$0x3FA7]  }
0x29: {  	s4 =	sld [smem:$0x3FA9]  }
0x2a: {  	p0 =	seq.s32 s5, $0x0;
	s5 =	sld [smem:$0x3FAA]  }
0x2b: {  	s6 =	sld [smem:$0x3FAB]  }
0x2c: {  	s7 =	sld [smem:$0x3FAC]  }
0x2d: {  	s3 =	simm.s32 $0x108;
	s8 =	sld [smem:$0x3FAD]  }
0x2e: {  	s3 =	simm.s32 @!p0 $0x1082;
	s9 =	sld [smem:$0x3FAE]  }
0x2f: {  	lr =	sadd.s32 s0, s3;
	s0 =	sld [smem:$0x3FA5]  }
0x30: {  	s3 =	sld [smem:$0x3FA8]  }
0x31: {  	[smem:$0x3FB1] =	sst s10  }
0x32: {  	s10 =	sld [smem:$0x3FAF];
	_ =	sdelay $0x3  }
0x33: {  	p0 =	seq.s32 s10, $0x1;
	s10 =	sld [smem:$0x3FB1];
	_ =	sdelay $0x3  }
0x34: {  	[smem:$0x3FB1] =	sst s10  }
0x35: {  	s10 =	sld [smem:$0x3FB0];
	_ =	sdelay $0x3  }
0x36: {  	p1 =	seq.s32 s10, $0x1;
	s10 =	sld [smem:$0x3FB1];
	_ =	sdelay $0x3  }
0x37: {  	[smem:$0x3FB1] =	sst s10  }
0x38: {  	s10 =	sld [smem:$0x3FB2]  }
0x39: {  	_ = 	snop;
	(pc) =	sbr.ind lr, $3  }
0x3a: {  	_ = 	snop  }
0x3b: {  	_ = 	snop  }
0x3c: {  	p2 =	seq.s32 s10, $0x1;
	s10 =	sld [smem:$0x3FB1]  }
0x3d: {  	_ =	shalt  }
0x3e: {  	_ =	shalt  }
0x3f: {  	_ =	shalt  }
0x40: {  	_ =	shalt  }
0x41: {  	_ =	shalt  }
0x42: {  	_ =	shalt  }
0x43: {  	_ =	shalt  }
0x44: {  	_ =	shalt  }
0x45: {  	_ =	shalt  }
0x46: {  	_ =	shalt  }
0x47: {  	_ =	shalt  }
0x48: {  	_ =	shalt  }
0x49: {  	_ =	shalt  }
0x4a: {  	_ =	shalt  }
0x4b: {  	_ =	shalt  }
0x4c: {  	_ =	shalt  }
0x4d: {  	_ =	shalt  }
0x4e: {  	_ =	shalt  }
0x4f: {  	_ =	shalt  }
0x50: {  	_ =	shalt  }
0x51: {  	_ =	shalt  }
0x52: {  	_ =	shalt  }
0x53: {  	_ =	shalt  }
0x54: {  	_ =	shalt  }
0x55: {  	_ =	shalt  }
0x56: {  	_ =	shalt  }
0x57: {  	_ =	shalt  }
0x58: {  	_ =	shalt  }
0x59: {  	_ =	shalt  }
0x5a: {  	_ =	shalt  }
0x5b: {  	_ =	shalt  }
0x5c: {  	_ =	shalt  }
0x5d: {  	_ =	shalt  }
0x5e: {  	_ =	shalt  }
0x5f: {  	_ =	shalt  }
0x60: {  	_ =	shalt  }
0x61: {  	_ =	shalt  }
0x62: {  	_ =	shalt  }
0x63: {  	_ =	shalt  }
0x64: {  	_ =	shalt  }
0x65: {  	_ =	shalt  }
0x66: {  	_ =	shalt  }
0x67: {  	_ =	shalt  }
0x68: {  	_ =	shalt  }
0x69: {  	_ =	shalt  }
0x6a: {  	_ =	shalt  }
0x6b: {  	_ =	shalt  }
0x6c: {  	_ =	shalt  }
0x6d: {  	_ =	shalt  }
0x6e: {  	_ =	shalt  }
0x6f: {  	_ =	shalt  }
0x70: {  	_ =	shalt  }
0x71: {  	_ =	shalt  }
0x72: {  	_ =	shalt  }
0x73: {  	_ =	shalt  }
0x74: {  	_ =	shalt  }
0x75: {  	_ =	shalt  }
0x76: {  	_ =	shalt  }
0x77: {  	_ =	shalt  }
0x78: {  	_ =	shalt  }
0x79: {  	_ =	shalt  }
0x7a: {  	_ =	shalt  }
0x7b: {  	_ =	shalt  }
0x7c: {  	_ =	shalt  }
0x7d: {  	_ =	shalt  }
0x7e: {  	_ =	shalt  }
0x7f: {  	_ =	shalt  }
0x80: {  	_ =	shalt  }
0x81: {  	_ =	shalt  }
0x82: {  	_ =	shalt  }
0x83: {  	_ =	shalt  }
0x84: {  	_ =	shalt  }
0x85: {  	_ =	shalt  }
0x86: {  	_ =	shalt  }
0x87: {  	_ =	shalt  }
.Lfunc_end0:
.L_simem_size_0:
called_computation.4_lowered:
.L_overlay_start_0:
0x88: {  	s2 =	sld [smem:$0x3FD9]  }
0x89: {  	s3 =	sld [smem:$0x3FFE];
	_ =	sdelay $0x1  }
0x8a: {  	s1 =	srdreg.scid  }
0x8b: {  	s0 =	sand.u32 $0x1, s1  }
0x8c: {  	s16 =	sshll.u32 s0, $0xA;
	s2 =	sadd.s32 s3, s2  }
0x8d: {  	s2 =	sadd.s32 s2, s16  }
0x8e: {  	[smem:$0x3FBD] =	sst s2  }
0x8f: {  	_ = 	snop  }
0x90: {  	(tm) =	ssettm $0x1  }
0x91: {  	s17 =	sld [smem:$0x3FFB];
	_ =	sdelay $0x3  }
0x92: {  	_ =	strace s17  }
0x93: {  	s2 =	sld [smem:$0x3FFC];
	_ =	sdelay $0x3  }
0x94: {  	_ =	strace s2  }
0x95: {  	s2 =	sld [smem:$0x3FFD];
	_ =	sdelay $0x3  }
0x96: {  	_ =	strace s2  }
0x97: {  	_ =	strace $0x8FFFFFFF  }
0x98: {  	s18 =	sld [smem:$0x3FDB];
	_ =	sdelay $0x1  }
0x99: {  	s19 =	simm.s32 $_scs_section_size  }
0x9a: {  	s4 =	simm.s32 $_size__tile_overlayer_lowered;
	s5 =	simm.s32 $_tile_overlayer_lowered  }
0x9b: {  	s22 =	simm.s32 $0x1BFF;
	s21 =	sshll.u32 s5, $0x1;
	s2 =	sadd.s32 s19, s18  }
0x9c: {  	s6 =	simm.s32 $0x0;
	s20 =	sshll.u32 s4, $0x1;
	s4 =	sadd.s32 s21, s2  }
0x9d: {  	[timem:s6], [sflag:s22] =	dma.local [hbm:s4], s20  }
0x9e: {  	_ =	swait.ge [sflag:s22], s20  }
0x9f: {  	s3 =	ssub.s32 $0x0, s20;
	[sflag:s22] =	ssyncset.done $0x0  }
0xa0: {  	[sflag:s22] =	ssyncadd.s32 s3;
	_ =	sdelay $0x1  }
0xa1: {  	s23 =	simm.s32 $0x1B8B  }
0xa2: {  	_ =	swait.ge [sflag:s23], $0x1  }
0xa3: {  	[sflag:s23] =	ssyncset.done $0x0  }
0xa4: {  	s25 =	simm.s32 $0x1B8E;
	s24 =	sld [smem:$0x3FFE];
	[sflag:s23] =	ssyncadd.s32 $0xFFFFFFFF  }
0xa5: {  	s26 =	simm.s32 $execute0_lowered;
	[smem:$0x3FD2] =	sst s25  }
0xa6: {  	s4 =	sshll.u32 s26, $0x1;
	_ =	strace $0x80000046;
	[dreg:$0x1] =	wrdreg $0xFFFFFFFF  }
0xa7: {  	s28 =	simm.s32 $_size_execute0_lowered;
	s2 =	sadd.s32 s2, s4;
	[dreg:$0x0] =	wrdreg $0x0  }
0xa8: {  	s4 =	sshll.u32 s28, $0x1;
	[dreg:$0x2] =	wrdreg s2  }
0xa9: {  	[dreg:$0x3] =	wrdreg s4  }
0xaa: {  	[dreg:$0x4] =	wrdreg $0xC0  }
0xab: {  	_ =	task [dreg:s6], $0x5FFFF  }
0xac: {  	[dreg:$0x1] =	wrdreg $0xFFFFFFFF  }
0xad: {  	[dreg:$0x0] =	wrdreg $0x60  }
0xae: {  	[dreg:$0x2] =	wrdreg s24  }
0xaf: {  	[dreg:$0x3] =	wrdreg $0xCE00  }
0xb0: {  	[dreg:$0x4] =	wrdreg $0x9  }
0xb1: {  	_ =	task.clear_ibuf [dreg:s6], $0x5FFFF;
	_ =	strace $0x90000046  }
0xb2: {  	s29 =	simm.s32 $0x9;
	_ =	strace $0x80000048  }
0xb3: {  	_ =	swait.ge [sflag:s29], $0x1  }
0xb4: {  	[sflag:s29] =	ssyncadd.s32 $0xFFFFFFFF  }
0xb5: {  	_ =	strace $0x90000048  }
0xb6: {  	_ =	sfence  }
0xb7: {  	s30 =	sld [smem:$0x0];
	_ =	sdelay $0x2  }
0xb8: {  	s31 =	sshll.u32 s1, $0xD;
	s1 =	sshrl.u32 s1, $0x2  }
0xb9: {  	s3 =	sand.u32 $0x4000, s31;
	s1 =	sadd.s32 s1, s30  }
0xba: {  	s0 =	sor.u32 s3, s0;
	s1 =	sshll.u32 s1, $0x11  }
0xbb: {  	s0 =	sor.u32 s1, s0  }
0xbc: {  	s0 =	sadd.s32 $0x8F2B, s0  }
0xbd: {  	[sflag:s0] =	ssyncadd.remote.s32 $0x1  }
0xbe: {  	_ =	sfence.sel $0xFFFF  }
0xbf: {  	[dreg:$0x0] =	wrdreg $0xFFFFFFFF;
	(pc) =	sbr.abs _section_cstart, $3  }
0xc0: {  	[dreg:$0x1] =	wrdreg $0xFFFFFFFF  }
0xc1: {  	_ =	task.clear_ibuf [dreg:s6], $0x2FFFF;
	_ =	strace $0x9FFFFFFF  }
0xc2: {  	(tm) =	ssettm $0x7FFFFFFF  }
0xc3: {  	_ =	shalt  }
tec
execute0_lowered:
.L_overlay_start_1:
0x0: {  	(tag) =	ssettag $0x1  }
0x1: {  	s0 =	srdreg.scid  }
0x2: {  	s6 =	rddreg [dreg:$0x0];
	s4 =	sand.u32 $0x1, s0  }
0x3: {  	s0 =	stileid.u32;
	s5 =	smul.u32 $0xC3500, s4  }
0x4: {  	s2 =	rddreg [dreg:$0x1];
	s7 =	smul.u32 $0xC350, s0  }
0x5: {  	s1 =	rddreg [dreg:$0x2];
	s3 =	simm.s32 $0x0;
	s8 =	smul.u32 $0xC40, s0  }
0x6: {  	[smem:$0x7FF] =	sst s3;
	s9 =	smul.u32 $0xC400, s4  }
0x7: {  	s10 =	simm.s32 $0x50;
	s11 =	simm.s32 $0x0;
	_ =	strace $0x80000047  }
0x8: {  	s4 =	ssub.s32 $0x2, s4;
	s5 =	sadd.s32 s7, s5;
	s28 =	sadd.s32 s8, s9  }
0x9: {  	s31 =	sshrl.u32 s4, $0x1;
	s5 =	sshrl.u32 s5, $0x3;
	s7 =	sshrl.u32 s28, $0x3  }
0xa: {  	s9 =	simm.s32 $0x1;
	s29 =	sadd.s32 s5, s6;
	s30 =	sadd.s32 s7, s6  }
0xb: {  	s6 =	ssub.s32 s4, s31;
	s4 =	sadd.s32 s8, s2;
	s8 =	simm.s32 $0xA0  }
0xc: {  	v0 =	vimm.f32 $0.0e+00;
	v1 =	vimm.f32 $1.000000000e+00;
	s5 =	sadd.s32 $0x62000, s30;
	s6 =	smax.u32 s6, $0x1;
	s7 =	sadd.s32 $0x400, s29  }
.LBB2_1:
0xd: {  	s12 =	simm.s32 $0x40;
	s13 =	simm.s32 $0x0  }
.LBB2_2:
0xe: {  	p0 =	sne.s32 s12, $0x30C0;
	[tilespmem:s13+$0xA0] =	vst v0;
	s13 =	smov.u32 s12;
	s12 =	sadd.s32 $0x40, s12  }
.Ltmp0:
0xf: {  	(pc) =	sbr.rel @p0 .LBB2_2-.Ltmp0, $2  }
0x10: {  	_ =	sdelay $0x2  }
0x11: {  	s13 =	sshra.s32 s13, $0x2  }
0x12: {  	[tilespmem:s13+$0xA0] =	vst v0  }
0x13: {  	[tilespmem:$0x0] =	vst v1  }
0x14: {  	[tilespmem:$0x10] =	vst v1  }
0x15: {  	[tilespmem:$0x20] =	vst v1  }
0x16: {  	[tilespmem:$0x30] =	vst v1  }
0x17: {  	[tilespmem:$0x40] =	vst v1  }
0x18: {  	[spmem:s4] =	stream.linear.scatter [tilespmem:s8], [sflag:$0x1], $0xC40, $0x38;
	[tilespmem:$0x1920] =	vst v63  }
0x19: {  	_ =	swait.ge [sflag:s9], $0xC40  }
0x1a: {  	[sflag:s9] =	ssyncset.done $0x0  }
0x1b: {  	[sflag:s9] =	ssyncadd.s32 $0xFFFFF3C0  }
0x1c: {  	s12 =	sadd.s32 $0x0, s7;
	[bflag:$0x0] =	sbarrier.arrive $0xFFFF  }
0x1d: {  	[tilespmem:s10], [sflag:$0x1] =	stream.linear.gather [hbm4b:s12+s3], $0x50, $0x38;
	[tilespmem:$0x1920] =	vst v63  }
0x1e: {  	_ =	swait.ge [sflag:s9], $0x50  }
0x1f: {  	[sflag:s9] =	ssyncset.done $0x0  }
0x20: {  	[sflag:s9] =	ssyncadd.s32 $0xFFFFFFB0  }
0x21: {  	[spmem:s2] =	stream.indirect.scatter.add.f32 [tilespmem:s3], [sflag:$0x1], $0x1, s10, s10, $0xb8;
	[tilespmem:$0x1920] =	vst v63  }
0x22: {  	_ =	swait.ge [sflag:s9], $0x50  }
0x23: {  	s13 =	simm.s32 $0x14;
	s12 =	simm.s32 $0xA;
	[sflag:s9] =	ssyncset.done $0x0  }
.LBB2_4:
0x24: {  	s14 =	sadd.s32 s12, s7  }
0x25: {  	[sflag:s9] =	ssyncadd.s32 $0xFFFFFFB0;
	s12 =	smov.u32 s13;
	s15 =	sadd.s32 $0xA, s13  }
0x26: {  	[tilespmem:s10], [sflag:$0x1] =	stream.linear.gather [hbm4b:s14+s3], $0x50, $0x38;
	[tilespmem:$0x1920] =	vst v63  }
0x27: {  	p0 =	sne.s32 s13, $0x1860;
	_ =	swait.ge [sflag:s9], $0x50  }
.Ltmp1:
0x28: {  	[sflag:s9] =	ssyncset.done $0x0;
	(pc) =	sbr.rel @p0 .LBB2_4-.Ltmp1, $4  }
0x29: {  	[sflag:s9] =	ssyncadd.s32 $0xFFFFFFB0  }
0x2a: {  	[spmem:s2] =	stream.indirect.scatter.add.f32 [tilespmem:s3], [sflag:$0x1], $0x1, s10, s10, $0xb8;
	[tilespmem:$0x1920] =	vst v63  }
0x2b: {  	_ =	swait.ge [sflag:s9], $0x50  }
0x2c: {  	s13 =	smov.u32 s15;
	[sflag:s9] =	ssyncset.done $0x0  }
0x2d: {  	s12 =	sadd.s32 s12, s7;
	[sflag:s9] =	ssyncadd.s32 $0xFFFFFFB0  }
0x2e: {  	[tilespmem:s10], [sflag:$0x1] =	stream.linear.gather [hbm4b:s12+s3], $0x50, $0x38;
	[tilespmem:$0x1920] =	vst v63  }
0x2f: {  	_ =	swait.ge [sflag:s9], $0x50  }
0x30: {  	[sflag:s9] =	ssyncset.done $0x0  }
0x31: {  	[sflag:s9] =	ssyncadd.s32 $0xFFFFFFB0  }
0x32: {  	[spmem:s2] =	stream.indirect.scatter.add.f32 [tilespmem:s3], [sflag:$0x1], $0x1, s10, s10, $0xb8;
	[tilespmem:$0x1920] =	vst v63  }
0x33: {  	_ =	swait.ge [sflag:s9], $0x50  }
0x34: {  	[sflag:s9] =	ssyncset.done $0x0  }
0x35: {  	[sflag:s9] =	ssyncadd.s32 $0xFFFFFFB0  }
0x36: {  	[bflag:$0x0] =	sbarrier.arrive $0xFFFF  }
0x37: {  	[tilespmem:s8], [sflag:$0x1] =	stream.linear.gather [spmem:s4], $0xC40, $0x38;
	[tilespmem:$0x1920] =	vst v63  }
0x38: {  	s11 =	sadd.s32 $0x1, s11;
	_ =	swait.ge [sflag:s9], $0xC40  }
0x39: {  	p0 =	sne.s32 s11, s6;
	[sflag:s9] =	ssyncset.done $0x0  }
.Ltmp2:
0x3a: {  	[sflag:s9] =	ssyncadd.s32 $0xFFFFF3C0;
	(pc) =	sbr.rel @p0 .LBB2_1-.Ltmp2, $4  }
0x3b: {  	[hbm4b:s5+s3] =	stream.linear.scatter [tilespmem:s8], [sflag:$0x1], $0xC40, $0x38;
	[tilespmem:$0x1920] =	vst v63  }
0x3c: {  	_ =	swait.ge [sflag:s9], $0xC40  }
0x3d: {  	[sflag:s9] =	ssyncset.done $0x0  }
0x3e: {  	[sflag:s9] =	ssyncadd.s32 $0xFFFFF3C0  }
0x3f: {  	_ =	sfence.sel $0x180000  }
0x40: {  	[bflag:$0x0] =	sbarrier.arrive $0xFFFF  }
0x41: {  	p0 =	sne.s32 s0, $0x0;
	_ =	strace $0x90000047  }
0x42: {  	s0 =	sadd.s32 @!p0 $0x100000, s1;
	[bflag:$0x2] =	sbarrier.arrive $0xFFFF  }
0x43: {  	[sflag:s0] =	ssyncadd.tile.s32 @!p0 $0x1;
	_ =	shalt  }
.Lfunc_end2:
_tile_overlayer_lowered:
.L_overlay_start_2:
0x44: {  	(tag) =	ssettag $0x2  }
0x45: {  	s0 =	rddreg [dreg:$0x0];
	s2 =	stileid.u32  }
0x46: {  	s1 =	rddreg [dreg:$0x1];
	p0 =	sne.s32 s2, $0x0  }
0x47: {  	s3 =	rddreg [dreg:$0x2];
	[bflag:$0x3] =	sbarrier.arrive $0xFFFF;
	s2 =	simm.s32 @!p0 $0x1C01  }
0x48: {  	[timem:s3], [sflag:s2] =	dma.local @!p0 [hbm:s0], s1  }
0x49: {  	s0 =	simm.s32 @!p0 $0x1  }
0x4a: {  	_ =	swait.ge @!p0 [sflag:s0], s1  }
0x4b: {  	s1 =	ssub.s32 @!p0 $0x0, s1;
	[sflag:s0] =	ssyncset.done @!p0 $0x0  }
0x4c: {  	[sflag:s0] =	ssyncadd.s32 @!p0 s1  }
0x4d: {  	[bflag:$0x3] =	sbarrier.arrive $0xFFFF  }
0x4e: {  	_ =	shalt  }

// kernel: scatter_offload_async_start.1
scs
__scs_entry_jumppad:
0x0: {  	(pc) =	sbr.rel $0x88, $3  }
0x1: {  	(tag) =	ssettag $0x0;
	lr =	simm.s32 $0x1  }
0x2: {  	[smem:$0x3F96] =	sst lr;
	_ =	strace $0xD0000000  }
0x3: {  	_ = 	snop  }
0x4: {  	_ = 	snop  }
0x5: {  	_ = 	snop  }
0x6: {  	_ = 	snop  }
0x7: {  	_ = 	snop  }
__scs_overlays_trampoline_lowered:
0x8: {  	[smem:$0x3FA5] =	sst s0  }
0x9: {  	[smem:$0x3FA6] =	sst s1  }
0xa: {  	[smem:$0x3FA7] =	sst s2  }
0xb: {  	[smem:$0x3FA8] =	sst s3  }
0xc: {  	[smem:$0x3FA9] =	sst s4  }
0xd: {  	[smem:$0x3FAA] =	sst s5  }
0xe: {  	[smem:$0x3FAB] =	sst s6  }
0xf: {  	[smem:$0x3FAC] =	sst s7  }
0x10: {  	[smem:$0x3FAD] =	sst s8  }
0x11: {  	[smem:$0x3FAE] =	sst s9;
	s0 =	simm.s32 @!p0 $0x0  }
0x12: {  	s1 =	sld [smem:$0x3F94];
	s0 =	simm.s32 @p0 $0x1  }
0x13: {  	[smem:$0x3FAF] =	sst s0;
	s0 =	simm.s32 @!p1 $0x0  }
0x14: {  	s2 =	sld [smem:$0x3F93];
	s0 =	simm.s32 @p1 $0x1  }
0x15: {  	[smem:$0x3FB0] =	sst s0;
	s0 =	simm.s32 @!p2 $0x0  }
0x16: {  	s3 =	sld [smem:$0x3FDB];
	s0 =	simm.s32 @p2 $0x1  }
0x17: {  	s4 =	simm.s32 $0x1BF5;
	[smem:$0x3FB2] =	sst s0  }
0x18: {  	s0 =	sld [smem:$0x3F95];
	_ =	swait.ge [sflag:s4], $0x0  }
0x19: {  	s7 =	sld [smem:$0x3F96]  }
0x1a: {  	s8 =	sadd.s32 $0xFFFFE003, lr  }
0x1b: {  	s9 =	sadd.s32 $0xFFFFFEF7, lr;
	s5 =	simm.s32 $0xFFFFFFFF;
	p2 =	slt.u32 s8, $0xFFFFF086  }
0x1c: {  	p1 =	slt.u32 s9, $0xF7A;
	s5 =	simm.s32 @!p2 $0x0  }
0x1d: {  	s5 =	simm.s32 @p1 $0x1;
	p0 =	seq.s32 s7, s2  }
0x1e: {  	s7 =	smul.u32 @!p0 $0xF7A, s2;
	p2 =	seq.s32 @!p0 s5, $0x0  }
0x1f: {  	s9 =	smul.u32 $0xF7A, s1;
	s8 =	simm.s32 @!p0 $0x1BF5;
	p2 =	por !p2, p0  }
0x20: {  	[sflag:s8] =	ssyncset.s32 @!p0 $0xFFFFF086;
	s6 =	sadd.s32 @!p0 s3, s7;
	s7 =	simm.s32 @!p0 $0x108  }
0x21: {  	s3 =	sadd.s32 s3, s9;
	s6 =	sadd.s32 @!p0 $0x88, s6;
	s7 =	simm.s32 @p2 $0x1082  }
0x22: {  	[simem:s7], [sflag:s8] =	dma.local @!p0 [hbm:s6], $0xF7A  }
0x23: {  	s9 =	sor.u32 $0xD0000000, s2;
	s6 =	simm.s32 $0x108;
	_ =	swait.ge @!p0 [sflag:s8], $0x0  }
0x24: {  	s3 =	sadd.s32 $0x88, s3;
	s6 =	simm.s32 @!p1 $0x1082;
	[sflag:s4] =	ssyncset.s32 $0xFFFFF086  }
0x25: {  	[simem:s6], [sflag:s4] =	dma.local [hbm:s3], $0xF7A  }
0x26: {  	[smem:$0x3F96] =	sst s1;
	(tag) =	ssettag s2;
	_ =	strace s9  }
0x27: {  	s1 =	sld [smem:$0x3FA6]  }
0x28: {  	s2 =	sld [smem:$0x3FA7]  }
0x29: {  	s4 =	sld [smem:$0x3FA9]  }
0x2a: {  	p0 =	seq.s32 s5, $0x0;
	s5 =	sld [smem:$0x3FAA]  }
0x2b: {  	s6 =	sld [smem:$0x3FAB]  }
0x2c: {  	s7 =	sld [smem:$0x3FAC]  }
0x2d: {  	s3 =	simm.s32 $0x108;
	s8 =	sld [smem:$0x3FAD]  }
0x2e: {  	s3 =	simm.s32 @!p0 $0x1082;
	s9 =	sld [smem:$0x3FAE]  }
0x2f: {  	lr =	sadd.s32 s0, s3;
	s0 =	sld [smem:$0x3FA5]  }
0x30: {  	s3 =	sld [smem:$0x3FA8]  }
0x31: {  	[smem:$0x3FB1] =	sst s10  }
0x32: {  	s10 =	sld [smem:$0x3FAF];
	_ =	sdelay $0x3  }
0x33: {  	p0 =	seq.s32 s10, $0x1;
	s10 =	sld [smem:$0x3FB1];
	_ =	sdelay $0x3  }
0x34: {  	[smem:$0x3FB1] =	sst s10  }
0x35: {  	s10 =	sld [smem:$0x3FB0];
	_ =	sdelay $0x3  }
0x36: {  	p1 =	seq.s32 s10, $0x1;
	s10 =	sld [smem:$0x3FB1];
	_ =	sdelay $0x3  }
0x37: {  	[smem:$0x3FB1] =	sst s10  }
0x38: {  	s10 =	sld [smem:$0x3FB2]  }
0x39: {  	_ = 	snop;
	(pc) =	sbr.ind lr, $3  }
0x3a: {  	_ = 	snop  }
0x3b: {  	_ = 	snop  }
0x3c: {  	p2 =	seq.s32 s10, $0x1;
	s10 =	sld [smem:$0x3FB1]  }
0x3d: {  	_ =	shalt  }
0x3e: {  	_ =	shalt  }
0x3f: {  	_ =	shalt  }
0x40: {  	_ =	shalt  }
0x41: {  	_ =	shalt  }
0x42: {  	_ =	shalt  }
0x43: {  	_ =	shalt  }
0x44: {  	_ =	shalt  }
0x45: {  	_ =	shalt  }
0x46: {  	_ =	shalt  }
0x47: {  	_ =	shalt  }
0x48: {  	_ =	shalt  }
0x49: {  	_ =	shalt  }
0x4a: {  	_ =	shalt  }
0x4b: {  	_ =	shalt  }
0x4c: {  	_ =	shalt  }
0x4d: {  	_ =	shalt  }
0x4e: {  	_ =	shalt  }
0x4f: {  	_ =	shalt  }
0x50: {  	_ =	shalt  }
0x51: {  	_ =	shalt  }
0x52: {  	_ =	shalt  }
0x53: {  	_ =	shalt  }
0x54: {  	_ =	shalt  }
0x55: {  	_ =	shalt  }
0x56: {  	_ =	shalt  }
0x57: {  	_ =	shalt  }
0x58: {  	_ =	shalt  }
0x59: {  	_ =	shalt  }
0x5a: {  	_ =	shalt  }
0x5b: {  	_ =	shalt  }
0x5c: {  	_ =	shalt  }
0x5d: {  	_ =	shalt  }
0x5e: {  	_ =	shalt  }
0x5f: {  	_ =	shalt  }
0x60: {  	_ =	shalt  }
0x61: {  	_ =	shalt  }
0x62: {  	_ =	shalt  }
0x63: {  	_ =	shalt  }
0x64: {  	_ =	shalt  }
0x65: {  	_ =	shalt  }
0x66: {  	_ =	shalt  }
0x67: {  	_ =	shalt  }
0x68: {  	_ =	shalt  }
0x69: {  	_ =	shalt  }
0x6a: {  	_ =	shalt  }
0x6b: {  	_ =	shalt  }
0x6c: {  	_ =	shalt  }
0x6d: {  	_ =	shalt  }
0x6e: {  	_ =	shalt  }
0x6f: {  	_ =	shalt  }
0x70: {  	_ =	shalt  }
0x71: {  	_ =	shalt  }
0x72: {  	_ =	shalt  }
0x73: {  	_ =	shalt  }
0x74: {  	_ =	shalt  }
0x75: {  	_ =	shalt  }
0x76: {  	_ =	shalt  }
0x77: {  	_ =	shalt  }
0x78: {  	_ =	shalt  }
0x79: {  	_ =	shalt  }
0x7a: {  	_ =	shalt  }
0x7b: {  	_ =	shalt  }
0x7c: {  	_ =	shalt  }
0x7d: {  	_ =	shalt  }
0x7e: {  	_ =	shalt  }
0x7f: {  	_ =	shalt  }
0x80: {  	_ =	shalt  }
0x81: {  	_ =	shalt  }
0x82: {  	_ =	shalt  }
0x83: {  	_ =	shalt  }
0x84: {  	_ =	shalt  }
0x85: {  	_ =	shalt  }
0x86: {  	_ =	shalt  }
0x87: {  	_ =	shalt  }
.Lfunc_end0:
.L_simem_size_0:
called_computation.1_lowered:
.L_overlay_start_0:
0x88: {  	s2 =	sld [smem:$0x3FD9]  }
0x89: {  	s3 =	sld [smem:$0x3FFE];
	_ =	sdelay $0x1  }
0x8a: {  	s1 =	srdreg.scid  }
0x8b: {  	s0 =	sand.u32 $0x1, s1  }
0x8c: {  	s15 =	sshll.u32 s0, $0xA;
	s2 =	sadd.s32 s3, s2  }
0x8d: {  	s2 =	sadd.s32 s2, s15  }
0x8e: {  	[smem:$0x3FBD] =	sst s2  }
0x8f: {  	_ = 	snop  }
0x90: {  	(tm) =	ssettm $0x1  }
0x91: {  	s16 =	sld [smem:$0x3FFB];
	_ =	sdelay $0x3  }
0x92: {  	_ =	strace s16  }
0x93: {  	s2 =	sld [smem:$0x3FFC];
	_ =	sdelay $0x3  }
0x94: {  	_ =	strace s2  }
0x95: {  	s2 =	sld [smem:$0x3FFD];
	_ =	sdelay $0x3  }
0x96: {  	_ =	strace s2  }
0x97: {  	_ =	strace $0x8FFFFFFF  }
0x98: {  	s17 =	sld [smem:$0x3FDB];
	_ =	sdelay $0x1  }
0x99: {  	s18 =	simm.s32 $_scs_section_size  }
0x9a: {  	s4 =	simm.s32 $_size__tile_overlayer_lowered;
	s5 =	simm.s32 $_tile_overlayer_lowered  }
0x9b: {  	s6 =	simm.s32 $0x1BFF;
	s19 =	sshll.u32 s5, $0x1;
	s3 =	sadd.s32 s18, s17  }
0x9c: {  	s20 =	simm.s32 $0x0;
	s4 =	sshll.u32 s4, $0x1;
	s5 =	sadd.s32 s19, s3  }
0x9d: {  	[timem:s20], [sflag:s6] =	dma.local [hbm:s5], s4  }
0x9e: {  	_ =	swait.ge [sflag:s6], s4  }
0x9f: {  	s4 =	ssub.s32 $0x0, s4;
	[sflag:s6] =	ssyncset.done $0x0  }
0xa0: {  	[sflag:s6] =	ssyncadd.s32 s4;
	_ =	sdelay $0x1  }
0xa1: {  	s21 =	simm.s32 $0x1B8B  }
0xa2: {  	_ =	swait.ge [sflag:s21], $0x1  }
0xa3: {  	[sflag:s21] =	ssyncset.done $0x0  }
0xa4: {  	s22 =	sld [smem:$0x3FFE];
	[sflag:s21] =	ssyncadd.s32 $0xFFFFFFFF  }
0xa5: {  	s24 =	simm.s32 $0x1B8E;
	s23 =	sld [smem:$0x0]  }
0xa6: {  	s25 =	simm.s32 $execute0_lowered;
	[smem:$0x3FD2] =	sst s24  }
0xa7: {  	s6 =	sshll.u32 s25, $0x1;
	_ =	strace $0x80000049;
	[dreg:$0x1] =	wrdreg $0xFFFFFFFF  }
0xa8: {  	s7 =	simm.s32 $_size_execute0_lowered;
	s6 =	sadd.s32 s3, s6;
	[dreg:$0x0] =	wrdreg $0x0  }
0xa9: {  	s7 =	sshll.u32 s7, $0x1;
	[dreg:$0x2] =	wrdreg s6  }
0xaa: {  	[dreg:$0x3] =	wrdreg s7  }
0xab: {  	[dreg:$0x4] =	wrdreg $0xC0  }
0xac: {  	s26 =	simm.s32 $execute1_lowered;
	_ =	task [dreg:s20], $0x5FFFF  }
0xad: {  	s6 =	sshll.u32 s26, $0x1;
	[dreg:$0x1] =	wrdreg $0xFFFFFFFF  }
0xae: {  	s3 =	sadd.s32 s3, s6;
	[dreg:$0x0] =	wrdreg $0x60  }
0xaf: {  	[dreg:$0x2] =	wrdreg s3  }
0xb0: {  	[dreg:$0x3] =	wrdreg s22  }
0xb1: {  	[dreg:$0x4] =	wrdreg $0xB  }
0xb2: {  	_ =	task.clear_ibuf [dreg:s20], $0x5FFFF;
	_ =	strace $0x90000049  }
0xb3: {  	s28 =	simm.s32 $0xB;
	_ =	strace $0x8000004B  }
0xb4: {  	_ =	swait.ge [sflag:s28], $0x1  }
0xb5: {  	[sflag:s28] =	ssyncadd.s32 $0xFFFFFFFF  }
0xb6: {  	_ =	strace $0x9000004B  }
0xb7: {  	s3 =	sld [smem:$0x0]  }
0xb8: {  	s6 =	sand.u32 $0xFFFFFFFE, s1  }
0xb9: {  	p0 =	sne.s32 s1, s6  }
0xba: {  	s6 =	sshll.u32 @p0 s6, $0xE  }
0xbb: {  	s6 =	sadd.s32 @p0 $0x11BF3, s6;
	s7 =	sshll.u32 @p0 s3, $0x11  }
0xbc: {  	s6 =	sor.u32 @p0 s7, s6  }
0xbd: {  	[sflag:s6] =	ssyncadd.remote.s32 @p0 $0x1;
	_ =	sdelay $0x1  }
0xbe: {  	s6 =	simm.s32 @p0 $0x1BF3  }
0xbf: {  	_ =	swait.eq @p0 [sflag:s6], $0x1  }
0xc0: {  	[sflag:s6] =	ssyncadd.s32 @p0 $0xFFFFFFFF  }
0xc1: {  	s7 =	sshll.u32 @!p0 s1, $0xE  }
0xc2: {  	s7 =	sor.u32 @!p0 $0x4000, s7;
	s6 =	simm.s32 @!p0 $0x1BF3  }
0xc3: {  	s3 =	sshll.u32 @!p0 s3, $0x11;
	s7 =	sadd.s32 @!p0 $0x11BF3, s7;
	_ =	swait.eq @!p0 [sflag:s6], $0x1  }
0xc4: {  	s3 =	sor.u32 @!p0 s3, s7;
	[sflag:s6] =	ssyncadd.s32 @!p0 $0xFFFFFFFF  }
0xc5: {  	[sflag:s3] =	ssyncadd.remote.s32 @!p0 $0x1  }
0xc6: {  	_ =	strace $0x8000004C;
	[dreg:$0x1] =	wrdreg $0xFFFFFFFF  }
0xc7: {  	[dreg:$0x0] =	wrdreg $0x2030  }
0xc8: {  	[dreg:$0x2] =	wrdreg s22  }
0xc9: {  	[dreg:$0x3] =	wrdreg s1  }
0xca: {  	[dreg:$0x4] =	wrdreg s23  }
0xcb: {  	[dreg:$0x5] =	wrdreg $0xC  }
0xcc: {  	_ =	task.clear_ibuf [dreg:s20], $0x6FFFF;
	_ =	strace $0x9000004C  }
0xcd: {  	s29 =	simm.s32 $0xC;
	_ =	strace $0x8000004E  }
0xce: {  	_ =	swait.ge [sflag:s29], $0x1  }
0xcf: {  	[sflag:s29] =	ssyncadd.s32 $0xFFFFFFFF  }
0xd0: {  	_ =	strace $0x9000004E  }
0xd1: {  	_ =	sfence  }
0xd2: {  	s30 =	sld [smem:$0x0];
	_ =	sdelay $0x2  }
0xd3: {  	s31 =	sshll.u32 s1, $0xD;
	s1 =	sshrl.u32 s1, $0x2  }
0xd4: {  	s4 =	sand.u32 $0x4000, s31;
	s1 =	sadd.s32 s1, s30  }
0xd5: {  	s0 =	sor.u32 s4, s0;
	s1 =	sshll.u32 s1, $0x11  }
0xd6: {  	s0 =	sor.u32 s1, s0  }
0xd7: {  	s0 =	sadd.s32 $0x8F2B, s0  }
0xd8: {  	[sflag:s0] =	ssyncadd.remote.s32 $0x1  }
0xd9: {  	_ =	sfence.sel $0xFFFF  }
0xda: {  	[dreg:$0x0] =	wrdreg $0xFFFFFFFF;
	(pc) =	sbr.abs _section_cstart, $3  }
0xdb: {  	[dreg:$0x1] =	wrdreg $0xFFFFFFFF  }
0xdc: {  	_ =	task.clear_ibuf [dreg:s20], $0x2FFFF;
	_ =	strace $0x9FFFFFFF  }
0xdd: {  	(tm) =	ssettm $0x7FFFFFFF  }
tec
execute0_lowered:
.L_overlay_start_1:
0x0: {  	(tag) =	ssettag $0x1  }
0x1: {  	s2 =	rddreg [dreg:$0x0]  }
0x2: {  	s4 =	rddreg [dreg:$0x1]  }
0x3: {  	s0 =	rddreg [dreg:$0x2];
	s3 =	stileid.u32;
	[bflag:$0x3] =	sbarrier.arrive $0xFFFF  }
0x4: {  	s1 =	simm.s32 $_size_execute1_lowered;
	s29 =	srdreg.scid;
	p0 =	sne.s32 s3, $0x0  }
0x5: {  	s1 =	sshll.u32 s1, $0x1;
	s5 =	simm.s32 @!p0 $0x1C3F;
	s6 =	simm.s32 @!p0 $0x4060  }
0x6: {  	[timem:s6], [sflag:s5] =	dma.local @!p0 [hbm:s2], s1  }
0x7: {  	s2 =	sshll.u32 s29, $0x7  }
0x8: {  	s7 =	simm.s32 $0x1;
	s3 =	sshll.u32 s3, $0x8;
	s2 =	sand.u32 $0x80, s2  }
0x9: {  	s8 =	simm.s32 $0x2;
	s9 =	simm.s32 $0x0;
	s2 =	sor.u32 s3, s2  }
0xa: {  	s12 =	simm.s32 $0x0;
	s11 =	simm.s32 $0x0;
	s30 =	ssub.s32 $0xC400, s2  }
.Ltmp0:
0xb: {  	s5 =	simm.s32 $0x1;
	s31 =	sand.u32 $0xF80, s30;
	(pc) =	sbr.rel .LBB2_1-.Ltmp0, $4  }
0xc: {  	_ =	strace $0x8000004A;
	s3 =	sadd.s32 $0x1EBDC00, s4;
	p1 =	sne.s32 s31, $0x0  }
0xd: {  	[sflag:s5] =	ssyncpa.u1 $0x0;
	s6 =	sshrl.u32 s30, $0xC;
	s7 =	simm.s32 @!p1 $0x0  }
0xe: {  	s4 =	sadd.s32 $0x1F81C00, s4;
	[sflag:s8] =	ssyncpa.u1 $0x0;
	s6 =	sadd.s32 s7, s6  }
0xf: {  	s8 =	simm.s32 $0x0;
	s10 =	smov.u32 s2;
	s7 =	sadd.s32 $0x1, s6  }
.LBB2_4:
0x10: {  	_ =	sdelay $0x3  }
0x11: {  	[tilespmem:v0+s14+$0xFFFFFFA0 ss:$0x1] =	vst.idx.msk $0xffff, v6  }
0x12: {  	v56 =	vld.idx.msk [tilespmem:v1+s15+$0x30 ss:$0x1], $0xffff;
	[tilespmem:v0+s14+$0xFFFFFFB0 ss:$0x1] =	vst.idx.msk $0xffff, v4  }
0x13: {  	v57 =	vld.idx.msk [tilespmem:v1+s15+$0xFFFFFFC0 ss:$0x1], $0xffff;
	[tilespmem:v0+s14+$0xFFFFFFC0 ss:$0x1] =	vst.idx.msk $0xffff, v2  }
0x14: {  	v58 =	vld.idx.msk [tilespmem:v1+s15+$0xFFFFFFD0 ss:$0x1], $0xffff;
	[tilespmem:v0+s14+$0xFFFFFFD0 ss:$0x1] =	vst.idx.msk $0xffff, v3  }
0x15: {  	v59 =	vld.idx.msk [tilespmem:v1+s15+$0xFFFFFFE0 ss:$0x1], $0xffff;
	[tilespmem:v0+s14+$0xFFFFFFE0 ss:$0x1] =	vst.idx.msk $0xffff, v5  }
0x16: {  	v60 =	vld.idx.msk [tilespmem:v1+s15+$0xFFFFFFF0 ss:$0x1], $0xffff;
	[tilespmem:v0+s14+$0xFFFFFFF0 ss:$0x1] =	vst.idx.msk $0xffff, v7;
	s12 =	sand.u32 $0x1FFFFFF, s12  }
0x17: {  	v61 =	vld.idx.msk [tilespmem:v1+s15+$0x0 ss:$0x1], $0xffff;
	s31 =	smulhi.u32 $0x14E5E0B, s12;
	[tilespmem:v0+s15+$0x0 ss:$0x1] =	vst.idx.msk $0xffff, v56  }
0x18: {  	v62 =	vld.idx.msk [tilespmem:v1+s15+$0x10 ss:$0x1], $0xffff;
	[tilespmem:v0+s15+$0xFFFFFF90 ss:$0x1] =	vst.idx.msk $0xffff, v57  }
0x19: {  	v63 =	vld.idx.msk [tilespmem:v1+s15+$0x20 ss:$0x1], $0xffff;
	s14 =	sshrl.u32 s31, $0x8;
	[tilespmem:v0+s15+$0xFFFFFFA0 ss:$0x1] =	vst.idx.msk $0xffff, v58  }
0x1a: {  	s14 =	smul.u32 $0xC400, s14;
	[tilespmem:v0+s15+$0xFFFFFFB0 ss:$0x1] =	vst.idx.msk $0xffff, v59  }
0x1b: {  	[tilespmem:v0+s15+$0xFFFFFFC0 ss:$0x1] =	vst.idx.msk $0xffff, v60  }
0x1c: {  	[tilespmem:v0+s15+$0xFFFFFFD0 ss:$0x1] =	vst.idx.msk $0xffff, v61;
	s12 =	ssub.s32 s12, s14  }
0x1d: {  	[tilespmem:v0+s15+$0xFFFFFFE0 ss:$0x1] =	vst.idx.msk $0xffff, v62;
	s12 =	sshll.u32 s12, $0x4  }
0x1e: {  	[tilespmem:v0+s15+$0xFFFFFFF0 ss:$0x1] =	vst.idx.msk $0xffff, v63;
	s12 =	sadd.s32 s4, s12  }
0x1f: {  	[hbm4b:s12+s8] =	stream.linear.scatter [tilespmem:s13], [sflag:$0x2], $0x4000, $0x38;
	[tilespmem:$0x10000] =	vst v63  }
.LBB2_5:
0x20: {  	s14 =	sadd.s32 $0x1000, s10  }
0x21: {  	p2 =	sgt.s32 s14, $0xC3FF  }
0x22: {  	s14 =	smov.u32 @p2 s2;
	p2 =	sne.s32 s11, s7  }
.Ltmp1:
0x23: {  	p1 =	slt.u32 s11, $0x2;
	(pc) =	sbr.rel @!p2 .LBB2_6-.Ltmp1, $4  }
0x24: {  	s13 =	simm.s32 @!p1 $0x2  }
0x25: {  	s15 =	sadd.s32 $0x1, s11;
	_ =	swait.ge @!p1 [sflag:s13], $0x4000  }
0x26: {  	s12 =	smov.u32 s10;
	s9 =	sadd.s32 $0x4000, s9;
	[sflag:s13] =	ssyncset.done @!p1 $0x0  }
0x27: {  	s11 =	smov.u32 s15;
	s10 =	smov.u32 s14;
	[sflag:s13] =	ssyncadd.s32 @!p1 $0xFFFFC000  }
.LBB2_1:
0x28: {  	p1 =	sge.u32 s11, s6  }
0x29: {  	s13 =	sand.u32 @!p1 $0x1FFFFFF, s10  }
0x2a: {  	s14 =	smulhi.u32 @!p1 $0x14E5E0B, s13;
	_ =	sdelay $0x1  }
0x2b: {  	s14 =	sshrl.u32 @!p1 s14, $0x8  }
0x2c: {  	s14 =	smul.u32 @!p1 $0xC400, s14;
	_ =	sdelay $0x1  }
0x2d: {  	s15 =	sxor.u32 @!p1 $0xFFFFFFFF, s11;
	s13 =	ssub.s32 @!p1 s13, s14  }
0x2e: {  	s31 =	sadd.s32 $0xFFFFFFFF, s11;
	s14 =	sshll.u32 @!p1 s15, $0xE;
	s13 =	sshll.u32 @!p1 s13, $0x4  }
0x2f: {  	s15 =	simm.s32 @!p1 $0x0;
	s14 =	sand.u32 @!p1 $0x4000, s14;
	s13 =	sadd.s32 @!p1 s3, s13  }
0x30: {  	[tilespmem:s14], [sflag:$0x1] =	stream.linear.gather @!p1 [hbm4b:s13+s15], $0x4000, $0x38;
	[tilespmem:$0x10000] =	vst v63  }
0x31: {  	p1 =	sge.u32 s31, s6  }
.Ltmp2:
0x32: {  	_ = 	snop;
	(pc) =	sbr.rel @p1 .LBB2_5-.Ltmp2, $1  }
0x33: {  	_ =	sdelay $0x3  }
0x34: {  	s13 =	sand.u32 $0x4000, s9  }
0x35: {  	s14 =	sor.u32 $0x40, s13  }
0x36: {  	v1 =	vmov s14;
	_ =	sdelay $0x1  }
0x37: {  	_ =	swait.ge [sflag:s5], $0x4000  }
0x38: {  	[sflag:s5] =	ssyncset.done $0x0  }
0x39: {  	[sflag:s5] =	ssyncadd.s32 $0xFFFFC000;
	s14 =	simm.s32 $0x0  }
0x3a: {  	s13 =	sor.u32 $0x8070, s13;
	v7 =	vld.idx.msk [tilespmem:v1+s14+$0x30 ss:$0x1], $0xffff  }
0x3b: {  	v0 =	vmov s13;
	v8 =	vld.idx.msk [tilespmem:v1+s14+$0xFFFFFFC0 ss:$0x1], $0xffff  }
0x3c: {  	v6 =	vld.idx.msk [tilespmem:v1+s14+$0xFFFFFFD0 ss:$0x1], $0xffff  }
0x3d: {  	v4 =	vld.idx.msk [tilespmem:v1+s14+$0xFFFFFFE0 ss:$0x1], $0xffff  }
0x3e: {  	v2 =	vld.idx.msk [tilespmem:v1+s14+$0xFFFFFFF0 ss:$0x1], $0xffff  }
0x3f: {  	s31 =	sshll.u32 s11, $0xE;
	v3 =	vld.idx.msk [tilespmem:v1+s14+$0x0 ss:$0x1], $0xffff  }
0x40: {  	s13 =	sand.u32 $0x4000, s31;
	v5 =	vld.idx.msk [tilespmem:v1+s14+$0x10 ss:$0x1], $0xffff;
	[tilespmem:v0+s14+$0x0 ss:$0x1] =	vst.idx.msk $0xffff, v7  }
0x41: {  	s15 =	simm.s32 $0x80;
	s16 =	simm.s32 $0x400;
	s13 =	sor.u32 $0x8000, s13;
	[tilespmem:v0+s14+$0xFFFFFF90 ss:$0x1] =	vst.idx.msk $0xffff, v8;
	v7 =	vld.idx.msk [tilespmem:v1+s14+$0x20 ss:$0x1], $0xffff  }
.LBB2_3:
0x42: {  	p1 =	sne.s32 s16, $0xFE00;
	v8 =	vld.idx.msk [tilespmem:v1+s15+$0x30 ss:$0x1], $0xffff;
	[tilespmem:v0+s14+$0xFFFFFFA0 ss:$0x1] =	vst.idx.msk $0xffff, v6  }
0x43: {  	v9 =	vld.idx.msk [tilespmem:v1+s15+$0xFFFFFFC0 ss:$0x1], $0xffff;
	[tilespmem:v0+s14+$0xFFFFFFB0 ss:$0x1] =	vst.idx.msk $0xffff, v4  }
0x44: {  	v6 =	vld.idx.msk [tilespmem:v1+s15+$0xFFFFFFD0 ss:$0x1], $0xffff;
	[tilespmem:v0+s14+$0xFFFFFFC0 ss:$0x1] =	vst.idx.msk $0xffff, v2  }
.Ltmp3:
0x45: {  	v4 =	vld.idx.msk [tilespmem:v1+s15+$0xFFFFFFE0 ss:$0x1], $0xffff;
	[tilespmem:v0+s14+$0xFFFFFFD0 ss:$0x1] =	vst.idx.msk $0xffff, v3;
	(pc) =	sbr.rel @p1 .LBB2_3-.Ltmp3, $4  }
0x46: {  	v2 =	vld.idx.msk [tilespmem:v1+s15+$0xFFFFFFF0 ss:$0x1], $0xffff;
	[tilespmem:v0+s14+$0xFFFFFFE0 ss:$0x1] =	vst.idx.msk $0xffff, v5  }
0x47: {  	v3 =	vld.idx.msk [tilespmem:v1+s15+$0x0 ss:$0x1], $0xffff;
	[tilespmem:v0+s14+$0xFFFFFFF0 ss:$0x1] =	vst.idx.msk $0xffff, v7;
	s14 =	smov.u32 s15  }
0x48: {  	v5 =	vld.idx.msk [tilespmem:v1+s14+$0x10 ss:$0x1], $0xffff;
	[tilespmem:v0+s14+$0x0 ss:$0x1] =	vst.idx.msk $0xffff, v8  }
0x49: {  	s15 =	sshra.s32 s16, $0x2;
	s16 =	sadd.s32 $0x200, s16;
	[tilespmem:v0+s14+$0xFFFFFF90 ss:$0x1] =	vst.idx.msk $0xffff, v9;
	v7 =	vld.idx.msk [tilespmem:v1+s14+$0x20 ss:$0x1], $0xffff  }
.Ltmp4:
0x4a: {  	_ = 	snop;
	(pc) =	sbr.rel .LBB2_4-.Ltmp4, $1  }
0x4b: {  	_ =	sdelay $0x3  }
.LBB2_6:
0x4c: {  	_ =	sfence.sel $0x180000  }
0x4d: {  	s2 =	simm.s32 $0x1;
	[bflag:$0x0] =	sbarrier.arrive $0xFFFF  }
0x4e: {  	s31 =	simm.s32 $0x2;
	[sflag:s2] =	ssyncpa.u1 $0x1  }
0x4f: {  	[sflag:s31] =	ssyncpa.u1 $0x1  }
0x50: {  	_ =	strace $0x9000004A  }
0x51: {  	s0 =	sadd.s32 @!p0 $0x100000, s0;
	[bflag:$0x2] =	sbarrier.arrive $0xFFFF  }
0x52: {  	[sflag:s0] =	ssyncadd.tile.s32 @!p0 $0x1;
	s0 =	simm.s32 @!p0 $0x3F  }
0x53: {  	_ =	swait.ge @!p0 [sflag:s0], s1  }
0x54: {  	s1 =	ssub.s32 @!p0 $0x0, s1;
	[sflag:s0] =	ssyncset.done @!p0 $0x0  }
0x55: {  	[sflag:s0] =	ssyncadd.s32 @!p0 s1  }
0x56: {  	[bflag:$0x3] =	sbarrier.arrive $0xFFFF  }
0x57: {  	_ =	shalt  }
.Lfunc_end2:
execute1_lowered:
.L_overlay_start_2:
0x58: {  	(tag) =	ssettag $0x2  }
0x59: {  	s2 =	rddreg [dreg:$0x0]  }
0x5a: {  	s3 =	rddreg [dreg:$0x1];
	_ =	strace $0x8000004D;
	s0 =	simm.s32 $0x1  }
0x5b: {  	v0 =	vimm.s32 $0x0;
	[sflag:s0] =	ssyncpa.u1 $0x0;
	s0 =	simm.s32 $0x108  }
0x5c: {  	[tilespmem:s0+$0x70] =	vst v0  }
0x5d: {  	[tilespmem:s0+$0x60] =	vst v0  }
0x5e: {  	[tilespmem:s0+$0x50] =	vst v0  }
0x5f: {  	[tilespmem:s0+$0x40] =	vst v0  }
0x60: {  	s1 =	sadd.s32 $0x1F81C00, s2;
	[tilespmem:s0+$0x30] =	vst v0  }
0x61: {  	s15 =	sadd.s32 $0x65200, s2;
	s6 =	sadd.s32 $0x653C00, s2;
	[tilespmem:s0+$0x20] =	vst v0  }
0x62: {  	s14 =	sadd.s32 $0x96000, s2;
	s5 =	sand.u32 $0x1, s3;
	s3 =	simm.s32 $0x40;
	[tilespmem:s0+$0x10] =	vst v0  }
.LBB3_1:
0x63: {  	s3 =	sadd.s32 $0x40, s3;
	[tilespmem:s0+$0x0] =	vst v0;
	s0 =	sadd.s32 $0x80, s0  }
0x64: {  	p0 =	slt.u32 s3, $0x3C40;
	[tilespmem:s0+$0x70] =	vst v0  }
0x65: {  	[tilespmem:s0+$0x60] =	vst v0  }
.Ltmp5:
0x66: {  	[tilespmem:s0+$0x50] =	vst v0;
	(pc) =	sbr.rel @p0 .LBB3_1-.Ltmp5, $4  }
0x67: {  	[tilespmem:s0+$0x40] =	vst v0  }
0x68: {  	[tilespmem:s0+$0x30] =	vst v0  }
0x69: {  	[tilespmem:s0+$0x20] =	vst v0  }
0x6a: {  	[tilespmem:s0+$0x10] =	vst v0  }
0x6b: {  	s9 =	stileid.u32  }
0x6c: {  	s2 =	smul.u32 $0xD0, s9  }
0x6d: {  	s3 =	smin.u32 s9, $0x6  }
0x6e: {  	s2 =	sor.u32 s3, s2  }
0x6f: {  	p0 =	slt.u32 s9, $0x6;
	s7 =	smul.u32 $0xF0, s2;
	s2 =	simm.s32 $0xC3F0  }
0x70: {  	s2 =	simm.s32 @!p0 $0xC300  }
0x71: {  	s2 =	sadd.s32 s2, s7  }
0x72: {  	s8 =	smin.u32 s2, $0xC3500  }
0x73: {  	s2 =	ssub.s32 s8, s7  }
0x74: {  	p0 =	sgt.s32 s2, $0x0  }
0x75: {  	s29 =	simm.s32 $0x2;
	s10 =	simm.s32 $0x9;
	s2 =	simm.s32 @!p0 $0x0  }
0x76: {  	s4 =	simm.s32 $0xA;
	s11 =	simm.s32 $0xB;
	s28 =	smulhi.u32 $0x88888889, s2  }
0x77: {  	[dreg:$0x4] =	wrdreg s5;
	s31 =	smul.u32 $0x186A0, s5;
	s12 =	simm.s32 $0x1  }
0x78: {  	s22 =	simm.s32 $0x0;
	s18 =	simm.s32 $0xC;
	s30 =	sshrl.u32 s28, $0x7  }
0x79: {  	s20 =	simm.s32 $0x0;
	s21 =	simm.s32 $0x0;
	s3 =	smul.u32 $0xF0, s30  }
.Ltmp6:
0x7a: {  	[tilespmem:s0+$0x0] =	vst v0;
	v0 =	vimm.s32 $0xFFFFFFFF;
	[sflag:s29] =	ssyncpa.u1 $0x0;
	s16 =	sshll.u32 s9, $0x8;
	(pc) =	sbr.rel .LBB3_3-.Ltmp6, $4  }
0x7b: {  	[tilespmem:$0xF208] =	vst v0;
	[sflag:s10] =	ssyncpa.u1 $0x0;
	p0 =	sne.s32 s2, s3;
	s2 =	simm.s32 $0x1  }
0x7c: {  	s14 =	sadd.s32 s31, s14;
	[sflag:s4] =	ssyncpa.u1 $0x0;
	s2 =	simm.s32 @!p0 $0x0  }
0x7d: {  	s15 =	sadd.s32 s31, s15;
	[sflag:s11] =	ssyncpa.u1 $0x0;
	s13 =	sadd.s32 s2, s30  }
0x7e: {  	v0 =	vlaneseq.u32;
	s19 =	smov.u32 s7;
	p0 =	por $0x0, $0x0;
	s17 =	sadd.s32 $0x1, s13  }
.LBB3_18:
0x7f: {  	s0 =	sshrl.u32 s31, $0x2  }
.LBB3_20:
0x80: {  	_ =	swait.ge [sflag:s18], s0  }
0x81: {  	s31 =	ssub.s32 $0x0, s0;
	v1 =	vmov s24;
	vm0 =	veq.s32 v0, $0x0;
	[sflag:s18] =	ssyncset.done $0x0  }
0x82: {  	vm15 =	veq.s32 v0, $0x2;
	v1 =	vsel vm0, s30, v1;
	[sflag:s18] =	ssyncadd.s32 s31  }
0x83: {  	v1 =	vsel vm15, s22, v1;
	[sflag:s18] =	ssyncpa.u1 $0x1  }
0x84: {  	[tilespmem:$0xF208] =	vst v1  }
.LBB3_21:
0x85: {  	s0 =	sadd.s32 $0xF0, s19  }
0x86: {  	s2 =	smov.u32 s7;
	p1 =	slt.s32 s0, s8  }
0x87: {  	s2 =	smov.u32 @p1 s0;
	p1 =	sne.s32 s21, s17  }
.Ltmp7:
0x88: {  	_ = 	snop;
	(pc) =	sbr.rel @!p1 .LBB3_22-.Ltmp7, $3  }
0x89: {  	_ =	sdelay $0x1  }
0x8a: {  	s22 =	smov.u32 s20;
	s31 =	sadd.s32 $0x1, s21;
	s20 =	smov.u32 s19  }
0x8b: {  	p0 =	por !p0, !p0;
	s21 =	smov.u32 s31;
	s19 =	smov.u32 s2  }
.LBB3_3:
0x8c: {  	p1 =	sge.u32 s21, s13  }
0x8d: {  	s0 =	smulhi.u32 @!p1 $0xAAAAAAAB, s21  }
0x8e: {  	s2 =	smov.u32 s19;
	p2 =	sgt.s32 @!p1 s19, $0xC3410  }
0x8f: {  	s3 =	sshra.s32 @!p1 s19, $0x1F;
	p2 =	por !p2, p1;
	s0 =	sshrl.u32 @!p1 s0, $0x1  }
0x90: {  	s3 =	sand.u32 @!p1 s3, s19;
	s2 =	simm.s32 @p2 $0xC3410;
	s0 =	smul.u32 @!p1 $0x3, s0  }
0x91: {  	s2 =	ssub.s32 @!p1 s2, s3  }
0x92: {  	s2 =	sadd.s32 @!p1 $0xFFF3CBF0, s2;
	s0 =	ssub.s32 @!p1 s21, s0  }
0x93: {  	s3 =	sshll.u32 @!p1 s2, $0x2;
	p2 =	sgt.s32 @!p1 s2, $0xEF;
	s0 =	smul.u32 @!p1 $0x3C0, s0  }
0x94: {  	s4 =	sand.u32 @!p1 $0x7, s19;
	s2 =	ssub.s32 @!p1 $0x3C0, s3;
	p2 =	por !p2, p1  }
0x95: {  	s3 =	sshrl.u32 @!p1 s19, $0x3;
	s2 =	sshrl.u32 @!p1 s2, $0x2;
	s0 =	sshrl.u32 @!p1 s0, $0x2  }
0x96: {  	s3 =	sadd.s32 @!p1 s3, s14;
	s2 =	simm.s32 @!p2 $0x0;
	s0 =	sadd.s32 @!p1 $0x10248, s0  }
0x97: {  	[tilespmem:s0], [sflag:$0xA] =	stream.linear.gather @!p1 [hbm4b:s3+s4], s2, $0x38;
	[tilespmem:$0x1F6F8] =	vst v63  }
0x98: {  	s0 =	sadd.s32 $0xFFFFFFFF, s21  }
0x99: {  	p1 =	sge.u32 s0, s13  }
0x9a: {  	p2 =	sgt.s32 @!p1 s20, $0xC3410  }
0x9b: {  	s2 =	smov.u32 s20;
	s3 =	sshra.s32 @!p1 s20, $0x1F;
	p2 =	por !p2, p1  }
0x9c: {  	s3 =	sand.u32 @!p1 s3, s20;
	s2 =	simm.s32 @p2 $0xC3410  }
0x9d: {  	s2 =	ssub.s32 @!p1 s2, s3  }
0x9e: {  	s2 =	sadd.s32 @!p1 $0xFFF3CBF0, s2  }
0x9f: {  	s4 =	sand.u32 @!p1 $0x1, s0;
	s3 =	sshll.u32 @!p1 s2, $0x2  }
0xa0: {  	p2 =	sgt.s32 @!p1 s2, $0xEF;
	s2 =	ssub.s32 @!p1 $0x3C0, s3;
	s3 =	smulhi.u32 @!p1 $0xAAAAAAAB, s0  }
0xa1: {  	s23 =	smul.u32 @!p1 $0x3C0, s4;
	p2 =	por !p2, p1;
	s2 =	sshrl.u32 @!p1 s2, $0x2  }
0xa2: {  	s5 =	simm.s32 @!p1 $0xA;
	s2 =	simm.s32 @!p2 $0x0;
	s3 =	sshrl.u32 @!p1 s3, $0x1  }
0xa3: {  	s23 =	sshrl.u32 @!p1 s23, $0x2;
	_ =	swait.ge @!p1 [sflag:s5], s2;
	s3 =	smul.u32 @!p1 $0x3, s3  }
0xa4: {  	s23 =	sadd.s32 @!p1 $0x10518, s23;
	s24 =	ssub.s32 @!p1 $0x0, s2;
	[sflag:s5] =	ssyncset.done @!p1 $0x0  }
0xa5: {  	[sflag:s5] =	ssyncadd.s32 @!p1 s24;
	s5 =	sshrl.u32 @!p1 s20, $0x3;
	s0 =	ssub.s32 @!p1 s0, s3  }
0xa6: {  	s24 =	sand.u32 @!p1 $0x7, s20;
	s5 =	sadd.s32 @!p1 s5, s15;
	s0 =	smul.u32 @!p1 $0x3C0, s0  }
0xa7: {  	[tilespmem:s23], [sflag:$0xB] =	stream.linear.gather @!p1 [hbm4b:s5+s24], s2, $0x38;
	[tilespmem:$0x1F6F8] =	vst v63  }
0xa8: {  	s3 =	ssub.s32 @!p1 $0xC3500, s20;
	s2 =	smul.u32 @!p1 $0x1E000, s4  }
0xa9: {  	p2 =	slt.s32 @!p1 s3, $0xF0  }
0xaa: {  	p2 =	por !p2, p1;
	s0 =	sshrl.u32 @!p1 s0, $0x2;
	s2 =	sshrl.u32 @!p1 s2, $0x2  }
0xab: {  	s3 =	simm.s32 @p2 $0xF0;
	s0 =	sadd.s32 @!p1 $0x10248, s0;
	s2 =	sor.u32 @!p1 $0x106F8, s2  }
0xac: {  	[tilespmem:s2], [sflag:$0x9] =	stream.indirect.gather @!p1 [hbm4b:s6+s3], $0x80, s0, s3, $0xb8;
	[tilespmem:$0x1F6F8] =	vst v63  }
0xad: {  	p1 =	slt.u32 s21, $0x2  }
.Ltmp8:
0xae: {  	_ = 	snop;
	(pc) =	sbr.rel @p1 .LBB3_21-.Ltmp8, $1  }
0xaf: {  	_ =	sdelay $0x3  }
0xb0: {  	p1 =	sgt.s32 s22, $0xC3410  }
0xb1: {  	s0 =	smov.u32 s22;
	s2 =	sshra.s32 s22, $0x1F;
	s3 =	ssub.s32 $0xC3500, s22  }
0xb2: {  	s0 =	simm.s32 @!p1 $0xC3410;
	s2 =	sand.u32 s2, s22;
	p1 =	slt.s32 s3, $0xF0  }
0xb3: {  	s0 =	ssub.s32 s0, s2;
	s3 =	simm.s32 @!p1 $0xF0  }
0xb4: {  	s0 =	sadd.s32 $0xFFF3CBF0, s0;
	s25 =	sshll.u32 s3, $0x7  }
0xb5: {  	s26 =	sshll.u32 s0, $0x2;
	s2 =	sand.u32 $0x3FFFFF80, s25  }
0xb6: {  	p1 =	sgt.s32 s0, $0xEF;
	s29 =	ssub.s32 $0x3C0, s26;
	_ =	swait.ge [sflag:s10], s2  }
0xb7: {  	s2 =	ssub.s32 $0x0, s2;
	[sflag:s10] =	ssyncset.done $0x0;
	s0 =	sshrl.u32 s29, $0x2  }
0xb8: {  	[sflag:s10] =	ssyncadd.s32 s2;
	s0 =	simm.s32 @p1 $0x0  }
0xb9: {  	_ =	swait.ge [sflag:s11], s0  }
0xba: {  	s0 =	ssub.s32 $0x0, s0;
	[sflag:s11] =	ssyncset.done $0x0  }
0xbb: {  	[sflag:s11] =	ssyncadd.s32 s0  }
0xbc: {  	v1 =	vld [tilespmem:$0xF208];
	_ =	sdelay $0x4  }
0xbd: {  	(v2sf) =	vpush v1, $0x0  }
0xbe: {  	(v2sf) =	vpush v1, $0x1  }
0xbf: {  	(v2sf) =	vpush v1, $0x2;
	_ =	sdelay $0x3  }
0xc0: {  	s0 =	sadd.s32 $0xF0, s22  }
0xc1: {  	s2 =	ssub.s32 $0x186A00, s22;
	p1 =	slt.s32 s8, s0  }
0xc2: {  	s0 =	smov.u32 @p1 s8;
	p1 =	sgt.s32 s2, $0x0  }
0xc3: {  	s26 =	ssub.s32 s0, s22;
	s2 =	simm.s32 @!p1 $0x0  }
0xc4: {  	p1 =	slt.s32 s2, s26  }
0xc5: {  	s26 =	smov.u32 @p1 s2  }
0xc6: {  	s25 =	simm.s32 $0x1;
	p1 =	slt.s32 s26, $0x1  }
.Ltmp9:
0xc7: {  	s25 =	simm.s32 @!p0 $0x0;
	(pc) =	sbr.rel @p1 .LBB3_8-.Ltmp9, $4  }
0xc8: {  	s31 =	smul.u32 $0x3C0, s25  }
0xc9: {  	s28 =	spop (v2sf)  }
0xca: {  	s0 =	sshrl.u32 s31, $0x2;
	s30 =	spop (v2sf)  }
0xcb: {  	s23 =	sadd.s32 $0x10518, s0;
	s22 =	spop (v2sf)  }
0xcc: {  	s0 =	smin.u32 s26, $0x10  }
0xcd: {  	v1 =	vmov s0  }
0xce: {  	p2 =	sgt.s32 s26, $0x10;
	vm1 =	vgt.u32 v1, v0  }
.Ltmp10:
0xcf: {  	_ = 	snop;
	(pc) =	sbr.rel @!p2 .LBB3_7-.Ltmp10, $2  }
0xd0: {  	_ =	sdelay $0x2  }
0xd1: {  	s4 =	simm.s32 $0x10;
	s24 =	sadd.s32 $0xFFFFFFF0, s26;
	s0 =	smov.u32 s23;
	vm0 =	vmmov vm1  }
.LBB3_6:
0xd2: {  	s2 =	smin.u32 s24, $0x10;
	s4 =	sadd.s32 $0x10, s4;
	v1 =	vld.msk [tilespmem:s0+$0x0 ss:$0x1], vm1  }
0xd3: {  	v2 =	vmov s2;
	p2 =	slt.s32 s4, s26  }
0xd4: {  	vm1 =	vgt.u32 v2, v0  }
.Ltmp11:
0xd5: {  	(pc) =	sbr.rel @p2 .LBB3_6-.Ltmp11, $3  }
0xd6: {  	_ =	sdelay $0x1  }
0xd7: {  	v1 =	vshll.u32 v1, $0x4  }
0xd8: {  	s24 =	sadd.s32 $0xFFFFFFF0, s24;
	[tilespmem:s0+$0x0] =	vst.msk vm0, v1;
	s0 =	sadd.s32 $0x10, s0;
	vm0 =	vmmov vm1  }
.LBB3_7:
0xd9: {  	_ =	sdelay $0x4  }
0xda: {  	v1 =	vld.msk [tilespmem:s0+$0x0 ss:$0x1], vm1;
	_ =	sdelay $0x4  }
0xdb: {  	v1 =	vshll.u32 v1, $0x4  }
0xdc: {  	[tilespmem:s0+$0x0] =	vst.msk vm0, v1  }
.LBB3_8:
0xdd: {  	s0 =	sand.u32 $0x1, s21  }
0xde: {  	s0 =	smul.u32 $0xF0, s0  }
0xdf: {  	p2 =	sne.s32 s30, $0xFFFFFFFF  }
0xe0: {  	v1 =	vld.msk @!p2 [tilespmem:s0+$0x10518], $0x1;
	_ =	sdelay $0x4  }
0xe1: {  	(v2sf) =	vpush @!p2 v1, $0x0;
	_ =	sdelay $0xc  }
.Ltmp12:
0xe2: {  	_ = 	snop;
	(pc) =	sbr.rel @p1 .LBB3_19-.Ltmp12, $4  }
0xe3: {  	_ = 	snop  }
0xe4: {  	s29 =	spop @!p2 (v2sf)  }
0xe5: {  	s22 =	simm.s32 @!p2 $0x0;
	s24 =	smov.u32 s29  }
0xe6: {  	[sflag:s18] =	ssyncpa.u1 $0x0;
	s29 =	smov.u32 @p2 s28;
	s24 =	smov.u32 @p2 s30  }
0xe7: {  	v1 =	vld.msk [tilespmem:s23+$0x0], $0x1;
	_ =	sdelay $0x4  }
0xe8: {  	(v2sf) =	vpush v1, $0x0;
	_ =	sdelay $0xe  }
0xe9: {  	s2 =	smul.u32 $0x1E000, s25;
	s0 =	spop (v2sf)  }
0xea: {  	s26 =	ssub.s32 $0x0, s26;
	p1 =	seq.s32 s29, s0  }
0xeb: {  	s30 =	sadd.s32 $0x1, s26;
	s2 =	sshrl.u32 s2, $0x2;
	p2 =	sgt.s32 @!p1 s29, $0x0  }
0xec: {  	s25 =	sor.u32 $0x10738, s2;
	s2 =	smov.u32 s29;
	p2 =	por !p2, p1  }
0xed: {  	s2 =	simm.s32 @p2 $0x0;
	p2 =	seq.s32 s30, $0x0  }
.Ltmp13:
0xee: {  	_ = 	snop;
	(pc) =	sbr.rel @p2 .LBB3_11-.Ltmp13, $4  }
0xef: {  	_ = 	snop  }
0xf0: {  	s28 =	simm.s32 $0x0;
	s31 =	sadd.s32 $0x1, s23;
	s2 =	smin.u32 @!p1 s2, $0xC3FF0  }
0xf1: {  	s4 =	simm.s32 @!p1 $0x1;
	s5 =	simm.s32 @!p1 $0x7988;
	s3 =	sand.u32 @!p1 $0xFFFF8, s2  }
0xf2: {  	s4 =	smov.u32 @p1 s28;
	s2 =	sand.u32 @!p1 $0x7, s2;
	s3 =	sadd.s32 @!p1 s1, s3  }
.LBB3_10:
0xf3: {  	s9 =	smov.u32 s4  }
0xf4: {  	[tilespmem:s5], [sflag:$0x2] =	stream.linear.gather @!p1 [hbm4b:s3+s2], $0x80, $0x38;
	[tilespmem:$0x1F6F8] =	vst v63  }
0xf5: {  	s30 =	sadd.s32 $0x1, s30;
	s2 =	smov.u32 s0;
	v1 =	vld.msk [tilespmem:s31+$0x0], $0x1  }
0xf6: {  	p2 =	seq.s32 s30, $0x0;
	_ =	sdelay $0x3  }
0xf7: {  	(v2sf) =	vpush v1, $0x0;
	_ =	sdelay $0xe  }
0xf8: {  	s0 =	spop (v2sf)  }
0xf9: {  	p1 =	seq.s32 s2, s0  }
0xfa: {  	p3 =	sgt.s32 @!p1 s2, $0x0;
	s3 =	sshll.u32 @!p1 s4, $0x9;
	s4 =	sadd.s32 @!p1 $0x1, s4  }
.Ltmp14:
0xfb: {  	p3 =	por !p3, p1;
	s3 =	sshra.s32 @!p1 s3, $0x2;
	(pc) =	sbr.rel @!p2 .LBB3_10-.Ltmp14, $4  }
0xfc: {  	s4 =	smov.u32 @p1 s9;
	s2 =	simm.s32 @p3 $0x0;
	s5 =	sadd.s32 @!p1 $0x7988, s3  }
0xfd: {  	s2 =	smin.u32 @!p1 s2, $0xC3FF0  }
0xfe: {  	s3 =	sand.u32 @!p1 $0xFFFF8, s2;
	s2 =	sand.u32 @!p1 $0x7, s2  }
0xff: {  	s31 =	sadd.s32 $0x1, s31;
	s3 =	sadd.s32 @!p1 s1, s3  }
.LBB3_11:
0x100: {  	[tilespmem:s5], [sflag:$0x2] =	stream.linear.gather @!p1 [hbm4b:s3+s2], $0x80, $0x38;
	[tilespmem:$0x1F6F8] =	vst v63  }
.Ltmp15:
0x101: {  	s0 =	sshll.u32 s4, $0x7;
	(pc) =	sbr.rel .LBB3_12-.Ltmp15, $4  }
0x102: {  	s30 =	simm.s32 $0x2;
	s0 =	sand.u32 $0x3FFFFF80, s0  }
0x103: {  	_ =	swait.ge [sflag:s30], s0  }
0x104: {  	s0 =	ssub.s32 $0x0, s0;
	[sflag:s30] =	ssyncset.done $0x0  }
0x105: {  	s31 =	simm.s32 $0x0;
	[sflag:s30] =	ssyncadd.s32 s0  }
.LBB3_13:
0x106: {  	v1 =	vld [tilespmem:s25+$0xFFFFFFC0];
	_ =	sdelay $0x3  }
0x107: {  	s0 =	sshra.s32 s0, $0x2  }
0x108: {  	[tilespmem:s0+$0x108] =	vst.add.f32.msk $0xffff, v1  }
0x109: {  	v1 =	vld [tilespmem:s25+$0xFFFFFFD0];
	_ =	sdelay $0x4  }
0x10a: {  	[tilespmem:s0+$0x118] =	vst.add.f32.msk $0xffff, v1  }
0x10b: {  	v1 =	vld [tilespmem:s25+$0xFFFFFFE0];
	_ =	sdelay $0x4  }
0x10c: {  	[tilespmem:s0+$0x128] =	vst.add.f32.msk $0xffff, v1  }
0x10d: {  	v1 =	vld [tilespmem:s25+$0xFFFFFFF0];
	_ =	sdelay $0x4  }
0x10e: {  	[tilespmem:s0+$0x138] =	vst.add.f32.msk $0xffff, v1  }
0x10f: {  	v1 =	vld [tilespmem:s25+$0x0];
	_ =	sdelay $0x4  }
0x110: {  	[tilespmem:s0+$0x148] =	vst.add.f32.msk $0xffff, v1  }
0x111: {  	v1 =	vld [tilespmem:s25+$0x10];
	_ =	sdelay $0x4  }
0x112: {  	[tilespmem:s0+$0x158] =	vst.add.f32.msk $0xffff, v1  }
0x113: {  	v1 =	vld [tilespmem:s25+$0x20];
	_ =	sdelay $0x4  }
0x114: {  	[tilespmem:s0+$0x168] =	vst.add.f32.msk $0xffff, v1  }
0x115: {  	v1 =	vld [tilespmem:s25+$0x30];
	_ =	sdelay $0x4  }
0x116: {  	[tilespmem:s0+$0x178] =	vst.add.f32.msk $0xffff, v1  }
.LBB3_17:
0x117: {  	s26 =	sadd.s32 $0x1, s26  }
0x118: {  	p1 =	seq.s32 s26, $0x0  }
.Ltmp16:
0x119: {  	_ = 	snop;
	(pc) =	sbr.rel @p1 .LBB3_18-.Ltmp16, $2  }
0x11a: {  	_ =	sdelay $0x2  }
0x11b: {  	s23 =	sadd.s32 $0x1, s23;
	s25 =	sadd.s32 $0x80, s25;
	s29 =	smov.u32 s30  }
.LBB3_12:
0x11c: {  	v1 =	vld.msk [tilespmem:s23+$0x0], $0x1;
	_ =	sdelay $0x4  }
0x11d: {  	(v2sf) =	vpush v1, $0x0;
	_ =	sdelay $0xe  }
0x11e: {  	s30 =	spop (v2sf)  }
0x11f: {  	p1 =	sne.s32 s29, s30  }
.Ltmp17:
0x120: {  	_ = 	snop;
	(pc) =	sbr.rel @!p1 .LBB3_13-.Ltmp17, $2  }
0x121: {  	_ =	sdelay $0x2  }
0x122: {  	s0 =	sshll.u32 s22, $0x9  }
0x123: {  	p1 =	seq.s32 s29, s24  }
.Ltmp18:
0x124: {  	_ = 	snop;
	(pc) =	sbr.rel @!p1 .LBB3_15-.Ltmp18, $1  }
0x125: {  	_ =	sdelay $0x3  }
0x126: {  	s0 =	sshra.s32 s0, $0x2  }
.Ltmp19:
0x127: {  	s0 =	sadd.s32 $0x108, s0;
	(pc) =	sbr.rel .LBB3_16-.Ltmp19, $4  }
0x128: {  	[spmem:s16] =	stream.linear.scatter [tilespmem:s0], [sflag:$0x1], $0x80, $0x38;
	[tilespmem:$0x1F6F8] =	vst v63  }
0x129: {  	_ =	swait.ge [sflag:s12], $0x80  }
0x12a: {  	[sflag:s12] =	ssyncset.done $0x0  }
0x12b: {  	[sflag:s12] =	ssyncadd.s32 $0xFFFFFF80  }
.LBB3_15:
0x12c: {  	s2 =	sshll.u32 s28, $0x9  }
0x12d: {  	s2 =	sshra.s32 s2, $0x2  }
0x12e: {  	v1 =	vld [tilespmem:s2+$0x7988];
	_ =	sdelay $0x3  }
0x12f: {  	s0 =	sshra.s32 s0, $0x2  }
0x130: {  	[tilespmem:s0+$0x108] =	vst.add.f32.msk $0xffff, v1  }
0x131: {  	v1 =	vld [tilespmem:s2+$0x7998];
	_ =	sdelay $0x4  }
0x132: {  	[tilespmem:s0+$0x118] =	vst.add.f32.msk $0xffff, v1  }
0x133: {  	v1 =	vld [tilespmem:s2+$0x79A8];
	_ =	sdelay $0x4  }
0x134: {  	[tilespmem:s0+$0x128] =	vst.add.f32.msk $0xffff, v1  }
0x135: {  	v1 =	vld [tilespmem:s2+$0x79B8];
	_ =	sdelay $0x4  }
0x136: {  	[tilespmem:s0+$0x138] =	vst.add.f32.msk $0xffff, v1  }
0x137: {  	v1 =	vld [tilespmem:s2+$0x79C8];
	_ =	sdelay $0x4  }
0x138: {  	[tilespmem:s0+$0x148] =	vst.add.f32.msk $0xffff, v1  }
0x139: {  	v1 =	vld [tilespmem:s2+$0x79D8];
	_ =	sdelay $0x4  }
0x13a: {  	[tilespmem:s0+$0x158] =	vst.add.f32.msk $0xffff, v1  }
0x13b: {  	v1 =	vld [tilespmem:s2+$0x79E8];
	_ =	sdelay $0x4  }
0x13c: {  	[tilespmem:s0+$0x168] =	vst.add.f32.msk $0xffff, v1  }
0x13d: {  	v1 =	vld [tilespmem:s2+$0x79F8];
	_ =	sdelay $0x2  }
0x13e: {  	p1 =	sgt.u32 s29, $0xC3FF0  }
0x13f: {  	s2 =	sand.u32 @!p1 $0xFFFF8, s29  }
0x140: {  	s3 =	sadd.s32 $0x108, s0;
	[tilespmem:s0+$0x178] =	vst.add.f32.msk $0xffff, v1;
	s0 =	sadd.s32 @!p1 s1, s2;
	s2 =	sand.u32 @!p1 $0x7, s29  }
0x141: {  	[hbm4b:s0+s2] =	stream.linear.scatter @!p1 [tilespmem:s3], [sflag:$0xC], $0x80, $0x38;
	[tilespmem:$0x1F6F8] =	vst v63  }
0x142: {  	s0 =	simm.s32 $0x0  }
0x143: {  	s0 =	simm.s32 @!p1 $0x200  }
0x144: {  	s31 =	sadd.s32 s0, s31  }
.LBB3_16:
0x145: {  	s0 =	sadd.s32 $0x1, s22  }
0x146: {  	s2 =	smulhi.u32 $0x88888889, s0;
	_ =	sdelay $0x1  }
0x147: {  	v1 =	vld [tilespmem:s25+$0xFFFFFFC0];
	s2 =	sshrl.u32 s2, $0x7  }
0x148: {  	s2 =	smul.u32 $0xF0, s2;
	_ =	sdelay $0x1  }
0x149: {  	s22 =	ssub.s32 s0, s2  }
0x14a: {  	s0 =	sshll.u32 s22, $0x7  }
0x14b: {  	[tilespmem:s0+$0x108] =	vst v1  }
0x14c: {  	v1 =	vld [tilespmem:s25+$0xFFFFFFD0];
	_ =	sdelay $0x4  }
0x14d: {  	[tilespmem:s0+$0x118] =	vst v1  }
0x14e: {  	v1 =	vld [tilespmem:s25+$0xFFFFFFE0];
	_ =	sdelay $0x4  }
0x14f: {  	[tilespmem:s0+$0x128] =	vst v1  }
0x150: {  	v1 =	vld [tilespmem:s25+$0xFFFFFFF0];
	_ =	sdelay $0x4  }
0x151: {  	[tilespmem:s0+$0x138] =	vst v1  }
0x152: {  	v1 =	vld [tilespmem:s25+$0x0];
	_ =	sdelay $0x4  }
0x153: {  	[tilespmem:s0+$0x148] =	vst v1  }
0x154: {  	v1 =	vld [tilespmem:s25+$0x10];
	_ =	sdelay $0x4  }
0x155: {  	[tilespmem:s0+$0x158] =	vst v1  }
0x156: {  	v1 =	vld [tilespmem:s25+$0x20];
	_ =	sdelay $0x4  }
0x157: {  	[tilespmem:s0+$0x168] =	vst v1  }
0x158: {  	v1 =	vld [tilespmem:s25+$0x30]  }
.Ltmp20:
0x159: {  	_ = 	snop;
	(pc) =	sbr.rel .LBB3_17-.Ltmp20, $2  }
0x15a: {  	_ =	sdelay $0x2  }
0x15b: {  	s28 =	sadd.s32 $0x1, s28;
	[tilespmem:s0+$0x178] =	vst v1  }
.LBB3_19:
.Ltmp21:
0x15c: {  	(pc) =	sbr.rel .LBB3_20-.Ltmp21, $4  }
0x15d: {  	_ = 	snop  }
0x15e: {  	s0 =	simm.s32 $0x2  }
0x15f: {  	_ =	swait.ge [sflag:s0], $0x0  }
0x160: {  	s30 =	smov.u32 s29;
	[sflag:s0] =	ssyncset.done $0x0;
	s0 =	simm.s32 $0x0  }
.LBB3_22:
0x161: {  	_ =	sfence.sel $0x180000  }
0x162: {  	s0 =	simm.s32 $0x9;
	[bflag:$0x0] =	sbarrier.arrive $0xFFFF  }
0x163: {  	s24 =	simm.s32 $0xA;
	[sflag:s0] =	ssyncpa.u1 $0x1  }
0x164: {  	s25 =	simm.s32 $0xB;
	[sflag:s24] =	ssyncpa.u1 $0x1  }
0x165: {  	s26 =	simm.s32 $0x2;
	[sflag:s25] =	ssyncpa.u1 $0x1  }
0x166: {  	[sflag:s26] =	ssyncpa.u1 $0x1  }
0x167: {  	v0 =	vld [tilespmem:$0xF208];
	_ =	sdelay $0x4  }
0x168: {  	(v2sf) =	vpush v0, $0x0  }
0x169: {  	(v2sf) =	vpush v0, $0x1;
	_ =	sdelay $0x1  }
0x16a: {  	(v2sf) =	vpush v0, $0x2;
	_ =	sdelay $0xb  }
0x16b: {  	s0 =	spop (v2sf)  }
0x16c: {  	s2 =	spop (v2sf)  }
0x16d: {  	s3 =	smov.u32 s0;
	p0 =	sne.s32 s0, s2  }
0x16e: {  	s4 =	spop (v2sf);
	s3 =	simm.s32 @!p0 $0xFFFFFFFF  }
0x16f: {  	v2 =	vimm.s32 $0x1;
	v3 =	vlaneseq.u32;
	p0 =	seq.s32 s4, $0xFFFFFFFF;
	v1 =	vmov s3  }
0x170: {  	s16 =	stileid.u32;
	v0 =	vperm.xlane v0, v2;
	p1 =	sne.s32 @!p0 s0, s2;
	v1 =	vperm.xlane v1, v3  }
0x171: {  	vm0 =	vcmask $0x3F04;
	s6 =	simm.s32 $0xF208;
	s0 =	simm.s32 @!p0 $0x1;
	p1 =	por !p1, p0  }
0x172: {  	s3 =	sshll.u32 s16, $0x1;
	s2 =	sshll.u32 @!p0 s4, $0x9;
	s0 =	simm.s32 @p1 $0x0;
	v0 =	vsel vm0, v1, v0  }
0x173: {  	s5 =	sor.u32 $0x1000, s3;
	s2 =	sshra.s32 @!p0 s2, $0x2;
	s0 =	sor.u32 @!p0 s0, s3;
	[tilespmem:$0xF208] =	vst v0  }
0x174: {  	[spmem:s5] =	stream.linear.scatter [tilespmem:s6], [sflag:$0x1], $0x2, $0x38;
	[tilespmem:$0x1F6F8] =	vst v63  }
0x175: {  	s2 =	sadd.s32 @!p0 $0x108, s2;
	s0 =	sshll.u32 @!p0 s0, $0x7  }
0x176: {  	[spmem:s0] =	stream.linear.scatter @!p0 [tilespmem:s2], [sflag:$0x1], $0x80, $0x38;
	[tilespmem:$0x1F6F8] =	vst v63  }
0x177: {  	s0 =	simm.s32 @!p0 $0x82  }
0x178: {  	s28 =	simm.s32 $0x1;
	s0 =	simm.s32 @p0 $0x2  }
0x179: {  	_ =	swait.ge [sflag:s28], s0  }
0x17a: {  	s0 =	ssub.s32 $0x0, s0;
	[sflag:s28] =	ssyncset.done $0x0  }
0x17b: {  	p0 =	sne.s32 s16, $0x0;
	[sflag:s28] =	ssyncadd.s32 s0  }
.Ltmp22:
0x17c: {  	_ =	sfence.stream.spmem;
	(pc) =	sbr.rel @p0 .LBB3_39-.Ltmp22, $4  }
0x17d: {  	s29 =	simm.s32 $0x3;
	[bflag:$0x0] =	sbarrier.arrive $0xFFFF  }
0x17e: {  	s30 =	simm.s32 $0x4;
	[sflag:s29] =	ssyncpa.u1 $0x1  }
0x17f: {  	s31 =	simm.s32 $0x3C;
	[sflag:s30] =	ssyncpa.u1 $0x1  }
0x180: {  	s15 =	rddreg [dreg:$0x4];
	[sflag:s31] =	ssyncpa.u1 $0x1  }
0x181: {  	_ =	sfence.stream.spmem;
	s0 =	simm.s32 $0x5  }
0x182: {  	s2 =	simm.s32 $0x1000;
	s3 =	simm.s32 $0xF218;
	[sflag:s0] =	ssyncpa.u1 $0x0  }
0x183: {  	[tilespmem:s3], [sflag:$0x5] =	stream.linear.gather [spmem:s2], $0x20, $0x38;
	[tilespmem:$0x1F6F8] =	vst v63  }
0x184: {  	s26 =	simm.s32 $0x0;
	s28 =	simm.s32 $0xF238  }
0x185: {  	[tilespmem:s28], [sflag:$0x5] =	stream.linear.gather [spmem:s26], $0x1000, $0x38;
	[tilespmem:$0x1F6F8] =	vst v63  }
0x186: {  	_ =	swait.ge [sflag:s0], $0x1020  }
0x187: {  	[sflag:s0] =	ssyncset.done $0x0  }
0x188: {  	s29 =	simm.s32 $0x0;
	[sflag:s0] =	ssyncadd.s32 $0xFFFFEFE0  }
0x189: {  	v0 =	vld.msk [tilespmem:s29+$0xF218], $0x1;
	_ =	sdelay $0x1  }
0x18a: {  	s30 =	simm.s32 $0x1  }
0x18b: {  	v1 =	vld.msk [tilespmem:s30+$0xF218], $0x1;
	_ =	sdelay $0x1  }
0x18c: {  	(v2sf) =	vpush v0, $0x0;
	_ =	sdelay $0x2  }
0x18d: {  	(v2sf) =	vpush v1, $0x0;
	_ =	sdelay $0x2  }
0x18e: {  	s31 =	simm.s32 $0x2  }
0x18f: {  	v0 =	vld.msk [tilespmem:s31+$0xF218], $0x1;
	_ =	sdelay $0x2  }
0x190: {  	s4 =	simm.s32 $0xFFFFFFFF;
	s5 =	simm.s32 $0xFFFFFFFF;
	s0 =	simm.s32 $0xC  }
.LBB3_24:
0x191: {  	s2 =	smov.u32 s5;
	s3 =	smov.u32 s4  }
0x192: {  	s4 =	sshra.s32 s0, $0x2;
	p1 =	sne.s32 s0, $0x7C;
	s0 =	sadd.s32 $0x4, s0;
	(v2sf) =	vpush v0, $0x0  }
0x193: {  	v0 =	vld.msk [tilespmem:s4+$0xF218], $0x1  }
.Ltmp23:
0x194: {  	(pc) =	sbr.rel @p1 .LBB3_24-.Ltmp23, $4  }
0x195: {  	s5 =	spop (v2sf)  }
0x196: {  	p2 =	sne.s32 s3, $0xFFFFFFFF;
	s4 =	smov.u32 s5  }
0x197: {  	p3 =	seq.s32 s5, $0xFFFFFFFF;
	s4 =	smov.u32 @p2 s3  }
0x198: {  	s5 =	smov.u32 @p3 s2;
	s4 =	smov.u32 @p3 s3  }
0x199: {  	(v2sf) =	vpush v0, $0x0;
	_ =	sdelay $0x8  }
0x19a: {  	s0 =	spop (v2sf)  }
0x19b: {  	p1 =	sne.s32 s4, $0xFFFFFFFF;
	s2 =	smov.u32 s0  }
0x19c: {  	s9 =	simm.s32 $0x6;
	p2 =	seq.s32 s0, $0xFFFFFFFF;
	s2 =	smov.u32 @p1 s4  }
0x19d: {  	s6 =	simm.s32 $0x0;
	s2 =	smov.u32 @p2 s4;
	s3 =	spop (v2sf)  }
0x19e: {  	s0 =	smov.u32 @p2 s5;
	p1 =	sne.s32 s2, $0xFFFFFFFF;
	s4 =	smov.u32 s3  }
.Ltmp24:
0x19f: {  	p2 =	seq.s32 s3, $0xFFFFFFFF;
	s4 =	smov.u32 @p1 s2;
	(pc) =	sbr.rel .LBB3_26-.Ltmp24, $4  }
0x1a0: {  	s10 =	simm.s32 $0xF188;
	s4 =	smov.u32 @p2 s2;
	s7 =	spop (v2sf)  }
0x1a1: {  	s11 =	simm.s32 $0x0;
	p1 =	sne.s32 s4, $0xFFFFFFFF;
	s8 =	smov.u32 s7  }
0x1a2: {  	s3 =	smov.u32 @p2 s0;
	p2 =	seq.s32 s7, $0xFFFFFFFF;
	s8 =	smov.u32 @p1 s4  }
0x1a3: {  	[sflag:s9] =	ssyncpa.u1 $0x0;
	s7 =	smov.u32 @p2 s3;
	s8 =	smov.u32 @p2 s4  }
.LBB3_32:
0x1a4: {  	p1 =	sgt.u32 s12, $0xC3FF0  }
0x1a5: {  	p2 =	seq.s32 @!p1 s12, s8  }
0x1a6: {  	p1 =	por p1, p2  }
0x1a7: {  	p2 =	sne.s32 @!p1 s12, s7  }
0x1a8: {  	p1 =	por p1, !p2  }
0x1a9: {  	s0 =	sshll.u32 @p1 s11, $0x9  }
0x1aa: {  	s0 =	sand.u32 @!p1 $0xFFFF8, s12  }
0x1ab: {  	s2 =	sand.u32 @!p1 $0x7, s12;
	s0 =	sadd.s32 @!p1 s1, s0  }
0x1ac: {  	[tilespmem:s10], [sflag:$0x6] =	stream.linear.gather @!p1 [hbm4b:s0+s2], $0x80, $0x38;
	[tilespmem:$0x1F6F8] =	vst v63  }
0x1ad: {  	_ =	swait.ge @!p1 [sflag:s9], $0x80  }
0x1ae: {  	[sflag:s9] =	ssyncset.done @!p1 $0x0  }
0x1af: {  	[sflag:s9] =	ssyncadd.s32 @!p1 $0xFFFFFF80  }
0x1b0: {  	v1 =	vld @!p1 [tilespmem:$0xF188];
	_ =	sdelay $0x2  }
0x1b1: {  	s0 =	sshll.u32 @!p1 s11, $0x9  }
0x1b2: {  	s2 =	sshrl.u32 @!p1 s0, $0x2  }
0x1b3: {  	[tilespmem:s2+$0xF238] =	vst.add.f32.msk @!p1 $0xffff, v1  }
0x1b4: {  	v1 =	vld @!p1 [tilespmem:$0xF198];
	_ =	sdelay $0x4  }
0x1b5: {  	[tilespmem:s2+$0xF248] =	vst.add.f32.msk @!p1 $0xffff, v1  }
0x1b6: {  	v1 =	vld @!p1 [tilespmem:$0xF1A8];
	_ =	sdelay $0x4  }
0x1b7: {  	[tilespmem:s2+$0xF258] =	vst.add.f32.msk @!p1 $0xffff, v1  }
0x1b8: {  	v1 =	vld @!p1 [tilespmem:$0xF1B8];
	_ =	sdelay $0x4  }
0x1b9: {  	[tilespmem:s2+$0xF268] =	vst.add.f32.msk @!p1 $0xffff, v1  }
0x1ba: {  	v1 =	vld @!p1 [tilespmem:$0xF1C8];
	_ =	sdelay $0x4  }
0x1bb: {  	[tilespmem:s2+$0xF278] =	vst.add.f32.msk @!p1 $0xffff, v1  }
0x1bc: {  	v1 =	vld @!p1 [tilespmem:$0xF1D8];
	_ =	sdelay $0x4  }
0x1bd: {  	[tilespmem:s2+$0xF288] =	vst.add.f32.msk @!p1 $0xffff, v1  }
0x1be: {  	v1 =	vld @!p1 [tilespmem:$0xF1E8];
	_ =	sdelay $0x4  }
0x1bf: {  	[tilespmem:s2+$0xF298] =	vst.add.f32.msk @!p1 $0xffff, v1  }
0x1c0: {  	v1 =	vld @!p1 [tilespmem:$0xF1F8];
	_ =	sdelay $0x4  }
0x1c1: {  	[tilespmem:s2+$0xF2A8] =	vst.add.f32.msk @!p1 $0xffff, v1  }
0x1c2: {  	s0 =	sshrl.u32 s0, $0x2;
	[tilespmem:s6+$0xF218] =	vst.msk $0x1, v0  }
0x1c3: {  	v0 =	vld [tilespmem:s0+$0xF238];
	_ =	sdelay $0x2  }
0x1c4: {  	s31 =	sshll.u32 s6, $0x9  }
0x1c5: {  	s2 =	sshra.s32 s31, $0x2  }
0x1c6: {  	[tilespmem:s2+$0xF238] =	vst v0  }
0x1c7: {  	v0 =	vld [tilespmem:s0+$0xF248];
	_ =	sdelay $0x4  }
0x1c8: {  	[tilespmem:s2+$0xF248] =	vst v0  }
0x1c9: {  	v0 =	vld [tilespmem:s0+$0xF258];
	_ =	sdelay $0x4  }
0x1ca: {  	[tilespmem:s2+$0xF258] =	vst v0  }
0x1cb: {  	v0 =	vld [tilespmem:s0+$0xF268];
	_ =	sdelay $0x4  }
0x1cc: {  	[tilespmem:s2+$0xF268] =	vst v0  }
0x1cd: {  	v0 =	vld [tilespmem:s0+$0xF278];
	_ =	sdelay $0x4  }
0x1ce: {  	[tilespmem:s2+$0xF278] =	vst v0  }
0x1cf: {  	v0 =	vld [tilespmem:s0+$0xF288];
	_ =	sdelay $0x4  }
0x1d0: {  	[tilespmem:s2+$0xF288] =	vst v0  }
0x1d1: {  	v0 =	vld [tilespmem:s0+$0xF298];
	_ =	sdelay $0x4  }
0x1d2: {  	[tilespmem:s2+$0xF298] =	vst v0  }
0x1d3: {  	v0 =	vld [tilespmem:s0+$0xF2A8];
	_ =	sdelay $0x4  }
0x1d4: {  	s6 =	sadd.s32 $0x1, s6;
	[tilespmem:s2+$0xF2A8] =	vst v0  }
.LBB3_33:
0x1d5: {  	s11 =	sadd.s32 $0x1, s11  }
0x1d6: {  	p1 =	sne.s32 s11, $0x20  }
.Ltmp25:
0x1d7: {  	_ = 	snop;
	(pc) =	sbr.rel @!p1 .LBB3_34-.Ltmp25, $1  }
0x1d8: {  	_ =	sdelay $0x3  }
.LBB3_26:
0x1d9: {  	v0 =	vld.msk [tilespmem:s11+$0xF218], $0x1;
	_ =	sdelay $0x4  }
0x1da: {  	(v2sf) =	vpush v0, $0x0;
	_ =	sdelay $0xe  }
0x1db: {  	s12 =	spop (v2sf)  }
0x1dc: {  	p1 =	seq.s32 s12, $0xFFFFFFFF  }
.Ltmp26:
0x1dd: {  	_ = 	snop;
	(pc) =	sbr.rel @p1 .LBB3_33-.Ltmp26, $1  }
0x1de: {  	_ =	sdelay $0x3  }
0x1df: {  	p1 =	slt.s32 s6, $0x1  }
.Ltmp27:
0x1e0: {  	_ = 	snop;
	(pc) =	sbr.rel @p1 .LBB3_32-.Ltmp27, $1  }
0x1e1: {  	_ =	sdelay $0x3  }
0x1e2: {  	s13 =	simm.s32 $0xF218;
	p1 =	por $0x0, $0x0  }
0x1e3: {  	v1 =	vld.msk @!p1 [tilespmem:s13+$0x0], $0x1;
	_ =	sdelay $0x4  }
0x1e4: {  	(v2sf) =	vpush @!p1 v1, $0x0;
	_ =	sdelay $0xd  }
0x1e5: {  	p3 =	sne.s32 s6, $0x1  }
.Ltmp28:
0x1e6: {  	s0 =	spop @!p1 (v2sf);
	(pc) =	sbr.rel @!p3 .LBB3_30-.Ltmp28, $4  }
0x1e7: {  	p2 =	seq.s32 @!p1 s12, s0  }
0x1e8: {  	s14 =	simm.s32 $0x0;
	p2 =	por !p2, p1  }
0x1e9: {  	s2 =	simm.s32 $0xFFFFFFFF;
	s14 =	simm.s32 @p2 $0xFFFFFFFF  }
0x1ea: {  	s0 =	simm.s32 $0x1;
	s14 =	smov.u32 @p1 s2  }
.LBB3_29:
0x1eb: {  	s2 =	smov.u32 s14;
	p1 =	sne.s32 s14, $0xFFFFFFFF  }
0x1ec: {  	s13 =	sadd.s32 $0x1, s13;
	s14 =	smov.u32 s0;
	s0 =	sadd.s32 $0x1, s0  }
0x1ed: {  	p2 =	sne.s32 s6, s0;
	v1 =	vld.msk @!p1 [tilespmem:s13+$0x0], $0x1;
	_ =	sdelay $0x4  }
0x1ee: {  	(v2sf) =	vpush @!p1 v1, $0x0;
	_ =	sdelay $0xe  }
.Ltmp29:
0x1ef: {  	s3 =	spop @!p1 (v2sf);
	(pc) =	sbr.rel @p2 .LBB3_29-.Ltmp29, $4  }
0x1f0: {  	p3 =	seq.s32 @!p1 s12, s3  }
0x1f1: {  	p3 =	por !p3, p1  }
0x1f2: {  	s14 =	simm.s32 @p3 $0xFFFFFFFF  }
0x1f3: {  	s14 =	smov.u32 @p1 s2  }
.LBB3_30:
0x1f4: {  	p1 =	seq.s32 s14, $0xFFFFFFFF  }
.Ltmp30:
0x1f5: {  	_ = 	snop;
	(pc) =	sbr.rel @p1 .LBB3_32-.Ltmp30, $1  }
0x1f6: {  	_ =	sdelay $0x3  }
0x1f7: {  	s0 =	sshll.u32 s11, $0x7  }
0x1f8: {  	s0 =	sand.u32 $0x3FFFFF80, s0  }
0x1f9: {  	v0 =	vld [tilespmem:s0+$0xF238];
	_ =	sdelay $0x2  }
0x1fa: {  	s2 =	sshll.u32 s14, $0x9  }
0x1fb: {  	s2 =	sshra.s32 s2, $0x2  }
0x1fc: {  	[tilespmem:s2+$0xF238] =	vst.add.f32.msk $0xffff, v0  }
0x1fd: {  	v0 =	vld [tilespmem:s0+$0xF248];
	_ =	sdelay $0x4  }
0x1fe: {  	[tilespmem:s2+$0xF248] =	vst.add.f32.msk $0xffff, v0  }
0x1ff: {  	v0 =	vld [tilespmem:s0+$0xF258];
	_ =	sdelay $0x4  }
0x200: {  	[tilespmem:s2+$0xF258] =	vst.add.f32.msk $0xffff, v0  }
0x201: {  	v0 =	vld [tilespmem:s0+$0xF268];
	_ =	sdelay $0x4  }
0x202: {  	[tilespmem:s2+$0xF268] =	vst.add.f32.msk $0xffff, v0  }
0x203: {  	v0 =	vld [tilespmem:s0+$0xF278];
	_ =	sdelay $0x4  }
0x204: {  	[tilespmem:s2+$0xF278] =	vst.add.f32.msk $0xffff, v0  }
0x205: {  	v0 =	vld [tilespmem:s0+$0xF288];
	_ =	sdelay $0x4  }
0x206: {  	[tilespmem:s2+$0xF288] =	vst.add.f32.msk $0xffff, v0  }
0x207: {  	v0 =	vld [tilespmem:s0+$0xF298];
	_ =	sdelay $0x4  }
0x208: {  	[tilespmem:s2+$0xF298] =	vst.add.f32.msk $0xffff, v0  }
0x209: {  	v0 =	vld [tilespmem:s0+$0xF2A8]  }
.Ltmp31:
0x20a: {  	_ = 	snop;
	(pc) =	sbr.rel .LBB3_33-.Ltmp31, $2  }
0x20b: {  	_ =	sdelay $0x2  }
0x20c: {  	[tilespmem:s2+$0xF2A8] =	vst.add.f32.msk $0xffff, v0  }
.LBB3_34:
0x20d: {  	s0 =	simm.s32 $0x6;
	p1 =	seq.s32 s6, $0x0  }
0x20e: {  	[sflag:s0] =	ssyncpa.u1 $0x1;
	v0 =	vimm.s32 @p1 $0xFFFFFFFF  }
0x20f: {  	s9 =	sadd.s32 $0xFFFFFFFF, s6;
	[tilespmem:$0x10238] =	vst @p1 v0  }
0x210: {  	v0 =	vld.msk @!p1 [tilespmem:s9+$0xF218], $0x1;
	_ =	sdelay $0x1  }
0x211: {  	v1 =	vld.msk @!p1 [tilespmem:$0xF218], $0x1;
	_ =	sdelay $0x2  }
0x212: {  	p2 =	seq.s32 @!p1 s9, $0x0;
	v0 =	vbroadcast @!p1 v0, $0x0  }
0x213: {  	vm0 =	vmmov @!p1 $0x1;
	p2 =	por !p2, p1  }
0x214: {  	v1 =	vnsel @!p1 vm0, $0xFFFFFFFF, v1;
	vm0 =	vcmask @!p1 $0x308;
	v0 =	vpsel !p2, $0xFFFFFFFF, v0  }
0x215: {  	p2 =	sne.s32 @!p1 s8, s7;
	v0 =	vsel @!p1 vm0, v1, v0  }
0x216: {  	s0 =	simm.s32 @!p1 $0xF238;
	s2 =	simm.s32 @!p1 $0x0;
	p3 =	por !p2, p1;
	[tilespmem:$0x10238] =	vst @!p1 v0  }
0x217: {  	[spmem:s2] =	stream.linear.scatter @!p1 [tilespmem:s0], [sflag:$0x1], $0x80, $0x38;
	[tilespmem:$0x1F6F8] =	vst v63  }
0x218: {  	s0 =	sshll.u32 @!p3 s9, $0x9  }
0x219: {  	s0 =	sshra.s32 @!p3 s0, $0x2  }
0x21a: {  	s2 =	simm.s32 @!p3 $0x80;
	s0 =	sadd.s32 @!p3 $0xF238, s0  }
0x21b: {  	[spmem:s2] =	stream.linear.scatter @!p3 [tilespmem:s0], [sflag:$0x1], $0x80, $0x38;
	[tilespmem:$0x1F6F8] =	vst v63  }
0x21c: {  	s0 =	simm.s32 @!p3 $0x1  }
0x21d: {  	_ =	swait.ge @!p3 [sflag:s0], $0x100  }
0x21e: {  	p1 =	por p2, p1;
	[sflag:s0] =	ssyncset.done @!p3 $0x0  }
0x21f: {  	[sflag:s0] =	ssyncadd.s32 @!p3 $0xFFFFFF00;
	s0 =	simm.s32 @!p1 $0x1  }
0x220: {  	_ =	swait.ge @!p1 [sflag:s0], $0x80  }
0x221: {  	s29 =	simm.s32 $0x10238;
	[sflag:s0] =	ssyncset.done @!p1 $0x0  }
0x222: {  	s30 =	simm.s32 $0x1000;
	s31 =	simm.s32 $0x1;
	[sflag:s0] =	ssyncadd.s32 @!p1 $0xFFFFFF80  }
0x223: {  	[spmem:s30] =	stream.linear.scatter [tilespmem:s29], [sflag:$0x1], $0x10, $0x38;
	[tilespmem:$0x1F6F8] =	vst v63  }
0x224: {  	_ =	swait.ge [sflag:s31], $0x10  }
0x225: {  	[sflag:s31] =	ssyncset.done $0x0  }
0x226: {  	p1 =	seq.s32 s15, $0x0;
	s8 =	rddreg [dreg:$0x1];
	[sflag:s31] =	ssyncadd.s32 $0xFFFFFFF0  }
0x227: {  	s2 =	sshll.u32 @p1 s8, $0xE;
	s7 =	rddreg [dreg:$0x2]  }
0x228: {  	s0 =	sadd.s32 @p1 $0x15C3C, s2;
	s2 =	sshll.u32 @p1 s7, $0x11  }
0x229: {  	_ =	sfence.stream.spmem;
	s0 =	sor.u32 @p1 s2, s0  }
0x22a: {  	[sflag:s0] =	ssyncadd.remote.s32 @p1 $0x1;
	s0 =	simm.s32 @p1 $0x4  }
0x22b: {  	s3 =	simm.s32 @!p1 $0x3C;
	s2 =	sand.u32 $0xFFFFFFFE, s8;
	_ =	swait.ge @p1 [sflag:s0], $0x22  }
0x22c: {  	s4 =	simm.s32 @!p1 $0x0;
	s2 =	sadd.s32 @!p1 $0x4, s2;
	[sflag:s0] =	ssyncset.done @p1 $0x0  }
0x22d: {  	s5 =	simm.s32 @!p1 $0x100;
	[sflag:s0] =	ssyncadd.s32 @p1 $0xFFFFFFDE;
	s0 =	sshll.u32 @!p1 s2, $0x1A  }
0x22e: {  	s2 =	sshll.u32 @!p1 s2, $0xD;
	s0 =	sor.u32 @!p1 s0, s7;
	_ =	swait.eq @!p1 [sflag:s3], $0x1  }
0x22f: {  	s2 =	sor.u32 @!p1 $0x1C04, s2;
	s3 =	simm.s32 @!p1 $0x1C03;
	s0 =	sor.u32 @!p1 $0x80004000, s0  }
0x230: {  	[spmem:s5], [sflag:s2] =	dma.general @!p1 [spmem:s4], [sflag:s3], length:$0x20, [dreg:$0x0], stride_count:$0x0, ici_dest:s0, dma_misc:DstOpCode:WRITE  }
0x231: {  	p2 =	slt.s32 s9, $0x2;
	s4 =	simm.s32 @!p1 $0x200;
	s5 =	simm.s32 @!p1 $0x202  }
0x232: {  	[spmem:s5], [sflag:s2] =	dma.general @!p1 [spmem:s4], [sflag:s3], length:$0x2, [dreg:$0x0], stride_count:$0x0, ici_dest:s0, dma_misc:DstOpCode:WRITE  }
.Ltmp32:
0x233: {  	s0 =	simm.s32 @!p1 $0x3;
	(pc) =	sbr.rel @p2 .LBB3_38-.Ltmp32, $4  }
0x234: {  	s2 =	sshll.u32 @!p1 s8, $0xE;
	_ =	swait.ge @!p1 [sflag:s0], $0x22  }
0x235: {  	s3 =	sshll.u32 @!p1 s7, $0x11;
	s2 =	sadd.s32 @!p1 $0x11C3C, s2;
	[sflag:s0] =	ssyncset.done @!p1 $0x0  }
0x236: {  	[sflag:s0] =	ssyncadd.s32 @!p1 $0xFFFFFFDE;
	s0 =	sor.u32 @!p1 s3, s2  }
0x237: {  	[sflag:s0] =	ssyncadd.remote.s32 @!p1 $0xFFFFFFFF;
	s0 =	simm.s32 $0x0  }
0x238: {  	s0 =	simm.s32 $0xF219  }
0x239: {  	v0 =	vld.msk [tilespmem:s0+$0x0], $0x1;
	_ =	sdelay $0x4  }
0x23a: {  	(v2sf) =	vpush v0, $0x0;
	_ =	sdelay $0xb  }
0x23b: {  	s31 =	sadd.s32 $0xFFFFFFFE, s6  }
0x23c: {  	s0 =	sadd.s32 $0xFFFFFFFF, s31  }
0x23d: {  	p2 =	sne.s32 s0, $0x0  }
.Ltmp33:
0x23e: {  	s2 =	spop (v2sf);
	(pc) =	sbr.rel @!p2 .LBB3_37-.Ltmp33, $4  }
0x23f: {  	s4 =	simm.s32 $0xF2B8;
	s7 =	simm.s32 $0x0;
	p1 =	sgt.u32 s2, $0xC3FF0  }
0x240: {  	s5 =	simm.s32 $0x0;
	s6 =	simm.s32 $0xF21A;
	s3 =	sand.u32 @!p1 $0xFFFF8, s2  }
0x241: {  	s2 =	sand.u32 @!p1 $0x7, s2;
	s7 =	simm.s32 @!p1 $0x200;
	s3 =	sadd.s32 @!p1 s1, s3  }
0x242: {  	[hbm4b:s3+s2] =	stream.linear.scatter @!p1 [tilespmem:s4], [sflag:$0x5], $0x80, $0x38;
	[tilespmem:$0x1F6F8] =	vst v63  }
.LBB3_36:
0x243: {  	v0 =	vld.msk [tilespmem:s6+$0x0], $0x1;
	s0 =	sadd.s32 $0xFFFFFFFF, s0;
	s5 =	sadd.s32 s5, s7  }
0x244: {  	p1 =	sne.s32 s0, $0x0;
	_ =	sdelay $0x3  }
0x245: {  	(v2sf) =	vpush v0, $0x0;
	_ =	sdelay $0xe  }
.Ltmp34:
0x246: {  	s2 =	spop (v2sf);
	(pc) =	sbr.rel @p1 .LBB3_36-.Ltmp34, $4  }
0x247: {  	s7 =	simm.s32 $0x0;
	p2 =	sgt.u32 s2, $0xC3FF0  }
0x248: {  	s4 =	sadd.s32 $0x80, s4;
	s7 =	simm.s32 @!p2 $0x200;
	s3 =	sand.u32 @!p2 $0xFFFF8, s2  }
0x249: {  	s6 =	sadd.s32 $0x1, s6;
	s2 =	sand.u32 @!p2 $0x7, s2;
	s3 =	sadd.s32 @!p2 s1, s3  }
0x24a: {  	[hbm4b:s3+s2] =	stream.linear.scatter @!p2 [tilespmem:s4], [sflag:$0x5], $0x80, $0x38;
	[tilespmem:$0x1F6F8] =	vst v63  }
.LBB3_37:
0x24b: {  	s0 =	sadd.s32 s5, s7  }
0x24c: {  	s0 =	sshrl.u32 s0, $0x2  }
.LBB3_38:
0x24d: {  	s2 =	simm.s32 $0x5  }
0x24e: {  	_ =	swait.ge [sflag:s2], s0  }
0x24f: {  	s31 =	ssub.s32 $0x0, s0;
	[sflag:s2] =	ssyncset.done $0x0  }
0x250: {  	[sflag:s2] =	ssyncadd.s32 s31  }
0x251: {  	[sflag:s2] =	ssyncpa.u1 $0x1  }
.LBB3_39:
0x252: {  	s0 =	sor.u32 s15, s16  }
0x253: {  	p1 =	sne.s32 s0, $0x0  }
.Ltmp35:
0x254: {  	_ = 	snop;
	(pc) =	sbr.rel @p1 .LBB3_54-.Ltmp35, $3  }
0x255: {  	_ =	sdelay $0x1  }
0x256: {  	[bflag:$0x0] =	sbarrier.arrive $0xFFFF  }
0x257: {  	_ =	sfence  }
0x258: {  	s0 =	simm.s32 $0x7  }
0x259: {  	s2 =	simm.s32 $0x1000;
	s3 =	simm.s32 $0xF218;
	[sflag:s0] =	ssyncpa.u1 $0x0  }
0x25a: {  	[tilespmem:s3], [sflag:$0x7] =	stream.linear.gather [spmem:s2], $0x20, $0x38;
	[tilespmem:$0x1F6F8] =	vst v63  }
0x25b: {  	s30 =	simm.s32 $0xF238;
	s2 =	simm.s32 $0x0  }
0x25c: {  	[tilespmem:s30], [sflag:$0x7] =	stream.linear.gather [spmem:s2], $0x1000, $0x38;
	[tilespmem:$0x1F6F8] =	vst v63  }
.Ltmp36:
0x25d: {  	_ = 	snop;
	(pc) =	sbr.rel .LBB3_41-.Ltmp36, $4  }
0x25e: {  	_ =	swait.ge [sflag:s0], $0x1020  }
0x25f: {  	[sflag:s0] =	ssyncset.done $0x0  }
0x260: {  	s31 =	simm.s32 $0x8;
	[sflag:s0] =	ssyncadd.s32 $0xFFFFEFE0  }
0x261: {  	s3 =	simm.s32 $0x0;
	[sflag:s31] =	ssyncpa.u1 $0x0  }
.LBB3_47:
0x262: {  	p1 =	slt.u32 s4, $0xC3FF1  }
0x263: {  	s0 =	sand.u32 @p1 $0xFFFF8, s4  }
0x264: {  	s4 =	sand.u32 @p1 $0x7, s4;
	s5 =	simm.s32 @p1 $0xF188;
	s0 =	sadd.s32 @p1 s1, s0  }
0x265: {  	[tilespmem:s5], [sflag:$0x8] =	stream.linear.gather @p1 [hbm4b:s0+s4], $0x80, $0x38;
	[tilespmem:$0x1F6F8] =	vst v63  }
0x266: {  	s0 =	simm.s32 @p1 $0x8  }
0x267: {  	_ =	swait.ge @p1 [sflag:s0], $0x80  }
0x268: {  	[sflag:s0] =	ssyncset.done @p1 $0x0  }
0x269: {  	[sflag:s0] =	ssyncadd.s32 @p1 $0xFFFFFF80  }
0x26a: {  	v1 =	vld @p1 [tilespmem:$0xF188];
	_ =	sdelay $0x2  }
0x26b: {  	s0 =	sshll.u32 @p1 s3, $0x9  }
0x26c: {  	s4 =	sshrl.u32 @p1 s0, $0x2  }
0x26d: {  	[tilespmem:s4+$0xF238] =	vst.add.f32.msk @p1 $0xffff, v1  }
0x26e: {  	v1 =	vld @p1 [tilespmem:$0xF198];
	_ =	sdelay $0x4  }
0x26f: {  	[tilespmem:s4+$0xF248] =	vst.add.f32.msk @p1 $0xffff, v1  }
0x270: {  	v1 =	vld @p1 [tilespmem:$0xF1A8];
	_ =	sdelay $0x4  }
0x271: {  	[tilespmem:s4+$0xF258] =	vst.add.f32.msk @p1 $0xffff, v1  }
0x272: {  	v1 =	vld @p1 [tilespmem:$0xF1B8];
	_ =	sdelay $0x4  }
0x273: {  	[tilespmem:s4+$0xF268] =	vst.add.f32.msk @p1 $0xffff, v1  }
0x274: {  	v1 =	vld @p1 [tilespmem:$0xF1C8];
	_ =	sdelay $0x4  }
0x275: {  	[tilespmem:s4+$0xF278] =	vst.add.f32.msk @p1 $0xffff, v1  }
0x276: {  	v1 =	vld @p1 [tilespmem:$0xF1D8];
	_ =	sdelay $0x4  }
0x277: {  	[tilespmem:s4+$0xF288] =	vst.add.f32.msk @p1 $0xffff, v1  }
0x278: {  	v1 =	vld @p1 [tilespmem:$0xF1E8];
	_ =	sdelay $0x4  }
0x279: {  	[tilespmem:s4+$0xF298] =	vst.add.f32.msk @p1 $0xffff, v1  }
0x27a: {  	v1 =	vld @p1 [tilespmem:$0xF1F8];
	_ =	sdelay $0x3  }
0x27b: {  	s5 =	sshll.u32 @!p1 s3, $0x9  }
0x27c: {  	s5 =	smov.u32 @p1 s0;
	[tilespmem:s4+$0xF2A8] =	vst.add.f32.msk @p1 $0xffff, v1  }
0x27d: {  	s0 =	sshrl.u32 s5, $0x2;
	[tilespmem:s2+$0xF218] =	vst.msk $0x1, v0  }
0x27e: {  	v0 =	vld [tilespmem:s0+$0xF238];
	_ =	sdelay $0x2  }
0x27f: {  	s31 =	sshll.u32 s2, $0x9  }
0x280: {  	s4 =	sshra.s32 s31, $0x2  }
0x281: {  	[tilespmem:s4+$0xF238] =	vst v0  }
0x282: {  	v0 =	vld [tilespmem:s0+$0xF248];
	_ =	sdelay $0x4  }
0x283: {  	[tilespmem:s4+$0xF248] =	vst v0  }
0x284: {  	v0 =	vld [tilespmem:s0+$0xF258];
	_ =	sdelay $0x4  }
0x285: {  	[tilespmem:s4+$0xF258] =	vst v0  }
0x286: {  	v0 =	vld [tilespmem:s0+$0xF268];
	_ =	sdelay $0x4  }
0x287: {  	[tilespmem:s4+$0xF268] =	vst v0  }
0x288: {  	v0 =	vld [tilespmem:s0+$0xF278];
	_ =	sdelay $0x4  }
0x289: {  	[tilespmem:s4+$0xF278] =	vst v0  }
0x28a: {  	v0 =	vld [tilespmem:s0+$0xF288];
	_ =	sdelay $0x4  }
0x28b: {  	[tilespmem:s4+$0xF288] =	vst v0  }
0x28c: {  	v0 =	vld [tilespmem:s0+$0xF298];
	_ =	sdelay $0x4  }
0x28d: {  	[tilespmem:s4+$0xF298] =	vst v0  }
0x28e: {  	v0 =	vld [tilespmem:s0+$0xF2A8];
	_ =	sdelay $0x4  }
0x28f: {  	s2 =	sadd.s32 $0x1, s2;
	[tilespmem:s4+$0xF2A8] =	vst v0  }
.LBB3_48:
0x290: {  	s3 =	sadd.s32 $0x1, s3  }
0x291: {  	p1 =	sne.s32 s3, $0x20  }
.Ltmp37:
0x292: {  	_ = 	snop;
	(pc) =	sbr.rel @!p1 .LBB3_49-.Ltmp37, $1  }
0x293: {  	_ =	sdelay $0x3  }
.LBB3_41:
0x294: {  	v0 =	vld.msk [tilespmem:s3+$0xF218], $0x1;
	_ =	sdelay $0x4  }
0x295: {  	(v2sf) =	vpush v0, $0x0;
	_ =	sdelay $0xe  }
0x296: {  	s4 =	spop (v2sf)  }
0x297: {  	p1 =	seq.s32 s4, $0xFFFFFFFF  }
.Ltmp38:
0x298: {  	_ = 	snop;
	(pc) =	sbr.rel @p1 .LBB3_48-.Ltmp38, $1  }
0x299: {  	_ =	sdelay $0x3  }
0x29a: {  	p1 =	slt.s32 s2, $0x1  }
.Ltmp39:
0x29b: {  	_ = 	snop;
	(pc) =	sbr.rel @p1 .LBB3_47-.Ltmp39, $1  }
0x29c: {  	_ =	sdelay $0x3  }
0x29d: {  	s5 =	simm.s32 $0xF218;
	p1 =	por $0x0, $0x0  }
0x29e: {  	v1 =	vld.msk @!p1 [tilespmem:s5+$0x0], $0x1;
	_ =	sdelay $0x4  }
0x29f: {  	(v2sf) =	vpush @!p1 v1, $0x0;
	_ =	sdelay $0xd  }
0x2a0: {  	p3 =	sne.s32 s2, $0x1  }
.Ltmp40:
0x2a1: {  	s0 =	spop @!p1 (v2sf);
	(pc) =	sbr.rel @!p3 .LBB3_45-.Ltmp40, $4  }
0x2a2: {  	p2 =	seq.s32 @!p1 s4, s0  }
0x2a3: {  	s6 =	simm.s32 $0x0;
	p2 =	por !p2, p1  }
0x2a4: {  	s7 =	simm.s32 $0xFFFFFFFF;
	s6 =	simm.s32 @p2 $0xFFFFFFFF  }
0x2a5: {  	s0 =	simm.s32 $0x1;
	s6 =	smov.u32 @p1 s7  }
.LBB3_44:
0x2a6: {  	s7 =	smov.u32 s6;
	p1 =	sne.s32 s6, $0xFFFFFFFF  }
0x2a7: {  	s5 =	sadd.s32 $0x1, s5;
	s6 =	smov.u32 s0;
	s0 =	sadd.s32 $0x1, s0  }
0x2a8: {  	p2 =	sne.s32 s2, s0;
	v1 =	vld.msk @!p1 [tilespmem:s5+$0x0], $0x1;
	_ =	sdelay $0x4  }
0x2a9: {  	(v2sf) =	vpush @!p1 v1, $0x0;
	_ =	sdelay $0xe  }
.Ltmp41:
0x2aa: {  	s8 =	spop @!p1 (v2sf);
	(pc) =	sbr.rel @p2 .LBB3_44-.Ltmp41, $4  }
0x2ab: {  	p3 =	seq.s32 @!p1 s4, s8  }
0x2ac: {  	p3 =	por !p3, p1  }
0x2ad: {  	s6 =	simm.s32 @p3 $0xFFFFFFFF  }
0x2ae: {  	s6 =	smov.u32 @p1 s7  }
.LBB3_45:
0x2af: {  	p1 =	seq.s32 s6, $0xFFFFFFFF  }
.Ltmp42:
0x2b0: {  	_ = 	snop;
	(pc) =	sbr.rel @p1 .LBB3_47-.Ltmp42, $1  }
0x2b1: {  	_ =	sdelay $0x3  }
0x2b2: {  	s0 =	sshll.u32 s3, $0x7  }
0x2b3: {  	s0 =	sand.u32 $0x3FFFFF80, s0  }
0x2b4: {  	v0 =	vld [tilespmem:s0+$0xF238];
	_ =	sdelay $0x2  }
0x2b5: {  	s4 =	sshll.u32 s6, $0x9  }
0x2b6: {  	s4 =	sshra.s32 s4, $0x2  }
0x2b7: {  	[tilespmem:s4+$0xF238] =	vst.add.f32.msk $0xffff, v0  }
0x2b8: {  	v0 =	vld [tilespmem:s0+$0xF248];
	_ =	sdelay $0x4  }
0x2b9: {  	[tilespmem:s4+$0xF248] =	vst.add.f32.msk $0xffff, v0  }
0x2ba: {  	v0 =	vld [tilespmem:s0+$0xF258];
	_ =	sdelay $0x4  }
0x2bb: {  	[tilespmem:s4+$0xF258] =	vst.add.f32.msk $0xffff, v0  }
0x2bc: {  	v0 =	vld [tilespmem:s0+$0xF268];
	_ =	sdelay $0x4  }
0x2bd: {  	[tilespmem:s4+$0xF268] =	vst.add.f32.msk $0xffff, v0  }
0x2be: {  	v0 =	vld [tilespmem:s0+$0xF278];
	_ =	sdelay $0x4  }
0x2bf: {  	[tilespmem:s4+$0xF278] =	vst.add.f32.msk $0xffff, v0  }
0x2c0: {  	v0 =	vld [tilespmem:s0+$0xF288];
	_ =	sdelay $0x4  }
0x2c1: {  	[tilespmem:s4+$0xF288] =	vst.add.f32.msk $0xffff, v0  }
0x2c2: {  	v0 =	vld [tilespmem:s0+$0xF298];
	_ =	sdelay $0x4  }
0x2c3: {  	[tilespmem:s4+$0xF298] =	vst.add.f32.msk $0xffff, v0  }
0x2c4: {  	v0 =	vld [tilespmem:s0+$0xF2A8]  }
.Ltmp43:
0x2c5: {  	_ = 	snop;
	(pc) =	sbr.rel .LBB3_48-.Ltmp43, $2  }
0x2c6: {  	_ =	sdelay $0x2  }
0x2c7: {  	[tilespmem:s4+$0xF2A8] =	vst.add.f32.msk $0xffff, v0  }
.LBB3_49:
0x2c8: {  	p1 =	slt.s32 s2, $0x1  }
.Ltmp44:
0x2c9: {  	_ = 	snop;
	(pc) =	sbr.rel @p1 .LBB3_53-.Ltmp44, $3  }
0x2ca: {  	_ =	sdelay $0x1  }
0x2cb: {  	s0 =	simm.s32 $0x8  }
0x2cc: {  	s3 =	simm.s32 $0x0;
	[sflag:s0] =	ssyncpa.u1 $0x1  }
0x2cd: {  	s0 =	simm.s32 $0xF218  }
0x2ce: {  	v0 =	vld.msk [tilespmem:s0+$0x0], $0x1;
	_ =	sdelay $0x4  }
0x2cf: {  	(v2sf) =	vpush v0, $0x0;
	_ =	sdelay $0xe  }
0x2d0: {  	s0 =	sadd.s32 $0xFFFFFFFF, s2;
	s5 =	spop (v2sf)  }
0x2d1: {  	p2 =	sne.s32 s0, $0x0;
	p1 =	sgt.u32 s5, $0xC3FF0  }
.Ltmp45:
0x2d2: {  	s6 =	sand.u32 @!p1 $0xFFFF8, s5;
	(pc) =	sbr.rel @!p2 .LBB3_52-.Ltmp45, $4  }
0x2d3: {  	s4 =	simm.s32 $0xF238;
	s5 =	sand.u32 @!p1 $0x7, s5;
	s2 =	sadd.s32 @!p1 s1, s6  }
0x2d4: {  	[hbm4b:s2+s5] =	stream.linear.scatter @!p1 [tilespmem:s4], [sflag:$0x7], $0x80, $0x38;
	[tilespmem:$0x1F6F8] =	vst v63  }
0x2d5: {  	s5 =	simm.s32 $0x0  }
0x2d6: {  	s2 =	simm.s32 $0xF219;
	s5 =	simm.s32 @!p1 $0x200  }
.LBB3_51:
0x2d7: {  	v0 =	vld.msk [tilespmem:s2+$0x0], $0x1;
	s0 =	sadd.s32 $0xFFFFFFFF, s0;
	s3 =	sadd.s32 s3, s5  }
0x2d8: {  	p1 =	sne.s32 s0, $0x0;
	_ =	sdelay $0x3  }
0x2d9: {  	(v2sf) =	vpush v0, $0x0;
	_ =	sdelay $0xe  }
.Ltmp46:
0x2da: {  	s6 =	spop (v2sf);
	(pc) =	sbr.rel @p1 .LBB3_51-.Ltmp46, $4  }
0x2db: {  	s5 =	simm.s32 $0x0;
	p2 =	sgt.u32 s6, $0xC3FF0  }
0x2dc: {  	s4 =	sadd.s32 $0x80, s4;
	s5 =	simm.s32 @!p2 $0x200;
	s7 =	sand.u32 @!p2 $0xFFFF8, s6  }
0x2dd: {  	s2 =	sadd.s32 $0x1, s2;
	s6 =	sand.u32 @!p2 $0x7, s6;
	s7 =	sadd.s32 @!p2 s1, s7  }
0x2de: {  	[hbm4b:s7+s6] =	stream.linear.scatter @!p2 [tilespmem:s4], [sflag:$0x7], $0x80, $0x38;
	[tilespmem:$0x1F6F8] =	vst v63  }
.LBB3_52:
0x2df: {  	s0 =	sadd.s32 s3, s5  }
0x2e0: {  	s3 =	sshrl.u32 s0, $0x2  }
.LBB3_53:
0x2e1: {  	s0 =	simm.s32 $0x7  }
0x2e2: {  	_ =	swait.ge [sflag:s0], s3  }
0x2e3: {  	s1 =	ssub.s32 $0x0, s3;
	[sflag:s0] =	ssyncset.done $0x0  }
0x2e4: {  	[sflag:s0] =	ssyncadd.s32 s1  }
0x2e5: {  	[sflag:s0] =	ssyncpa.u1 $0x1  }
.LBB3_54:
0x2e6: {  	_ =	sfence;
	s0 =	simm.s32 $0x1  }
0x2e7: {  	[sflag:s0] =	ssyncpa.u1 $0x1  }
0x2e8: {  	_ =	strace $0x9000004D  }
0x2e9: {  	[bflag:$0x2] =	sbarrier.arrive $0xFFFF  }
0x2ea: {  	s0 =	rddreg [dreg:$0x3]  }
0x2eb: {  	s0 =	sadd.s32 @!p0 $0x100000, s0  }
0x2ec: {  	[sflag:s0] =	ssyncadd.tile.s32 @!p0 $0x1;
	_ =	shalt  }
.Lfunc_end3:
_tile_overlayer_lowered:
.L_overlay_start_3:
0x2ed: {  	(tag) =	ssettag $0x3  }
0x2ee: {  	s0 =	rddreg [dreg:$0x0];
	s2 =	stileid.u32  }
0x2ef: {  	s1 =	rddreg [dreg:$0x1];
	p0 =	sne.s32 s2, $0x0  }
0x2f0: {  	s3 =	rddreg [dreg:$0x2];
	[bflag:$0x3] =	sbarrier.arrive $0xFFFF;
	s2 =	simm.s32 @!p0 $0x1C01  }
0x2f1: {  	[timem:s3], [sflag:s2] =	dma.local @!p0 [hbm:s0], s1  }
0x2f2: {  	s0 =	simm.s32 @!p0 $0x1  }
0x2f3: {  	_ =	swait.ge @!p0 [sflag:s0], s1  }
0x2f4: {  	s1 =	ssub.s32 @!p0 $0x0, s1;
	[sflag:s0] =	ssyncset.done @!p0 $0x0  }
0x2f5: {  	[sflag:s0] =	ssyncadd.s32 @!p0 s1  }
0x2f6: {  	[bflag:$0x3] =	sbarrier.arrive $0xFFFF  }
0x2f7: {  	_ =	shalt  }

// kernel: scatter_offload_async_start.2
scs
__scs_entry_jumppad:
0x0: {  	(pc) =	sbr.rel $0x88, $3  }
0x1: {  	(tag) =	ssettag $0x0;
	lr =	simm.s32 $0x1  }
0x2: {  	[smem:$0x3F96] =	sst lr;
	_ =	strace $0xD0000000  }
0x3: {  	_ = 	snop  }
0x4: {  	_ = 	snop  }
0x5: {  	_ = 	snop  }
0x6: {  	_ = 	snop  }
0x7: {  	_ = 	snop  }
__scs_overlays_trampoline_lowered:
0x8: {  	[smem:$0x3FA5] =	sst s0  }
0x9: {  	[smem:$0x3FA6] =	sst s1  }
0xa: {  	[smem:$0x3FA7] =	sst s2  }
0xb: {  	[smem:$0x3FA8] =	sst s3  }
0xc: {  	[smem:$0x3FA9] =	sst s4  }
0xd: {  	[smem:$0x3FAA] =	sst s5  }
0xe: {  	[smem:$0x3FAB] =	sst s6  }
0xf: {  	[smem:$0x3FAC] =	sst s7  }
0x10: {  	[smem:$0x3FAD] =	sst s8  }
0x11: {  	[smem:$0x3FAE] =	sst s9;
	s0 =	simm.s32 @!p0 $0x0  }
0x12: {  	s1 =	sld [smem:$0x3F94];
	s0 =	simm.s32 @p0 $0x1  }
0x13: {  	[smem:$0x3FAF] =	sst s0;
	s0 =	simm.s32 @!p1 $0x0  }
0x14: {  	s2 =	sld [smem:$0x3F93];
	s0 =	simm.s32 @p1 $0x1  }
0x15: {  	[smem:$0x3FB0] =	sst s0;
	s0 =	simm.s32 @!p2 $0x0  }
0x16: {  	s3 =	sld [smem:$0x3FDB];
	s0 =	simm.s32 @p2 $0x1  }
0x17: {  	s4 =	simm.s32 $0x1BF5;
	[smem:$0x3FB2] =	sst s0  }
0x18: {  	s0 =	sld [smem:$0x3F95];
	_ =	swait.ge [sflag:s4], $0x0  }
0x19: {  	s7 =	sld [smem:$0x3F96]  }
0x1a: {  	s8 =	sadd.s32 $0xFFFFE003, lr  }
0x1b: {  	s9 =	sadd.s32 $0xFFFFFEF7, lr;
	s5 =	simm.s32 $0xFFFFFFFF;
	p2 =	slt.u32 s8, $0xFFFFF086  }
0x1c: {  	p1 =	slt.u32 s9, $0xF7A;
	s5 =	simm.s32 @!p2 $0x0  }
0x1d: {  	s5 =	simm.s32 @p1 $0x1;
	p0 =	seq.s32 s7, s2  }
0x1e: {  	s7 =	smul.u32 @!p0 $0xF7A, s2;
	p2 =	seq.s32 @!p0 s5, $0x0  }
0x1f: {  	s9 =	smul.u32 $0xF7A, s1;
	s8 =	simm.s32 @!p0 $0x1BF5;
	p2 =	por !p2, p0  }
0x20: {  	[sflag:s8] =	ssyncset.s32 @!p0 $0xFFFFF086;
	s6 =	sadd.s32 @!p0 s3, s7;
	s7 =	simm.s32 @!p0 $0x108  }
0x21: {  	s3 =	sadd.s32 s3, s9;
	s6 =	sadd.s32 @!p0 $0x88, s6;
	s7 =	simm.s32 @p2 $0x1082  }
0x22: {  	[simem:s7], [sflag:s8] =	dma.local @!p0 [hbm:s6], $0xF7A  }
0x23: {  	s9 =	sor.u32 $0xD0000000, s2;
	s6 =	simm.s32 $0x108;
	_ =	swait.ge @!p0 [sflag:s8], $0x0  }
0x24: {  	s3 =	sadd.s32 $0x88, s3;
	s6 =	simm.s32 @!p1 $0x1082;
	[sflag:s4] =	ssyncset.s32 $0xFFFFF086  }
0x25: {  	[simem:s6], [sflag:s4] =	dma.local [hbm:s3], $0xF7A  }
0x26: {  	[smem:$0x3F96] =	sst s1;
	(tag) =	ssettag s2;
	_ =	strace s9  }
0x27: {  	s1 =	sld [smem:$0x3FA6]  }
0x28: {  	s2 =	sld [smem:$0x3FA7]  }
0x29: {  	s4 =	sld [smem:$0x3FA9]  }
0x2a: {  	p0 =	seq.s32 s5, $0x0;
	s5 =	sld [smem:$0x3FAA]  }
0x2b: {  	s6 =	sld [smem:$0x3FAB]  }
0x2c: {  	s7 =	sld [smem:$0x3FAC]  }
0x2d: {  	s3 =	simm.s32 $0x108;
	s8 =	sld [smem:$0x3FAD]  }
0x2e: {  	s3 =	simm.s32 @!p0 $0x1082;
	s9 =	sld [smem:$0x3FAE]  }
0x2f: {  	lr =	sadd.s32 s0, s3;
	s0 =	sld [smem:$0x3FA5]  }
0x30: {  	s3 =	sld [smem:$0x3FA8]  }
0x31: {  	[smem:$0x3FB1] =	sst s10  }
0x32: {  	s10 =	sld [smem:$0x3FAF];
	_ =	sdelay $0x3  }
0x33: {  	p0 =	seq.s32 s10, $0x1;
	s10 =	sld [smem:$0x3FB1];
	_ =	sdelay $0x3  }
0x34: {  	[smem:$0x3FB1] =	sst s10  }
0x35: {  	s10 =	sld [smem:$0x3FB0];
	_ =	sdelay $0x3  }
0x36: {  	p1 =	seq.s32 s10, $0x1;
	s10 =	sld [smem:$0x3FB1];
	_ =	sdelay $0x3  }
0x37: {  	[smem:$0x3FB1] =	sst s10  }
0x38: {  	s10 =	sld [smem:$0x3FB2]  }
0x39: {  	_ = 	snop;
	(pc) =	sbr.ind lr, $3  }
0x3a: {  	_ = 	snop  }
0x3b: {  	_ = 	snop  }
0x3c: {  	p2 =	seq.s32 s10, $0x1;
	s10 =	sld [smem:$0x3FB1]  }
0x3d: {  	_ =	shalt  }
0x3e: {  	_ =	shalt  }
0x3f: {  	_ =	shalt  }
0x40: {  	_ =	shalt  }
0x41: {  	_ =	shalt  }
0x42: {  	_ =	shalt  }
0x43: {  	_ =	shalt  }
0x44: {  	_ =	shalt  }
0x45: {  	_ =	shalt  }
0x46: {  	_ =	shalt  }
0x47: {  	_ =	shalt  }
0x48: {  	_ =	shalt  }
0x49: {  	_ =	shalt  }
0x4a: {  	_ =	shalt  }
0x4b: {  	_ =	shalt  }
0x4c: {  	_ =	shalt  }
0x4d: {  	_ =	shalt  }
0x4e: {  	_ =	shalt  }
0x4f: {  	_ =	shalt  }
0x50: {  	_ =	shalt  }
0x51: {  	_ =	shalt  }
0x52: {  	_ =	shalt  }
0x53: {  	_ =	shalt  }
0x54: {  	_ =	shalt  }
0x55: {  	_ =	shalt  }
0x56: {  	_ =	shalt  }
0x57: {  	_ =	shalt  }
0x58: {  	_ =	shalt  }
0x59: {  	_ =	shalt  }
0x5a: {  	_ =	shalt  }
0x5b: {  	_ =	shalt  }
0x5c: {  	_ =	shalt  }
0x5d: {  	_ =	shalt  }
0x5e: {  	_ =	shalt  }
0x5f: {  	_ =	shalt  }
0x60: {  	_ =	shalt  }
0x61: {  	_ =	shalt  }
0x62: {  	_ =	shalt  }
0x63: {  	_ =	shalt  }
0x64: {  	_ =	shalt  }
0x65: {  	_ =	shalt  }
0x66: {  	_ =	shalt  }
0x67: {  	_ =	shalt  }
0x68: {  	_ =	shalt  }
0x69: {  	_ =	shalt  }
0x6a: {  	_ =	shalt  }
0x6b: {  	_ =	shalt  }
0x6c: {  	_ =	shalt  }
0x6d: {  	_ =	shalt  }
0x6e: {  	_ =	shalt  }
0x6f: {  	_ =	shalt  }
0x70: {  	_ =	shalt  }
0x71: {  	_ =	shalt  }
0x72: {  	_ =	shalt  }
0x73: {  	_ =	shalt  }
0x74: {  	_ =	shalt  }
0x75: {  	_ =	shalt  }
0x76: {  	_ =	shalt  }
0x77: {  	_ =	shalt  }
0x78: {  	_ =	shalt  }
0x79: {  	_ =	shalt  }
0x7a: {  	_ =	shalt  }
0x7b: {  	_ =	shalt  }
0x7c: {  	_ =	shalt  }
0x7d: {  	_ =	shalt  }
0x7e: {  	_ =	shalt  }
0x7f: {  	_ =	shalt  }
0x80: {  	_ =	shalt  }
0x81: {  	_ =	shalt  }
0x82: {  	_ =	shalt  }
0x83: {  	_ =	shalt  }
0x84: {  	_ =	shalt  }
0x85: {  	_ =	shalt  }
0x86: {  	_ =	shalt  }
0x87: {  	_ =	shalt  }
.Lfunc_end0:
.L_simem_size_0:
called_computation.2_lowered:
.L_overlay_start_0:
0x88: {  	s2 =	sld [smem:$0x3FD9]  }
0x89: {  	s3 =	sld [smem:$0x3FFE];
	_ =	sdelay $0x1  }
0x8a: {  	s1 =	srdreg.scid  }
0x8b: {  	s0 =	sand.u32 $0x1, s1  }
0x8c: {  	s12 =	sshll.u32 s0, $0xA;
	s2 =	sadd.s32 s3, s2  }
0x8d: {  	s2 =	sadd.s32 s2, s12  }
0x8e: {  	[smem:$0x3FBD] =	sst s2  }
0x8f: {  	_ = 	snop  }
0x90: {  	(tm) =	ssettm $0x1  }
0x91: {  	s13 =	sld [smem:$0x3FFB];
	_ =	sdelay $0x3  }
0x92: {  	_ =	strace s13  }
0x93: {  	s2 =	sld [smem:$0x3FFC];
	_ =	sdelay $0x3  }
0x94: {  	_ =	strace s2  }
0x95: {  	s2 =	sld [smem:$0x3FFD];
	_ =	sdelay $0x3  }
0x96: {  	_ =	strace s2  }
0x97: {  	_ =	strace $0x8FFFFFFF  }
0x98: {  	s14 =	sld [smem:$0x3FDB];
	_ =	sdelay $0x1  }
0x99: {  	s15 =	simm.s32 $_scs_section_size  }
0x9a: {  	s4 =	simm.s32 $_size__tile_overlayer_lowered;
	s5 =	simm.s32 $_tile_overlayer_lowered  }
0x9b: {  	s19 =	simm.s32 $0x1BFF;
	s17 =	sshll.u32 s5, $0x1;
	s6 =	sadd.s32 s15, s14  }
0x9c: {  	s20 =	simm.s32 $0x0;
	s16 =	sshll.u32 s4, $0x1;
	s18 =	sadd.s32 s17, s6  }
0x9d: {  	[timem:s20], [sflag:s19] =	dma.local [hbm:s18], s16  }
0x9e: {  	_ =	swait.ge [sflag:s19], s16  }
0x9f: {  	s3 =	ssub.s32 $0x0, s16;
	[sflag:s19] =	ssyncset.done $0x0  }
0xa0: {  	[sflag:s19] =	ssyncadd.s32 s3;
	_ =	sdelay $0x1  }
0xa1: {  	s21 =	simm.s32 $0x1B8B  }
0xa2: {  	_ =	swait.ge [sflag:s21], $0x1  }
0xa3: {  	[sflag:s21] =	ssyncset.done $0x0  }
0xa4: {  	[sflag:s21] =	ssyncadd.s32 $0xFFFFFFFF  }
0xa5: {  	s3 =	sld [smem:$0x0]  }
0xa6: {  	s4 =	sand.u32 $0xFFFFFFFE, s1  }
0xa7: {  	p0 =	sne.s32 s1, s4  }
0xa8: {  	s4 =	sshll.u32 @p0 s4, $0xE  }
0xa9: {  	s5 =	sadd.s32 @p0 $0x11B8D, s4;
	s7 =	sshll.u32 @p0 s3, $0x11  }
0xaa: {  	s5 =	sor.u32 @p0 s7, s5  }
0xab: {  	[sflag:s5] =	ssyncadd.remote.s32 @p0 $0x1;
	_ =	sdelay $0x1  }
0xac: {  	s5 =	simm.s32 @p0 $0x1B8D  }
0xad: {  	_ =	swait.eq @p0 [sflag:s5], $0x1  }
0xae: {  	[sflag:s5] =	ssyncadd.s32 @p0 $0xFFFFFFFF  }
0xaf: {  	s7 =	sshll.u32 @!p0 s1, $0xE  }
0xb0: {  	s7 =	sor.u32 @!p0 $0x4000, s7;
	s5 =	simm.s32 @!p0 $0x1B8D  }
0xb1: {  	s9 =	sshll.u32 @!p0 s3, $0x11;
	s8 =	sadd.s32 @!p0 $0x11B8D, s7;
	_ =	swait.eq @!p0 [sflag:s5], $0x1  }
0xb2: {  	[sflag:s5] =	ssyncadd.s32 @!p0 $0xFFFFFFFF;
	s5 =	sor.u32 @!p0 s9, s8  }
0xb3: {  	s23 =	simm.s32 $0x1B8E;
	s22 =	sld [smem:$0x3FFE];
	[sflag:s5] =	ssyncadd.remote.s32 @!p0 $0x1  }
0xb4: {  	s24 =	simm.s32 $execute0_lowered;
	[smem:$0x3FD2] =	sst s23  }
0xb5: {  	s8 =	sshll.u32 s24, $0x1;
	_ =	strace $0x80000055;
	[dreg:$0x1] =	wrdreg $0xFFFFFFFF  }
0xb6: {  	s25 =	simm.s32 $_size_execute0_lowered;
	s8 =	sadd.s32 s6, s8;
	[dreg:$0x0] =	wrdreg $0x0  }
0xb7: {  	s9 =	sshll.u32 s25, $0x1;
	[dreg:$0x2] =	wrdreg s8  }
0xb8: {  	[dreg:$0x3] =	wrdreg s9  }
0xb9: {  	[dreg:$0x4] =	wrdreg $0xC0  }
0xba: {  	s26 =	simm.s32 $execute1_lowered;
	_ =	task [dreg:s20], $0x5FFFF  }
0xbb: {  	s8 =	sshll.u32 s26, $0x1;
	[dreg:$0x1] =	wrdreg $0xFFFFFFFF  }
0xbc: {  	s6 =	sadd.s32 s6, s8;
	[dreg:$0x0] =	wrdreg $0x60  }
0xbd: {  	[dreg:$0x2] =	wrdreg s6  }
0xbe: {  	[dreg:$0x3] =	wrdreg s22  }
0xbf: {  	[dreg:$0x4] =	wrdreg $0xD  }
0xc0: {  	_ =	task.clear_ibuf [dreg:s20], $0x5FFFF;
	_ =	strace $0x90000055  }
0xc1: {  	s28 =	simm.s32 $0xD;
	_ =	strace $0x80000057  }
0xc2: {  	_ =	swait.ge [sflag:s28], $0x1  }
0xc3: {  	[sflag:s28] =	ssyncadd.s32 $0xFFFFFFFF  }
0xc4: {  	_ =	strace $0x90000057  }
0xc5: {  	s6 =	sld [smem:$0x0];
	_ =	sdelay $0x3  }
0xc6: {  	s4 =	sadd.s32 @p0 $0x11BF3, s4;
	s8 =	sshll.u32 @p0 s6, $0x11  }
0xc7: {  	s4 =	sor.u32 @p0 s8, s4  }
0xc8: {  	[sflag:s4] =	ssyncadd.remote.s32 @p0 $0x1;
	_ =	sdelay $0x1  }
0xc9: {  	s4 =	simm.s32 @p0 $0x1BF3  }
0xca: {  	_ =	swait.eq @p0 [sflag:s4], $0x1  }
0xcb: {  	[sflag:s4] =	ssyncadd.s32 @p0 $0xFFFFFFFF;
	_ =	sdelay $0x1  }
0xcc: {  	s4 =	simm.s32 @!p0 $0x1BF3  }
0xcd: {  	s7 =	sadd.s32 @!p0 $0x11BF3, s7;
	s6 =	sshll.u32 @!p0 s6, $0x11;
	_ =	swait.eq @!p0 [sflag:s4], $0x1  }
0xce: {  	[sflag:s4] =	ssyncadd.s32 @!p0 $0xFFFFFFFF;
	s4 =	sor.u32 @!p0 s6, s7  }
0xcf: {  	[sflag:s4] =	ssyncadd.remote.s32 @!p0 $0x1  }
0xd0: {  	_ =	strace $0x80000058;
	[dreg:$0x1] =	wrdreg $0xFFFFFFFF  }
0xd1: {  	[dreg:$0x0] =	wrdreg $0x2030  }
0xd2: {  	[dreg:$0x2] =	wrdreg s22  }
0xd3: {  	[dreg:$0x3] =	wrdreg s1  }
0xd4: {  	[dreg:$0x4] =	wrdreg s3  }
0xd5: {  	[dreg:$0x5] =	wrdreg $0xE  }
0xd6: {  	_ =	task.clear_ibuf [dreg:s20], $0x6FFFF;
	_ =	strace $0x90000058  }
0xd7: {  	s29 =	simm.s32 $0xE;
	_ =	strace $0x8000005A  }
0xd8: {  	_ =	swait.ge [sflag:s29], $0x1  }
0xd9: {  	[sflag:s29] =	ssyncadd.s32 $0xFFFFFFFF  }
0xda: {  	_ =	strace $0x9000005A  }
0xdb: {  	_ =	sfence  }
0xdc: {  	s30 =	sld [smem:$0x0];
	_ =	sdelay $0x2  }
0xdd: {  	s31 =	sshll.u32 s1, $0xD;
	s1 =	sshrl.u32 s1, $0x2  }
0xde: {  	s4 =	sand.u32 $0x4000, s31;
	s1 =	sadd.s32 s1, s30  }
0xdf: {  	s0 =	sor.u32 s4, s0;
	s1 =	sshll.u32 s1, $0x11  }
0xe0: {  	s0 =	sor.u32 s1, s0  }
0xe1: {  	s0 =	sadd.s32 $0x8F2B, s0  }
0xe2: {  	[sflag:s0] =	ssyncadd.remote.s32 $0x1  }
0xe3: {  	_ =	sfence.sel $0xFFFF  }
0xe4: {  	[dreg:$0x0] =	wrdreg $0xFFFFFFFF;
	(pc) =	sbr.abs _section_cstart, $3  }
0xe5: {  	[dreg:$0x1] =	wrdreg $0xFFFFFFFF  }
0xe6: {  	_ =	task.clear_ibuf [dreg:s20], $0x2FFFF;
	_ =	strace $0x9FFFFFFF  }
0xe7: {  	(tm) =	ssettm $0x7FFFFFFF  }
tec
execute0_lowered:
.L_overlay_start_1:
0x0: {  	(tag) =	ssettag $0x1  }
0x1: {  	s2 =	rddreg [dreg:$0x0]  }
0x2: {  	s4 =	rddreg [dreg:$0x1]  }
0x3: {  	s0 =	rddreg [dreg:$0x2];
	s3 =	stileid.u32;
	[bflag:$0x3] =	sbarrier.arrive $0xFFFF  }
0x4: {  	s1 =	simm.s32 $_size_execute1_lowered;
	s29 =	srdreg.scid;
	p0 =	sne.s32 s3, $0x0  }
0x5: {  	s1 =	sshll.u32 s1, $0x1;
	s5 =	simm.s32 @!p0 $0x1C3F;
	s6 =	simm.s32 @!p0 $0x4060  }
0x6: {  	[timem:s6], [sflag:s5] =	dma.local @!p0 [hbm:s2], s1  }
0x7: {  	s2 =	sshll.u32 s29, $0x7  }
0x8: {  	s7 =	simm.s32 $0x1;
	s3 =	sshll.u32 s3, $0x8;
	s2 =	sand.u32 $0x80, s2  }
0x9: {  	s8 =	simm.s32 $0x2;
	s9 =	simm.s32 $0x0;
	s2 =	sor.u32 s3, s2  }
0xa: {  	s12 =	simm.s32 $0x0;
	s11 =	simm.s32 $0x0;
	s30 =	ssub.s32 $0xC400, s2  }
.Ltmp0:
0xb: {  	s5 =	simm.s32 $0x1;
	s31 =	sand.u32 $0xF80, s30;
	(pc) =	sbr.rel .LBB2_1-.Ltmp0, $4  }
0xc: {  	_ =	strace $0x80000056;
	s3 =	sadd.s32 $0x1EBDC00, s4;
	p1 =	sne.s32 s31, $0x0  }
0xd: {  	[sflag:s5] =	ssyncpa.u1 $0x0;
	s6 =	sshrl.u32 s30, $0xC;
	s7 =	simm.s32 @!p1 $0x0  }
0xe: {  	s4 =	sadd.s32 $0xF7C00, s4;
	[sflag:s8] =	ssyncpa.u1 $0x0;
	s6 =	sadd.s32 s7, s6  }
0xf: {  	s8 =	simm.s32 $0x0;
	s10 =	smov.u32 s2;
	s7 =	sadd.s32 $0x1, s6  }
.LBB2_4:
0x10: {  	_ =	sdelay $0x3  }
0x11: {  	[tilespmem:v0+s14+$0xFFFFFFA0 ss:$0x1] =	vst.idx.msk $0xffff, v6  }
0x12: {  	v56 =	vld.idx.msk [tilespmem:v1+s15+$0x30 ss:$0x1], $0xffff;
	[tilespmem:v0+s14+$0xFFFFFFB0 ss:$0x1] =	vst.idx.msk $0xffff, v4  }
0x13: {  	v57 =	vld.idx.msk [tilespmem:v1+s15+$0xFFFFFFC0 ss:$0x1], $0xffff;
	[tilespmem:v0+s14+$0xFFFFFFC0 ss:$0x1] =	vst.idx.msk $0xffff, v2  }
0x14: {  	v58 =	vld.idx.msk [tilespmem:v1+s15+$0xFFFFFFD0 ss:$0x1], $0xffff;
	[tilespmem:v0+s14+$0xFFFFFFD0 ss:$0x1] =	vst.idx.msk $0xffff, v3  }
0x15: {  	v59 =	vld.idx.msk [tilespmem:v1+s15+$0xFFFFFFE0 ss:$0x1], $0xffff;
	[tilespmem:v0+s14+$0xFFFFFFE0 ss:$0x1] =	vst.idx.msk $0xffff, v5  }
0x16: {  	v60 =	vld.idx.msk [tilespmem:v1+s15+$0xFFFFFFF0 ss:$0x1], $0xffff;
	[tilespmem:v0+s14+$0xFFFFFFF0 ss:$0x1] =	vst.idx.msk $0xffff, v7;
	s12 =	sand.u32 $0x1FFFFFF, s12  }
0x17: {  	v61 =	vld.idx.msk [tilespmem:v1+s15+$0x0 ss:$0x1], $0xffff;
	s31 =	smulhi.u32 $0x14E5E0B, s12;
	[tilespmem:v0+s15+$0x0 ss:$0x1] =	vst.idx.msk $0xffff, v56  }
0x18: {  	v62 =	vld.idx.msk [tilespmem:v1+s15+$0x10 ss:$0x1], $0xffff;
	[tilespmem:v0+s15+$0xFFFFFF90 ss:$0x1] =	vst.idx.msk $0xffff, v57  }
0x19: {  	v63 =	vld.idx.msk [tilespmem:v1+s15+$0x20 ss:$0x1], $0xffff;
	s14 =	sshrl.u32 s31, $0x8;
	[tilespmem:v0+s15+$0xFFFFFFA0 ss:$0x1] =	vst.idx.msk $0xffff, v58  }
0x1a: {  	s14 =	smul.u32 $0xC400, s14;
	[tilespmem:v0+s15+$0xFFFFFFB0 ss:$0x1] =	vst.idx.msk $0xffff, v59  }
0x1b: {  	[tilespmem:v0+s15+$0xFFFFFFC0 ss:$0x1] =	vst.idx.msk $0xffff, v60  }
0x1c: {  	[tilespmem:v0+s15+$0xFFFFFFD0 ss:$0x1] =	vst.idx.msk $0xffff, v61;
	s12 =	ssub.s32 s12, s14  }
0x1d: {  	[tilespmem:v0+s15+$0xFFFFFFE0 ss:$0x1] =	vst.idx.msk $0xffff, v62;
	s12 =	sshll.u32 s12, $0x4  }
0x1e: {  	[tilespmem:v0+s15+$0xFFFFFFF0 ss:$0x1] =	vst.idx.msk $0xffff, v63;
	s12 =	sadd.s32 s4, s12  }
0x1f: {  	[hbm4b:s12+s8] =	stream.linear.scatter [tilespmem:s13], [sflag:$0x2], $0x4000, $0x38;
	[tilespmem:$0x10000] =	vst v63  }
.LBB2_5:
0x20: {  	s14 =	sadd.s32 $0x1000, s10  }
0x21: {  	p2 =	sgt.s32 s14, $0xC3FF  }
0x22: {  	s14 =	smov.u32 @p2 s2;
	p2 =	sne.s32 s11, s7  }
.Ltmp1:
0x23: {  	p1 =	slt.u32 s11, $0x2;
	(pc) =	sbr.rel @!p2 .LBB2_6-.Ltmp1, $4  }
0x24: {  	s13 =	simm.s32 @!p1 $0x2  }
0x25: {  	s15 =	sadd.s32 $0x1, s11;
	_ =	swait.ge @!p1 [sflag:s13], $0x4000  }
0x26: {  	s12 =	smov.u32 s10;
	s9 =	sadd.s32 $0x4000, s9;
	[sflag:s13] =	ssyncset.done @!p1 $0x0  }
0x27: {  	s11 =	smov.u32 s15;
	s10 =	smov.u32 s14;
	[sflag:s13] =	ssyncadd.s32 @!p1 $0xFFFFC000  }
.LBB2_1:
0x28: {  	p1 =	sge.u32 s11, s6  }
0x29: {  	s13 =	sand.u32 @!p1 $0x1FFFFFF, s10  }
0x2a: {  	s14 =	smulhi.u32 @!p1 $0x14E5E0B, s13;
	_ =	sdelay $0x1  }
0x2b: {  	s14 =	sshrl.u32 @!p1 s14, $0x8  }
0x2c: {  	s14 =	smul.u32 @!p1 $0xC400, s14;
	_ =	sdelay $0x1  }
0x2d: {  	s15 =	sxor.u32 @!p1 $0xFFFFFFFF, s11;
	s13 =	ssub.s32 @!p1 s13, s14  }
0x2e: {  	s31 =	sadd.s32 $0xFFFFFFFF, s11;
	s14 =	sshll.u32 @!p1 s15, $0xE;
	s13 =	sshll.u32 @!p1 s13, $0x4  }
0x2f: {  	s15 =	simm.s32 @!p1 $0x0;
	s14 =	sand.u32 @!p1 $0x4000, s14;
	s13 =	sadd.s32 @!p1 s3, s13  }
0x30: {  	[tilespmem:s14], [sflag:$0x1] =	stream.linear.gather @!p1 [hbm4b:s13+s15], $0x4000, $0x38;
	[tilespmem:$0x10000] =	vst v63  }
0x31: {  	p1 =	sge.u32 s31, s6  }
.Ltmp2:
0x32: {  	_ = 	snop;
	(pc) =	sbr.rel @p1 .LBB2_5-.Ltmp2, $1  }
0x33: {  	_ =	sdelay $0x3  }
0x34: {  	s13 =	sand.u32 $0x4000, s9  }
0x35: {  	s14 =	sor.u32 $0x40, s13  }
0x36: {  	v1 =	vmov s14;
	_ =	sdelay $0x1  }
0x37: {  	_ =	swait.ge [sflag:s5], $0x4000  }
0x38: {  	[sflag:s5] =	ssyncset.done $0x0  }
0x39: {  	[sflag:s5] =	ssyncadd.s32 $0xFFFFC000;
	s14 =	simm.s32 $0x0  }
0x3a: {  	s13 =	sor.u32 $0x8070, s13;
	v7 =	vld.idx.msk [tilespmem:v1+s14+$0x30 ss:$0x1], $0xffff  }
0x3b: {  	v0 =	vmov s13;
	v8 =	vld.idx.msk [tilespmem:v1+s14+$0xFFFFFFC0 ss:$0x1], $0xffff  }
0x3c: {  	v6 =	vld.idx.msk [tilespmem:v1+s14+$0xFFFFFFD0 ss:$0x1], $0xffff  }
0x3d: {  	v4 =	vld.idx.msk [tilespmem:v1+s14+$0xFFFFFFE0 ss:$0x1], $0xffff  }
0x3e: {  	v2 =	vld.idx.msk [tilespmem:v1+s14+$0xFFFFFFF0 ss:$0x1], $0xffff  }
0x3f: {  	s31 =	sshll.u32 s11, $0xE;
	v3 =	vld.idx.msk [tilespmem:v1+s14+$0x0 ss:$0x1], $0xffff  }
0x40: {  	s13 =	sand.u32 $0x4000, s31;
	v5 =	vld.idx.msk [tilespmem:v1+s14+$0x10 ss:$0x1], $0xffff;
	[tilespmem:v0+s14+$0x0 ss:$0x1] =	vst.idx.msk $0xffff, v7  }
0x41: {  	s15 =	simm.s32 $0x80;
	s16 =	simm.s32 $0x400;
	s13 =	sor.u32 $0x8000, s13;
	[tilespmem:v0+s14+$0xFFFFFF90 ss:$0x1] =	vst.idx.msk $0xffff, v8;
	v7 =	vld.idx.msk [tilespmem:v1+s14+$0x20 ss:$0x1], $0xffff  }
.LBB2_3:
0x42: {  	p1 =	sne.s32 s16, $0xFE00;
	v8 =	vld.idx.msk [tilespmem:v1+s15+$0x30 ss:$0x1], $0xffff;
	[tilespmem:v0+s14+$0xFFFFFFA0 ss:$0x1] =	vst.idx.msk $0xffff, v6  }
0x43: {  	v9 =	vld.idx.msk [tilespmem:v1+s15+$0xFFFFFFC0 ss:$0x1], $0xffff;
	[tilespmem:v0+s14+$0xFFFFFFB0 ss:$0x1] =	vst.idx.msk $0xffff, v4  }
0x44: {  	v6 =	vld.idx.msk [tilespmem:v1+s15+$0xFFFFFFD0 ss:$0x1], $0xffff;
	[tilespmem:v0+s14+$0xFFFFFFC0 ss:$0x1] =	vst.idx.msk $0xffff, v2  }
.Ltmp3:
0x45: {  	v4 =	vld.idx.msk [tilespmem:v1+s15+$0xFFFFFFE0 ss:$0x1], $0xffff;
	[tilespmem:v0+s14+$0xFFFFFFD0 ss:$0x1] =	vst.idx.msk $0xffff, v3;
	(pc) =	sbr.rel @p1 .LBB2_3-.Ltmp3, $4  }
0x46: {  	v2 =	vld.idx.msk [tilespmem:v1+s15+$0xFFFFFFF0 ss:$0x1], $0xffff;
	[tilespmem:v0+s14+$0xFFFFFFE0 ss:$0x1] =	vst.idx.msk $0xffff, v5  }
0x47: {  	v3 =	vld.idx.msk [tilespmem:v1+s15+$0x0 ss:$0x1], $0xffff;
	[tilespmem:v0+s14+$0xFFFFFFF0 ss:$0x1] =	vst.idx.msk $0xffff, v7;
	s14 =	smov.u32 s15  }
0x48: {  	v5 =	vld.idx.msk [tilespmem:v1+s14+$0x10 ss:$0x1], $0xffff;
	[tilespmem:v0+s14+$0x0 ss:$0x1] =	vst.idx.msk $0xffff, v8  }
0x49: {  	s15 =	sshra.s32 s16, $0x2;
	s16 =	sadd.s32 $0x200, s16;
	[tilespmem:v0+s14+$0xFFFFFF90 ss:$0x1] =	vst.idx.msk $0xffff, v9;
	v7 =	vld.idx.msk [tilespmem:v1+s14+$0x20 ss:$0x1], $0xffff  }
.Ltmp4:
0x4a: {  	_ = 	snop;
	(pc) =	sbr.rel .LBB2_4-.Ltmp4, $1  }
0x4b: {  	_ =	sdelay $0x3  }
.LBB2_6:
0x4c: {  	_ =	sfence.sel $0x180000  }
0x4d: {  	s2 =	simm.s32 $0x1;
	[bflag:$0x0] =	sbarrier.arrive $0xFFFF  }
0x4e: {  	s31 =	simm.s32 $0x2;
	[sflag:s2] =	ssyncpa.u1 $0x1  }
0x4f: {  	[sflag:s31] =	ssyncpa.u1 $0x1  }
0x50: {  	_ =	strace $0x90000056  }
0x51: {  	s0 =	sadd.s32 @!p0 $0x100000, s0;
	[bflag:$0x2] =	sbarrier.arrive $0xFFFF  }
0x52: {  	[sflag:s0] =	ssyncadd.tile.s32 @!p0 $0x1;
	s0 =	simm.s32 @!p0 $0x3F  }
0x53: {  	_ =	swait.ge @!p0 [sflag:s0], s1  }
0x54: {  	s1 =	ssub.s32 @!p0 $0x0, s1;
	[sflag:s0] =	ssyncset.done @!p0 $0x0  }
0x55: {  	[sflag:s0] =	ssyncadd.s32 @!p0 s1  }
0x56: {  	[bflag:$0x3] =	sbarrier.arrive $0xFFFF  }
0x57: {  	_ =	shalt  }
.Lfunc_end2:
execute1_lowered:
.L_overlay_start_2:
0x58: {  	(tag) =	ssettag $0x2  }
0x59: {  	s2 =	rddreg [dreg:$0x0]  }
0x5a: {  	s3 =	rddreg [dreg:$0x1];
	_ =	strace $0x80000059;
	s0 =	simm.s32 $0x1  }
0x5b: {  	v0 =	vimm.s32 $0x0;
	[sflag:s0] =	ssyncpa.u1 $0x0;
	s0 =	simm.s32 $0x108  }
0x5c: {  	[tilespmem:s0+$0x70] =	vst v0  }
0x5d: {  	[tilespmem:s0+$0x60] =	vst v0  }
0x5e: {  	[tilespmem:s0+$0x50] =	vst v0  }
0x5f: {  	[tilespmem:s0+$0x40] =	vst v0  }
0x60: {  	[tilespmem:s0+$0x30] =	vst v0  }
0x61: {  	s1 =	sadd.s32 $0xF7C00, s2;
	s15 =	sadd.s32 $0x65200, s2;
	s6 =	sadd.s32 $0x38AFC00, s2;
	[tilespmem:s0+$0x20] =	vst v0  }
0x62: {  	s14 =	sadd.s32 $0x96000, s2;
	s5 =	sand.u32 $0x1, s3;
	s3 =	simm.s32 $0x40;
	[tilespmem:s0+$0x10] =	vst v0  }
.LBB3_1:
0x63: {  	s3 =	sadd.s32 $0x40, s3;
	[tilespmem:s0+$0x0] =	vst v0;
	s0 =	sadd.s32 $0x80, s0  }
0x64: {  	p0 =	slt.u32 s3, $0x3C40;
	[tilespmem:s0+$0x70] =	vst v0  }
0x65: {  	[tilespmem:s0+$0x60] =	vst v0  }
.Ltmp5:
0x66: {  	[tilespmem:s0+$0x50] =	vst v0;
	(pc) =	sbr.rel @p0 .LBB3_1-.Ltmp5, $4  }
0x67: {  	[tilespmem:s0+$0x40] =	vst v0  }
0x68: {  	[tilespmem:s0+$0x30] =	vst v0  }
0x69: {  	[tilespmem:s0+$0x20] =	vst v0  }
0x6a: {  	[tilespmem:s0+$0x10] =	vst v0  }
0x6b: {  	s9 =	stileid.u32  }
0x6c: {  	s2 =	smul.u32 $0xD0, s9  }
0x6d: {  	s3 =	smin.u32 s9, $0x6  }
0x6e: {  	s2 =	sor.u32 s3, s2  }
0x6f: {  	p0 =	slt.u32 s9, $0x6;
	s7 =	smul.u32 $0xF0, s2;
	s2 =	simm.s32 $0xC3F0  }
0x70: {  	s2 =	simm.s32 @!p0 $0xC300  }
0x71: {  	s2 =	sadd.s32 s2, s7  }
0x72: {  	s8 =	smin.u32 s2, $0xC3500  }
0x73: {  	s2 =	ssub.s32 s8, s7  }
0x74: {  	p0 =	sgt.s32 s2, $0x0  }
0x75: {  	s29 =	simm.s32 $0x2;
	s10 =	simm.s32 $0x9;
	s2 =	simm.s32 @!p0 $0x0  }
0x76: {  	s4 =	simm.s32 $0xA;
	s11 =	simm.s32 $0xB;
	s28 =	smulhi.u32 $0x88888889, s2  }
0x77: {  	[dreg:$0x4] =	wrdreg s5;
	s31 =	smul.u32 $0x186A0, s5;
	s12 =	simm.s32 $0x1  }
0x78: {  	s22 =	simm.s32 $0x0;
	s18 =	simm.s32 $0xC;
	s30 =	sshrl.u32 s28, $0x7  }
0x79: {  	s20 =	simm.s32 $0x0;
	s21 =	simm.s32 $0x0;
	s3 =	smul.u32 $0xF0, s30  }
.Ltmp6:
0x7a: {  	[tilespmem:s0+$0x0] =	vst v0;
	v0 =	vimm.s32 $0xFFFFFFFF;
	[sflag:s29] =	ssyncpa.u1 $0x0;
	s16 =	sshll.u32 s9, $0x8;
	(pc) =	sbr.rel .LBB3_3-.Ltmp6, $4  }
0x7b: {  	[tilespmem:$0xF208] =	vst v0;
	[sflag:s10] =	ssyncpa.u1 $0x0;
	p0 =	sne.s32 s2, s3;
	s2 =	simm.s32 $0x1  }
0x7c: {  	s14 =	sadd.s32 s31, s14;
	[sflag:s4] =	ssyncpa.u1 $0x0;
	s2 =	simm.s32 @!p0 $0x0  }
0x7d: {  	s15 =	sadd.s32 s31, s15;
	[sflag:s11] =	ssyncpa.u1 $0x0;
	s13 =	sadd.s32 s2, s30  }
0x7e: {  	v0 =	vlaneseq.u32;
	s19 =	smov.u32 s7;
	p0 =	por $0x0, $0x0;
	s17 =	sadd.s32 $0x1, s13  }
.LBB3_18:
0x7f: {  	s0 =	sshrl.u32 s31, $0x2  }
.LBB3_20:
0x80: {  	_ =	swait.ge [sflag:s18], s0  }
0x81: {  	s31 =	ssub.s32 $0x0, s0;
	v1 =	vmov s24;
	vm0 =	veq.s32 v0, $0x0;
	[sflag:s18] =	ssyncset.done $0x0  }
0x82: {  	vm15 =	veq.s32 v0, $0x2;
	v1 =	vsel vm0, s30, v1;
	[sflag:s18] =	ssyncadd.s32 s31  }
0x83: {  	v1 =	vsel vm15, s22, v1;
	[sflag:s18] =	ssyncpa.u1 $0x1  }
0x84: {  	[tilespmem:$0xF208] =	vst v1  }
.LBB3_21:
0x85: {  	s0 =	sadd.s32 $0xF0, s19  }
0x86: {  	s2 =	smov.u32 s7;
	p1 =	slt.s32 s0, s8  }
0x87: {  	s2 =	smov.u32 @p1 s0;
	p1 =	sne.s32 s21, s17  }
.Ltmp7:
0x88: {  	_ = 	snop;
	(pc) =	sbr.rel @!p1 .LBB3_22-.Ltmp7, $3  }
0x89: {  	_ =	sdelay $0x1  }
0x8a: {  	s22 =	smov.u32 s20;
	s31 =	sadd.s32 $0x1, s21;
	s20 =	smov.u32 s19  }
0x8b: {  	p0 =	por !p0, !p0;
	s21 =	smov.u32 s31;
	s19 =	smov.u32 s2  }
.LBB3_3:
0x8c: {  	p1 =	sge.u32 s21, s13  }
0x8d: {  	s0 =	smulhi.u32 @!p1 $0xAAAAAAAB, s21  }
0x8e: {  	s2 =	smov.u32 s19;
	p2 =	sgt.s32 @!p1 s19, $0xC3410  }
0x8f: {  	s3 =	sshra.s32 @!p1 s19, $0x1F;
	p2 =	por !p2, p1;
	s0 =	sshrl.u32 @!p1 s0, $0x1  }
0x90: {  	s3 =	sand.u32 @!p1 s3, s19;
	s2 =	simm.s32 @p2 $0xC3410;
	s0 =	smul.u32 @!p1 $0x3, s0  }
0x91: {  	s2 =	ssub.s32 @!p1 s2, s3  }
0x92: {  	s2 =	sadd.s32 @!p1 $0xFFF3CBF0, s2;
	s0 =	ssub.s32 @!p1 s21, s0  }
0x93: {  	s3 =	sshll.u32 @!p1 s2, $0x2;
	p2 =	sgt.s32 @!p1 s2, $0xEF;
	s0 =	smul.u32 @!p1 $0x3C0, s0  }
0x94: {  	s4 =	sand.u32 @!p1 $0x7, s19;
	s2 =	ssub.s32 @!p1 $0x3C0, s3;
	p2 =	por !p2, p1  }
0x95: {  	s3 =	sshrl.u32 @!p1 s19, $0x3;
	s2 =	sshrl.u32 @!p1 s2, $0x2;
	s0 =	sshrl.u32 @!p1 s0, $0x2  }
0x96: {  	s3 =	sadd.s32 @!p1 s3, s14;
	s2 =	simm.s32 @!p2 $0x0;
	s0 =	sadd.s32 @!p1 $0x10248, s0  }
0x97: {  	[tilespmem:s0], [sflag:$0xA] =	stream.linear.gather @!p1 [hbm4b:s3+s4], s2, $0x38;
	[tilespmem:$0x1F6F8] =	vst v63  }
0x98: {  	s0 =	sadd.s32 $0xFFFFFFFF, s21  }
0x99: {  	p1 =	sge.u32 s0, s13  }
0x9a: {  	p2 =	sgt.s32 @!p1 s20, $0xC3410  }
0x9b: {  	s2 =	smov.u32 s20;
	s3 =	sshra.s32 @!p1 s20, $0x1F;
	p2 =	por !p2, p1  }
0x9c: {  	s3 =	sand.u32 @!p1 s3, s20;
	s2 =	simm.s32 @p2 $0xC3410  }
0x9d: {  	s2 =	ssub.s32 @!p1 s2, s3  }
0x9e: {  	s2 =	sadd.s32 @!p1 $0xFFF3CBF0, s2  }
0x9f: {  	s4 =	sand.u32 @!p1 $0x1, s0;
	s3 =	sshll.u32 @!p1 s2, $0x2  }
0xa0: {  	p2 =	sgt.s32 @!p1 s2, $0xEF;
	s2 =	ssub.s32 @!p1 $0x3C0, s3;
	s3 =	smulhi.u32 @!p1 $0xAAAAAAAB, s0  }
0xa1: {  	s23 =	smul.u32 @!p1 $0x3C0, s4;
	p2 =	por !p2, p1;
	s2 =	sshrl.u32 @!p1 s2, $0x2  }
0xa2: {  	s5 =	simm.s32 @!p1 $0xA;
	s2 =	simm.s32 @!p2 $0x0;
	s3 =	sshrl.u32 @!p1 s3, $0x1  }
0xa3: {  	s23 =	sshrl.u32 @!p1 s23, $0x2;
	_ =	swait.ge @!p1 [sflag:s5], s2;
	s3 =	smul.u32 @!p1 $0x3, s3  }
0xa4: {  	s23 =	sadd.s32 @!p1 $0x10518, s23;
	s24 =	ssub.s32 @!p1 $0x0, s2;
	[sflag:s5] =	ssyncset.done @!p1 $0x0  }
0xa5: {  	[sflag:s5] =	ssyncadd.s32 @!p1 s24;
	s5 =	sshrl.u32 @!p1 s20, $0x3;
	s0 =	ssub.s32 @!p1 s0, s3  }
0xa6: {  	s24 =	sand.u32 @!p1 $0x7, s20;
	s5 =	sadd.s32 @!p1 s5, s15;
	s0 =	smul.u32 @!p1 $0x3C0, s0  }
0xa7: {  	[tilespmem:s23], [sflag:$0xB] =	stream.linear.gather @!p1 [hbm4b:s5+s24], s2, $0x38;
	[tilespmem:$0x1F6F8] =	vst v63  }
0xa8: {  	s3 =	ssub.s32 @!p1 $0xC3500, s20;
	s2 =	smul.u32 @!p1 $0x1E000, s4  }
0xa9: {  	p2 =	slt.s32 @!p1 s3, $0xF0  }
0xaa: {  	p2 =	por !p2, p1;
	s0 =	sshrl.u32 @!p1 s0, $0x2;
	s2 =	sshrl.u32 @!p1 s2, $0x2  }
0xab: {  	s3 =	simm.s32 @p2 $0xF0;
	s0 =	sadd.s32 @!p1 $0x10248, s0;
	s2 =	sor.u32 @!p1 $0x106F8, s2  }
0xac: {  	[tilespmem:s2], [sflag:$0x9] =	stream.indirect.gather @!p1 [hbm4b:s6+s3], $0x80, s0, s3, $0xb8;
	[tilespmem:$0x1F6F8] =	vst v63  }
0xad: {  	p1 =	slt.u32 s21, $0x2  }
.Ltmp8:
0xae: {  	_ = 	snop;
	(pc) =	sbr.rel @p1 .LBB3_21-.Ltmp8, $1  }
0xaf: {  	_ =	sdelay $0x3  }
0xb0: {  	p1 =	sgt.s32 s22, $0xC3410  }
0xb1: {  	s0 =	smov.u32 s22;
	s2 =	sshra.s32 s22, $0x1F;
	s3 =	ssub.s32 $0xC3500, s22  }
0xb2: {  	s0 =	simm.s32 @!p1 $0xC3410;
	s2 =	sand.u32 s2, s22;
	p1 =	slt.s32 s3, $0xF0  }
0xb3: {  	s0 =	ssub.s32 s0, s2;
	s3 =	simm.s32 @!p1 $0xF0  }
0xb4: {  	s0 =	sadd.s32 $0xFFF3CBF0, s0;
	s25 =	sshll.u32 s3, $0x7  }
0xb5: {  	s26 =	sshll.u32 s0, $0x2;
	s2 =	sand.u32 $0x3FFFFF80, s25  }
0xb6: {  	p1 =	sgt.s32 s0, $0xEF;
	s29 =	ssub.s32 $0x3C0, s26;
	_ =	swait.ge [sflag:s10], s2  }
0xb7: {  	s2 =	ssub.s32 $0x0, s2;
	[sflag:s10] =	ssyncset.done $0x0;
	s0 =	sshrl.u32 s29, $0x2  }
0xb8: {  	[sflag:s10] =	ssyncadd.s32 s2;
	s0 =	simm.s32 @p1 $0x0  }
0xb9: {  	_ =	swait.ge [sflag:s11], s0  }
0xba: {  	s0 =	ssub.s32 $0x0, s0;
	[sflag:s11] =	ssyncset.done $0x0  }
0xbb: {  	[sflag:s11] =	ssyncadd.s32 s0  }
0xbc: {  	v1 =	vld [tilespmem:$0xF208];
	_ =	sdelay $0x4  }
0xbd: {  	(v2sf) =	vpush v1, $0x0  }
0xbe: {  	(v2sf) =	vpush v1, $0x1  }
0xbf: {  	(v2sf) =	vpush v1, $0x2;
	_ =	sdelay $0x3  }
0xc0: {  	s0 =	sadd.s32 $0xF0, s22  }
0xc1: {  	s2 =	ssub.s32 $0x186A00, s22;
	p1 =	slt.s32 s8, s0  }
0xc2: {  	s0 =	smov.u32 @p1 s8;
	p1 =	sgt.s32 s2, $0x0  }
0xc3: {  	s26 =	ssub.s32 s0, s22;
	s2 =	simm.s32 @!p1 $0x0  }
0xc4: {  	p1 =	slt.s32 s2, s26  }
0xc5: {  	s26 =	smov.u32 @p1 s2  }
0xc6: {  	s25 =	simm.s32 $0x1;
	p1 =	slt.s32 s26, $0x1  }
.Ltmp9:
0xc7: {  	s25 =	simm.s32 @!p0 $0x0;
	(pc) =	sbr.rel @p1 .LBB3_8-.Ltmp9, $4  }
0xc8: {  	s31 =	smul.u32 $0x3C0, s25  }
0xc9: {  	s28 =	spop (v2sf)  }
0xca: {  	s0 =	sshrl.u32 s31, $0x2;
	s30 =	spop (v2sf)  }
0xcb: {  	s23 =	sadd.s32 $0x10518, s0;
	s22 =	spop (v2sf)  }
0xcc: {  	s0 =	smin.u32 s26, $0x10  }
0xcd: {  	v1 =	vmov s0  }
0xce: {  	p2 =	sgt.s32 s26, $0x10;
	vm1 =	vgt.u32 v1, v0  }
.Ltmp10:
0xcf: {  	_ = 	snop;
	(pc) =	sbr.rel @!p2 .LBB3_7-.Ltmp10, $2  }
0xd0: {  	_ =	sdelay $0x2  }
0xd1: {  	s4 =	simm.s32 $0x10;
	s24 =	sadd.s32 $0xFFFFFFF0, s26;
	s0 =	smov.u32 s23;
	vm0 =	vmmov vm1  }
.LBB3_6:
0xd2: {  	s2 =	smin.u32 s24, $0x10;
	s4 =	sadd.s32 $0x10, s4;
	v1 =	vld.msk [tilespmem:s0+$0x0 ss:$0x1], vm1  }
0xd3: {  	v2 =	vmov s2;
	p2 =	slt.s32 s4, s26  }
0xd4: {  	vm1 =	vgt.u32 v2, v0  }
.Ltmp11:
0xd5: {  	(pc) =	sbr.rel @p2 .LBB3_6-.Ltmp11, $3  }
0xd6: {  	_ =	sdelay $0x1  }
0xd7: {  	v1 =	vshll.u32 v1, $0x4  }
0xd8: {  	s24 =	sadd.s32 $0xFFFFFFF0, s24;
	[tilespmem:s0+$0x0] =	vst.msk vm0, v1;
	s0 =	sadd.s32 $0x10, s0;
	vm0 =	vmmov vm1  }
.LBB3_7:
0xd9: {  	_ =	sdelay $0x4  }
0xda: {  	v1 =	vld.msk [tilespmem:s0+$0x0 ss:$0x1], vm1;
	_ =	sdelay $0x4  }
0xdb: {  	v1 =	vshll.u32 v1, $0x4  }
0xdc: {  	[tilespmem:s0+$0x0] =	vst.msk vm0, v1  }
.LBB3_8:
0xdd: {  	s0 =	sand.u32 $0x1, s21  }
0xde: {  	s0 =	smul.u32 $0xF0, s0  }
0xdf: {  	p2 =	sne.s32 s30, $0xFFFFFFFF  }
0xe0: {  	v1 =	vld.msk @!p2 [tilespmem:s0+$0x10518], $0x1;
	_ =	sdelay $0x4  }
0xe1: {  	(v2sf) =	vpush @!p2 v1, $0x0;
	_ =	sdelay $0xc  }
.Ltmp12:
0xe2: {  	_ = 	snop;
	(pc) =	sbr.rel @p1 .LBB3_19-.Ltmp12, $4  }
0xe3: {  	_ = 	snop  }
0xe4: {  	s29 =	spop @!p2 (v2sf)  }
0xe5: {  	s22 =	simm.s32 @!p2 $0x0;
	s24 =	smov.u32 s29  }
0xe6: {  	[sflag:s18] =	ssyncpa.u1 $0x0;
	s29 =	smov.u32 @p2 s28;
	s24 =	smov.u32 @p2 s30  }
0xe7: {  	v1 =	vld.msk [tilespmem:s23+$0x0], $0x1;
	_ =	sdelay $0x4  }
0xe8: {  	(v2sf) =	vpush v1, $0x0;
	_ =	sdelay $0xe  }
0xe9: {  	s2 =	smul.u32 $0x1E000, s25;
	s0 =	spop (v2sf)  }
0xea: {  	s26 =	ssub.s32 $0x0, s26;
	p1 =	seq.s32 s29, s0  }
0xeb: {  	s30 =	sadd.s32 $0x1, s26;
	s2 =	sshrl.u32 s2, $0x2;
	p2 =	sgt.s32 @!p1 s29, $0x0  }
0xec: {  	s25 =	sor.u32 $0x10738, s2;
	s2 =	smov.u32 s29;
	p2 =	por !p2, p1  }
0xed: {  	s2 =	simm.s32 @p2 $0x0;
	p2 =	seq.s32 s30, $0x0  }
.Ltmp13:
0xee: {  	_ = 	snop;
	(pc) =	sbr.rel @p2 .LBB3_11-.Ltmp13, $4  }
0xef: {  	_ = 	snop  }
0xf0: {  	s28 =	simm.s32 $0x0;
	s31 =	sadd.s32 $0x1, s23;
	s2 =	smin.u32 @!p1 s2, $0xC3FF0  }
0xf1: {  	s4 =	simm.s32 @!p1 $0x1;
	s5 =	simm.s32 @!p1 $0x7988;
	s3 =	sand.u32 @!p1 $0xFFFF8, s2  }
0xf2: {  	s4 =	smov.u32 @p1 s28;
	s2 =	sand.u32 @!p1 $0x7, s2;
	s3 =	sadd.s32 @!p1 s1, s3  }
.LBB3_10:
0xf3: {  	s9 =	smov.u32 s4  }
0xf4: {  	[tilespmem:s5], [sflag:$0x2] =	stream.linear.gather @!p1 [hbm4b:s3+s2], $0x80, $0x38;
	[tilespmem:$0x1F6F8] =	vst v63  }
0xf5: {  	s30 =	sadd.s32 $0x1, s30;
	s2 =	smov.u32 s0;
	v1 =	vld.msk [tilespmem:s31+$0x0], $0x1  }
0xf6: {  	p2 =	seq.s32 s30, $0x0;
	_ =	sdelay $0x3  }
0xf7: {  	(v2sf) =	vpush v1, $0x0;
	_ =	sdelay $0xe  }
0xf8: {  	s0 =	spop (v2sf)  }
0xf9: {  	p1 =	seq.s32 s2, s0  }
0xfa: {  	p3 =	sgt.s32 @!p1 s2, $0x0;
	s3 =	sshll.u32 @!p1 s4, $0x9;
	s4 =	sadd.s32 @!p1 $0x1, s4  }
.Ltmp14:
0xfb: {  	p3 =	por !p3, p1;
	s3 =	sshra.s32 @!p1 s3, $0x2;
	(pc) =	sbr.rel @!p2 .LBB3_10-.Ltmp14, $4  }
0xfc: {  	s4 =	smov.u32 @p1 s9;
	s2 =	simm.s32 @p3 $0x0;
	s5 =	sadd.s32 @!p1 $0x7988, s3  }
0xfd: {  	s2 =	smin.u32 @!p1 s2, $0xC3FF0  }
0xfe: {  	s3 =	sand.u32 @!p1 $0xFFFF8, s2;
	s2 =	sand.u32 @!p1 $0x7, s2  }
0xff: {  	s31 =	sadd.s32 $0x1, s31;
	s3 =	sadd.s32 @!p1 s1, s3  }
.LBB3_11:
0x100: {  	[tilespmem:s5], [sflag:$0x2] =	stream.linear.gather @!p1 [hbm4b:s3+s2], $0x80, $0x38;
	[tilespmem:$0x1F6F8] =	vst v63  }
.Ltmp15:
0x101: {  	s0 =	sshll.u32 s4, $0x7;
	(pc) =	sbr.rel .LBB3_12-.Ltmp15, $4  }
0x102: {  	s30 =	simm.s32 $0x2;
	s0 =	sand.u32 $0x3FFFFF80, s0  }
0x103: {  	_ =	swait.ge [sflag:s30], s0  }
0x104: {  	s0 =	ssub.s32 $0x0, s0;
	[sflag:s30] =	ssyncset.done $0x0  }
0x105: {  	s31 =	simm.s32 $0x0;
	[sflag:s30] =	ssyncadd.s32 s0  }
.LBB3_13:
0x106: {  	v1 =	vld [tilespmem:s25+$0xFFFFFFC0];
	_ =	sdelay $0x3  }
0x107: {  	s0 =	sshra.s32 s0, $0x2  }
0x108: {  	[tilespmem:s0+$0x108] =	vst.add.f32.msk $0xffff, v1  }
0x109: {  	v1 =	vld [tilespmem:s25+$0xFFFFFFD0];
	_ =	sdelay $0x4  }
0x10a: {  	[tilespmem:s0+$0x118] =	vst.add.f32.msk $0xffff, v1  }
0x10b: {  	v1 =	vld [tilespmem:s25+$0xFFFFFFE0];
	_ =	sdelay $0x4  }
0x10c: {  	[tilespmem:s0+$0x128] =	vst.add.f32.msk $0xffff, v1  }
0x10d: {  	v1 =	vld [tilespmem:s25+$0xFFFFFFF0];
	_ =	sdelay $0x4  }
0x10e: {  	[tilespmem:s0+$0x138] =	vst.add.f32.msk $0xffff, v1  }
0x10f: {  	v1 =	vld [tilespmem:s25+$0x0];
	_ =	sdelay $0x4  }
0x110: {  	[tilespmem:s0+$0x148] =	vst.add.f32.msk $0xffff, v1  }
0x111: {  	v1 =	vld [tilespmem:s25+$0x10];
	_ =	sdelay $0x4  }
0x112: {  	[tilespmem:s0+$0x158] =	vst.add.f32.msk $0xffff, v1  }
0x113: {  	v1 =	vld [tilespmem:s25+$0x20];
	_ =	sdelay $0x4  }
0x114: {  	[tilespmem:s0+$0x168] =	vst.add.f32.msk $0xffff, v1  }
0x115: {  	v1 =	vld [tilespmem:s25+$0x30];
	_ =	sdelay $0x4  }
0x116: {  	[tilespmem:s0+$0x178] =	vst.add.f32.msk $0xffff, v1  }
.LBB3_17:
0x117: {  	s26 =	sadd.s32 $0x1, s26  }
0x118: {  	p1 =	seq.s32 s26, $0x0  }
.Ltmp16:
0x119: {  	_ = 	snop;
	(pc) =	sbr.rel @p1 .LBB3_18-.Ltmp16, $2  }
0x11a: {  	_ =	sdelay $0x2  }
0x11b: {  	s23 =	sadd.s32 $0x1, s23;
	s25 =	sadd.s32 $0x80, s25;
	s29 =	smov.u32 s30  }
.LBB3_12:
0x11c: {  	v1 =	vld.msk [tilespmem:s23+$0x0], $0x1;
	_ =	sdelay $0x4  }
0x11d: {  	(v2sf) =	vpush v1, $0x0;
	_ =	sdelay $0xe  }
0x11e: {  	s30 =	spop (v2sf)  }
0x11f: {  	p1 =	sne.s32 s29, s30  }
.Ltmp17:
0x120: {  	_ = 	snop;
	(pc) =	sbr.rel @!p1 .LBB3_13-.Ltmp17, $2  }
0x121: {  	_ =	sdelay $0x2  }
0x122: {  	s0 =	sshll.u32 s22, $0x9  }
0x123: {  	p1 =	seq.s32 s29, s24  }
.Ltmp18:
0x124: {  	_ = 	snop;
	(pc) =	sbr.rel @!p1 .LBB3_15-.Ltmp18, $1  }
0x125: {  	_ =	sdelay $0x3  }
0x126: {  	s0 =	sshra.s32 s0, $0x2  }
.Ltmp19:
0x127: {  	s0 =	sadd.s32 $0x108, s0;
	(pc) =	sbr.rel .LBB3_16-.Ltmp19, $4  }
0x128: {  	[spmem:s16] =	stream.linear.scatter [tilespmem:s0], [sflag:$0x1], $0x80, $0x38;
	[tilespmem:$0x1F6F8] =	vst v63  }
0x129: {  	_ =	swait.ge [sflag:s12], $0x80  }
0x12a: {  	[sflag:s12] =	ssyncset.done $0x0  }
0x12b: {  	[sflag:s12] =	ssyncadd.s32 $0xFFFFFF80  }
.LBB3_15:
0x12c: {  	s2 =	sshll.u32 s28, $0x9  }
0x12d: {  	s2 =	sshra.s32 s2, $0x2  }
0x12e: {  	v1 =	vld [tilespmem:s2+$0x7988];
	_ =	sdelay $0x3  }
0x12f: {  	s0 =	sshra.s32 s0, $0x2  }
0x130: {  	[tilespmem:s0+$0x108] =	vst.add.f32.msk $0xffff, v1  }
0x131: {  	v1 =	vld [tilespmem:s2+$0x7998];
	_ =	sdelay $0x4  }
0x132: {  	[tilespmem:s0+$0x118] =	vst.add.f32.msk $0xffff, v1  }
0x133: {  	v1 =	vld [tilespmem:s2+$0x79A8];
	_ =	sdelay $0x4  }
0x134: {  	[tilespmem:s0+$0x128] =	vst.add.f32.msk $0xffff, v1  }
0x135: {  	v1 =	vld [tilespmem:s2+$0x79B8];
	_ =	sdelay $0x4  }
0x136: {  	[tilespmem:s0+$0x138] =	vst.add.f32.msk $0xffff, v1  }
0x137: {  	v1 =	vld [tilespmem:s2+$0x79C8];
	_ =	sdelay $0x4  }
0x138: {  	[tilespmem:s0+$0x148] =	vst.add.f32.msk $0xffff, v1  }
0x139: {  	v1 =	vld [tilespmem:s2+$0x79D8];
	_ =	sdelay $0x4  }
0x13a: {  	[tilespmem:s0+$0x158] =	vst.add.f32.msk $0xffff, v1  }
0x13b: {  	v1 =	vld [tilespmem:s2+$0x79E8];
	_ =	sdelay $0x4  }
0x13c: {  	[tilespmem:s0+$0x168] =	vst.add.f32.msk $0xffff, v1  }
0x13d: {  	v1 =	vld [tilespmem:s2+$0x79F8];
	_ =	sdelay $0x2  }
0x13e: {  	p1 =	sgt.u32 s29, $0xC3FF0  }
0x13f: {  	s2 =	sand.u32 @!p1 $0xFFFF8, s29  }
0x140: {  	s3 =	sadd.s32 $0x108, s0;
	[tilespmem:s0+$0x178] =	vst.add.f32.msk $0xffff, v1;
	s0 =	sadd.s32 @!p1 s1, s2;
	s2 =	sand.u32 @!p1 $0x7, s29  }
0x141: {  	[hbm4b:s0+s2] =	stream.linear.scatter @!p1 [tilespmem:s3], [sflag:$0xC], $0x80, $0x38;
	[tilespmem:$0x1F6F8] =	vst v63  }
0x142: {  	s0 =	simm.s32 $0x0  }
0x143: {  	s0 =	simm.s32 @!p1 $0x200  }
0x144: {  	s31 =	sadd.s32 s0, s31  }
.LBB3_16:
0x145: {  	s0 =	sadd.s32 $0x1, s22  }
0x146: {  	s2 =	smulhi.u32 $0x88888889, s0;
	_ =	sdelay $0x1  }
0x147: {  	v1 =	vld [tilespmem:s25+$0xFFFFFFC0];
	s2 =	sshrl.u32 s2, $0x7  }
0x148: {  	s2 =	smul.u32 $0xF0, s2;
	_ =	sdelay $0x1  }
0x149: {  	s22 =	ssub.s32 s0, s2  }
0x14a: {  	s0 =	sshll.u32 s22, $0x7  }
0x14b: {  	[tilespmem:s0+$0x108] =	vst v1  }
0x14c: {  	v1 =	vld [tilespmem:s25+$0xFFFFFFD0];
	_ =	sdelay $0x4  }
0x14d: {  	[tilespmem:s0+$0x118] =	vst v1  }
0x14e: {  	v1 =	vld [tilespmem:s25+$0xFFFFFFE0];
	_ =	sdelay $0x4  }
0x14f: {  	[tilespmem:s0+$0x128] =	vst v1  }
0x150: {  	v1 =	vld [tilespmem:s25+$0xFFFFFFF0];
	_ =	sdelay $0x4  }
0x151: {  	[tilespmem:s0+$0x138] =	vst v1  }
0x152: {  	v1 =	vld [tilespmem:s25+$0x0];
	_ =	sdelay $0x4  }
0x153: {  	[tilespmem:s0+$0x148] =	vst v1  }
0x154: {  	v1 =	vld [tilespmem:s25+$0x10];
	_ =	sdelay $0x4  }
0x155: {  	[tilespmem:s0+$0x158] =	vst v1  }
0x156: {  	v1 =	vld [tilespmem:s25+$0x20];
	_ =	sdelay $0x4  }
0x157: {  	[tilespmem:s0+$0x168] =	vst v1  }
0x158: {  	v1 =	vld [tilespmem:s25+$0x30]  }
.Ltmp20:
0x159: {  	_ = 	snop;
	(pc) =	sbr.rel .LBB3_17-.Ltmp20, $2  }
0x15a: {  	_ =	sdelay $0x2  }
0x15b: {  	s28 =	sadd.s32 $0x1, s28;
	[tilespmem:s0+$0x178] =	vst v1  }
.LBB3_19:
.Ltmp21:
0x15c: {  	(pc) =	sbr.rel .LBB3_20-.Ltmp21, $4  }
0x15d: {  	_ = 	snop  }
0x15e: {  	s0 =	simm.s32 $0x2  }
0x15f: {  	_ =	swait.ge [sflag:s0], $0x0  }
0x160: {  	s30 =	smov.u32 s29;
	[sflag:s0] =	ssyncset.done $0x0;
	s0 =	simm.s32 $0x0  }
.LBB3_22:
0x161: {  	_ =	sfence.sel $0x180000  }
0x162: {  	s0 =	simm.s32 $0x9;
	[bflag:$0x0] =	sbarrier.arrive $0xFFFF  }
0x163: {  	s24 =	simm.s32 $0xA;
	[sflag:s0] =	ssyncpa.u1 $0x1  }
0x164: {  	s25 =	simm.s32 $0xB;
	[sflag:s24] =	ssyncpa.u1 $0x1  }
0x165: {  	s26 =	simm.s32 $0x2;
	[sflag:s25] =	ssyncpa.u1 $0x1  }
0x166: {  	[sflag:s26] =	ssyncpa.u1 $0x1  }
0x167: {  	v0 =	vld [tilespmem:$0xF208];
	_ =	sdelay $0x4  }
0x168: {  	(v2sf) =	vpush v0, $0x0  }
0x169: {  	(v2sf) =	vpush v0, $0x1;
	_ =	sdelay $0x1  }
0x16a: {  	(v2sf) =	vpush v0, $0x2;
	_ =	sdelay $0xb  }
0x16b: {  	s0 =	spop (v2sf)  }
0x16c: {  	s2 =	spop (v2sf)  }
0x16d: {  	s3 =	smov.u32 s0;
	p0 =	sne.s32 s0, s2  }
0x16e: {  	s4 =	spop (v2sf);
	s3 =	simm.s32 @!p0 $0xFFFFFFFF  }
0x16f: {  	v2 =	vimm.s32 $0x1;
	v3 =	vlaneseq.u32;
	p0 =	seq.s32 s4, $0xFFFFFFFF;
	v1 =	vmov s3  }
0x170: {  	s16 =	stileid.u32;
	v0 =	vperm.xlane v0, v2;
	p1 =	sne.s32 @!p0 s0, s2;
	v1 =	vperm.xlane v1, v3  }
0x171: {  	vm0 =	vcmask $0x3F04;
	s6 =	simm.s32 $0xF208;
	s0 =	simm.s32 @!p0 $0x1;
	p1 =	por !p1, p0  }
0x172: {  	s3 =	sshll.u32 s16, $0x1;
	s2 =	sshll.u32 @!p0 s4, $0x9;
	s0 =	simm.s32 @p1 $0x0;
	v0 =	vsel vm0, v1, v0  }
0x173: {  	s5 =	sor.u32 $0x1000, s3;
	s2 =	sshra.s32 @!p0 s2, $0x2;
	s0 =	sor.u32 @!p0 s0, s3;
	[tilespmem:$0xF208] =	vst v0  }
0x174: {  	[spmem:s5] =	stream.linear.scatter [tilespmem:s6], [sflag:$0x1], $0x2, $0x38;
	[tilespmem:$0x1F6F8] =	vst v63  }
0x175: {  	s2 =	sadd.s32 @!p0 $0x108, s2;
	s0 =	sshll.u32 @!p0 s0, $0x7  }
0x176: {  	[spmem:s0] =	stream.linear.scatter @!p0 [tilespmem:s2], [sflag:$0x1], $0x80, $0x38;
	[tilespmem:$0x1F6F8] =	vst v63  }
0x177: {  	s0 =	simm.s32 @!p0 $0x82  }
0x178: {  	s28 =	simm.s32 $0x1;
	s0 =	simm.s32 @p0 $0x2  }
0x179: {  	_ =	swait.ge [sflag:s28], s0  }
0x17a: {  	s0 =	ssub.s32 $0x0, s0;
	[sflag:s28] =	ssyncset.done $0x0  }
0x17b: {  	p0 =	sne.s32 s16, $0x0;
	[sflag:s28] =	ssyncadd.s32 s0  }
.Ltmp22:
0x17c: {  	_ =	sfence.stream.spmem;
	(pc) =	sbr.rel @p0 .LBB3_39-.Ltmp22, $4  }
0x17d: {  	s29 =	simm.s32 $0x3;
	[bflag:$0x0] =	sbarrier.arrive $0xFFFF  }
0x17e: {  	s30 =	simm.s32 $0x4;
	[sflag:s29] =	ssyncpa.u1 $0x1  }
0x17f: {  	s31 =	simm.s32 $0x3C;
	[sflag:s30] =	ssyncpa.u1 $0x1  }
0x180: {  	s15 =	rddreg [dreg:$0x4];
	[sflag:s31] =	ssyncpa.u1 $0x1  }
0x181: {  	_ =	sfence.stream.spmem;
	s0 =	simm.s32 $0x5  }
0x182: {  	s2 =	simm.s32 $0x1000;
	s3 =	simm.s32 $0xF218;
	[sflag:s0] =	ssyncpa.u1 $0x0  }
0x183: {  	[tilespmem:s3], [sflag:$0x5] =	stream.linear.gather [spmem:s2], $0x20, $0x38;
	[tilespmem:$0x1F6F8] =	vst v63  }
0x184: {  	s26 =	simm.s32 $0x0;
	s28 =	simm.s32 $0xF238  }
0x185: {  	[tilespmem:s28], [sflag:$0x5] =	stream.linear.gather [spmem:s26], $0x1000, $0x38;
	[tilespmem:$0x1F6F8] =	vst v63  }
0x186: {  	_ =	swait.ge [sflag:s0], $0x1020  }
0x187: {  	[sflag:s0] =	ssyncset.done $0x0  }
0x188: {  	s29 =	simm.s32 $0x0;
	[sflag:s0] =	ssyncadd.s32 $0xFFFFEFE0  }
0x189: {  	v0 =	vld.msk [tilespmem:s29+$0xF218], $0x1;
	_ =	sdelay $0x1  }
0x18a: {  	s30 =	simm.s32 $0x1  }
0x18b: {  	v1 =	vld.msk [tilespmem:s30+$0xF218], $0x1;
	_ =	sdelay $0x1  }
0x18c: {  	(v2sf) =	vpush v0, $0x0;
	_ =	sdelay $0x2  }
0x18d: {  	(v2sf) =	vpush v1, $0x0;
	_ =	sdelay $0x2  }
0x18e: {  	s31 =	simm.s32 $0x2  }
0x18f: {  	v0 =	vld.msk [tilespmem:s31+$0xF218], $0x1;
	_ =	sdelay $0x2  }
0x190: {  	s4 =	simm.s32 $0xFFFFFFFF;
	s5 =	simm.s32 $0xFFFFFFFF;
	s0 =	simm.s32 $0xC  }
.LBB3_24:
0x191: {  	s2 =	smov.u32 s5;
	s3 =	smov.u32 s4  }
0x192: {  	s4 =	sshra.s32 s0, $0x2;
	p1 =	sne.s32 s0, $0x7C;
	s0 =	sadd.s32 $0x4, s0;
	(v2sf) =	vpush v0, $0x0  }
0x193: {  	v0 =	vld.msk [tilespmem:s4+$0xF218], $0x1  }
.Ltmp23:
0x194: {  	(pc) =	sbr.rel @p1 .LBB3_24-.Ltmp23, $4  }
0x195: {  	s5 =	spop (v2sf)  }
0x196: {  	p2 =	sne.s32 s3, $0xFFFFFFFF;
	s4 =	smov.u32 s5  }
0x197: {  	p3 =	seq.s32 s5, $0xFFFFFFFF;
	s4 =	smov.u32 @p2 s3  }
0x198: {  	s5 =	smov.u32 @p3 s2;
	s4 =	smov.u32 @p3 s3  }
0x199: {  	(v2sf) =	vpush v0, $0x0;
	_ =	sdelay $0x8  }
0x19a: {  	s0 =	spop (v2sf)  }
0x19b: {  	p1 =	sne.s32 s4, $0xFFFFFFFF;
	s2 =	smov.u32 s0  }
0x19c: {  	s9 =	simm.s32 $0x6;
	p2 =	seq.s32 s0, $0xFFFFFFFF;
	s2 =	smov.u32 @p1 s4  }
0x19d: {  	s6 =	simm.s32 $0x0;
	s2 =	smov.u32 @p2 s4;
	s3 =	spop (v2sf)  }
0x19e: {  	s0 =	smov.u32 @p2 s5;
	p1 =	sne.s32 s2, $0xFFFFFFFF;
	s4 =	smov.u32 s3  }
.Ltmp24:
0x19f: {  	p2 =	seq.s32 s3, $0xFFFFFFFF;
	s4 =	smov.u32 @p1 s2;
	(pc) =	sbr.rel .LBB3_26-.Ltmp24, $4  }
0x1a0: {  	s10 =	simm.s32 $0xF188;
	s4 =	smov.u32 @p2 s2;
	s7 =	spop (v2sf)  }
0x1a1: {  	s11 =	simm.s32 $0x0;
	p1 =	sne.s32 s4, $0xFFFFFFFF;
	s8 =	smov.u32 s7  }
0x1a2: {  	s3 =	smov.u32 @p2 s0;
	p2 =	seq.s32 s7, $0xFFFFFFFF;
	s8 =	smov.u32 @p1 s4  }
0x1a3: {  	[sflag:s9] =	ssyncpa.u1 $0x0;
	s7 =	smov.u32 @p2 s3;
	s8 =	smov.u32 @p2 s4  }
.LBB3_32:
0x1a4: {  	p1 =	sgt.u32 s12, $0xC3FF0  }
0x1a5: {  	p2 =	seq.s32 @!p1 s12, s8  }
0x1a6: {  	p1 =	por p1, p2  }
0x1a7: {  	p2 =	sne.s32 @!p1 s12, s7  }
0x1a8: {  	p1 =	por p1, !p2  }
0x1a9: {  	s0 =	sshll.u32 @p1 s11, $0x9  }
0x1aa: {  	s0 =	sand.u32 @!p1 $0xFFFF8, s12  }
0x1ab: {  	s2 =	sand.u32 @!p1 $0x7, s12;
	s0 =	sadd.s32 @!p1 s1, s0  }
0x1ac: {  	[tilespmem:s10], [sflag:$0x6] =	stream.linear.gather @!p1 [hbm4b:s0+s2], $0x80, $0x38;
	[tilespmem:$0x1F6F8] =	vst v63  }
0x1ad: {  	_ =	swait.ge @!p1 [sflag:s9], $0x80  }
0x1ae: {  	[sflag:s9] =	ssyncset.done @!p1 $0x0  }
0x1af: {  	[sflag:s9] =	ssyncadd.s32 @!p1 $0xFFFFFF80  }
0x1b0: {  	v1 =	vld @!p1 [tilespmem:$0xF188];
	_ =	sdelay $0x2  }
0x1b1: {  	s0 =	sshll.u32 @!p1 s11, $0x9  }
0x1b2: {  	s2 =	sshrl.u32 @!p1 s0, $0x2  }
0x1b3: {  	[tilespmem:s2+$0xF238] =	vst.add.f32.msk @!p1 $0xffff, v1  }
0x1b4: {  	v1 =	vld @!p1 [tilespmem:$0xF198];
	_ =	sdelay $0x4  }
0x1b5: {  	[tilespmem:s2+$0xF248] =	vst.add.f32.msk @!p1 $0xffff, v1  }
0x1b6: {  	v1 =	vld @!p1 [tilespmem:$0xF1A8];
	_ =	sdelay $0x4  }
0x1b7: {  	[tilespmem:s2+$0xF258] =	vst.add.f32.msk @!p1 $0xffff, v1  }
0x1b8: {  	v1 =	vld @!p1 [tilespmem:$0xF1B8];
	_ =	sdelay $0x4  }
0x1b9: {  	[tilespmem:s2+$0xF268] =	vst.add.f32.msk @!p1 $0xffff, v1  }
0x1ba: {  	v1 =	vld @!p1 [tilespmem:$0xF1C8];
	_ =	sdelay $0x4  }
0x1bb: {  	[tilespmem:s2+$0xF278] =	vst.add.f32.msk @!p1 $0xffff, v1  }
0x1bc: {  	v1 =	vld @!p1 [tilespmem:$0xF1D8];
	_ =	sdelay $0x4  }
0x1bd: {  	[tilespmem:s2+$0xF288] =	vst.add.f32.msk @!p1 $0xffff, v1  }
0x1be: {  	v1 =	vld @!p1 [tilespmem:$0xF1E8];
	_ =	sdelay $0x4  }
0x1bf: {  	[tilespmem:s2+$0xF298] =	vst.add.f32.msk @!p1 $0xffff, v1  }
0x1c0: {  	v1 =	vld @!p1 [tilespmem:$0xF1F8];
	_ =	sdelay $0x4  }
0x1c1: {  	[tilespmem:s2+$0xF2A8] =	vst.add.f32.msk @!p1 $0xffff, v1  }
0x1c2: {  	s0 =	sshrl.u32 s0, $0x2;
	[tilespmem:s6+$0xF218] =	vst.msk $0x1, v0  }
0x1c3: {  	v0 =	vld [tilespmem:s0+$0xF238];
	_ =	sdelay $0x2  }
0x1c4: {  	s31 =	sshll.u32 s6, $0x9  }
0x1c5: {  	s2 =	sshra.s32 s31, $0x2  }
0x1c6: {  	[tilespmem:s2+$0xF238] =	vst v0  }
0x1c7: {  	v0 =	vld [tilespmem:s0+$0xF248];
	_ =	sdelay $0x4  }
0x1c8: {  	[tilespmem:s2+$0xF248] =	vst v0  }
0x1c9: {  	v0 =	vld [tilespmem:s0+$0xF258];
	_ =	sdelay $0x4  }
0x1ca: {  	[tilespmem:s2+$0xF258] =	vst v0  }
0x1cb: {  	v0 =	vld [tilespmem:s0+$0xF268];
	_ =	sdelay $0x4  }
0x1cc: {  	[tilespmem:s2+$0xF268] =	vst v0  }
0x1cd: {  	v0 =	vld [tilespmem:s0+$0xF278];
	_ =	sdelay $0x4  }
0x1ce: {  	[tilespmem:s2+$0xF278] =	vst v0  }
0x1cf: {  	v0 =	vld [tilespmem:s0+$0xF288];
	_ =	sdelay $0x4  }
0x1d0: {  	[tilespmem:s2+$0xF288] =	vst v0  }
0x1d1: {  	v0 =	vld [tilespmem:s0+$0xF298];
	_ =	sdelay $0x4  }
0x1d2: {  	[tilespmem:s2+$0xF298] =	vst v0  }
0x1d3: {  	v0 =	vld [tilespmem:s0+$0xF2A8];
	_ =	sdelay $0x4  }
0x1d4: {  	s6 =	sadd.s32 $0x1, s6;
	[tilespmem:s2+$0xF2A8] =	vst v0  }
.LBB3_33:
0x1d5: {  	s11 =	sadd.s32 $0x1, s11  }
0x1d6: {  	p1 =	sne.s32 s11, $0x20  }
.Ltmp25:
0x1d7: {  	_ = 	snop;
	(pc) =	sbr.rel @!p1 .LBB3_34-.Ltmp25, $1  }
0x1d8: {  	_ =	sdelay $0x3  }
.LBB3_26:
0x1d9: {  	v0 =	vld.msk [tilespmem:s11+$0xF218], $0x1;
	_ =	sdelay $0x4  }
0x1da: {  	(v2sf) =	vpush v0, $0x0;
	_ =	sdelay $0xe  }
0x1db: {  	s12 =	spop (v2sf)  }
0x1dc: {  	p1 =	seq.s32 s12, $0xFFFFFFFF  }
.Ltmp26:
0x1dd: {  	_ = 	snop;
	(pc) =	sbr.rel @p1 .LBB3_33-.Ltmp26, $1  }
0x1de: {  	_ =	sdelay $0x3  }
0x1df: {  	p1 =	slt.s32 s6, $0x1  }
.Ltmp27:
0x1e0: {  	_ = 	snop;
	(pc) =	sbr.rel @p1 .LBB3_32-.Ltmp27, $1  }
0x1e1: {  	_ =	sdelay $0x3  }
0x1e2: {  	s13 =	simm.s32 $0xF218;
	p1 =	por $0x0, $0x0  }
0x1e3: {  	v1 =	vld.msk @!p1 [tilespmem:s13+$0x0], $0x1;
	_ =	sdelay $0x4  }
0x1e4: {  	(v2sf) =	vpush @!p1 v1, $0x0;
	_ =	sdelay $0xd  }
0x1e5: {  	p3 =	sne.s32 s6, $0x1  }
.Ltmp28:
0x1e6: {  	s0 =	spop @!p1 (v2sf);
	(pc) =	sbr.rel @!p3 .LBB3_30-.Ltmp28, $4  }
0x1e7: {  	p2 =	seq.s32 @!p1 s12, s0  }
0x1e8: {  	s14 =	simm.s32 $0x0;
	p2 =	por !p2, p1  }
0x1e9: {  	s2 =	simm.s32 $0xFFFFFFFF;
	s14 =	simm.s32 @p2 $0xFFFFFFFF  }
0x1ea: {  	s0 =	simm.s32 $0x1;
	s14 =	smov.u32 @p1 s2  }
.LBB3_29:
0x1eb: {  	s2 =	smov.u32 s14;
	p1 =	sne.s32 s14, $0xFFFFFFFF  }
0x1ec: {  	s13 =	sadd.s32 $0x1, s13;
	s14 =	smov.u32 s0;
	s0 =	sadd.s32 $0x1, s0  }
0x1ed: {  	p2 =	sne.s32 s6, s0;
	v1 =	vld.msk @!p1 [tilespmem:s13+$0x0], $0x1;
	_ =	sdelay $0x4  }
0x1ee: {  	(v2sf) =	vpush @!p1 v1, $0x0;
	_ =	sdelay $0xe  }
.Ltmp29:
0x1ef: {  	s3 =	spop @!p1 (v2sf);
	(pc) =	sbr.rel @p2 .LBB3_29-.Ltmp29, $4  }
0x1f0: {  	p3 =	seq.s32 @!p1 s12, s3  }
0x1f1: {  	p3 =	por !p3, p1  }
0x1f2: {  	s14 =	simm.s32 @p3 $0xFFFFFFFF  }
0x1f3: {  	s14 =	smov.u32 @p1 s2  }
.LBB3_30:
0x1f4: {  	p1 =	seq.s32 s14, $0xFFFFFFFF  }
.Ltmp30:
0x1f5: {  	_ = 	snop;
	(pc) =	sbr.rel @p1 .LBB3_32-.Ltmp30, $1  }
0x1f6: {  	_ =	sdelay $0x3  }
0x1f7: {  	s0 =	sshll.u32 s11, $0x7  }
0x1f8: {  	s0 =	sand.u32 $0x3FFFFF80, s0  }
0x1f9: {  	v0 =	vld [tilespmem:s0+$0xF238];
	_ =	sdelay $0x2  }
0x1fa: {  	s2 =	sshll.u32 s14, $0x9  }
0x1fb: {  	s2 =	sshra.s32 s2, $0x2  }
0x1fc: {  	[tilespmem:s2+$0xF238] =	vst.add.f32.msk $0xffff, v0  }
0x1fd: {  	v0 =	vld [tilespmem:s0+$0xF248];
	_ =	sdelay $0x4  }
0x1fe: {  	[tilespmem:s2+$0xF248] =	vst.add.f32.msk $0xffff, v0  }
0x1ff: {  	v0 =	vld [tilespmem:s0+$0xF258];
	_ =	sdelay $0x4  }
0x200: {  	[tilespmem:s2+$0xF258] =	vst.add.f32.msk $0xffff, v0  }
0x201: {  	v0 =	vld [tilespmem:s0+$0xF268];
	_ =	sdelay $0x4  }
0x202: {  	[tilespmem:s2+$0xF268] =	vst.add.f32.msk $0xffff, v0  }
0x203: {  	v0 =	vld [tilespmem:s0+$0xF278];
	_ =	sdelay $0x4  }
0x204: {  	[tilespmem:s2+$0xF278] =	vst.add.f32.msk $0xffff, v0  }
0x205: {  	v0 =	vld [tilespmem:s0+$0xF288];
	_ =	sdelay $0x4  }
0x206: {  	[tilespmem:s2+$0xF288] =	vst.add.f32.msk $0xffff, v0  }
0x207: {  	v0 =	vld [tilespmem:s0+$0xF298];
	_ =	sdelay $0x4  }
0x208: {  	[tilespmem:s2+$0xF298] =	vst.add.f32.msk $0xffff, v0  }
0x209: {  	v0 =	vld [tilespmem:s0+$0xF2A8]  }
.Ltmp31:
0x20a: {  	_ = 	snop;
	(pc) =	sbr.rel .LBB3_33-.Ltmp31, $2  }
0x20b: {  	_ =	sdelay $0x2  }
0x20c: {  	[tilespmem:s2+$0xF2A8] =	vst.add.f32.msk $0xffff, v0  }
.LBB3_34:
0x20d: {  	s0 =	simm.s32 $0x6;
	p1 =	seq.s32 s6, $0x0  }
0x20e: {  	[sflag:s0] =	ssyncpa.u1 $0x1;
	v0 =	vimm.s32 @p1 $0xFFFFFFFF  }
0x20f: {  	s9 =	sadd.s32 $0xFFFFFFFF, s6;
	[tilespmem:$0x10238] =	vst @p1 v0  }
0x210: {  	v0 =	vld.msk @!p1 [tilespmem:s9+$0xF218], $0x1;
	_ =	sdelay $0x1  }
0x211: {  	v1 =	vld.msk @!p1 [tilespmem:$0xF218], $0x1;
	_ =	sdelay $0x2  }
0x212: {  	p2 =	seq.s32 @!p1 s9, $0x0;
	v0 =	vbroadcast @!p1 v0, $0x0  }
0x213: {  	vm0 =	vmmov @!p1 $0x1;
	p2 =	por !p2, p1  }
0x214: {  	v1 =	vnsel @!p1 vm0, $0xFFFFFFFF, v1;
	vm0 =	vcmask @!p1 $0x308;
	v0 =	vpsel !p2, $0xFFFFFFFF, v0  }
0x215: {  	p2 =	sne.s32 @!p1 s8, s7;
	v0 =	vsel @!p1 vm0, v1, v0  }
0x216: {  	s0 =	simm.s32 @!p1 $0xF238;
	s2 =	simm.s32 @!p1 $0x0;
	p3 =	por !p2, p1;
	[tilespmem:$0x10238] =	vst @!p1 v0  }
0x217: {  	[spmem:s2] =	stream.linear.scatter @!p1 [tilespmem:s0], [sflag:$0x1], $0x80, $0x38;
	[tilespmem:$0x1F6F8] =	vst v63  }
0x218: {  	s0 =	sshll.u32 @!p3 s9, $0x9  }
0x219: {  	s0 =	sshra.s32 @!p3 s0, $0x2  }
0x21a: {  	s2 =	simm.s32 @!p3 $0x80;
	s0 =	sadd.s32 @!p3 $0xF238, s0  }
0x21b: {  	[spmem:s2] =	stream.linear.scatter @!p3 [tilespmem:s0], [sflag:$0x1], $0x80, $0x38;
	[tilespmem:$0x1F6F8] =	vst v63  }
0x21c: {  	s0 =	simm.s32 @!p3 $0x1  }
0x21d: {  	_ =	swait.ge @!p3 [sflag:s0], $0x100  }
0x21e: {  	p1 =	por p2, p1;
	[sflag:s0] =	ssyncset.done @!p3 $0x0  }
0x21f: {  	[sflag:s0] =	ssyncadd.s32 @!p3 $0xFFFFFF00;
	s0 =	simm.s32 @!p1 $0x1  }
0x220: {  	_ =	swait.ge @!p1 [sflag:s0], $0x80  }
0x221: {  	s29 =	simm.s32 $0x10238;
	[sflag:s0] =	ssyncset.done @!p1 $0x0  }
0x222: {  	s30 =	simm.s32 $0x1000;
	s31 =	simm.s32 $0x1;
	[sflag:s0] =	ssyncadd.s32 @!p1 $0xFFFFFF80  }
0x223: {  	[spmem:s30] =	stream.linear.scatter [tilespmem:s29], [sflag:$0x1], $0x10, $0x38;
	[tilespmem:$0x1F6F8] =	vst v63  }
0x224: {  	_ =	swait.ge [sflag:s31], $0x10  }
0x225: {  	[sflag:s31] =	ssyncset.done $0x0  }
0x226: {  	p1 =	seq.s32 s15, $0x0;
	s8 =	rddreg [dreg:$0x1];
	[sflag:s31] =	ssyncadd.s32 $0xFFFFFFF0  }
0x227: {  	s2 =	sshll.u32 @p1 s8, $0xE;
	s7 =	rddreg [dreg:$0x2]  }
0x228: {  	s0 =	sadd.s32 @p1 $0x15C3C, s2;
	s2 =	sshll.u32 @p1 s7, $0x11  }
0x229: {  	_ =	sfence.stream.spmem;
	s0 =	sor.u32 @p1 s2, s0  }
0x22a: {  	[sflag:s0] =	ssyncadd.remote.s32 @p1 $0x1;
	s0 =	simm.s32 @p1 $0x4  }
0x22b: {  	s3 =	simm.s32 @!p1 $0x3C;
	s2 =	sand.u32 $0xFFFFFFFE, s8;
	_ =	swait.ge @p1 [sflag:s0], $0x22  }
0x22c: {  	s4 =	simm.s32 @!p1 $0x0;
	s2 =	sadd.s32 @!p1 $0x4, s2;
	[sflag:s0] =	ssyncset.done @p1 $0x0  }
0x22d: {  	s5 =	simm.s32 @!p1 $0x100;
	[sflag:s0] =	ssyncadd.s32 @p1 $0xFFFFFFDE;
	s0 =	sshll.u32 @!p1 s2, $0x1A  }
0x22e: {  	s2 =	sshll.u32 @!p1 s2, $0xD;
	s0 =	sor.u32 @!p1 s0, s7;
	_ =	swait.eq @!p1 [sflag:s3], $0x1  }
0x22f: {  	s2 =	sor.u32 @!p1 $0x1C04, s2;
	s3 =	simm.s32 @!p1 $0x1C03;
	s0 =	sor.u32 @!p1 $0x80004000, s0  }
0x230: {  	[spmem:s5], [sflag:s2] =	dma.general @!p1 [spmem:s4], [sflag:s3], length:$0x20, [dreg:$0x0], stride_count:$0x0, ici_dest:s0, dma_misc:DstOpCode:WRITE  }
0x231: {  	p2 =	slt.s32 s9, $0x2;
	s4 =	simm.s32 @!p1 $0x200;
	s5 =	simm.s32 @!p1 $0x202  }
0x232: {  	[spmem:s5], [sflag:s2] =	dma.general @!p1 [spmem:s4], [sflag:s3], length:$0x2, [dreg:$0x0], stride_count:$0x0, ici_dest:s0, dma_misc:DstOpCode:WRITE  }
.Ltmp32:
0x233: {  	s0 =	simm.s32 @!p1 $0x3;
	(pc) =	sbr.rel @p2 .LBB3_38-.Ltmp32, $4  }
0x234: {  	s2 =	sshll.u32 @!p1 s8, $0xE;
	_ =	swait.ge @!p1 [sflag:s0], $0x22  }
0x235: {  	s3 =	sshll.u32 @!p1 s7, $0x11;
	s2 =	sadd.s32 @!p1 $0x11C3C, s2;
	[sflag:s0] =	ssyncset.done @!p1 $0x0  }
0x236: {  	[sflag:s0] =	ssyncadd.s32 @!p1 $0xFFFFFFDE;
	s0 =	sor.u32 @!p1 s3, s2  }
0x237: {  	[sflag:s0] =	ssyncadd.remote.s32 @!p1 $0xFFFFFFFF;
	s0 =	simm.s32 $0x0  }
0x238: {  	s0 =	simm.s32 $0xF219  }
0x239: {  	v0 =	vld.msk [tilespmem:s0+$0x0], $0x1;
	_ =	sdelay $0x4  }
0x23a: {  	(v2sf) =	vpush v0, $0x0;
	_ =	sdelay $0xb  }
0x23b: {  	s31 =	sadd.s32 $0xFFFFFFFE, s6  }
0x23c: {  	s0 =	sadd.s32 $0xFFFFFFFF, s31  }
0x23d: {  	p2 =	sne.s32 s0, $0x0  }
.Ltmp33:
0x23e: {  	s2 =	spop (v2sf);
	(pc) =	sbr.rel @!p2 .LBB3_37-.Ltmp33, $4  }
0x23f: {  	s4 =	simm.s32 $0xF2B8;
	s7 =	simm.s32 $0x0;
	p1 =	sgt.u32 s2, $0xC3FF0  }
0x240: {  	s5 =	simm.s32 $0x0;
	s6 =	simm.s32 $0xF21A;
	s3 =	sand.u32 @!p1 $0xFFFF8, s2  }
0x241: {  	s2 =	sand.u32 @!p1 $0x7, s2;
	s7 =	simm.s32 @!p1 $0x200;
	s3 =	sadd.s32 @!p1 s1, s3  }
0x242: {  	[hbm4b:s3+s2] =	stream.linear.scatter @!p1 [tilespmem:s4], [sflag:$0x5], $0x80, $0x38;
	[tilespmem:$0x1F6F8] =	vst v63  }
.LBB3_36:
0x243: {  	v0 =	vld.msk [tilespmem:s6+$0x0], $0x1;
	s0 =	sadd.s32 $0xFFFFFFFF, s0;
	s5 =	sadd.s32 s5, s7  }
0x244: {  	p1 =	sne.s32 s0, $0x0;
	_ =	sdelay $0x3  }
0x245: {  	(v2sf) =	vpush v0, $0x0;
	_ =	sdelay $0xe  }
.Ltmp34:
0x246: {  	s2 =	spop (v2sf);
	(pc) =	sbr.rel @p1 .LBB3_36-.Ltmp34, $4  }
0x247: {  	s7 =	simm.s32 $0x0;
	p2 =	sgt.u32 s2, $0xC3FF0  }
0x248: {  	s4 =	sadd.s32 $0x80, s4;
	s7 =	simm.s32 @!p2 $0x200;
	s3 =	sand.u32 @!p2 $0xFFFF8, s2  }
0x249: {  	s6 =	sadd.s32 $0x1, s6;
	s2 =	sand.u32 @!p2 $0x7, s2;
	s3 =	sadd.s32 @!p2 s1, s3  }
0x24a: {  	[hbm4b:s3+s2] =	stream.linear.scatter @!p2 [tilespmem:s4], [sflag:$0x5], $0x80, $0x38;
	[tilespmem:$0x1F6F8] =	vst v63  }
.LBB3_37:
0x24b: {  	s0 =	sadd.s32 s5, s7  }
0x24c: {  	s0 =	sshrl.u32 s0, $0x2  }
.LBB3_38:
0x24d: {  	s2 =	simm.s32 $0x5  }
0x24e: {  	_ =	swait.ge [sflag:s2], s0  }
0x24f: {  	s31 =	ssub.s32 $0x0, s0;
	[sflag:s2] =	ssyncset.done $0x0  }
0x250: {  	[sflag:s2] =	ssyncadd.s32 s31  }
0x251: {  	[sflag:s2] =	ssyncpa.u1 $0x1  }
.LBB3_39:
0x252: {  	s0 =	sor.u32 s15, s16  }
0x253: {  	p1 =	sne.s32 s0, $0x0  }
.Ltmp35:
0x254: {  	_ = 	snop;
	(pc) =	sbr.rel @p1 .LBB3_54-.Ltmp35, $3  }
0x255: {  	_ =	sdelay $0x1  }
0x256: {  	[bflag:$0x0] =	sbarrier.arrive $0xFFFF  }
0x257: {  	_ =	sfence  }
0x258: {  	s0 =	simm.s32 $0x7  }
0x259: {  	s2 =	simm.s32 $0x1000;
	s3 =	simm.s32 $0xF218;
	[sflag:s0] =	ssyncpa.u1 $0x0  }
0x25a: {  	[tilespmem:s3], [sflag:$0x7] =	stream.linear.gather [spmem:s2], $0x20, $0x38;
	[tilespmem:$0x1F6F8] =	vst v63  }
0x25b: {  	s30 =	simm.s32 $0xF238;
	s2 =	simm.s32 $0x0  }
0x25c: {  	[tilespmem:s30], [sflag:$0x7] =	stream.linear.gather [spmem:s2], $0x1000, $0x38;
	[tilespmem:$0x1F6F8] =	vst v63  }
.Ltmp36:
0x25d: {  	_ = 	snop;
	(pc) =	sbr.rel .LBB3_41-.Ltmp36, $4  }
0x25e: {  	_ =	swait.ge [sflag:s0], $0x1020  }
0x25f: {  	[sflag:s0] =	ssyncset.done $0x0  }
0x260: {  	s31 =	simm.s32 $0x8;
	[sflag:s0] =	ssyncadd.s32 $0xFFFFEFE0  }
0x261: {  	s3 =	simm.s32 $0x0;
	[sflag:s31] =	ssyncpa.u1 $0x0  }
.LBB3_47:
0x262: {  	p1 =	slt.u32 s4, $0xC3FF1  }
0x263: {  	s0 =	sand.u32 @p1 $0xFFFF8, s4  }
0x264: {  	s4 =	sand.u32 @p1 $0x7, s4;
	s5 =	simm.s32 @p1 $0xF188;
	s0 =	sadd.s32 @p1 s1, s0  }
0x265: {  	[tilespmem:s5], [sflag:$0x8] =	stream.linear.gather @p1 [hbm4b:s0+s4], $0x80, $0x38;
	[tilespmem:$0x1F6F8] =	vst v63  }
0x266: {  	s0 =	simm.s32 @p1 $0x8  }
0x267: {  	_ =	swait.ge @p1 [sflag:s0], $0x80  }
0x268: {  	[sflag:s0] =	ssyncset.done @p1 $0x0  }
0x269: {  	[sflag:s0] =	ssyncadd.s32 @p1 $0xFFFFFF80  }
0x26a: {  	v1 =	vld @p1 [tilespmem:$0xF188];
	_ =	sdelay $0x2  }
0x26b: {  	s0 =	sshll.u32 @p1 s3, $0x9  }
0x26c: {  	s4 =	sshrl.u32 @p1 s0, $0x2  }
0x26d: {  	[tilespmem:s4+$0xF238] =	vst.add.f32.msk @p1 $0xffff, v1  }
0x26e: {  	v1 =	vld @p1 [tilespmem:$0xF198];
	_ =	sdelay $0x4  }
0x26f: {  	[tilespmem:s4+$0xF248] =	vst.add.f32.msk @p1 $0xffff, v1  }
0x270: {  	v1 =	vld @p1 [tilespmem:$0xF1A8];
	_ =	sdelay $0x4  }
0x271: {  	[tilespmem:s4+$0xF258] =	vst.add.f32.msk @p1 $0xffff, v1  }
0x272: {  	v1 =	vld @p1 [tilespmem:$0xF1B8];
	_ =	sdelay $0x4  }
0x273: {  	[tilespmem:s4+$0xF268] =	vst.add.f32.msk @p1 $0xffff, v1  }
0x274: {  	v1 =	vld @p1 [tilespmem:$0xF1C8];
	_ =	sdelay $0x4  }
0x275: {  	[tilespmem:s4+$0xF278] =	vst.add.f32.msk @p1 $0xffff, v1  }
0x276: {  	v1 =	vld @p1 [tilespmem:$0xF1D8];
	_ =	sdelay $0x4  }
0x277: {  	[tilespmem:s4+$0xF288] =	vst.add.f32.msk @p1 $0xffff, v1  }
0x278: {  	v1 =	vld @p1 [tilespmem:$0xF1E8];
	_ =	sdelay $0x4  }
0x279: {  	[tilespmem:s4+$0xF298] =	vst.add.f32.msk @p1 $0xffff, v1  }
0x27a: {  	v1 =	vld @p1 [tilespmem:$0xF1F8];
	_ =	sdelay $0x3  }
0x27b: {  	s5 =	sshll.u32 @!p1 s3, $0x9  }
0x27c: {  	s5 =	smov.u32 @p1 s0;
	[tilespmem:s4+$0xF2A8] =	vst.add.f32.msk @p1 $0xffff, v1  }
0x27d: {  	s0 =	sshrl.u32 s5, $0x2;
	[tilespmem:s2+$0xF218] =	vst.msk $0x1, v0  }
0x27e: {  	v0 =	vld [tilespmem:s0+$0xF238];
	_ =	sdelay $0x2  }
0x27f: {  	s31 =	sshll.u32 s2, $0x9  }
0x280: {  	s4 =	sshra.s32 s31, $0x2  }
0x281: {  	[tilespmem:s4+$0xF238] =	vst v0  }
0x282: {  	v0 =	vld [tilespmem:s0+$0xF248];
	_ =	sdelay $0x4  }
0x283: {  	[tilespmem:s4+$0xF248] =	vst v0  }
0x284: {  	v0 =	vld [tilespmem:s0+$0xF258];
	_ =	sdelay $0x4  }
0x285: {  	[tilespmem:s4+$0xF258] =	vst v0  }
0x286: {  	v0 =	vld [tilespmem:s0+$0xF268];
	_ =	sdelay $0x4  }
0x287: {  	[tilespmem:s4+$0xF268] =	vst v0  }
0x288: {  	v0 =	vld [tilespmem:s0+$0xF278];
	_ =	sdelay $0x4  }
0x289: {  	[tilespmem:s4+$0xF278] =	vst v0  }
0x28a: {  	v0 =	vld [tilespmem:s0+$0xF288];
	_ =	sdelay $0x4  }
0x28b: {  	[tilespmem:s4+$0xF288] =	vst v0  }
0x28c: {  	v0 =	vld [tilespmem:s0+$0xF298];
	_ =	sdelay $0x4  }
0x28d: {  	[tilespmem:s4+$0xF298] =	vst v0  }
0x28e: {  	v0 =	vld [tilespmem:s0+$0xF2A8];
	_ =	sdelay $0x4  }
0x28f: {  	s2 =	sadd.s32 $0x1, s2;
	[tilespmem:s4+$0xF2A8] =	vst v0  }
.LBB3_48:
0x290: {  	s3 =	sadd.s32 $0x1, s3  }
0x291: {  	p1 =	sne.s32 s3, $0x20  }
.Ltmp37:
0x292: {  	_ = 	snop;
	(pc) =	sbr.rel @!p1 .LBB3_49-.Ltmp37, $1  }
0x293: {  	_ =	sdelay $0x3  }
.LBB3_41:
0x294: {  	v0 =	vld.msk [tilespmem:s3+$0xF218], $0x1;
	_ =	sdelay $0x4  }
0x295: {  	(v2sf) =	vpush v0, $0x0;
	_ =	sdelay $0xe  }
0x296: {  	s4 =	spop (v2sf)  }
0x297: {  	p1 =	seq.s32 s4, $0xFFFFFFFF  }
.Ltmp38:
0x298: {  	_ = 	snop;
	(pc) =	sbr.rel @p1 .LBB3_48-.Ltmp38, $1  }
0x299: {  	_ =	sdelay $0x3  }
0x29a: {  	p1 =	slt.s32 s2, $0x1  }
.Ltmp39:
0x29b: {  	_ = 	snop;
	(pc) =	sbr.rel @p1 .LBB3_47-.Ltmp39, $1  }
0x29c: {  	_ =	sdelay $0x3  }
0x29d: {  	s5 =	simm.s32 $0xF218;
	p1 =	por $0x0, $0x0  }
0x29e: {  	v1 =	vld.msk @!p1 [tilespmem:s5+$0x0], $0x1;
	_ =	sdelay $0x4  }
0x29f: {  	(v2sf) =	vpush @!p1 v1, $0x0;
	_ =	sdelay $0xd  }
0x2a0: {  	p3 =	sne.s32 s2, $0x1  }
.Ltmp40:
0x2a1: {  	s0 =	spop @!p1 (v2sf);
	(pc) =	sbr.rel @!p3 .LBB3_45-.Ltmp40, $4  }
0x2a2: {  	p2 =	seq.s32 @!p1 s4, s0  }
0x2a3: {  	s6 =	simm.s32 $0x0;
	p2 =	por !p2, p1  }
0x2a4: {  	s7 =	simm.s32 $0xFFFFFFFF;
	s6 =	simm.s32 @p2 $0xFFFFFFFF  }
0x2a5: {  	s0 =	simm.s32 $0x1;
	s6 =	smov.u32 @p1 s7  }
.LBB3_44:
0x2a6: {  	s7 =	smov.u32 s6;
	p1 =	sne.s32 s6, $0xFFFFFFFF  }
0x2a7: {  	s5 =	sadd.s32 $0x1, s5;
	s6 =	smov.u32 s0;
	s0 =	sadd.s32 $0x1, s0  }
0x2a8: {  	p2 =	sne.s32 s2, s0;
	v1 =	vld.msk @!p1 [tilespmem:s5+$0x0], $0x1;
	_ =	sdelay $0x4  }
0x2a9: {  	(v2sf) =	vpush @!p1 v1, $0x0;
	_ =	sdelay $0xe  }
.Ltmp41:
0x2aa: {  	s8 =	spop @!p1 (v2sf);
	(pc) =	sbr.rel @p2 .LBB3_44-.Ltmp41, $4  }
0x2ab: {  	p3 =	seq.s32 @!p1 s4, s8  }
0x2ac: {  	p3 =	por !p3, p1  }
0x2ad: {  	s6 =	simm.s32 @p3 $0xFFFFFFFF  }
0x2ae: {  	s6 =	smov.u32 @p1 s7  }
.LBB3_45:
0x2af: {  	p1 =	seq.s32 s6, $0xFFFFFFFF  }
.Ltmp42:
0x2b0: {  	_ = 	snop;
	(pc) =	sbr.rel @p1 .LBB3_47-.Ltmp42, $1  }
0x2b1: {  	_ =	sdelay $0x3  }
0x2b2: {  	s0 =	sshll.u32 s3, $0x7  }
0x2b3: {  	s0 =	sand.u32 $0x3FFFFF80, s0  }
0x2b4: {  	v0 =	vld [tilespmem:s0+$0xF238];
	_ =	sdelay $0x2  }
0x2b5: {  	s4 =	sshll.u32 s6, $0x9  }
0x2b6: {  	s4 =	sshra.s32 s4, $0x2  }
0x2b7: {  	[tilespmem:s4+$0xF238] =	vst.add.f32.msk $0xffff, v0  }
0x2b8: {  	v0 =	vld [tilespmem:s0+$0xF248];
	_ =	sdelay $0x4  }
0x2b9: {  	[tilespmem:s4+$0xF248] =	vst.add.f32.msk $0xffff, v0  }
0x2ba: {  	v0 =	vld [tilespmem:s0+$0xF258];
	_ =	sdelay $0x4  }
0x2bb: {  	[tilespmem:s4+$0xF258] =	vst.add.f32.msk $0xffff, v0  }
0x2bc: {  	v0 =	vld [tilespmem:s0+$0xF268];
	_ =	sdelay $0x4  }
0x2bd: {  	[tilespmem:s4+$0xF268] =	vst.add.f32.msk $0xffff, v0  }
0x2be: {  	v0 =	vld [tilespmem:s0+$0xF278];
	_ =	sdelay $0x4  }
0x2bf: {  	[tilespmem:s4+$0xF278] =	vst.add.f32.msk $0xffff, v0  }
0x2c0: {  	v0 =	vld [tilespmem:s0+$0xF288];
	_ =	sdelay $0x4  }
0x2c1: {  	[tilespmem:s4+$0xF288] =	vst.add.f32.msk $0xffff, v0  }
0x2c2: {  	v0 =	vld [tilespmem:s0+$0xF298];
	_ =	sdelay $0x4  }
0x2c3: {  	[tilespmem:s4+$0xF298] =	vst.add.f32.msk $0xffff, v0  }
0x2c4: {  	v0 =	vld [tilespmem:s0+$0xF2A8]  }
.Ltmp43:
0x2c5: {  	_ = 	snop;
	(pc) =	sbr.rel .LBB3_48-.Ltmp43, $2  }
0x2c6: {  	_ =	sdelay $0x2  }
0x2c7: {  	[tilespmem:s4+$0xF2A8] =	vst.add.f32.msk $0xffff, v0  }
.LBB3_49:
0x2c8: {  	p1 =	slt.s32 s2, $0x1  }
.Ltmp44:
0x2c9: {  	_ = 	snop;
	(pc) =	sbr.rel @p1 .LBB3_53-.Ltmp44, $3  }
0x2ca: {  	_ =	sdelay $0x1  }
0x2cb: {  	s0 =	simm.s32 $0x8  }
0x2cc: {  	s3 =	simm.s32 $0x0;
	[sflag:s0] =	ssyncpa.u1 $0x1  }
0x2cd: {  	s0 =	simm.s32 $0xF218  }
0x2ce: {  	v0 =	vld.msk [tilespmem:s0+$0x0], $0x1;
	_ =	sdelay $0x4  }
0x2cf: {  	(v2sf) =	vpush v0, $0x0;
	_ =	sdelay $0xe  }
0x2d0: {  	s0 =	sadd.s32 $0xFFFFFFFF, s2;
	s5 =	spop (v2sf)  }
0x2d1: {  	p2 =	sne.s32 s0, $0x0;
	p1 =	sgt.u32 s5, $0xC3FF0  }
.Ltmp45:
0x2d2: {  	s6 =	sand.u32 @!p1 $0xFFFF8, s5;
	(pc) =	sbr.rel @!p2 .LBB3_52-.Ltmp45, $4  }
0x2d3: {  	s4 =	simm.s32 $0xF238;
	s5 =	sand.u32 @!p1 $0x7, s5;
	s2 =	sadd.s32 @!p1 s1, s6  }
0x2d4: {  	[hbm4b:s2+s5] =	stream.linear.scatter @!p1 [tilespmem:s4], [sflag:$0x7], $0x80, $0x38;
	[tilespmem:$0x1F6F8] =	vst v63  }
0x2d5: {  	s5 =	simm.s32 $0x0  }
0x2d6: {  	s2 =	simm.s32 $0xF219;
	s5 =	simm.s32 @!p1 $0x200  }
.LBB3_51:
0x2d7: {  	v0 =	vld.msk [tilespmem:s2+$0x0], $0x1;
	s0 =	sadd.s32 $0xFFFFFFFF, s0;
	s3 =	sadd.s32 s3, s5  }
0x2d8: {  	p1 =	sne.s32 s0, $0x0;
	_ =	sdelay $0x3  }
0x2d9: {  	(v2sf) =	vpush v0, $0x0;
	_ =	sdelay $0xe  }
.Ltmp46:
0x2da: {  	s6 =	spop (v2sf);
	(pc) =	sbr.rel @p1 .LBB3_51-.Ltmp46, $4  }
0x2db: {  	s5 =	simm.s32 $0x0;
	p2 =	sgt.u32 s6, $0xC3FF0  }
0x2dc: {  	s4 =	sadd.s32 $0x80, s4;
	s5 =	simm.s32 @!p2 $0x200;
	s7 =	sand.u32 @!p2 $0xFFFF8, s6  }
0x2dd: {  	s2 =	sadd.s32 $0x1, s2;
	s6 =	sand.u32 @!p2 $0x7, s6;
	s7 =	sadd.s32 @!p2 s1, s7  }
0x2de: {  	[hbm4b:s7+s6] =	stream.linear.scatter @!p2 [tilespmem:s4], [sflag:$0x7], $0x80, $0x38;
	[tilespmem:$0x1F6F8] =	vst v63  }
.LBB3_52:
0x2df: {  	s0 =	sadd.s32 s3, s5  }
0x2e0: {  	s3 =	sshrl.u32 s0, $0x2  }
.LBB3_53:
0x2e1: {  	s0 =	simm.s32 $0x7  }
0x2e2: {  	_ =	swait.ge [sflag:s0], s3  }
0x2e3: {  	s1 =	ssub.s32 $0x0, s3;
	[sflag:s0] =	ssyncset.done $0x0  }
0x2e4: {  	[sflag:s0] =	ssyncadd.s32 s1  }
0x2e5: {  	[sflag:s0] =	ssyncpa.u1 $0x1  }
.LBB3_54:
0x2e6: {  	_ =	sfence;
	s0 =	simm.s32 $0x1  }
0x2e7: {  	[sflag:s0] =	ssyncpa.u1 $0x1  }
0x2e8: {  	_ =	strace $0x90000059  }
0x2e9: {  	[bflag:$0x2] =	sbarrier.arrive $0xFFFF  }
0x2ea: {  	s0 =	rddreg [dreg:$0x3]  }
0x2eb: {  	s0 =	sadd.s32 @!p0 $0x100000, s0  }
0x2ec: {  	[sflag:s0] =	ssyncadd.tile.s32 @!p0 $0x1;
	_ =	shalt  }
.Lfunc_end3:
_tile_overlayer_lowered:
.L_overlay_start_3:
0x2ed: {  	(tag) =	ssettag $0x3  }
0x2ee: {  	s0 =	rddreg [dreg:$0x0];
	s2 =	stileid.u32  }
0x2ef: {  	s1 =	rddreg [dreg:$0x1];
	p0 =	sne.s32 s2, $0x0  }
0x2f0: {  	s3 =	rddreg [dreg:$0x2];
	[bflag:$0x3] =	sbarrier.arrive $0xFFFF;
	s2 =	simm.s32 @!p0 $0x1C01  }
0x2f1: {  	[timem:s3], [sflag:s2] =	dma.local @!p0 [hbm:s0], s1  }
0x2f2: {  	s0 =	simm.s32 @!p0 $0x1  }
0x2f3: {  	_ =	swait.ge @!p0 [sflag:s0], s1  }
0x2f4: {  	s1 =	ssub.s32 @!p0 $0x0, s1;
	[sflag:s0] =	ssyncset.done @!p0 $0x0  }
0x2f5: {  	[sflag:s0] =	ssyncadd.s32 @!p0 s1  }
0x2f6: {  	[bflag:$0x3] =	sbarrier.arrive $0xFFFF  }
0x2f7: {  	_ =	shalt  }

// kernel: scatter_offload_async_start.3
scs
__scs_entry_jumppad:
0x0: {  	(pc) =	sbr.rel $0x88, $3  }
0x1: {  	(tag) =	ssettag $0x0;
	lr =	simm.s32 $0x1  }
0x2: {  	[smem:$0x3F96] =	sst lr;
	_ =	strace $0xD0000000  }
0x3: {  	_ = 	snop  }
0x4: {  	_ = 	snop  }
0x5: {  	_ = 	snop  }
0x6: {  	_ = 	snop  }
0x7: {  	_ = 	snop  }
__scs_overlays_trampoline_lowered:
0x8: {  	[smem:$0x3FA5] =	sst s0  }
0x9: {  	[smem:$0x3FA6] =	sst s1  }
0xa: {  	[smem:$0x3FA7] =	sst s2  }
0xb: {  	[smem:$0x3FA8] =	sst s3  }
0xc: {  	[smem:$0x3FA9] =	sst s4  }
0xd: {  	[smem:$0x3FAA] =	sst s5  }
0xe: {  	[smem:$0x3FAB] =	sst s6  }
0xf: {  	[smem:$0x3FAC] =	sst s7  }
0x10: {  	[smem:$0x3FAD] =	sst s8  }
0x11: {  	[smem:$0x3FAE] =	sst s9;
	s0 =	simm.s32 @!p0 $0x0  }
0x12: {  	s1 =	sld [smem:$0x3F94];
	s0 =	simm.s32 @p0 $0x1  }
0x13: {  	[smem:$0x3FAF] =	sst s0;
	s0 =	simm.s32 @!p1 $0x0  }
0x14: {  	s2 =	sld [smem:$0x3F93];
	s0 =	simm.s32 @p1 $0x1  }
0x15: {  	[smem:$0x3FB0] =	sst s0;
	s0 =	simm.s32 @!p2 $0x0  }
0x16: {  	s3 =	sld [smem:$0x3FDB];
	s0 =	simm.s32 @p2 $0x1  }
0x17: {  	s4 =	simm.s32 $0x1BF5;
	[smem:$0x3FB2] =	sst s0  }
0x18: {  	s0 =	sld [smem:$0x3F95];
	_ =	swait.ge [sflag:s4], $0x0  }
0x19: {  	s7 =	sld [smem:$0x3F96]  }
0x1a: {  	s8 =	sadd.s32 $0xFFFFE003, lr  }
0x1b: {  	s9 =	sadd.s32 $0xFFFFFEF7, lr;
	s5 =	simm.s32 $0xFFFFFFFF;
	p2 =	slt.u32 s8, $0xFFFFF086  }
0x1c: {  	p1 =	slt.u32 s9, $0xF7A;
	s5 =	simm.s32 @!p2 $0x0  }
0x1d: {  	s5 =	simm.s32 @p1 $0x1;
	p0 =	seq.s32 s7, s2  }
0x1e: {  	s7 =	smul.u32 @!p0 $0xF7A, s2;
	p2 =	seq.s32 @!p0 s5, $0x0  }
0x1f: {  	s9 =	smul.u32 $0xF7A, s1;
	s8 =	simm.s32 @!p0 $0x1BF5;
	p2 =	por !p2, p0  }
0x20: {  	[sflag:s8] =	ssyncset.s32 @!p0 $0xFFFFF086;
	s6 =	sadd.s32 @!p0 s3, s7;
	s7 =	simm.s32 @!p0 $0x108  }
0x21: {  	s3 =	sadd.s32 s3, s9;
	s6 =	sadd.s32 @!p0 $0x88, s6;
	s7 =	simm.s32 @p2 $0x1082  }
0x22: {  	[simem:s7], [sflag:s8] =	dma.local @!p0 [hbm:s6], $0xF7A  }
0x23: {  	s9 =	sor.u32 $0xD0000000, s2;
	s6 =	simm.s32 $0x108;
	_ =	swait.ge @!p0 [sflag:s8], $0x0  }
0x24: {  	s3 =	sadd.s32 $0x88, s3;
	s6 =	simm.s32 @!p1 $0x1082;
	[sflag:s4] =	ssyncset.s32 $0xFFFFF086  }
0x25: {  	[simem:s6], [sflag:s4] =	dma.local [hbm:s3], $0xF7A  }
0x26: {  	[smem:$0x3F96] =	sst s1;
	(tag) =	ssettag s2;
	_ =	strace s9  }
0x27: {  	s1 =	sld [smem:$0x3FA6]  }
0x28: {  	s2 =	sld [smem:$0x3FA7]  }
0x29: {  	s4 =	sld [smem:$0x3FA9]  }
0x2a: {  	p0 =	seq.s32 s5, $0x0;
	s5 =	sld [smem:$0x3FAA]  }
0x2b: {  	s6 =	sld [smem:$0x3FAB]  }
0x2c: {  	s7 =	sld [smem:$0x3FAC]  }
0x2d: {  	s3 =	simm.s32 $0x108;
	s8 =	sld [smem:$0x3FAD]  }
0x2e: {  	s3 =	simm.s32 @!p0 $0x1082;
	s9 =	sld [smem:$0x3FAE]  }
0x2f: {  	lr =	sadd.s32 s0, s3;
	s0 =	sld [smem:$0x3FA5]  }
0x30: {  	s3 =	sld [smem:$0x3FA8]  }
0x31: {  	[smem:$0x3FB1] =	sst s10  }
0x32: {  	s10 =	sld [smem:$0x3FAF];
	_ =	sdelay $0x3  }
0x33: {  	p0 =	seq.s32 s10, $0x1;
	s10 =	sld [smem:$0x3FB1];
	_ =	sdelay $0x3  }
0x34: {  	[smem:$0x3FB1] =	sst s10  }
0x35: {  	s10 =	sld [smem:$0x3FB0];
	_ =	sdelay $0x3  }
0x36: {  	p1 =	seq.s32 s10, $0x1;
	s10 =	sld [smem:$0x3FB1];
	_ =	sdelay $0x3  }
0x37: {  	[smem:$0x3FB1] =	sst s10  }
0x38: {  	s10 =	sld [smem:$0x3FB2]  }
0x39: {  	_ = 	snop;
	(pc) =	sbr.ind lr, $3  }
0x3a: {  	_ = 	snop  }
0x3b: {  	_ = 	snop  }
0x3c: {  	p2 =	seq.s32 s10, $0x1;
	s10 =	sld [smem:$0x3FB1]  }
0x3d: {  	_ =	shalt  }
0x3e: {  	_ =	shalt  }
0x3f: {  	_ =	shalt  }
0x40: {  	_ =	shalt  }
0x41: {  	_ =	shalt  }
0x42: {  	_ =	shalt  }
0x43: {  	_ =	shalt  }
0x44: {  	_ =	shalt  }
0x45: {  	_ =	shalt  }
0x46: {  	_ =	shalt  }
0x47: {  	_ =	shalt  }
0x48: {  	_ =	shalt  }
0x49: {  	_ =	shalt  }
0x4a: {  	_ =	shalt  }
0x4b: {  	_ =	shalt  }
0x4c: {  	_ =	shalt  }
0x4d: {  	_ =	shalt  }
0x4e: {  	_ =	shalt  }
0x4f: {  	_ =	shalt  }
0x50: {  	_ =	shalt  }
0x51: {  	_ =	shalt  }
0x52: {  	_ =	shalt  }
0x53: {  	_ =	shalt  }
0x54: {  	_ =	shalt  }
0x55: {  	_ =	shalt  }
0x56: {  	_ =	shalt  }
0x57: {  	_ =	shalt  }
0x58: {  	_ =	shalt  }
0x59: {  	_ =	shalt  }
0x5a: {  	_ =	shalt  }
0x5b: {  	_ =	shalt  }
0x5c: {  	_ =	shalt  }
0x5d: {  	_ =	shalt  }
0x5e: {  	_ =	shalt  }
0x5f: {  	_ =	shalt  }
0x60: {  	_ =	shalt  }
0x61: {  	_ =	shalt  }
0x62: {  	_ =	shalt  }
0x63: {  	_ =	shalt  }
0x64: {  	_ =	shalt  }
0x65: {  	_ =	shalt  }
0x66: {  	_ =	shalt  }
0x67: {  	_ =	shalt  }
0x68: {  	_ =	shalt  }
0x69: {  	_ =	shalt  }
0x6a: {  	_ =	shalt  }
0x6b: {  	_ =	shalt  }
0x6c: {  	_ =	shalt  }
0x6d: {  	_ =	shalt  }
0x6e: {  	_ =	shalt  }
0x6f: {  	_ =	shalt  }
0x70: {  	_ =	shalt  }
0x71: {  	_ =	shalt  }
0x72: {  	_ =	shalt  }
0x73: {  	_ =	shalt  }
0x74: {  	_ =	shalt  }
0x75: {  	_ =	shalt  }
0x76: {  	_ =	shalt  }
0x77: {  	_ =	shalt  }
0x78: {  	_ =	shalt  }
0x79: {  	_ =	shalt  }
0x7a: {  	_ =	shalt  }
0x7b: {  	_ =	shalt  }
0x7c: {  	_ =	shalt  }
0x7d: {  	_ =	shalt  }
0x7e: {  	_ =	shalt  }
0x7f: {  	_ =	shalt  }
0x80: {  	_ =	shalt  }
0x81: {  	_ =	shalt  }
0x82: {  	_ =	shalt  }
0x83: {  	_ =	shalt  }
0x84: {  	_ =	shalt  }
0x85: {  	_ =	shalt  }
0x86: {  	_ =	shalt  }
0x87: {  	_ =	shalt  }
.Lfunc_end0:
.L_simem_size_0:
called_computation.3_lowered:
.L_overlay_start_0:
0x88: {  	s2 =	sld [smem:$0x3FD9]  }
0x89: {  	s3 =	sld [smem:$0x3FFE];
	_ =	sdelay $0x1  }
0x8a: {  	s1 =	srdreg.scid  }
0x8b: {  	s0 =	sand.u32 $0x1, s1  }
0x8c: {  	s12 =	sshll.u32 s0, $0xA;
	s2 =	sadd.s32 s3, s2  }
0x8d: {  	s2 =	sadd.s32 s2, s12  }
0x8e: {  	[smem:$0x3FBD] =	sst s2  }
0x8f: {  	_ = 	snop  }
0x90: {  	(tm) =	ssettm $0x1  }
0x91: {  	s13 =	sld [smem:$0x3FFB];
	_ =	sdelay $0x3  }
0x92: {  	_ =	strace s13  }
0x93: {  	s2 =	sld [smem:$0x3FFC];
	_ =	sdelay $0x3  }
0x94: {  	_ =	strace s2  }
0x95: {  	s2 =	sld [smem:$0x3FFD];
	_ =	sdelay $0x3  }
0x96: {  	_ =	strace s2  }
0x97: {  	_ =	strace $0x8FFFFFFF  }
0x98: {  	s14 =	sld [smem:$0x3FDB];
	_ =	sdelay $0x1  }
0x99: {  	s15 =	simm.s32 $_scs_section_size  }
0x9a: {  	s4 =	simm.s32 $_size__tile_overlayer_lowered;
	s5 =	simm.s32 $_tile_overlayer_lowered  }
0x9b: {  	s19 =	simm.s32 $0x1BFF;
	s17 =	sshll.u32 s5, $0x1;
	s6 =	sadd.s32 s15, s14  }
0x9c: {  	s20 =	simm.s32 $0x0;
	s16 =	sshll.u32 s4, $0x1;
	s18 =	sadd.s32 s17, s6  }
0x9d: {  	[timem:s20], [sflag:s19] =	dma.local [hbm:s18], s16  }
0x9e: {  	_ =	swait.ge [sflag:s19], s16  }
0x9f: {  	s3 =	ssub.s32 $0x0, s16;
	[sflag:s19] =	ssyncset.done $0x0  }
0xa0: {  	[sflag:s19] =	ssyncadd.s32 s3;
	_ =	sdelay $0x1  }
0xa1: {  	s21 =	simm.s32 $0x1B8B  }
0xa2: {  	_ =	swait.ge [sflag:s21], $0x1  }
0xa3: {  	[sflag:s21] =	ssyncset.done $0x0  }
0xa4: {  	[sflag:s21] =	ssyncadd.s32 $0xFFFFFFFF  }
0xa5: {  	s3 =	sld [smem:$0x0]  }
0xa6: {  	s4 =	sand.u32 $0xFFFFFFFE, s1  }
0xa7: {  	p0 =	sne.s32 s1, s4  }
0xa8: {  	s4 =	sshll.u32 @p0 s4, $0xE  }
0xa9: {  	s5 =	sadd.s32 @p0 $0x11B8D, s4;
	s7 =	sshll.u32 @p0 s3, $0x11  }
0xaa: {  	s5 =	sor.u32 @p0 s7, s5  }
0xab: {  	[sflag:s5] =	ssyncadd.remote.s32 @p0 $0x1;
	_ =	sdelay $0x1  }
0xac: {  	s5 =	simm.s32 @p0 $0x1B8D  }
0xad: {  	_ =	swait.eq @p0 [sflag:s5], $0x1  }
0xae: {  	[sflag:s5] =	ssyncadd.s32 @p0 $0xFFFFFFFF  }
0xaf: {  	s7 =	sshll.u32 @!p0 s1, $0xE  }
0xb0: {  	s7 =	sor.u32 @!p0 $0x4000, s7;
	s5 =	simm.s32 @!p0 $0x1B8D  }
0xb1: {  	s9 =	sshll.u32 @!p0 s3, $0x11;
	s8 =	sadd.s32 @!p0 $0x11B8D, s7;
	_ =	swait.eq @!p0 [sflag:s5], $0x1  }
0xb2: {  	[sflag:s5] =	ssyncadd.s32 @!p0 $0xFFFFFFFF;
	s5 =	sor.u32 @!p0 s9, s8  }
0xb3: {  	s23 =	simm.s32 $0x1B8E;
	s22 =	sld [smem:$0x3FFE];
	[sflag:s5] =	ssyncadd.remote.s32 @!p0 $0x1  }
0xb4: {  	s24 =	simm.s32 $execute0_lowered;
	[smem:$0x3FD2] =	sst s23  }
0xb5: {  	s8 =	sshll.u32 s24, $0x1;
	_ =	strace $0x8000005B;
	[dreg:$0x1] =	wrdreg $0xFFFFFFFF  }
0xb6: {  	s25 =	simm.s32 $_size_execute0_lowered;
	s8 =	sadd.s32 s6, s8;
	[dreg:$0x0] =	wrdreg $0x0  }
0xb7: {  	s9 =	sshll.u32 s25, $0x1;
	[dreg:$0x2] =	wrdreg s8  }
0xb8: {  	[dreg:$0x3] =	wrdreg s9  }
0xb9: {  	[dreg:$0x4] =	wrdreg $0xC0  }
0xba: {  	s26 =	simm.s32 $execute1_lowered;
	_ =	task [dreg:s20], $0x5FFFF  }
0xbb: {  	s8 =	sshll.u32 s26, $0x1;
	[dreg:$0x1] =	wrdreg $0xFFFFFFFF  }
0xbc: {  	s6 =	sadd.s32 s6, s8;
	[dreg:$0x0] =	wrdreg $0x60  }
0xbd: {  	[dreg:$0x2] =	wrdreg s6  }
0xbe: {  	[dreg:$0x3] =	wrdreg s22  }
0xbf: {  	[dreg:$0x4] =	wrdreg $0xF  }
0xc0: {  	_ =	task.clear_ibuf [dreg:s20], $0x5FFFF;
	_ =	strace $0x9000005B  }
0xc1: {  	s28 =	simm.s32 $0xF;
	_ =	strace $0x8000005D  }
0xc2: {  	_ =	swait.ge [sflag:s28], $0x1  }
0xc3: {  	[sflag:s28] =	ssyncadd.s32 $0xFFFFFFFF  }
0xc4: {  	_ =	strace $0x9000005D  }
0xc5: {  	s6 =	sld [smem:$0x0];
	_ =	sdelay $0x3  }
0xc6: {  	s4 =	sadd.s32 @p0 $0x11BF3, s4;
	s8 =	sshll.u32 @p0 s6, $0x11  }
0xc7: {  	s4 =	sor.u32 @p0 s8, s4  }
0xc8: {  	[sflag:s4] =	ssyncadd.remote.s32 @p0 $0x1;
	_ =	sdelay $0x1  }
0xc9: {  	s4 =	simm.s32 @p0 $0x1BF3  }
0xca: {  	_ =	swait.eq @p0 [sflag:s4], $0x1  }
0xcb: {  	[sflag:s4] =	ssyncadd.s32 @p0 $0xFFFFFFFF;
	_ =	sdelay $0x1  }
0xcc: {  	s4 =	simm.s32 @!p0 $0x1BF3  }
0xcd: {  	s7 =	sadd.s32 @!p0 $0x11BF3, s7;
	s6 =	sshll.u32 @!p0 s6, $0x11;
	_ =	swait.eq @!p0 [sflag:s4], $0x1  }
0xce: {  	[sflag:s4] =	ssyncadd.s32 @!p0 $0xFFFFFFFF;
	s4 =	sor.u32 @!p0 s6, s7  }
0xcf: {  	[sflag:s4] =	ssyncadd.remote.s32 @!p0 $0x1  }
0xd0: {  	_ =	strace $0x8000005E;
	[dreg:$0x1] =	wrdreg $0xFFFFFFFF  }
0xd1: {  	[dreg:$0x0] =	wrdreg $0x2030  }
0xd2: {  	[dreg:$0x2] =	wrdreg s22  }
0xd3: {  	[dreg:$0x3] =	wrdreg s1  }
0xd4: {  	[dreg:$0x4] =	wrdreg s3  }
0xd5: {  	[dreg:$0x5] =	wrdreg $0x10  }
0xd6: {  	_ =	task.clear_ibuf [dreg:s20], $0x6FFFF;
	_ =	strace $0x9000005E  }
0xd7: {  	s29 =	simm.s32 $0x10;
	_ =	strace $0x80000060  }
0xd8: {  	_ =	swait.ge [sflag:s29], $0x1  }
0xd9: {  	[sflag:s29] =	ssyncadd.s32 $0xFFFFFFFF  }
0xda: {  	_ =	strace $0x90000060  }
0xdb: {  	_ =	sfence  }
0xdc: {  	s30 =	sld [smem:$0x0];
	_ =	sdelay $0x2  }
0xdd: {  	s31 =	sshll.u32 s1, $0xD;
	s1 =	sshrl.u32 s1, $0x2  }
0xde: {  	s4 =	sand.u32 $0x4000, s31;
	s1 =	sadd.s32 s1, s30  }
0xdf: {  	s0 =	sor.u32 s4, s0;
	s1 =	sshll.u32 s1, $0x11  }
0xe0: {  	s0 =	sor.u32 s1, s0  }
0xe1: {  	s0 =	sadd.s32 $0x8F2B, s0  }
0xe2: {  	[sflag:s0] =	ssyncadd.remote.s32 $0x1  }
0xe3: {  	_ =	sfence.sel $0xFFFF  }
0xe4: {  	[dreg:$0x0] =	wrdreg $0xFFFFFFFF;
	(pc) =	sbr.abs _section_cstart, $3  }
0xe5: {  	[dreg:$0x1] =	wrdreg $0xFFFFFFFF  }
0xe6: {  	_ =	task.clear_ibuf [dreg:s20], $0x2FFFF;
	_ =	strace $0x9FFFFFFF  }
0xe7: {  	(tm) =	ssettm $0x7FFFFFFF  }
tec
execute0_lowered:
.L_overlay_start_1:
0x0: {  	(tag) =	ssettag $0x1  }
0x1: {  	s2 =	rddreg [dreg:$0x0]  }
0x2: {  	s4 =	rddreg [dreg:$0x1]  }
0x3: {  	s0 =	rddreg [dreg:$0x2];
	s3 =	stileid.u32;
	[bflag:$0x3] =	sbarrier.arrive $0xFFFF  }
0x4: {  	s1 =	simm.s32 $_size_execute1_lowered;
	s29 =	srdreg.scid;
	p0 =	sne.s32 s3, $0x0  }
0x5: {  	s1 =	sshll.u32 s1, $0x1;
	s5 =	simm.s32 @!p0 $0x1C3F;
	s6 =	simm.s32 @!p0 $0x4060  }
0x6: {  	[timem:s6], [sflag:s5] =	dma.local @!p0 [hbm:s2], s1  }
0x7: {  	s2 =	sshll.u32 s29, $0x7  }
0x8: {  	s7 =	simm.s32 $0x1;
	s3 =	sshll.u32 s3, $0x8;
	s2 =	sand.u32 $0x80, s2  }
0x9: {  	s8 =	simm.s32 $0x2;
	s9 =	simm.s32 $0x0;
	s2 =	sor.u32 s3, s2  }
0xa: {  	s12 =	simm.s32 $0x0;
	s11 =	simm.s32 $0x0;
	s30 =	ssub.s32 $0xC400, s2  }
.Ltmp0:
0xb: {  	s5 =	simm.s32 $0x1;
	s31 =	sand.u32 $0xF80, s30;
	(pc) =	sbr.rel .LBB2_1-.Ltmp0, $4  }
0xc: {  	_ =	strace $0x8000005C;
	s3 =	sadd.s32 $0x1EBDC00, s4;
	p1 =	sne.s32 s31, $0x0  }
0xd: {  	[sflag:s5] =	ssyncpa.u1 $0x0;
	s6 =	sshrl.u32 s30, $0xC;
	s7 =	simm.s32 @!p1 $0x0  }
0xe: {  	s4 =	sadd.s32 $0x1BBC00, s4;
	[sflag:s8] =	ssyncpa.u1 $0x0;
	s6 =	sadd.s32 s7, s6  }
0xf: {  	s8 =	simm.s32 $0x0;
	s10 =	smov.u32 s2;
	s7 =	sadd.s32 $0x1, s6  }
.LBB2_4:
0x10: {  	_ =	sdelay $0x3  }
0x11: {  	[tilespmem:v0+s14+$0xFFFFFFA0 ss:$0x1] =	vst.idx.msk $0xffff, v6  }
0x12: {  	v56 =	vld.idx.msk [tilespmem:v1+s15+$0x30 ss:$0x1], $0xffff;
	[tilespmem:v0+s14+$0xFFFFFFB0 ss:$0x1] =	vst.idx.msk $0xffff, v4  }
0x13: {  	v57 =	vld.idx.msk [tilespmem:v1+s15+$0xFFFFFFC0 ss:$0x1], $0xffff;
	[tilespmem:v0+s14+$0xFFFFFFC0 ss:$0x1] =	vst.idx.msk $0xffff, v2  }
0x14: {  	v58 =	vld.idx.msk [tilespmem:v1+s15+$0xFFFFFFD0 ss:$0x1], $0xffff;
	[tilespmem:v0+s14+$0xFFFFFFD0 ss:$0x1] =	vst.idx.msk $0xffff, v3  }
0x15: {  	v59 =	vld.idx.msk [tilespmem:v1+s15+$0xFFFFFFE0 ss:$0x1], $0xffff;
	[tilespmem:v0+s14+$0xFFFFFFE0 ss:$0x1] =	vst.idx.msk $0xffff, v5  }
0x16: {  	v60 =	vld.idx.msk [tilespmem:v1+s15+$0xFFFFFFF0 ss:$0x1], $0xffff;
	[tilespmem:v0+s14+$0xFFFFFFF0 ss:$0x1] =	vst.idx.msk $0xffff, v7;
	s12 =	sand.u32 $0x1FFFFFF, s12  }
0x17: {  	v61 =	vld.idx.msk [tilespmem:v1+s15+$0x0 ss:$0x1], $0xffff;
	s31 =	smulhi.u32 $0x14E5E0B, s12;
	[tilespmem:v0+s15+$0x0 ss:$0x1] =	vst.idx.msk $0xffff, v56  }
0x18: {  	v62 =	vld.idx.msk [tilespmem:v1+s15+$0x10 ss:$0x1], $0xffff;
	[tilespmem:v0+s15+$0xFFFFFF90 ss:$0x1] =	vst.idx.msk $0xffff, v57  }
0x19: {  	v63 =	vld.idx.msk [tilespmem:v1+s15+$0x20 ss:$0x1], $0xffff;
	s14 =	sshrl.u32 s31, $0x8;
	[tilespmem:v0+s15+$0xFFFFFFA0 ss:$0x1] =	vst.idx.msk $0xffff, v58  }
0x1a: {  	s14 =	smul.u32 $0xC400, s14;
	[tilespmem:v0+s15+$0xFFFFFFB0 ss:$0x1] =	vst.idx.msk $0xffff, v59  }
0x1b: {  	[tilespmem:v0+s15+$0xFFFFFFC0 ss:$0x1] =	vst.idx.msk $0xffff, v60  }
0x1c: {  	[tilespmem:v0+s15+$0xFFFFFFD0 ss:$0x1] =	vst.idx.msk $0xffff, v61;
	s12 =	ssub.s32 s12, s14  }
0x1d: {  	[tilespmem:v0+s15+$0xFFFFFFE0 ss:$0x1] =	vst.idx.msk $0xffff, v62;
	s12 =	sshll.u32 s12, $0x4  }
0x1e: {  	[tilespmem:v0+s15+$0xFFFFFFF0 ss:$0x1] =	vst.idx.msk $0xffff, v63;
	s12 =	sadd.s32 s4, s12  }
0x1f: {  	[hbm4b:s12+s8] =	stream.linear.scatter [tilespmem:s13], [sflag:$0x2], $0x4000, $0x38;
	[tilespmem:$0x10000] =	vst v63  }
.LBB2_5:
0x20: {  	s14 =	sadd.s32 $0x1000, s10  }
0x21: {  	p2 =	sgt.s32 s14, $0xC3FF  }
0x22: {  	s14 =	smov.u32 @p2 s2;
	p2 =	sne.s32 s11, s7  }
.Ltmp1:
0x23: {  	p1 =	slt.u32 s11, $0x2;
	(pc) =	sbr.rel @!p2 .LBB2_6-.Ltmp1, $4  }
0x24: {  	s13 =	simm.s32 @!p1 $0x2  }
0x25: {  	s15 =	sadd.s32 $0x1, s11;
	_ =	swait.ge @!p1 [sflag:s13], $0x4000  }
0x26: {  	s12 =	smov.u32 s10;
	s9 =	sadd.s32 $0x4000, s9;
	[sflag:s13] =	ssyncset.done @!p1 $0x0  }
0x27: {  	s11 =	smov.u32 s15;
	s10 =	smov.u32 s14;
	[sflag:s13] =	ssyncadd.s32 @!p1 $0xFFFFC000  }
.LBB2_1:
0x28: {  	p1 =	sge.u32 s11, s6  }
0x29: {  	s13 =	sand.u32 @!p1 $0x1FFFFFF, s10  }
0x2a: {  	s14 =	smulhi.u32 @!p1 $0x14E5E0B, s13;
	_ =	sdelay $0x1  }
0x2b: {  	s14 =	sshrl.u32 @!p1 s14, $0x8  }
0x2c: {  	s14 =	smul.u32 @!p1 $0xC400, s14;
	_ =	sdelay $0x1  }
0x2d: {  	s15 =	sxor.u32 @!p1 $0xFFFFFFFF, s11;
	s13 =	ssub.s32 @!p1 s13, s14  }
0x2e: {  	s31 =	sadd.s32 $0xFFFFFFFF, s11;
	s14 =	sshll.u32 @!p1 s15, $0xE;
	s13 =	sshll.u32 @!p1 s13, $0x4  }
0x2f: {  	s15 =	simm.s32 @!p1 $0x0;
	s14 =	sand.u32 @!p1 $0x4000, s14;
	s13 =	sadd.s32 @!p1 s3, s13  }
0x30: {  	[tilespmem:s14], [sflag:$0x1] =	stream.linear.gather @!p1 [hbm4b:s13+s15], $0x4000, $0x38;
	[tilespmem:$0x10000] =	vst v63  }
0x31: {  	p1 =	sge.u32 s31, s6  }
.Ltmp2:
0x32: {  	_ = 	snop;
	(pc) =	sbr.rel @p1 .LBB2_5-.Ltmp2, $1  }
0x33: {  	_ =	sdelay $0x3  }
0x34: {  	s13 =	sand.u32 $0x4000, s9  }
0x35: {  	s14 =	sor.u32 $0x40, s13  }
0x36: {  	v1 =	vmov s14;
	_ =	sdelay $0x1  }
0x37: {  	_ =	swait.ge [sflag:s5], $0x4000  }
0x38: {  	[sflag:s5] =	ssyncset.done $0x0  }
0x39: {  	[sflag:s5] =	ssyncadd.s32 $0xFFFFC000;
	s14 =	simm.s32 $0x0  }
0x3a: {  	s13 =	sor.u32 $0x8070, s13;
	v7 =	vld.idx.msk [tilespmem:v1+s14+$0x30 ss:$0x1], $0xffff  }
0x3b: {  	v0 =	vmov s13;
	v8 =	vld.idx.msk [tilespmem:v1+s14+$0xFFFFFFC0 ss:$0x1], $0xffff  }
0x3c: {  	v6 =	vld.idx.msk [tilespmem:v1+s14+$0xFFFFFFD0 ss:$0x1], $0xffff  }
0x3d: {  	v4 =	vld.idx.msk [tilespmem:v1+s14+$0xFFFFFFE0 ss:$0x1], $0xffff  }
0x3e: {  	v2 =	vld.idx.msk [tilespmem:v1+s14+$0xFFFFFFF0 ss:$0x1], $0xffff  }
0x3f: {  	s31 =	sshll.u32 s11, $0xE;
	v3 =	vld.idx.msk [tilespmem:v1+s14+$0x0 ss:$0x1], $0xffff  }
0x40: {  	s13 =	sand.u32 $0x4000, s31;
	v5 =	vld.idx.msk [tilespmem:v1+s14+$0x10 ss:$0x1], $0xffff;
	[tilespmem:v0+s14+$0x0 ss:$0x1] =	vst.idx.msk $0xffff, v7  }
0x41: {  	s15 =	simm.s32 $0x80;
	s16 =	simm.s32 $0x400;
	s13 =	sor.u32 $0x8000, s13;
	[tilespmem:v0+s14+$0xFFFFFF90 ss:$0x1] =	vst.idx.msk $0xffff, v8;
	v7 =	vld.idx.msk [tilespmem:v1+s14+$0x20 ss:$0x1], $0xffff  }
.LBB2_3:
0x42: {  	p1 =	sne.s32 s16, $0xFE00;
	v8 =	vld.idx.msk [tilespmem:v1+s15+$0x30 ss:$0x1], $0xffff;
	[tilespmem:v0+s14+$0xFFFFFFA0 ss:$0x1] =	vst.idx.msk $0xffff, v6  }
0x43: {  	v9 =	vld.idx.msk [tilespmem:v1+s15+$0xFFFFFFC0 ss:$0x1], $0xffff;
	[tilespmem:v0+s14+$0xFFFFFFB0 ss:$0x1] =	vst.idx.msk $0xffff, v4  }
0x44: {  	v6 =	vld.idx.msk [tilespmem:v1+s15+$0xFFFFFFD0 ss:$0x1], $0xffff;
	[tilespmem:v0+s14+$0xFFFFFFC0 ss:$0x1] =	vst.idx.msk $0xffff, v2  }
.Ltmp3:
0x45: {  	v4 =	vld.idx.msk [tilespmem:v1+s15+$0xFFFFFFE0 ss:$0x1], $0xffff;
	[tilespmem:v0+s14+$0xFFFFFFD0 ss:$0x1] =	vst.idx.msk $0xffff, v3;
	(pc) =	sbr.rel @p1 .LBB2_3-.Ltmp3, $4  }
0x46: {  	v2 =	vld.idx.msk [tilespmem:v1+s15+$0xFFFFFFF0 ss:$0x1], $0xffff;
	[tilespmem:v0+s14+$0xFFFFFFE0 ss:$0x1] =	vst.idx.msk $0xffff, v5  }
0x47: {  	v3 =	vld.idx.msk [tilespmem:v1+s15+$0x0 ss:$0x1], $0xffff;
	[tilespmem:v0+s14+$0xFFFFFFF0 ss:$0x1] =	vst.idx.msk $0xffff, v7;
	s14 =	smov.u32 s15  }
0x48: {  	v5 =	vld.idx.msk [tilespmem:v1+s14+$0x10 ss:$0x1], $0xffff;
	[tilespmem:v0+s14+$0x0 ss:$0x1] =	vst.idx.msk $0xffff, v8  }
0x49: {  	s15 =	sshra.s32 s16, $0x2;
	s16 =	sadd.s32 $0x200, s16;
	[tilespmem:v0+s14+$0xFFFFFF90 ss:$0x1] =	vst.idx.msk $0xffff, v9;
	v7 =	vld.idx.msk [tilespmem:v1+s14+$0x20 ss:$0x1], $0xffff  }
.Ltmp4:
0x4a: {  	_ = 	snop;
	(pc) =	sbr.rel .LBB2_4-.Ltmp4, $1  }
0x4b: {  	_ =	sdelay $0x3  }
.LBB2_6:
0x4c: {  	_ =	sfence.sel $0x180000  }
0x4d: {  	s2 =	simm.s32 $0x1;
	[bflag:$0x0] =	sbarrier.arrive $0xFFFF  }
0x4e: {  	s31 =	simm.s32 $0x2;
	[sflag:s2] =	ssyncpa.u1 $0x1  }
0x4f: {  	[sflag:s31] =	ssyncpa.u1 $0x1  }
0x50: {  	_ =	strace $0x9000005C  }
0x51: {  	s0 =	sadd.s32 @!p0 $0x100000, s0;
	[bflag:$0x2] =	sbarrier.arrive $0xFFFF  }
0x52: {  	[sflag:s0] =	ssyncadd.tile.s32 @!p0 $0x1;
	s0 =	simm.s32 @!p0 $0x3F  }
0x53: {  	_ =	swait.ge @!p0 [sflag:s0], s1  }
0x54: {  	s1 =	ssub.s32 @!p0 $0x0, s1;
	[sflag:s0] =	ssyncset.done @!p0 $0x0  }
0x55: {  	[sflag:s0] =	ssyncadd.s32 @!p0 s1  }
0x56: {  	[bflag:$0x3] =	sbarrier.arrive $0xFFFF  }
0x57: {  	_ =	shalt  }
.Lfunc_end2:
execute1_lowered:
.L_overlay_start_2:
0x58: {  	(tag) =	ssettag $0x2  }
0x59: {  	s2 =	rddreg [dreg:$0x0]  }
0x5a: {  	s3 =	rddreg [dreg:$0x1];
	_ =	strace $0x8000005F;
	s0 =	simm.s32 $0x1  }
0x5b: {  	v0 =	vimm.s32 $0x0;
	[sflag:s0] =	ssyncpa.u1 $0x0;
	s0 =	simm.s32 $0x108  }
0x5c: {  	[tilespmem:s0+$0x70] =	vst v0  }
0x5d: {  	[tilespmem:s0+$0x60] =	vst v0  }
0x5e: {  	[tilespmem:s0+$0x50] =	vst v0  }
0x5f: {  	[tilespmem:s0+$0x40] =	vst v0  }
0x60: {  	s1 =	sadd.s32 $0x1BBC00, s2;
	[tilespmem:s0+$0x30] =	vst v0  }
0x61: {  	s15 =	sadd.s32 $0x65200, s2;
	s6 =	sadd.s32 $0x5119C00, s2;
	[tilespmem:s0+$0x20] =	vst v0  }
0x62: {  	s14 =	sadd.s32 $0x96000, s2;
	s5 =	sand.u32 $0x1, s3;
	s3 =	simm.s32 $0x40;
	[tilespmem:s0+$0x10] =	vst v0  }
.LBB3_1:
0x63: {  	s3 =	sadd.s32 $0x40, s3;
	[tilespmem:s0+$0x0] =	vst v0;
	s0 =	sadd.s32 $0x80, s0  }
0x64: {  	p0 =	slt.u32 s3, $0x3C40;
	[tilespmem:s0+$0x70] =	vst v0  }
0x65: {  	[tilespmem:s0+$0x60] =	vst v0  }
.Ltmp5:
0x66: {  	[tilespmem:s0+$0x50] =	vst v0;
	(pc) =	sbr.rel @p0 .LBB3_1-.Ltmp5, $4  }
0x67: {  	[tilespmem:s0+$0x40] =	vst v0  }
0x68: {  	[tilespmem:s0+$0x30] =	vst v0  }
0x69: {  	[tilespmem:s0+$0x20] =	vst v0  }
0x6a: {  	[tilespmem:s0+$0x10] =	vst v0  }
0x6b: {  	s9 =	stileid.u32  }
0x6c: {  	s2 =	smul.u32 $0xD0, s9  }
0x6d: {  	s3 =	smin.u32 s9, $0x6  }
0x6e: {  	s2 =	sor.u32 s3, s2  }
0x6f: {  	p0 =	slt.u32 s9, $0x6;
	s7 =	smul.u32 $0xF0, s2;
	s2 =	simm.s32 $0xC3F0  }
0x70: {  	s2 =	simm.s32 @!p0 $0xC300  }
0x71: {  	s2 =	sadd.s32 s2, s7  }
0x72: {  	s8 =	smin.u32 s2, $0xC3500  }
0x73: {  	s2 =	ssub.s32 s8, s7  }
0x74: {  	p0 =	sgt.s32 s2, $0x0  }
0x75: {  	s29 =	simm.s32 $0x2;
	s10 =	simm.s32 $0x9;
	s2 =	simm.s32 @!p0 $0x0  }
0x76: {  	s4 =	simm.s32 $0xA;
	s11 =	simm.s32 $0xB;
	s28 =	smulhi.u32 $0x88888889, s2  }
0x77: {  	[dreg:$0x4] =	wrdreg s5;
	s31 =	smul.u32 $0x186A0, s5;
	s12 =	simm.s32 $0x1  }
0x78: {  	s22 =	simm.s32 $0x0;
	s18 =	simm.s32 $0xC;
	s30 =	sshrl.u32 s28, $0x7  }
0x79: {  	s20 =	simm.s32 $0x0;
	s21 =	simm.s32 $0x0;
	s3 =	smul.u32 $0xF0, s30  }
.Ltmp6:
0x7a: {  	[tilespmem:s0+$0x0] =	vst v0;
	v0 =	vimm.s32 $0xFFFFFFFF;
	[sflag:s29] =	ssyncpa.u1 $0x0;
	s16 =	sshll.u32 s9, $0x8;
	(pc) =	sbr.rel .LBB3_3-.Ltmp6, $4  }
0x7b: {  	[tilespmem:$0xF208] =	vst v0;
	[sflag:s10] =	ssyncpa.u1 $0x0;
	p0 =	sne.s32 s2, s3;
	s2 =	simm.s32 $0x1  }
0x7c: {  	s14 =	sadd.s32 s31, s14;
	[sflag:s4] =	ssyncpa.u1 $0x0;
	s2 =	simm.s32 @!p0 $0x0  }
0x7d: {  	s15 =	sadd.s32 s31, s15;
	[sflag:s11] =	ssyncpa.u1 $0x0;
	s13 =	sadd.s32 s2, s30  }
0x7e: {  	v0 =	vlaneseq.u32;
	s19 =	smov.u32 s7;
	p0 =	por $0x0, $0x0;
	s17 =	sadd.s32 $0x1, s13  }
.LBB3_18:
0x7f: {  	s0 =	sshrl.u32 s31, $0x2  }
.LBB3_20:
0x80: {  	_ =	swait.ge [sflag:s18], s0  }
0x81: {  	s31 =	ssub.s32 $0x0, s0;
	v1 =	vmov s24;
	vm0 =	veq.s32 v0, $0x0;
	[sflag:s18] =	ssyncset.done $0x0  }
0x82: {  	vm15 =	veq.s32 v0, $0x2;
	v1 =	vsel vm0, s30, v1;
	[sflag:s18] =	ssyncadd.s32 s31  }
0x83: {  	v1 =	vsel vm15, s22, v1;
	[sflag:s18] =	ssyncpa.u1 $0x1  }
0x84: {  	[tilespmem:$0xF208] =	vst v1  }
.LBB3_21:
0x85: {  	s0 =	sadd.s32 $0xF0, s19  }
0x86: {  	s2 =	smov.u32 s7;
	p1 =	slt.s32 s0, s8  }
0x87: {  	s2 =	smov.u32 @p1 s0;
	p1 =	sne.s32 s21, s17  }
.Ltmp7:
0x88: {  	_ = 	snop;
	(pc) =	sbr.rel @!p1 .LBB3_22-.Ltmp7, $3  }
0x89: {  	_ =	sdelay $0x1  }
0x8a: {  	s22 =	smov.u32 s20;
	s31 =	sadd.s32 $0x1, s21;
	s20 =	smov.u32 s19  }
0x8b: {  	p0 =	por !p0, !p0;
	s21 =	smov.u32 s31;
	s19 =	smov.u32 s2  }
.LBB3_3:
0x8c: {  	p1 =	sge.u32 s21, s13  }
0x8d: {  	s0 =	smulhi.u32 @!p1 $0xAAAAAAAB, s21  }
0x8e: {  	s2 =	smov.u32 s19;
	p2 =	sgt.s32 @!p1 s19, $0xC3410  }
0x8f: {  	s3 =	sshra.s32 @!p1 s19, $0x1F;
	p2 =	por !p2, p1;
	s0 =	sshrl.u32 @!p1 s0, $0x1  }
0x90: {  	s3 =	sand.u32 @!p1 s3, s19;
	s2 =	simm.s32 @p2 $0xC3410;
	s0 =	smul.u32 @!p1 $0x3, s0  }
0x91: {  	s2 =	ssub.s32 @!p1 s2, s3  }
0x92: {  	s2 =	sadd.s32 @!p1 $0xFFF3CBF0, s2;
	s0 =	ssub.s32 @!p1 s21, s0  }
0x93: {  	s3 =	sshll.u32 @!p1 s2, $0x2;
	p2 =	sgt.s32 @!p1 s2, $0xEF;
	s0 =	smul.u32 @!p1 $0x3C0, s0  }
0x94: {  	s4 =	sand.u32 @!p1 $0x7, s19;
	s2 =	ssub.s32 @!p1 $0x3C0, s3;
	p2 =	por !p2, p1  }
0x95: {  	s3 =	sshrl.u32 @!p1 s19, $0x3;
	s2 =	sshrl.u32 @!p1 s2, $0x2;
	s0 =	sshrl.u32 @!p1 s0, $0x2  }
0x96: {  	s3 =	sadd.s32 @!p1 s3, s14;
	s2 =	simm.s32 @!p2 $0x0;
	s0 =	sadd.s32 @!p1 $0x10248, s0  }
0x97: {  	[tilespmem:s0], [sflag:$0xA] =	stream.linear.gather @!p1 [hbm4b:s3+s4], s2, $0x38;
	[tilespmem:$0x1F6F8] =	vst v63  }
0x98: {  	s0 =	sadd.s32 $0xFFFFFFFF, s21  }
0x99: {  	p1 =	sge.u32 s0, s13  }
0x9a: {  	p2 =	sgt.s32 @!p1 s20, $0xC3410  }
0x9b: {  	s2 =	smov.u32 s20;
	s3 =	sshra.s32 @!p1 s20, $0x1F;
	p2 =	por !p2, p1  }
0x9c: {  	s3 =	sand.u32 @!p1 s3, s20;
	s2 =	simm.s32 @p2 $0xC3410  }
0x9d: {  	s2 =	ssub.s32 @!p1 s2, s3  }
0x9e: {  	s2 =	sadd.s32 @!p1 $0xFFF3CBF0, s2  }
0x9f: {  	s4 =	sand.u32 @!p1 $0x1, s0;
	s3 =	sshll.u32 @!p1 s2, $0x2  }
0xa0: {  	p2 =	sgt.s32 @!p1 s2, $0xEF;
	s2 =	ssub.s32 @!p1 $0x3C0, s3;
	s3 =	smulhi.u32 @!p1 $0xAAAAAAAB, s0  }
0xa1: {  	s23 =	smul.u32 @!p1 $0x3C0, s4;
	p2 =	por !p2, p1;
	s2 =	sshrl.u32 @!p1 s2, $0x2  }
0xa2: {  	s5 =	simm.s32 @!p1 $0xA;
	s2 =	simm.s32 @!p2 $0x0;
	s3 =	sshrl.u32 @!p1 s3, $0x1  }
0xa3: {  	s23 =	sshrl.u32 @!p1 s23, $0x2;
	_ =	swait.ge @!p1 [sflag:s5], s2;
	s3 =	smul.u32 @!p1 $0x3, s3  }
0xa4: {  	s23 =	sadd.s32 @!p1 $0x10518, s23;
	s24 =	ssub.s32 @!p1 $0x0, s2;
	[sflag:s5] =	ssyncset.done @!p1 $0x0  }
0xa5: {  	[sflag:s5] =	ssyncadd.s32 @!p1 s24;
	s5 =	sshrl.u32 @!p1 s20, $0x3;
	s0 =	ssub.s32 @!p1 s0, s3  }
0xa6: {  	s24 =	sand.u32 @!p1 $0x7, s20;
	s5 =	sadd.s32 @!p1 s5, s15;
	s0 =	smul.u32 @!p1 $0x3C0, s0  }
0xa7: {  	[tilespmem:s23], [sflag:$0xB] =	stream.linear.gather @!p1 [hbm4b:s5+s24], s2, $0x38;
	[tilespmem:$0x1F6F8] =	vst v63  }
0xa8: {  	s3 =	ssub.s32 @!p1 $0xC3500, s20;
	s2 =	smul.u32 @!p1 $0x1E000, s4  }
0xa9: {  	p2 =	slt.s32 @!p1 s3, $0xF0  }
0xaa: {  	p2 =	por !p2, p1;
	s0 =	sshrl.u32 @!p1 s0, $0x2;
	s2 =	sshrl.u32 @!p1 s2, $0x2  }
0xab: {  	s3 =	simm.s32 @p2 $0xF0;
	s0 =	sadd.s32 @!p1 $0x10248, s0;
	s2 =	sor.u32 @!p1 $0x106F8, s2  }
0xac: {  	[tilespmem:s2], [sflag:$0x9] =	stream.indirect.gather @!p1 [hbm4b:s6+s3], $0x80, s0, s3, $0xb8;
	[tilespmem:$0x1F6F8] =	vst v63  }
0xad: {  	p1 =	slt.u32 s21, $0x2  }
.Ltmp8:
0xae: {  	_ = 	snop;
	(pc) =	sbr.rel @p1 .LBB3_21-.Ltmp8, $1  }
0xaf: {  	_ =	sdelay $0x3  }
0xb0: {  	p1 =	sgt.s32 s22, $0xC3410  }
0xb1: {  	s0 =	smov.u32 s22;
	s2 =	sshra.s32 s22, $0x1F;
	s3 =	ssub.s32 $0xC3500, s22  }
0xb2: {  	s0 =	simm.s32 @!p1 $0xC3410;
	s2 =	sand.u32 s2, s22;
	p1 =	slt.s32 s3, $0xF0  }
0xb3: {  	s0 =	ssub.s32 s0, s2;
	s3 =	simm.s32 @!p1 $0xF0  }
0xb4: {  	s0 =	sadd.s32 $0xFFF3CBF0, s0;
	s25 =	sshll.u32 s3, $0x7  }
0xb5: {  	s26 =	sshll.u32 s0, $0x2;
	s2 =	sand.u32 $0x3FFFFF80, s25  }
0xb6: {  	p1 =	sgt.s32 s0, $0xEF;
	s29 =	ssub.s32 $0x3C0, s26;
	_ =	swait.ge [sflag:s10], s2  }
0xb7: {  	s2 =	ssub.s32 $0x0, s2;
	[sflag:s10] =	ssyncset.done $0x0;
	s0 =	sshrl.u32 s29, $0x2  }
0xb8: {  	[sflag:s10] =	ssyncadd.s32 s2;
	s0 =	simm.s32 @p1 $0x0  }
0xb9: {  	_ =	swait.ge [sflag:s11], s0  }
0xba: {  	s0 =	ssub.s32 $0x0, s0;
	[sflag:s11] =	ssyncset.done $0x0  }
0xbb: {  	[sflag:s11] =	ssyncadd.s32 s0  }
0xbc: {  	v1 =	vld [tilespmem:$0xF208];
	_ =	sdelay $0x4  }
0xbd: {  	(v2sf) =	vpush v1, $0x0  }
0xbe: {  	(v2sf) =	vpush v1, $0x1  }
0xbf: {  	(v2sf) =	vpush v1, $0x2;
	_ =	sdelay $0x3  }
0xc0: {  	s0 =	sadd.s32 $0xF0, s22  }
0xc1: {  	s2 =	ssub.s32 $0x186A00, s22;
	p1 =	slt.s32 s8, s0  }
0xc2: {  	s0 =	smov.u32 @p1 s8;
	p1 =	sgt.s32 s2, $0x0  }
0xc3: {  	s26 =	ssub.s32 s0, s22;
	s2 =	simm.s32 @!p1 $0x0  }
0xc4: {  	p1 =	slt.s32 s2, s26  }
0xc5: {  	s26 =	smov.u32 @p1 s2  }
0xc6: {  	s25 =	simm.s32 $0x1;
	p1 =	slt.s32 s26, $0x1  }
.Ltmp9:
0xc7: {  	s25 =	simm.s32 @!p0 $0x0;
	(pc) =	sbr.rel @p1 .LBB3_8-.Ltmp9, $4  }
0xc8: {  	s31 =	smul.u32 $0x3C0, s25  }
0xc9: {  	s28 =	spop (v2sf)  }
0xca: {  	s0 =	sshrl.u32 s31, $0x2;
	s30 =	spop (v2sf)  }
0xcb: {  	s23 =	sadd.s32 $0x10518, s0;
	s22 =	spop (v2sf)  }
0xcc: {  	s0 =	smin.u32 s26, $0x10  }
0xcd: {  	v1 =	vmov s0  }
0xce: {  	p2 =	sgt.s32 s26, $0x10;
	vm1 =	vgt.u32 v1, v0  }
.Ltmp10:
0xcf: {  	_ = 	snop;
	(pc) =	sbr.rel @!p2 .LBB3_7-.Ltmp10, $2  }
0xd0: {  	_ =	sdelay $0x2  }
0xd1: {  	s4 =	simm.s32 $0x10;
	s24 =	sadd.s32 $0xFFFFFFF0, s26;
	s0 =	smov.u32 s23;
	vm0 =	vmmov vm1  }
.LBB3_6:
0xd2: {  	s2 =	smin.u32 s24, $0x10;
	s4 =	sadd.s32 $0x10, s4;
	v1 =	vld.msk [tilespmem:s0+$0x0 ss:$0x1], vm1  }
0xd3: {  	v2 =	vmov s2;
	p2 =	slt.s32 s4, s26  }
0xd4: {  	vm1 =	vgt.u32 v2, v0  }
.Ltmp11:
0xd5: {  	(pc) =	sbr.rel @p2 .LBB3_6-.Ltmp11, $3  }
0xd6: {  	_ =	sdelay $0x1  }
0xd7: {  	v1 =	vshll.u32 v1, $0x4  }
0xd8: {  	s24 =	sadd.s32 $0xFFFFFFF0, s24;
	[tilespmem:s0+$0x0] =	vst.msk vm0, v1;
	s0 =	sadd.s32 $0x10, s0;
	vm0 =	vmmov vm1  }
.LBB3_7:
0xd9: {  	_ =	sdelay $0x4  }
0xda: {  	v1 =	vld.msk [tilespmem:s0+$0x0 ss:$0x1], vm1;
	_ =	sdelay $0x4  }
0xdb: {  	v1 =	vshll.u32 v1, $0x4  }
0xdc: {  	[tilespmem:s0+$0x0] =	vst.msk vm0, v1  }
.LBB3_8:
0xdd: {  	s0 =	sand.u32 $0x1, s21  }
0xde: {  	s0 =	smul.u32 $0xF0, s0  }
0xdf: {  	p2 =	sne.s32 s30, $0xFFFFFFFF  }
0xe0: {  	v1 =	vld.msk @!p2 [tilespmem:s0+$0x10518], $0x1;
	_ =	sdelay $0x4  }
0xe1: {  	(v2sf) =	vpush @!p2 v1, $0x0;
	_ =	sdelay $0xc  }
.Ltmp12:
0xe2: {  	_ = 	snop;
	(pc) =	sbr.rel @p1 .LBB3_19-.Ltmp12, $4  }
0xe3: {  	_ = 	snop  }
0xe4: {  	s29 =	spop @!p2 (v2sf)  }
0xe5: {  	s22 =	simm.s32 @!p2 $0x0;
	s24 =	smov.u32 s29  }
0xe6: {  	[sflag:s18] =	ssyncpa.u1 $0x0;
	s29 =	smov.u32 @p2 s28;
	s24 =	smov.u32 @p2 s30  }
0xe7: {  	v1 =	vld.msk [tilespmem:s23+$0x0], $0x1;
	_ =	sdelay $0x4  }
0xe8: {  	(v2sf) =	vpush v1, $0x0;
	_ =	sdelay $0xe  }
0xe9: {  	s2 =	smul.u32 $0x1E000, s25;
	s0 =	spop (v2sf)  }
0xea: {  	s26 =	ssub.s32 $0x0, s26;
	p1 =	seq.s32 s29, s0  }
0xeb: {  	s30 =	sadd.s32 $0x1, s26;
	s2 =	sshrl.u32 s2, $0x2;
	p2 =	sgt.s32 @!p1 s29, $0x0  }
0xec: {  	s25 =	sor.u32 $0x10738, s2;
	s2 =	smov.u32 s29;
	p2 =	por !p2, p1  }
0xed: {  	s2 =	simm.s32 @p2 $0x0;
	p2 =	seq.s32 s30, $0x0  }
.Ltmp13:
0xee: {  	_ = 	snop;
	(pc) =	sbr.rel @p2 .LBB3_11-.Ltmp13, $4  }
0xef: {  	_ = 	snop  }
0xf0: {  	s28 =	simm.s32 $0x0;
	s31 =	sadd.s32 $0x1, s23;
	s2 =	smin.u32 @!p1 s2, $0xC3FF0  }
0xf1: {  	s4 =	simm.s32 @!p1 $0x1;
	s5 =	simm.s32 @!p1 $0x7988;
	s3 =	sand.u32 @!p1 $0xFFFF8, s2  }
0xf2: {  	s4 =	smov.u32 @p1 s28;
	s2 =	sand.u32 @!p1 $0x7, s2;
	s3 =	sadd.s32 @!p1 s1, s3  }
.LBB3_10:
0xf3: {  	s9 =	smov.u32 s4  }
0xf4: {  	[tilespmem:s5], [sflag:$0x2] =	stream.linear.gather @!p1 [hbm4b:s3+s2], $0x80, $0x38;
	[tilespmem:$0x1F6F8] =	vst v63  }
0xf5: {  	s30 =	sadd.s32 $0x1, s30;
	s2 =	smov.u32 s0;
	v1 =	vld.msk [tilespmem:s31+$0x0], $0x1  }
0xf6: {  	p2 =	seq.s32 s30, $0x0;
	_ =	sdelay $0x3  }
0xf7: {  	(v2sf) =	vpush v1, $0x0;
	_ =	sdelay $0xe  }
0xf8: {  	s0 =	spop (v2sf)  }
0xf9: {  	p1 =	seq.s32 s2, s0  }
0xfa: {  	p3 =	sgt.s32 @!p1 s2, $0x0;
	s3 =	sshll.u32 @!p1 s4, $0x9;
	s4 =	sadd.s32 @!p1 $0x1, s4  }
.Ltmp14:
0xfb: {  	p3 =	por !p3, p1;
	s3 =	sshra.s32 @!p1 s3, $0x2;
	(pc) =	sbr.rel @!p2 .LBB3_10-.Ltmp14, $4  }
0xfc: {  	s4 =	smov.u32 @p1 s9;
	s2 =	simm.s32 @p3 $0x0;
	s5 =	sadd.s32 @!p1 $0x7988, s3  }
0xfd: {  	s2 =	smin.u32 @!p1 s2, $0xC3FF0  }
0xfe: {  	s3 =	sand.u32 @!p1 $0xFFFF8, s2;
	s2 =	sand.u32 @!p1 $0x7, s2  }
0xff: {  	s31 =	sadd.s32 $0x1, s31;
	s3 =	sadd.s32 @!p1 s1, s3  }
.LBB3_11:
0x100: {  	[tilespmem:s5], [sflag:$0x2] =	stream.linear.gather @!p1 [hbm4b:s3+s2], $0x80, $0x38;
	[tilespmem:$0x1F6F8] =	vst v63  }
.Ltmp15:
0x101: {  	s0 =	sshll.u32 s4, $0x7;
	(pc) =	sbr.rel .LBB3_12-.Ltmp15, $4  }
0x102: {  	s30 =	simm.s32 $0x2;
	s0 =	sand.u32 $0x3FFFFF80, s0  }
0x103: {  	_ =	swait.ge [sflag:s30], s0  }
0x104: {  	s0 =	ssub.s32 $0x0, s0;
	[sflag:s30] =	ssyncset.done $0x0  }
0x105: {  	s31 =	simm.s32 $0x0;
	[sflag:s30] =	ssyncadd.s32 s0  }
.LBB3_13:
0x106: {  	v1 =	vld [tilespmem:s25+$0xFFFFFFC0];
	_ =	sdelay $0x3  }
0x107: {  	s0 =	sshra.s32 s0, $0x2  }
0x108: {  	[tilespmem:s0+$0x108] =	vst.add.f32.msk $0xffff, v1  }
0x109: {  	v1 =	vld [tilespmem:s25+$0xFFFFFFD0];
	_ =	sdelay $0x4  }
0x10a: {  	[tilespmem:s0+$0x118] =	vst.add.f32.msk $0xffff, v1  }
0x10b: {  	v1 =	vld [tilespmem:s25+$0xFFFFFFE0];
	_ =	sdelay $0x4  }
0x10c: {  	[tilespmem:s0+$0x128] =	vst.add.f32.msk $0xffff, v1  }
0x10d: {  	v1 =	vld [tilespmem:s25+$0xFFFFFFF0];
	_ =	sdelay $0x4  }
0x10e: {  	[tilespmem:s0+$0x138] =	vst.add.f32.msk $0xffff, v1  }
0x10f: {  	v1 =	vld [tilespmem:s25+$0x0];
	_ =	sdelay $0x4  }
0x110: {  	[tilespmem:s0+$0x148] =	vst.add.f32.msk $0xffff, v1  }
0x111: {  	v1 =	vld [tilespmem:s25+$0x10];
	_ =	sdelay $0x4  }
0x112: {  	[tilespmem:s0+$0x158] =	vst.add.f32.msk $0xffff, v1  }
0x113: {  	v1 =	vld [tilespmem:s25+$0x20];
	_ =	sdelay $0x4  }
0x114: {  	[tilespmem:s0+$0x168] =	vst.add.f32.msk $0xffff, v1  }
0x115: {  	v1 =	vld [tilespmem:s25+$0x30];
	_ =	sdelay $0x4  }
0x116: {  	[tilespmem:s0+$0x178] =	vst.add.f32.msk $0xffff, v1  }
.LBB3_17:
0x117: {  	s26 =	sadd.s32 $0x1, s26  }
0x118: {  	p1 =	seq.s32 s26, $0x0  }
.Ltmp16:
0x119: {  	_ = 	snop;
	(pc) =	sbr.rel @p1 .LBB3_18-.Ltmp16, $2  }
0x11a: {  	_ =	sdelay $0x2  }
0x11b: {  	s23 =	sadd.s32 $0x1, s23;
	s25 =	sadd.s32 $0x80, s25;
	s29 =	smov.u32 s30  }
.LBB3_12:
0x11c: {  	v1 =	vld.msk [tilespmem:s23+$0x0], $0x1;
	_ =	sdelay $0x4  }
0x11d: {  	(v2sf) =	vpush v1, $0x0;
	_ =	sdelay $0xe  }
0x11e: {  	s30 =	spop (v2sf)  }
0x11f: {  	p1 =	sne.s32 s29, s30  }
.Ltmp17:
0x120: {  	_ = 	snop;
	(pc) =	sbr.rel @!p1 .LBB3_13-.Ltmp17, $2  }
0x121: {  	_ =	sdelay $0x2  }
0x122: {  	s0 =	sshll.u32 s22, $0x9  }
0x123: {  	p1 =	seq.s32 s29, s24  }
.Ltmp18:
0x124: {  	_ = 	snop;
	(pc) =	sbr.rel @!p1 .LBB3_15-.Ltmp18, $1  }
0x125: {  	_ =	sdelay $0x3  }
0x126: {  	s0 =	sshra.s32 s0, $0x2  }
.Ltmp19:
0x127: {  	s0 =	sadd.s32 $0x108, s0;
	(pc) =	sbr.rel .LBB3_16-.Ltmp19, $4  }
0x128: {  	[spmem:s16] =	stream.linear.scatter [tilespmem:s0], [sflag:$0x1], $0x80, $0x38;
	[tilespmem:$0x1F6F8] =	vst v63  }
0x129: {  	_ =	swait.ge [sflag:s12], $0x80  }
0x12a: {  	[sflag:s12] =	ssyncset.done $0x0  }
0x12b: {  	[sflag:s12] =	ssyncadd.s32 $0xFFFFFF80  }
.LBB3_15:
0x12c: {  	s2 =	sshll.u32 s28, $0x9  }
0x12d: {  	s2 =	sshra.s32 s2, $0x2  }
0x12e: {  	v1 =	vld [tilespmem:s2+$0x7988];
	_ =	sdelay $0x3  }
0x12f: {  	s0 =	sshra.s32 s0, $0x2  }
0x130: {  	[tilespmem:s0+$0x108] =	vst.add.f32.msk $0xffff, v1  }
0x131: {  	v1 =	vld [tilespmem:s2+$0x7998];
	_ =	sdelay $0x4  }
0x132: {  	[tilespmem:s0+$0x118] =	vst.add.f32.msk $0xffff, v1  }
0x133: {  	v1 =	vld [tilespmem:s2+$0x79A8];
	_ =	sdelay $0x4  }
0x134: {  	[tilespmem:s0+$0x128] =	vst.add.f32.msk $0xffff, v1  }
0x135: {  	v1 =	vld [tilespmem:s2+$0x79B8];
	_ =	sdelay $0x4  }
0x136: {  	[tilespmem:s0+$0x138] =	vst.add.f32.msk $0xffff, v1  }
0x137: {  	v1 =	vld [tilespmem:s2+$0x79C8];
	_ =	sdelay $0x4  }
0x138: {  	[tilespmem:s0+$0x148] =	vst.add.f32.msk $0xffff, v1  }
0x139: {  	v1 =	vld [tilespmem:s2+$0x79D8];
	_ =	sdelay $0x4  }
0x13a: {  	[tilespmem:s0+$0x158] =	vst.add.f32.msk $0xffff, v1  }
0x13b: {  	v1 =	vld [tilespmem:s2+$0x79E8];
	_ =	sdelay $0x4  }
0x13c: {  	[tilespmem:s0+$0x168] =	vst.add.f32.msk $0xffff, v1  }
0x13d: {  	v1 =	vld [tilespmem:s2+$0x79F8];
	_ =	sdelay $0x2  }
0x13e: {  	p1 =	sgt.u32 s29, $0xC3FF0  }
0x13f: {  	s2 =	sand.u32 @!p1 $0xFFFF8, s29  }
0x140: {  	s3 =	sadd.s32 $0x108, s0;
	[tilespmem:s0+$0x178] =	vst.add.f32.msk $0xffff, v1;
	s0 =	sadd.s32 @!p1 s1, s2;
	s2 =	sand.u32 @!p1 $0x7, s29  }
0x141: {  	[hbm4b:s0+s2] =	stream.linear.scatter @!p1 [tilespmem:s3], [sflag:$0xC], $0x80, $0x38;
	[tilespmem:$0x1F6F8] =	vst v63  }
0x142: {  	s0 =	simm.s32 $0x0  }
0x143: {  	s0 =	simm.s32 @!p1 $0x200  }
0x144: {  	s31 =	sadd.s32 s0, s31  }
.LBB3_16:
0x145: {  	s0 =	sadd.s32 $0x1, s22  }
0x146: {  	s2 =	smulhi.u32 $0x88888889, s0;
	_ =	sdelay $0x1  }
0x147: {  	v1 =	vld [tilespmem:s25+$0xFFFFFFC0];
	s2 =	sshrl.u32 s2, $0x7  }
0x148: {  	s2 =	smul.u32 $0xF0, s2;
	_ =	sdelay $0x1  }
0x149: {  	s22 =	ssub.s32 s0, s2  }
0x14a: {  	s0 =	sshll.u32 s22, $0x7  }
0x14b: {  	[tilespmem:s0+$0x108] =	vst v1  }
0x14c: {  	v1 =	vld [tilespmem:s25+$0xFFFFFFD0];
	_ =	sdelay $0x4  }
0x14d: {  	[tilespmem:s0+$0x118] =	vst v1  }
0x14e: {  	v1 =	vld [tilespmem:s25+$0xFFFFFFE0];
	_ =	sdelay $0x4  }
0x14f: {  	[tilespmem:s0+$0x128] =	vst v1  }
0x150: {  	v1 =	vld [tilespmem:s25+$0xFFFFFFF0];
	_ =	sdelay $0x4  }
0x151: {  	[tilespmem:s0+$0x138] =	vst v1  }
0x152: {  	v1 =	vld [tilespmem:s25+$0x0];
	_ =	sdelay $0x4  }
0x153: {  	[tilespmem:s0+$0x148] =	vst v1  }
0x154: {  	v1 =	vld [tilespmem:s25+$0x10];
	_ =	sdelay $0x4  }
0x155: {  	[tilespmem:s0+$0x158] =	vst v1  }
0x156: {  	v1 =	vld [tilespmem:s25+$0x20];
	_ =	sdelay $0x4  }
0x157: {  	[tilespmem:s0+$0x168] =	vst v1  }
0x158: {  	v1 =	vld [tilespmem:s25+$0x30]  }
.Ltmp20:
0x159: {  	_ = 	snop;
	(pc) =	sbr.rel .LBB3_17-.Ltmp20, $2  }
0x15a: {  	_ =	sdelay $0x2  }
0x15b: {  	s28 =	sadd.s32 $0x1, s28;
	[tilespmem:s0+$0x178] =	vst v1  }
.LBB3_19:
.Ltmp21:
0x15c: {  	(pc) =	sbr.rel .LBB3_20-.Ltmp21, $4  }
0x15d: {  	_ = 	snop  }
0x15e: {  	s0 =	simm.s32 $0x2  }
0x15f: {  	_ =	swait.ge [sflag:s0], $0x0  }
0x160: {  	s30 =	smov.u32 s29;
	[sflag:s0] =	ssyncset.done $0x0;
	s0 =	simm.s32 $0x0  }
.LBB3_22:
0x161: {  	_ =	sfence.sel $0x180000  }
0x162: {  	s0 =	simm.s32 $0x9;
	[bflag:$0x0] =	sbarrier.arrive $0xFFFF  }
0x163: {  	s24 =	simm.s32 $0xA;
	[sflag:s0] =	ssyncpa.u1 $0x1  }
0x164: {  	s25 =	simm.s32 $0xB;
	[sflag:s24] =	ssyncpa.u1 $0x1  }
0x165: {  	s26 =	simm.s32 $0x2;
	[sflag:s25] =	ssyncpa.u1 $0x1  }
0x166: {  	[sflag:s26] =	ssyncpa.u1 $0x1  }
0x167: {  	v0 =	vld [tilespmem:$0xF208];
	_ =	sdelay $0x4  }
0x168: {  	(v2sf) =	vpush v0, $0x0  }
0x169: {  	(v2sf) =	vpush v0, $0x1;
	_ =	sdelay $0x1  }
0x16a: {  	(v2sf) =	vpush v0, $0x2;
	_ =	sdelay $0xb  }
0x16b: {  	s0 =	spop (v2sf)  }
0x16c: {  	s2 =	spop (v2sf)  }
0x16d: {  	s3 =	smov.u32 s0;
	p0 =	sne.s32 s0, s2  }
0x16e: {  	s4 =	spop (v2sf);
	s3 =	simm.s32 @!p0 $0xFFFFFFFF  }
0x16f: {  	v2 =	vimm.s32 $0x1;
	v3 =	vlaneseq.u32;
	p0 =	seq.s32 s4, $0xFFFFFFFF;
	v1 =	vmov s3  }
0x170: {  	s16 =	stileid.u32;
	v0 =	vperm.xlane v0, v2;
	p1 =	sne.s32 @!p0 s0, s2;
	v1 =	vperm.xlane v1, v3  }
0x171: {  	vm0 =	vcmask $0x3F04;
	s6 =	simm.s32 $0xF208;
	s0 =	simm.s32 @!p0 $0x1;
	p1 =	por !p1, p0  }
0x172: {  	s3 =	sshll.u32 s16, $0x1;
	s2 =	sshll.u32 @!p0 s4, $0x9;
	s0 =	simm.s32 @p1 $0x0;
	v0 =	vsel vm0, v1, v0  }
0x173: {  	s5 =	sor.u32 $0x1000, s3;
	s2 =	sshra.s32 @!p0 s2, $0x2;
	s0 =	sor.u32 @!p0 s0, s3;
	[tilespmem:$0xF208] =	vst v0  }
0x174: {  	[spmem:s5] =	stream.linear.scatter [tilespmem:s6], [sflag:$0x1], $0x2, $0x38;
	[tilespmem:$0x1F6F8] =	vst v63  }
0x175: {  	s2 =	sadd.s32 @!p0 $0x108, s2;
	s0 =	sshll.u32 @!p0 s0, $0x7  }
0x176: {  	[spmem:s0] =	stream.linear.scatter @!p0 [tilespmem:s2], [sflag:$0x1], $0x80, $0x38;
	[tilespmem:$0x1F6F8] =	vst v63  }
0x177: {  	s0 =	simm.s32 @!p0 $0x82  }
0x178: {  	s28 =	simm.s32 $0x1;
	s0 =	simm.s32 @p0 $0x2  }
0x179: {  	_ =	swait.ge [sflag:s28], s0  }
0x17a: {  	s0 =	ssub.s32 $0x0, s0;
	[sflag:s28] =	ssyncset.done $0x0  }
0x17b: {  	p0 =	sne.s32 s16, $0x0;
	[sflag:s28] =	ssyncadd.s32 s0  }
.Ltmp22:
0x17c: {  	_ =	sfence.stream.spmem;
	(pc) =	sbr.rel @p0 .LBB3_39-.Ltmp22, $4  }
0x17d: {  	s29 =	simm.s32 $0x3;
	[bflag:$0x0] =	sbarrier.arrive $0xFFFF  }
0x17e: {  	s30 =	simm.s32 $0x4;
	[sflag:s29] =	ssyncpa.u1 $0x1  }
0x17f: {  	s31 =	simm.s32 $0x3C;
	[sflag:s30] =	ssyncpa.u1 $0x1  }
0x180: {  	s15 =	rddreg [dreg:$0x4];
	[sflag:s31] =	ssyncpa.u1 $0x1  }
0x181: {  	_ =	sfence.stream.spmem;
	s0 =	simm.s32 $0x5  }
0x182: {  	s2 =	simm.s32 $0x1000;
	s3 =	simm.s32 $0xF218;
	[sflag:s0] =	ssyncpa.u1 $0x0  }
0x183: {  	[tilespmem:s3], [sflag:$0x5] =	stream.linear.gather [spmem:s2], $0x20, $0x38;
	[tilespmem:$0x1F6F8] =	vst v63  }
0x184: {  	s26 =	simm.s32 $0x0;
	s28 =	simm.s32 $0xF238  }
0x185: {  	[tilespmem:s28], [sflag:$0x5] =	stream.linear.gather [spmem:s26], $0x1000, $0x38;
	[tilespmem:$0x1F6F8] =	vst v63  }
0x186: {  	_ =	swait.ge [sflag:s0], $0x1020  }
0x187: {  	[sflag:s0] =	ssyncset.done $0x0  }
0x188: {  	s29 =	simm.s32 $0x0;
	[sflag:s0] =	ssyncadd.s32 $0xFFFFEFE0  }
0x189: {  	v0 =	vld.msk [tilespmem:s29+$0xF218], $0x1;
	_ =	sdelay $0x1  }
0x18a: {  	s30 =	simm.s32 $0x1  }
0x18b: {  	v1 =	vld.msk [tilespmem:s30+$0xF218], $0x1;
	_ =	sdelay $0x1  }
0x18c: {  	(v2sf) =	vpush v0, $0x0;
	_ =	sdelay $0x2  }
0x18d: {  	(v2sf) =	vpush v1, $0x0;
	_ =	sdelay $0x2  }
0x18e: {  	s31 =	simm.s32 $0x2  }
0x18f: {  	v0 =	vld.msk [tilespmem:s31+$0xF218], $0x1;
	_ =	sdelay $0x2  }
0x190: {  	s4 =	simm.s32 $0xFFFFFFFF;
	s5 =	simm.s32 $0xFFFFFFFF;
	s0 =	simm.s32 $0xC  }
.LBB3_24:
0x191: {  	s2 =	smov.u32 s5;
	s3 =	smov.u32 s4  }
0x192: {  	s4 =	sshra.s32 s0, $0x2;
	p1 =	sne.s32 s0, $0x7C;
	s0 =	sadd.s32 $0x4, s0;
	(v2sf) =	vpush v0, $0x0  }
0x193: {  	v0 =	vld.msk [tilespmem:s4+$0xF218], $0x1  }
.Ltmp23:
0x194: {  	(pc) =	sbr.rel @p1 .LBB3_24-.Ltmp23, $4  }
0x195: {  	s5 =	spop (v2sf)  }
0x196: {  	p2 =	sne.s32 s3, $0xFFFFFFFF;
	s4 =	smov.u32 s5  }
0x197: {  	p3 =	seq.s32 s5, $0xFFFFFFFF;
	s4 =	smov.u32 @p2 s3  }
0x198: {  	s5 =	smov.u32 @p3 s2;
	s4 =	smov.u32 @p3 s3  }
0x199: {  	(v2sf) =	vpush v0, $0x0;
	_ =	sdelay $0x8  }
0x19a: {  	s0 =	spop (v2sf)  }
0x19b: {  	p1 =	sne.s32 s4, $0xFFFFFFFF;
	s2 =	smov.u32 s0  }
0x19c: {  	s9 =	simm.s32 $0x6;
	p2 =	seq.s32 s0, $0xFFFFFFFF;
	s2 =	smov.u32 @p1 s4  }
0x19d: {  	s6 =	simm.s32 $0x0;
	s2 =	smov.u32 @p2 s4;
	s3 =	spop (v2sf)  }
0x19e: {  	s0 =	smov.u32 @p2 s5;
	p1 =	sne.s32 s2, $0xFFFFFFFF;
	s4 =	smov.u32 s3  }
.Ltmp24:
0x19f: {  	p2 =	seq.s32 s3, $0xFFFFFFFF;
	s4 =	smov.u32 @p1 s2;
	(pc) =	sbr.rel .LBB3_26-.Ltmp24, $4  }
0x1a0: {  	s10 =	simm.s32 $0xF188;
	s4 =	smov.u32 @p2 s2;
	s7 =	spop (v2sf)  }
0x1a1: {  	s11 =	simm.s32 $0x0;
	p1 =	sne.s32 s4, $0xFFFFFFFF;
	s8 =	smov.u32 s7  }
0x1a2: {  	s3 =	smov.u32 @p2 s0;
	p2 =	seq.s32 s7, $0xFFFFFFFF;
	s8 =	smov.u32 @p1 s4  }
0x1a3: {  	[sflag:s9] =	ssyncpa.u1 $0x0;
	s7 =	smov.u32 @p2 s3;
	s8 =	smov.u32 @p2 s4  }
.LBB3_32:
0x1a4: {  	p1 =	sgt.u32 s12, $0xC3FF0  }
0x1a5: {  	p2 =	seq.s32 @!p1 s12, s8  }
0x1a6: {  	p1 =	por p1, p2  }
0x1a7: {  	p2 =	sne.s32 @!p1 s12, s7  }
0x1a8: {  	p1 =	por p1, !p2  }
0x1a9: {  	s0 =	sshll.u32 @p1 s11, $0x9  }
0x1aa: {  	s0 =	sand.u32 @!p1 $0xFFFF8, s12  }
0x1ab: {  	s2 =	sand.u32 @!p1 $0x7, s12;
	s0 =	sadd.s32 @!p1 s1, s0  }
0x1ac: {  	[tilespmem:s10], [sflag:$0x6] =	stream.linear.gather @!p1 [hbm4b:s0+s2], $0x80, $0x38;
	[tilespmem:$0x1F6F8] =	vst v63  }
0x1ad: {  	_ =	swait.ge @!p1 [sflag:s9], $0x80  }
0x1ae: {  	[sflag:s9] =	ssyncset.done @!p1 $0x0  }
0x1af: {  	[sflag:s9] =	ssyncadd.s32 @!p1 $0xFFFFFF80  }
0x1b0: {  	v1 =	vld @!p1 [tilespmem:$0xF188];
	_ =	sdelay $0x2  }
0x1b1: {  	s0 =	sshll.u32 @!p1 s11, $0x9  }
0x1b2: {  	s2 =	sshrl.u32 @!p1 s0, $0x2  }
0x1b3: {  	[tilespmem:s2+$0xF238] =	vst.add.f32.msk @!p1 $0xffff, v1  }
0x1b4: {  	v1 =	vld @!p1 [tilespmem:$0xF198];
	_ =	sdelay $0x4  }
0x1b5: {  	[tilespmem:s2+$0xF248] =	vst.add.f32.msk @!p1 $0xffff, v1  }
0x1b6: {  	v1 =	vld @!p1 [tilespmem:$0xF1A8];
	_ =	sdelay $0x4  }
0x1b7: {  	[tilespmem:s2+$0xF258] =	vst.add.f32.msk @!p1 $0xffff, v1  }
0x1b8: {  	v1 =	vld @!p1 [tilespmem:$0xF1B8];
	_ =	sdelay $0x4  }
0x1b9: {  	[tilespmem:s2+$0xF268] =	vst.add.f32.msk @!p1 $0xffff, v1  }
0x1ba: {  	v1 =	vld @!p1 [tilespmem:$0xF1C8];
	_ =	sdelay $0x4  }
0x1bb: {  	[tilespmem:s2+$0xF278] =	vst.add.f32.msk @!p1 $0xffff, v1  }
0x1bc: {  	v1 =	vld @!p1 [tilespmem:$0xF1D8];
	_ =	sdelay $0x4  }
0x1bd: {  	[tilespmem:s2+$0xF288] =	vst.add.f32.msk @!p1 $0xffff, v1  }
0x1be: {  	v1 =	vld @!p1 [tilespmem:$0xF1E8];
	_ =	sdelay $0x4  }
0x1bf: {  	[tilespmem:s2+$0xF298] =	vst.add.f32.msk @!p1 $0xffff, v1  }
0x1c0: {  	v1 =	vld @!p1 [tilespmem:$0xF1F8];
	_ =	sdelay $0x4  }
0x1c1: {  	[tilespmem:s2+$0xF2A8] =	vst.add.f32.msk @!p1 $0xffff, v1  }
0x1c2: {  	s0 =	sshrl.u32 s0, $0x2;
	[tilespmem:s6+$0xF218] =	vst.msk $0x1, v0  }
0x1c3: {  	v0 =	vld [tilespmem:s0+$0xF238];
	_ =	sdelay $0x2  }
0x1c4: {  	s31 =	sshll.u32 s6, $0x9  }
0x1c5: {  	s2 =	sshra.s32 s31, $0x2  }
0x1c6: {  	[tilespmem:s2+$0xF238] =	vst v0  }
0x1c7: {  	v0 =	vld [tilespmem:s0+$0xF248];
	_ =	sdelay $0x4  }
0x1c8: {  	[tilespmem:s2+$0xF248] =	vst v0  }
0x1c9: {  	v0 =	vld [tilespmem:s0+$0xF258];
	_ =	sdelay $0x4  }
0x1ca: {  	[tilespmem:s2+$0xF258] =	vst v0  }
0x1cb: {  	v0 =	vld [tilespmem:s0+$0xF268];
	_ =	sdelay $0x4  }
0x1cc: {  	[tilespmem:s2+$0xF268] =	vst v0  }
0x1cd: {  	v0 =	vld [tilespmem:s0+$0xF278];
	_ =	sdelay $0x4  }
0x1ce: {  	[tilespmem:s2+$0xF278] =	vst v0  }
0x1cf: {  	v0 =	vld [tilespmem:s0+$0xF288];
	_ =	sdelay $0x4  }
0x1d0: {  	[tilespmem:s2+$0xF288] =	vst v0  }
0x1d1: {  	v0 =	vld [tilespmem:s0+$0xF298];
	_ =	sdelay $0x4  }
0x1d2: {  	[tilespmem:s2+$0xF298] =	vst v0  }
0x1d3: {  	v0 =	vld [tilespmem:s0+$0xF2A8];
	_ =	sdelay $0x4  }
0x1d4: {  	s6 =	sadd.s32 $0x1, s6;
	[tilespmem:s2+$0xF2A8] =	vst v0  }
.LBB3_33:
0x1d5: {  	s11 =	sadd.s32 $0x1, s11  }
0x1d6: {  	p1 =	sne.s32 s11, $0x20  }
.Ltmp25:
0x1d7: {  	_ = 	snop;
	(pc) =	sbr.rel @!p1 .LBB3_34-.Ltmp25, $1  }
0x1d8: {  	_ =	sdelay $0x3  }
.LBB3_26:
0x1d9: {  	v0 =	vld.msk [tilespmem:s11+$0xF218], $0x1;
	_ =	sdelay $0x4  }
0x1da: {  	(v2sf) =	vpush v0, $0x0;
	_ =	sdelay $0xe  }
0x1db: {  	s12 =	spop (v2sf)  }
0x1dc: {  	p1 =	seq.s32 s12, $0xFFFFFFFF  }
.Ltmp26:
0x1dd: {  	_ = 	snop;
	(pc) =	sbr.rel @p1 .LBB3_33-.Ltmp26, $1  }
0x1de: {  	_ =	sdelay $0x3  }
0x1df: {  	p1 =	slt.s32 s6, $0x1  }
.Ltmp27:
0x1e0: {  	_ = 	snop;
	(pc) =	sbr.rel @p1 .LBB3_32-.Ltmp27, $1  }
0x1e1: {  	_ =	sdelay $0x3  }
0x1e2: {  	s13 =	simm.s32 $0xF218;
	p1 =	por $0x0, $0x0  }
0x1e3: {  	v1 =	vld.msk @!p1 [tilespmem:s13+$0x0], $0x1;
	_ =	sdelay $0x4  }
0x1e4: {  	(v2sf) =	vpush @!p1 v1, $0x0;
	_ =	sdelay $0xd  }
0x1e5: {  	p3 =	sne.s32 s6, $0x1  }
.Ltmp28:
0x1e6: {  	s0 =	spop @!p1 (v2sf);
	(pc) =	sbr.rel @!p3 .LBB3_30-.Ltmp28, $4  }
0x1e7: {  	p2 =	seq.s32 @!p1 s12, s0  }
0x1e8: {  	s14 =	simm.s32 $0x0;
	p2 =	por !p2, p1  }
0x1e9: {  	s2 =	simm.s32 $0xFFFFFFFF;
	s14 =	simm.s32 @p2 $0xFFFFFFFF  }
0x1ea: {  	s0 =	simm.s32 $0x1;
	s14 =	smov.u32 @p1 s2  }
.LBB3_29:
0x1eb: {  	s2 =	smov.u32 s14;
	p1 =	sne.s32 s14, $0xFFFFFFFF  }
0x1ec: {  	s13 =	sadd.s32 $0x1, s13;
	s14 =	smov.u32 s0;
	s0 =	sadd.s32 $0x1, s0  }
0x1ed: {  	p2 =	sne.s32 s6, s0;
	v1 =	vld.msk @!p1 [tilespmem:s13+$0x0], $0x1;
	_ =	sdelay $0x4  }
0x1ee: {  	(v2sf) =	vpush @!p1 v1, $0x0;
	_ =	sdelay $0xe  }
.Ltmp29:
0x1ef: {  	s3 =	spop @!p1 (v2sf);
	(pc) =	sbr.rel @p2 .LBB3_29-.Ltmp29, $4  }
0x1f0: {  	p3 =	seq.s32 @!p1 s12, s3  }
0x1f1: {  	p3 =	por !p3, p1  }
0x1f2: {  	s14 =	simm.s32 @p3 $0xFFFFFFFF  }
0x1f3: {  	s14 =	smov.u32 @p1 s2  }
.LBB3_30:
0x1f4: {  	p1 =	seq.s32 s14, $0xFFFFFFFF  }
.Ltmp30:
0x1f5: {  	_ = 	snop;
	(pc) =	sbr.rel @p1 .LBB3_32-.Ltmp30, $1  }
0x1f6: {  	_ =	sdelay $0x3  }
0x1f7: {  	s0 =	sshll.u32 s11, $0x7  }
0x1f8: {  	s0 =	sand.u32 $0x3FFFFF80, s0  }
0x1f9: {  	v0 =	vld [tilespmem:s0+$0xF238];
	_ =	sdelay $0x2  }
0x1fa: {  	s2 =	sshll.u32 s14, $0x9  }
0x1fb: {  	s2 =	sshra.s32 s2, $0x2  }
0x1fc: {  	[tilespmem:s2+$0xF238] =	vst.add.f32.msk $0xffff, v0  }
0x1fd: {  	v0 =	vld [tilespmem:s0+$0xF248];
	_ =	sdelay $0x4  }
0x1fe: {  	[tilespmem:s2+$0xF248] =	vst.add.f32.msk $0xffff, v0  }
0x1ff: {  	v0 =	vld [tilespmem:s0+$0xF258];
	_ =	sdelay $0x4  }
0x200: {  	[tilespmem:s2+$0xF258] =	vst.add.f32.msk $0xffff, v0  }
0x201: {  	v0 =	vld [tilespmem:s0+$0xF268];
	_ =	sdelay $0x4  }
0x202: {  	[tilespmem:s2+$0xF268] =	vst.add.f32.msk $0xffff, v0  }
0x203: {  	v0 =	vld [tilespmem:s0+$0xF278];
	_ =	sdelay $0x4  }
0x204: {  	[tilespmem:s2+$0xF278] =	vst.add.f32.msk $0xffff, v0  }
0x205: {  	v0 =	vld [tilespmem:s0+$0xF288];
	_ =	sdelay $0x4  }
0x206: {  	[tilespmem:s2+$0xF288] =	vst.add.f32.msk $0xffff, v0  }
0x207: {  	v0 =	vld [tilespmem:s0+$0xF298];
	_ =	sdelay $0x4  }
0x208: {  	[tilespmem:s2+$0xF298] =	vst.add.f32.msk $0xffff, v0  }
0x209: {  	v0 =	vld [tilespmem:s0+$0xF2A8]  }
.Ltmp31:
0x20a: {  	_ = 	snop;
	(pc) =	sbr.rel .LBB3_33-.Ltmp31, $2  }
0x20b: {  	_ =	sdelay $0x2  }
0x20c: {  	[tilespmem:s2+$0xF2A8] =	vst.add.f32.msk $0xffff, v0  }
.LBB3_34:
0x20d: {  	s0 =	simm.s32 $0x6;
	p1 =	seq.s32 s6, $0x0  }
0x20e: {  	[sflag:s0] =	ssyncpa.u1 $0x1;
	v0 =	vimm.s32 @p1 $0xFFFFFFFF  }
0x20f: {  	s9 =	sadd.s32 $0xFFFFFFFF, s6;
	[tilespmem:$0x10238] =	vst @p1 v0  }
0x210: {  	v0 =	vld.msk @!p1 [tilespmem:s9+$0xF218], $0x1;
	_ =	sdelay $0x1  }
0x211: {  	v1 =	vld.msk @!p1 [tilespmem:$0xF218], $0x1;
	_ =	sdelay $0x2  }
0x212: {  	p2 =	seq.s32 @!p1 s9, $0x0;
	v0 =	vbroadcast @!p1 v0, $0x0  }
0x213: {  	vm0 =	vmmov @!p1 $0x1;
	p2 =	por !p2, p1  }
0x214: {  	v1 =	vnsel @!p1 vm0, $0xFFFFFFFF, v1;
	vm0 =	vcmask @!p1 $0x308;
	v0 =	vpsel !p2, $0xFFFFFFFF, v0  }
0x215: {  	p2 =	sne.s32 @!p1 s8, s7;
	v0 =	vsel @!p1 vm0, v1, v0  }
0x216: {  	s0 =	simm.s32 @!p1 $0xF238;
	s2 =	simm.s32 @!p1 $0x0;
	p3 =	por !p2, p1;
	[tilespmem:$0x10238] =	vst @!p1 v0  }
0x217: {  	[spmem:s2] =	stream.linear.scatter @!p1 [tilespmem:s0], [sflag:$0x1], $0x80, $0x38;
	[tilespmem:$0x1F6F8] =	vst v63  }
0x218: {  	s0 =	sshll.u32 @!p3 s9, $0x9  }
0x219: {  	s0 =	sshra.s32 @!p3 s0, $0x2  }
0x21a: {  	s2 =	simm.s32 @!p3 $0x80;
	s0 =	sadd.s32 @!p3 $0xF238, s0  }
0x21b: {  	[spmem:s2] =	stream.linear.scatter @!p3 [tilespmem:s0], [sflag:$0x1], $0x80, $0x38;
	[tilespmem:$0x1F6F8] =	vst v63  }
0x21c: {  	s0 =	simm.s32 @!p3 $0x1  }
0x21d: {  	_ =	swait.ge @!p3 [sflag:s0], $0x100  }
0x21e: {  	p1 =	por p2, p1;
	[sflag:s0] =	ssyncset.done @!p3 $0x0  }
0x21f: {  	[sflag:s0] =	ssyncadd.s32 @!p3 $0xFFFFFF00;
	s0 =	simm.s32 @!p1 $0x1  }
0x220: {  	_ =	swait.ge @!p1 [sflag:s0], $0x80  }
0x221: {  	s29 =	simm.s32 $0x10238;
	[sflag:s0] =	ssyncset.done @!p1 $0x0  }
0x222: {  	s30 =	simm.s32 $0x1000;
	s31 =	simm.s32 $0x1;
	[sflag:s0] =	ssyncadd.s32 @!p1 $0xFFFFFF80  }
0x223: {  	[spmem:s30] =	stream.linear.scatter [tilespmem:s29], [sflag:$0x1], $0x10, $0x38;
	[tilespmem:$0x1F6F8] =	vst v63  }
0x224: {  	_ =	swait.ge [sflag:s31], $0x10  }
0x225: {  	[sflag:s31] =	ssyncset.done $0x0  }
0x226: {  	p1 =	seq.s32 s15, $0x0;
	s8 =	rddreg [dreg:$0x1];
	[sflag:s31] =	ssyncadd.s32 $0xFFFFFFF0  }
0x227: {  	s2 =	sshll.u32 @p1 s8, $0xE;
	s7 =	rddreg [dreg:$0x2]  }
0x228: {  	s0 =	sadd.s32 @p1 $0x15C3C, s2;
	s2 =	sshll.u32 @p1 s7, $0x11  }
0x229: {  	_ =	sfence.stream.spmem;
	s0 =	sor.u32 @p1 s2, s0  }
0x22a: {  	[sflag:s0] =	ssyncadd.remote.s32 @p1 $0x1;
	s0 =	simm.s32 @p1 $0x4  }
0x22b: {  	s3 =	simm.s32 @!p1 $0x3C;
	s2 =	sand.u32 $0xFFFFFFFE, s8;
	_ =	swait.ge @p1 [sflag:s0], $0x22  }
0x22c: {  	s4 =	simm.s32 @!p1 $0x0;
	s2 =	sadd.s32 @!p1 $0x4, s2;
	[sflag:s0] =	ssyncset.done @p1 $0x0  }
0x22d: {  	s5 =	simm.s32 @!p1 $0x100;
	[sflag:s0] =	ssyncadd.s32 @p1 $0xFFFFFFDE;
	s0 =	sshll.u32 @!p1 s2, $0x1A  }
0x22e: {  	s2 =	sshll.u32 @!p1 s2, $0xD;
	s0 =	sor.u32 @!p1 s0, s7;
	_ =	swait.eq @!p1 [sflag:s3], $0x1  }
0x22f: {  	s2 =	sor.u32 @!p1 $0x1C04, s2;
	s3 =	simm.s32 @!p1 $0x1C03;
	s0 =	sor.u32 @!p1 $0x80004000, s0  }
0x230: {  	[spmem:s5], [sflag:s2] =	dma.general @!p1 [spmem:s4], [sflag:s3], length:$0x20, [dreg:$0x0], stride_count:$0x0, ici_dest:s0, dma_misc:DstOpCode:WRITE  }
0x231: {  	p2 =	slt.s32 s9, $0x2;
	s4 =	simm.s32 @!p1 $0x200;
	s5 =	simm.s32 @!p1 $0x202  }
0x232: {  	[spmem:s5], [sflag:s2] =	dma.general @!p1 [spmem:s4], [sflag:s3], length:$0x2, [dreg:$0x0], stride_count:$0x0, ici_dest:s0, dma_misc:DstOpCode:WRITE  }
.Ltmp32:
0x233: {  	s0 =	simm.s32 @!p1 $0x3;
	(pc) =	sbr.rel @p2 .LBB3_38-.Ltmp32, $4  }
0x234: {  	s2 =	sshll.u32 @!p1 s8, $0xE;
	_ =	swait.ge @!p1 [sflag:s0], $0x22  }
0x235: {  	s3 =	sshll.u32 @!p1 s7, $0x11;
	s2 =	sadd.s32 @!p1 $0x11C3C, s2;
	[sflag:s0] =	ssyncset.done @!p1 $0x0  }
0x236: {  	[sflag:s0] =	ssyncadd.s32 @!p1 $0xFFFFFFDE;
	s0 =	sor.u32 @!p1 s3, s2  }
0x237: {  	[sflag:s0] =	ssyncadd.remote.s32 @!p1 $0xFFFFFFFF;
	s0 =	simm.s32 $0x0  }
0x238: {  	s0 =	simm.s32 $0xF219  }
0x239: {  	v0 =	vld.msk [tilespmem:s0+$0x0], $0x1;
	_ =	sdelay $0x4  }
0x23a: {  	(v2sf) =	vpush v0, $0x0;
	_ =	sdelay $0xb  }
0x23b: {  	s31 =	sadd.s32 $0xFFFFFFFE, s6  }
0x23c: {  	s0 =	sadd.s32 $0xFFFFFFFF, s31  }
0x23d: {  	p2 =	sne.s32 s0, $0x0  }
.Ltmp33:
0x23e: {  	s2 =	spop (v2sf);
	(pc) =	sbr.rel @!p2 .LBB3_37-.Ltmp33, $4  }
0x23f: {  	s4 =	simm.s32 $0xF2B8;
	s7 =	simm.s32 $0x0;
	p1 =	sgt.u32 s2, $0xC3FF0  }
0x240: {  	s5 =	simm.s32 $0x0;
	s6 =	simm.s32 $0xF21A;
	s3 =	sand.u32 @!p1 $0xFFFF8, s2  }
0x241: {  	s2 =	sand.u32 @!p1 $0x7, s2;
	s7 =	simm.s32 @!p1 $0x200;
	s3 =	sadd.s32 @!p1 s1, s3  }
0x242: {  	[hbm4b:s3+s2] =	stream.linear.scatter @!p1 [tilespmem:s4], [sflag:$0x5], $0x80, $0x38;
	[tilespmem:$0x1F6F8] =	vst v63  }
.LBB3_36:
0x243: {  	v0 =	vld.msk [tilespmem:s6+$0x0], $0x1;
	s0 =	sadd.s32 $0xFFFFFFFF, s0;
	s5 =	sadd.s32 s5, s7  }
0x244: {  	p1 =	sne.s32 s0, $0x0;
	_ =	sdelay $0x3  }
0x245: {  	(v2sf) =	vpush v0, $0x0;
	_ =	sdelay $0xe  }
.Ltmp34:
0x246: {  	s2 =	spop (v2sf);
	(pc) =	sbr.rel @p1 .LBB3_36-.Ltmp34, $4  }
0x247: {  	s7 =	simm.s32 $0x0;
	p2 =	sgt.u32 s2, $0xC3FF0  }
0x248: {  	s4 =	sadd.s32 $0x80, s4;
	s7 =	simm.s32 @!p2 $0x200;
	s3 =	sand.u32 @!p2 $0xFFFF8, s2  }
0x249: {  	s6 =	sadd.s32 $0x1, s6;
	s2 =	sand.u32 @!p2 $0x7, s2;
	s3 =	sadd.s32 @!p2 s1, s3  }
0x24a: {  	[hbm4b:s3+s2] =	stream.linear.scatter @!p2 [tilespmem:s4], [sflag:$0x5], $0x80, $0x38;
	[tilespmem:$0x1F6F8] =	vst v63  }
.LBB3_37:
0x24b: {  	s0 =	sadd.s32 s5, s7  }
0x24c: {  	s0 =	sshrl.u32 s0, $0x2  }
.LBB3_38:
0x24d: {  	s2 =	simm.s32 $0x5  }
0x24e: {  	_ =	swait.ge [sflag:s2], s0  }
0x24f: {  	s31 =	ssub.s32 $0x0, s0;
	[sflag:s2] =	ssyncset.done $0x0  }
0x250: {  	[sflag:s2] =	ssyncadd.s32 s31  }
0x251: {  	[sflag:s2] =	ssyncpa.u1 $0x1  }
.LBB3_39:
0x252: {  	s0 =	sor.u32 s15, s16  }
0x253: {  	p1 =	sne.s32 s0, $0x0  }
.Ltmp35:
0x254: {  	_ = 	snop;
	(pc) =	sbr.rel @p1 .LBB3_54-.Ltmp35, $3  }
0x255: {  	_ =	sdelay $0x1  }
0x256: {  	[bflag:$0x0] =	sbarrier.arrive $0xFFFF  }
0x257: {  	_ =	sfence  }
0x258: {  	s0 =	simm.s32 $0x7  }
0x259: {  	s2 =	simm.s32 $0x1000;
	s3 =	simm.s32 $0xF218;
	[sflag:s0] =	ssyncpa.u1 $0x0  }
0x25a: {  	[tilespmem:s3], [sflag:$0x7] =	stream.linear.gather [spmem:s2], $0x20, $0x38;
	[tilespmem:$0x1F6F8] =	vst v63  }
0x25b: {  	s30 =	simm.s32 $0xF238;
	s2 =	simm.s32 $0x0  }
0x25c: {  	[tilespmem:s30], [sflag:$0x7] =	stream.linear.gather [spmem:s2], $0x1000, $0x38;
	[tilespmem:$0x1F6F8] =	vst v63  }
.Ltmp36:
0x25d: {  	_ = 	snop;
	(pc) =	sbr.rel .LBB3_41-.Ltmp36, $4  }
0x25e: {  	_ =	swait.ge [sflag:s0], $0x1020  }
0x25f: {  	[sflag:s0] =	ssyncset.done $0x0  }
0x260: {  	s31 =	simm.s32 $0x8;
	[sflag:s0] =	ssyncadd.s32 $0xFFFFEFE0  }
0x261: {  	s3 =	simm.s32 $0x0;
	[sflag:s31] =	ssyncpa.u1 $0x0  }
.LBB3_47:
0x262: {  	p1 =	slt.u32 s4, $0xC3FF1  }
0x263: {  	s0 =	sand.u32 @p1 $0xFFFF8, s4  }
0x264: {  	s4 =	sand.u32 @p1 $0x7, s4;
	s5 =	simm.s32 @p1 $0xF188;
	s0 =	sadd.s32 @p1 s1, s0  }
0x265: {  	[tilespmem:s5], [sflag:$0x8] =	stream.linear.gather @p1 [hbm4b:s0+s4], $0x80, $0x38;
	[tilespmem:$0x1F6F8] =	vst v63  }
0x266: {  	s0 =	simm.s32 @p1 $0x8  }
0x267: {  	_ =	swait.ge @p1 [sflag:s0], $0x80  }
0x268: {  	[sflag:s0] =	ssyncset.done @p1 $0x0  }
0x269: {  	[sflag:s0] =	ssyncadd.s32 @p1 $0xFFFFFF80  }
0x26a: {  	v1 =	vld @p1 [tilespmem:$0xF188];
	_ =	sdelay $0x2  }
0x26b: {  	s0 =	sshll.u32 @p1 s3, $0x9  }
0x26c: {  	s4 =	sshrl.u32 @p1 s0, $0x2  }
0x26d: {  	[tilespmem:s4+$0xF238] =	vst.add.f32.msk @p1 $0xffff, v1  }
0x26e: {  	v1 =	vld @p1 [tilespmem:$0xF198];
	_ =	sdelay $0x4  }
0x26f: {  	[tilespmem:s4+$0xF248] =	vst.add.f32.msk @p1 $0xffff, v1  }
0x270: {  	v1 =	vld @p1 [tilespmem:$0xF1A8];
	_ =	sdelay $0x4  }
0x271: {  	[tilespmem:s4+$0xF258] =	vst.add.f32.msk @p1 $0xffff, v1  }
0x272: {  	v1 =	vld @p1 [tilespmem:$0xF1B8];
	_ =	sdelay $0x4  }
0x273: {  	[tilespmem:s4+$0xF268] =	vst.add.f32.msk @p1 $0xffff, v1  }
0x274: {  	v1 =	vld @p1 [tilespmem:$0xF1C8];
	_ =	sdelay $0x4  }
0x275: {  	[tilespmem:s4+$0xF278] =	vst.add.f32.msk @p1 $0xffff, v1  }
0x276: {  	v1 =	vld @p1 [tilespmem:$0xF1D8];
	_ =	sdelay $0x4  }
0x277: {  	[tilespmem:s4+$0xF288] =	vst.add.f32.msk @p1 $0xffff, v1  }
0x278: {  	v1 =	vld @p1 [tilespmem:$0xF1E8];
	_ =	sdelay $0x4  }
0x279: {  	[tilespmem:s4+$0xF298] =	vst.add.f32.msk @p1 $0xffff, v1  }
0x27a: {  	v1 =	vld @p1 [tilespmem:$0xF1F8];
	_ =	sdelay $0x3  }
0x27b: {  	s5 =	sshll.u32 @!p1 s3, $0x9  }
0x27c: {  	s5 =	smov.u32 @p1 s0;
	[tilespmem:s4+$0xF2A8] =	vst.add.f32.msk @p1 $0xffff, v1  }
0x27d: {  	s0 =	sshrl.u32 s5, $0x2;
	[tilespmem:s2+$0xF218] =	vst.msk $0x1, v0  }
0x27e: {  	v0 =	vld [tilespmem:s0+$0xF238];
	_ =	sdelay $0x2  }
0x27f: {  	s31 =	sshll.u32 s2, $0x9  }
0x280: {  	s4 =	sshra.s32 s31, $0x2  }
0x281: {  	[tilespmem:s4+$0xF238] =	vst v0  }
0x282: {  	v0 =	vld [tilespmem:s0+$0xF248];
	_ =	sdelay $0x4  }
0x283: {  	[tilespmem:s4+$0xF248] =	vst v0  }
0x284: {  	v0 =	vld [tilespmem:s0+$0xF258];
	_ =	sdelay $0x4  }
0x285: {  	[tilespmem:s4+$0xF258] =	vst v0  }
0x286: {  	v0 =	vld [tilespmem:s0+$0xF268];
	_ =	sdelay $0x4  }
0x287: {  	[tilespmem:s4+$0xF268] =	vst v0  }
0x288: {  	v0 =	vld [tilespmem:s0+$0xF278];
	_ =	sdelay $0x4  }
0x289: {  	[tilespmem:s4+$0xF278] =	vst v0  }
0x28a: {  	v0 =	vld [tilespmem:s0+$0xF288];
	_ =	sdelay $0x4  }
0x28b: {  	[tilespmem:s4+$0xF288] =	vst v0  }
0x28c: {  	v0 =	vld [tilespmem:s0+$0xF298];
	_ =	sdelay $0x4  }
0x28d: {  	[tilespmem:s4+$0xF298] =	vst v0  }
0x28e: {  	v0 =	vld [tilespmem:s0+$0xF2A8];
	_ =	sdelay $0x4  }
0x28f: {  	s2 =	sadd.s32 $0x1, s2;
	[tilespmem:s4+$0xF2A8] =	vst v0  }
.LBB3_48:
0x290: {  	s3 =	sadd.s32 $0x1, s3  }
0x291: {  	p1 =	sne.s32 s3, $0x20  }
.Ltmp37:
0x292: {  	_ = 	snop;
	(pc) =	sbr.rel @!p1 .LBB3_49-.Ltmp37, $1  }
0x293: {  	_ =	sdelay $0x3  }
.LBB3_41:
0x294: {  	v0 =	vld.msk [tilespmem:s3+$0xF218], $0x1;
	_ =	sdelay $0x4  }
0x295: {  	(v2sf) =	vpush v0, $0x0;
	_ =	sdelay $0xe  }
0x296: {  	s4 =	spop (v2sf)  }
0x297: {  	p1 =	seq.s32 s4, $0xFFFFFFFF  }
.Ltmp38:
0x298: {  	_ = 	snop;
	(pc) =	sbr.rel @p1 .LBB3_48-.Ltmp38, $1  }
0x299: {  	_ =	sdelay $0x3  }
0x29a: {  	p1 =	slt.s32 s2, $0x1  }
.Ltmp39:
0x29b: {  	_ = 	snop;
	(pc) =	sbr.rel @p1 .LBB3_47-.Ltmp39, $1  }
0x29c: {  	_ =	sdelay $0x3  }
0x29d: {  	s5 =	simm.s32 $0xF218;
	p1 =	por $0x0, $0x0  }
0x29e: {  	v1 =	vld.msk @!p1 [tilespmem:s5+$0x0], $0x1;
	_ =	sdelay $0x4  }
0x29f: {  	(v2sf) =	vpush @!p1 v1, $0x0;
	_ =	sdelay $0xd  }
0x2a0: {  	p3 =	sne.s32 s2, $0x1  }
.Ltmp40:
0x2a1: {  	s0 =	spop @!p1 (v2sf);
	(pc) =	sbr.rel @!p3 .LBB3_45-.Ltmp40, $4  }
0x2a2: {  	p2 =	seq.s32 @!p1 s4, s0  }
0x2a3: {  	s6 =	simm.s32 $0x0;
	p2 =	por !p2, p1  }
0x2a4: {  	s7 =	simm.s32 $0xFFFFFFFF;
	s6 =	simm.s32 @p2 $0xFFFFFFFF  }
0x2a5: {  	s0 =	simm.s32 $0x1;
	s6 =	smov.u32 @p1 s7  }
.LBB3_44:
0x2a6: {  	s7 =	smov.u32 s6;
	p1 =	sne.s32 s6, $0xFFFFFFFF  }
0x2a7: {  	s5 =	sadd.s32 $0x1, s5;
	s6 =	smov.u32 s0;
	s0 =	sadd.s32 $0x1, s0  }
0x2a8: {  	p2 =	sne.s32 s2, s0;
	v1 =	vld.msk @!p1 [tilespmem:s5+$0x0], $0x1;
	_ =	sdelay $0x4  }
0x2a9: {  	(v2sf) =	vpush @!p1 v1, $0x0;
	_ =	sdelay $0xe  }
.Ltmp41:
0x2aa: {  	s8 =	spop @!p1 (v2sf);
	(pc) =	sbr.rel @p2 .LBB3_44-.Ltmp41, $4  }
0x2ab: {  	p3 =	seq.s32 @!p1 s4, s8  }
0x2ac: {  	p3 =	por !p3, p1  }
0x2ad: {  	s6 =	simm.s32 @p3 $0xFFFFFFFF  }
0x2ae: {  	s6 =	smov.u32 @p1 s7  }
.LBB3_45:
0x2af: {  	p1 =	seq.s32 s6, $0xFFFFFFFF  }
.Ltmp42:
0x2b0: {  	_ = 	snop;
	(pc) =	sbr.rel @p1 .LBB3_47-.Ltmp42, $1  }
0x2b1: {  	_ =	sdelay $0x3  }
0x2b2: {  	s0 =	sshll.u32 s3, $0x7  }
0x2b3: {  	s0 =	sand.u32 $0x3FFFFF80, s0  }
0x2b4: {  	v0 =	vld [tilespmem:s0+$0xF238];
	_ =	sdelay $0x2  }
0x2b5: {  	s4 =	sshll.u32 s6, $0x9  }
0x2b6: {  	s4 =	sshra.s32 s4, $0x2  }
0x2b7: {  	[tilespmem:s4+$0xF238] =	vst.add.f32.msk $0xffff, v0  }
0x2b8: {  	v0 =	vld [tilespmem:s0+$0xF248];
	_ =	sdelay $0x4  }
0x2b9: {  	[tilespmem:s4+$0xF248] =	vst.add.f32.msk $0xffff, v0  }
0x2ba: {  	v0 =	vld [tilespmem:s0+$0xF258];
	_ =	sdelay $0x4  }
0x2bb: {  	[tilespmem:s4+$0xF258] =	vst.add.f32.msk $0xffff, v0  }
0x2bc: {  	v0 =	vld [tilespmem:s0+$0xF268];
	_ =	sdelay $0x4  }
0x2bd: {  	[tilespmem:s4+$0xF268] =	vst.add.f32.msk $0xffff, v0  }
0x2be: {  	v0 =	vld [tilespmem:s0+$0xF278];
	_ =	sdelay $0x4  }
0x2bf: {  	[tilespmem:s4+$0xF278] =	vst.add.f32.msk $0xffff, v0  }
0x2c0: {  	v0 =	vld [tilespmem:s0+$0xF288];
	_ =	sdelay $0x4  }
0x2c1: {  	[tilespmem:s4+$0xF288] =	vst.add.f32.msk $0xffff, v0  }
0x2c2: {  	v0 =	vld [tilespmem:s0+$0xF298];
	_ =	sdelay $0x4  }
0x2c3: {  	[tilespmem:s4+$0xF298] =	vst.add.f32.msk $0xffff, v0  }
0x2c4: {  	v0 =	vld [tilespmem:s0+$0xF2A8]  }
.Ltmp43:
0x2c5: {  	_ = 	snop;
	(pc) =	sbr.rel .LBB3_48-.Ltmp43, $2  }
0x2c6: {  	_ =	sdelay $0x2  }
0x2c7: {  	[tilespmem:s4+$0xF2A8] =	vst.add.f32.msk $0xffff, v0  }
.LBB3_49:
0x2c8: {  	p1 =	slt.s32 s2, $0x1  }
.Ltmp44:
0x2c9: {  	_ = 	snop;
	(pc) =	sbr.rel @p1 .LBB3_53-.Ltmp44, $3  }
0x2ca: {  	_ =	sdelay $0x1  }
0x2cb: {  	s0 =	simm.s32 $0x8  }
0x2cc: {  	s3 =	simm.s32 $0x0;
	[sflag:s0] =	ssyncpa.u1 $0x1  }
0x2cd: {  	s0 =	simm.s32 $0xF218  }
0x2ce: {  	v0 =	vld.msk [tilespmem:s0+$0x0], $0x1;
	_ =	sdelay $0x4  }
0x2cf: {  	(v2sf) =	vpush v0, $0x0;
	_ =	sdelay $0xe  }
0x2d0: {  	s0 =	sadd.s32 $0xFFFFFFFF, s2;
	s5 =	spop (v2sf)  }
0x2d1: {  	p2 =	sne.s32 s0, $0x0;
	p1 =	sgt.u32 s5, $0xC3FF0  }
.Ltmp45:
0x2d2: {  	s6 =	sand.u32 @!p1 $0xFFFF8, s5;
	(pc) =	sbr.rel @!p2 .LBB3_52-.Ltmp45, $4  }
0x2d3: {  	s4 =	simm.s32 $0xF238;
	s5 =	sand.u32 @!p1 $0x7, s5;
	s2 =	sadd.s32 @!p1 s1, s6  }
0x2d4: {  	[hbm4b:s2+s5] =	stream.linear.scatter @!p1 [tilespmem:s4], [sflag:$0x7], $0x80, $0x38;
	[tilespmem:$0x1F6F8] =	vst v63  }
0x2d5: {  	s5 =	simm.s32 $0x0  }
0x2d6: {  	s2 =	simm.s32 $0xF219;
	s5 =	simm.s32 @!p1 $0x200  }
.LBB3_51:
0x2d7: {  	v0 =	vld.msk [tilespmem:s2+$0x0], $0x1;
	s0 =	sadd.s32 $0xFFFFFFFF, s0;
	s3 =	sadd.s32 s3, s5  }
0x2d8: {  	p1 =	sne.s32 s0, $0x0;
	_ =	sdelay $0x3  }
0x2d9: {  	(v2sf) =	vpush v0, $0x0;
	_ =	sdelay $0xe  }
.Ltmp46:
0x2da: {  	s6 =	spop (v2sf);
	(pc) =	sbr.rel @p1 .LBB3_51-.Ltmp46, $4  }
0x2db: {  	s5 =	simm.s32 $0x0;
	p2 =	sgt.u32 s6, $0xC3FF0  }
0x2dc: {  	s4 =	sadd.s32 $0x80, s4;
	s5 =	simm.s32 @!p2 $0x200;
	s7 =	sand.u32 @!p2 $0xFFFF8, s6  }
0x2dd: {  	s2 =	sadd.s32 $0x1, s2;
	s6 =	sand.u32 @!p2 $0x7, s6;
	s7 =	sadd.s32 @!p2 s1, s7  }
0x2de: {  	[hbm4b:s7+s6] =	stream.linear.scatter @!p2 [tilespmem:s4], [sflag:$0x7], $0x80, $0x38;
	[tilespmem:$0x1F6F8] =	vst v63  }
.LBB3_52:
0x2df: {  	s0 =	sadd.s32 s3, s5  }
0x2e0: {  	s3 =	sshrl.u32 s0, $0x2  }
.LBB3_53:
0x2e1: {  	s0 =	simm.s32 $0x7  }
0x2e2: {  	_ =	swait.ge [sflag:s0], s3  }
0x2e3: {  	s1 =	ssub.s32 $0x0, s3;
	[sflag:s0] =	ssyncset.done $0x0  }
0x2e4: {  	[sflag:s0] =	ssyncadd.s32 s1  }
0x2e5: {  	[sflag:s0] =	ssyncpa.u1 $0x1  }
.LBB3_54:
0x2e6: {  	_ =	sfence;
	s0 =	simm.s32 $0x1  }
0x2e7: {  	[sflag:s0] =	ssyncpa.u1 $0x1  }
0x2e8: {  	_ =	strace $0x9000005F  }
0x2e9: {  	[bflag:$0x2] =	sbarrier.arrive $0xFFFF  }
0x2ea: {  	s0 =	rddreg [dreg:$0x3]  }
0x2eb: {  	s0 =	sadd.s32 @!p0 $0x100000, s0  }
0x2ec: {  	[sflag:s0] =	ssyncadd.tile.s32 @!p0 $0x1;
	_ =	shalt  }
.Lfunc_end3:
_tile_overlayer_lowered:
.L_overlay_start_3:
0x2ed: {  	(tag) =	ssettag $0x3  }
0x2ee: {  	s0 =	rddreg [dreg:$0x0];
	s2 =	stileid.u32  }
0x2ef: {  	s1 =	rddreg [dreg:$0x1];
	p0 =	sne.s32 s2, $0x0  }
0x2f0: {  	s3 =	rddreg [dreg:$0x2];
	[bflag:$0x3] =	sbarrier.arrive $0xFFFF;
	s2 =	simm.s32 @!p0 $0x1C01  }
0x2f1: {  	[timem:s3], [sflag:s2] =	dma.local @!p0 [hbm:s0], s1  }
0x2f2: {  	s0 =	simm.s32 @!p0 $0x1  }
0x2f3: {  	_ =	swait.ge @!p0 [sflag:s0], s1  }
0x2f4: {  	s1 =	ssub.s32 @!p0 $0x0, s1;
	[sflag:s0] =	ssyncset.done @!p0 $0x0  }
0x2f5: {  	[sflag:s0] =	ssyncadd.s32 @!p0 s1  }
0x2f6: {  	[bflag:$0x3] =	sbarrier.arrive $0xFFFF  }
0x2f7: {  	_ =	shalt  }

// kernel: scatter_offload_async_start
scs
__scs_entry_jumppad:
0x0: {  	(pc) =	sbr.rel $0x88, $3  }
0x1: {  	(tag) =	ssettag $0x0;
	lr =	simm.s32 $0x1  }
0x2: {  	[smem:$0x3F96] =	sst lr;
	_ =	strace $0xD0000000  }
0x3: {  	_ = 	snop  }
0x4: {  	_ = 	snop  }
0x5: {  	_ = 	snop  }
0x6: {  	_ = 	snop  }
0x7: {  	_ = 	snop  }
__scs_overlays_trampoline_lowered:
0x8: {  	[smem:$0x3FA5] =	sst s0  }
0x9: {  	[smem:$0x3FA6] =	sst s1  }
0xa: {  	[smem:$0x3FA7] =	sst s2  }
0xb: {  	[smem:$0x3FA8] =	sst s3  }
0xc: {  	[smem:$0x3FA9] =	sst s4  }
0xd: {  	[smem:$0x3FAA] =	sst s5  }
0xe: {  	[smem:$0x3FAB] =	sst s6  }
0xf: {  	[smem:$0x3FAC] =	sst s7  }
0x10: {  	[smem:$0x3FAD] =	sst s8  }
0x11: {  	[smem:$0x3FAE] =	sst s9;
	s0 =	simm.s32 @!p0 $0x0  }
0x12: {  	s1 =	sld [smem:$0x3F94];
	s0 =	simm.s32 @p0 $0x1  }
0x13: {  	[smem:$0x3FAF] =	sst s0;
	s0 =	simm.s32 @!p1 $0x0  }
0x14: {  	s2 =	sld [smem:$0x3F93];
	s0 =	simm.s32 @p1 $0x1  }
0x15: {  	[smem:$0x3FB0] =	sst s0;
	s0 =	simm.s32 @!p2 $0x0  }
0x16: {  	s3 =	sld [smem:$0x3FDB];
	s0 =	simm.s32 @p2 $0x1  }
0x17: {  	s4 =	simm.s32 $0x1BF5;
	[smem:$0x3FB2] =	sst s0  }
0x18: {  	s0 =	sld [smem:$0x3F95];
	_ =	swait.ge [sflag:s4], $0x0  }
0x19: {  	s7 =	sld [smem:$0x3F96]  }
0x1a: {  	s8 =	sadd.s32 $0xFFFFE003, lr  }
0x1b: {  	s9 =	sadd.s32 $0xFFFFFEF7, lr;
	s5 =	simm.s32 $0xFFFFFFFF;
	p2 =	slt.u32 s8, $0xFFFFF086  }
0x1c: {  	p1 =	slt.u32 s9, $0xF7A;
	s5 =	simm.s32 @!p2 $0x0  }
0x1d: {  	s5 =	simm.s32 @p1 $0x1;
	p0 =	seq.s32 s7, s2  }
0x1e: {  	s7 =	smul.u32 @!p0 $0xF7A, s2;
	p2 =	seq.s32 @!p0 s5, $0x0  }
0x1f: {  	s9 =	smul.u32 $0xF7A, s1;
	s8 =	simm.s32 @!p0 $0x1BF5;
	p2 =	por !p2, p0  }
0x20: {  	[sflag:s8] =	ssyncset.s32 @!p0 $0xFFFFF086;
	s6 =	sadd.s32 @!p0 s3, s7;
	s7 =	simm.s32 @!p0 $0x108  }
0x21: {  	s3 =	sadd.s32 s3, s9;
	s6 =	sadd.s32 @!p0 $0x88, s6;
	s7 =	simm.s32 @p2 $0x1082  }
0x22: {  	[simem:s7], [sflag:s8] =	dma.local @!p0 [hbm:s6], $0xF7A  }
0x23: {  	s9 =	sor.u32 $0xD0000000, s2;
	s6 =	simm.s32 $0x108;
	_ =	swait.ge @!p0 [sflag:s8], $0x0  }
0x24: {  	s3 =	sadd.s32 $0x88, s3;
	s6 =	simm.s32 @!p1 $0x1082;
	[sflag:s4] =	ssyncset.s32 $0xFFFFF086  }
0x25: {  	[simem:s6], [sflag:s4] =	dma.local [hbm:s3], $0xF7A  }
0x26: {  	[smem:$0x3F96] =	sst s1;
	(tag) =	ssettag s2;
	_ =	strace s9  }
0x27: {  	s1 =	sld [smem:$0x3FA6]  }
0x28: {  	s2 =	sld [smem:$0x3FA7]  }
0x29: {  	s4 =	sld [smem:$0x3FA9]  }
0x2a: {  	p0 =	seq.s32 s5, $0x0;
	s5 =	sld [smem:$0x3FAA]  }
0x2b: {  	s6 =	sld [smem:$0x3FAB]  }
0x2c: {  	s7 =	sld [smem:$0x3FAC]  }
0x2d: {  	s3 =	simm.s32 $0x108;
	s8 =	sld [smem:$0x3FAD]  }
0x2e: {  	s3 =	simm.s32 @!p0 $0x1082;
	s9 =	sld [smem:$0x3FAE]  }
0x2f: {  	lr =	sadd.s32 s0, s3;
	s0 =	sld [smem:$0x3FA5]  }
0x30: {  	s3 =	sld [smem:$0x3FA8]  }
0x31: {  	[smem:$0x3FB1] =	sst s10  }
0x32: {  	s10 =	sld [smem:$0x3FAF];
	_ =	sdelay $0x3  }
0x33: {  	p0 =	seq.s32 s10, $0x1;
	s10 =	sld [smem:$0x3FB1];
	_ =	sdelay $0x3  }
0x34: {  	[smem:$0x3FB1] =	sst s10  }
0x35: {  	s10 =	sld [smem:$0x3FB0];
	_ =	sdelay $0x3  }
0x36: {  	p1 =	seq.s32 s10, $0x1;
	s10 =	sld [smem:$0x3FB1];
	_ =	sdelay $0x3  }
0x37: {  	[smem:$0x3FB1] =	sst s10  }
0x38: {  	s10 =	sld [smem:$0x3FB2]  }
0x39: {  	_ = 	snop;
	(pc) =	sbr.ind lr, $3  }
0x3a: {  	_ = 	snop  }
0x3b: {  	_ = 	snop  }
0x3c: {  	p2 =	seq.s32 s10, $0x1;
	s10 =	sld [smem:$0x3FB1]  }
0x3d: {  	_ =	shalt  }
0x3e: {  	_ =	shalt  }
0x3f: {  	_ =	shalt  }
0x40: {  	_ =	shalt  }
0x41: {  	_ =	shalt  }
0x42: {  	_ =	shalt  }
0x43: {  	_ =	shalt  }
0x44: {  	_ =	shalt  }
0x45: {  	_ =	shalt  }
0x46: {  	_ =	shalt  }
0x47: {  	_ =	shalt  }
0x48: {  	_ =	shalt  }
0x49: {  	_ =	shalt  }
0x4a: {  	_ =	shalt  }
0x4b: {  	_ =	shalt  }
0x4c: {  	_ =	shalt  }
0x4d: {  	_ =	shalt  }
0x4e: {  	_ =	shalt  }
0x4f: {  	_ =	shalt  }
0x50: {  	_ =	shalt  }
0x51: {  	_ =	shalt  }
0x52: {  	_ =	shalt  }
0x53: {  	_ =	shalt  }
0x54: {  	_ =	shalt  }
0x55: {  	_ =	shalt  }
0x56: {  	_ =	shalt  }
0x57: {  	_ =	shalt  }
0x58: {  	_ =	shalt  }
0x59: {  	_ =	shalt  }
0x5a: {  	_ =	shalt  }
0x5b: {  	_ =	shalt  }
0x5c: {  	_ =	shalt  }
0x5d: {  	_ =	shalt  }
0x5e: {  	_ =	shalt  }
0x5f: {  	_ =	shalt  }
0x60: {  	_ =	shalt  }
0x61: {  	_ =	shalt  }
0x62: {  	_ =	shalt  }
0x63: {  	_ =	shalt  }
0x64: {  	_ =	shalt  }
0x65: {  	_ =	shalt  }
0x66: {  	_ =	shalt  }
0x67: {  	_ =	shalt  }
0x68: {  	_ =	shalt  }
0x69: {  	_ =	shalt  }
0x6a: {  	_ =	shalt  }
0x6b: {  	_ =	shalt  }
0x6c: {  	_ =	shalt  }
0x6d: {  	_ =	shalt  }
0x6e: {  	_ =	shalt  }
0x6f: {  	_ =	shalt  }
0x70: {  	_ =	shalt  }
0x71: {  	_ =	shalt  }
0x72: {  	_ =	shalt  }
0x73: {  	_ =	shalt  }
0x74: {  	_ =	shalt  }
0x75: {  	_ =	shalt  }
0x76: {  	_ =	shalt  }
0x77: {  	_ =	shalt  }
0x78: {  	_ =	shalt  }
0x79: {  	_ =	shalt  }
0x7a: {  	_ =	shalt  }
0x7b: {  	_ =	shalt  }
0x7c: {  	_ =	shalt  }
0x7d: {  	_ =	shalt  }
0x7e: {  	_ =	shalt  }
0x7f: {  	_ =	shalt  }
0x80: {  	_ =	shalt  }
0x81: {  	_ =	shalt  }
0x82: {  	_ =	shalt  }
0x83: {  	_ =	shalt  }
0x84: {  	_ =	shalt  }
0x85: {  	_ =	shalt  }
0x86: {  	_ =	shalt  }
0x87: {  	_ =	shalt  }
.Lfunc_end0:
.L_simem_size_0:
called_computation_lowered:
.L_overlay_start_0:
0x88: {  	s2 =	sld [smem:$0x3FD9]  }
0x89: {  	s3 =	sld [smem:$0x3FFE];
	_ =	sdelay $0x1  }
0x8a: {  	s1 =	srdreg.scid  }
0x8b: {  	s0 =	sand.u32 $0x1, s1  }
0x8c: {  	s12 =	sshll.u32 s0, $0xA;
	s2 =	sadd.s32 s3, s2  }
0x8d: {  	s2 =	sadd.s32 s2, s12  }
0x8e: {  	[smem:$0x3FBD] =	sst s2  }
0x8f: {  	_ = 	snop  }
0x90: {  	(tm) =	ssettm $0x1  }
0x91: {  	s13 =	sld [smem:$0x3FFB];
	_ =	sdelay $0x3  }
0x92: {  	_ =	strace s13  }
0x93: {  	s2 =	sld [smem:$0x3FFC];
	_ =	sdelay $0x3  }
0x94: {  	_ =	strace s2  }
0x95: {  	s2 =	sld [smem:$0x3FFD];
	_ =	sdelay $0x3  }
0x96: {  	_ =	strace s2  }
0x97: {  	_ =	strace $0x8FFFFFFF  }
0x98: {  	s14 =	sld [smem:$0x3FDB];
	_ =	sdelay $0x1  }
0x99: {  	s15 =	simm.s32 $_scs_section_size  }
0x9a: {  	s4 =	simm.s32 $_size__tile_overlayer_lowered;
	s5 =	simm.s32 $_tile_overlayer_lowered  }
0x9b: {  	s19 =	simm.s32 $0x1BFF;
	s17 =	sshll.u32 s5, $0x1;
	s6 =	sadd.s32 s15, s14  }
0x9c: {  	s20 =	simm.s32 $0x0;
	s16 =	sshll.u32 s4, $0x1;
	s18 =	sadd.s32 s17, s6  }
0x9d: {  	[timem:s20], [sflag:s19] =	dma.local [hbm:s18], s16  }
0x9e: {  	_ =	swait.ge [sflag:s19], s16  }
0x9f: {  	s3 =	ssub.s32 $0x0, s16;
	[sflag:s19] =	ssyncset.done $0x0  }
0xa0: {  	[sflag:s19] =	ssyncadd.s32 s3;
	_ =	sdelay $0x1  }
0xa1: {  	s21 =	simm.s32 $0x1B8B  }
0xa2: {  	_ =	swait.ge [sflag:s21], $0x1  }
0xa3: {  	[sflag:s21] =	ssyncset.done $0x0  }
0xa4: {  	[sflag:s21] =	ssyncadd.s32 $0xFFFFFFFF  }
0xa5: {  	s3 =	sld [smem:$0x0]  }
0xa6: {  	s4 =	sand.u32 $0xFFFFFFFE, s1  }
0xa7: {  	p0 =	sne.s32 s1, s4  }
0xa8: {  	s4 =	sshll.u32 @p0 s4, $0xE  }
0xa9: {  	s5 =	sadd.s32 @p0 $0x11B8D, s4;
	s7 =	sshll.u32 @p0 s3, $0x11  }
0xaa: {  	s5 =	sor.u32 @p0 s7, s5  }
0xab: {  	[sflag:s5] =	ssyncadd.remote.s32 @p0 $0x1;
	_ =	sdelay $0x1  }
0xac: {  	s5 =	simm.s32 @p0 $0x1B8D  }
0xad: {  	_ =	swait.eq @p0 [sflag:s5], $0x1  }
0xae: {  	[sflag:s5] =	ssyncadd.s32 @p0 $0xFFFFFFFF  }
0xaf: {  	s7 =	sshll.u32 @!p0 s1, $0xE  }
0xb0: {  	s7 =	sor.u32 @!p0 $0x4000, s7;
	s5 =	simm.s32 @!p0 $0x1B8D  }
0xb1: {  	s9 =	sshll.u32 @!p0 s3, $0x11;
	s8 =	sadd.s32 @!p0 $0x11B8D, s7;
	_ =	swait.eq @!p0 [sflag:s5], $0x1  }
0xb2: {  	[sflag:s5] =	ssyncadd.s32 @!p0 $0xFFFFFFFF;
	s5 =	sor.u32 @!p0 s9, s8  }
0xb3: {  	s23 =	simm.s32 $0x1B8E;
	s22 =	sld [smem:$0x3FFE];
	[sflag:s5] =	ssyncadd.remote.s32 @!p0 $0x1  }
0xb4: {  	s24 =	simm.s32 $execute0_lowered;
	[smem:$0x3FD2] =	sst s23  }
0xb5: {  	s8 =	sshll.u32 s24, $0x1;
	_ =	strace $0x8000004F;
	[dreg:$0x1] =	wrdreg $0xFFFFFFFF  }
0xb6: {  	s25 =	simm.s32 $_size_execute0_lowered;
	s8 =	sadd.s32 s6, s8;
	[dreg:$0x0] =	wrdreg $0x0  }
0xb7: {  	s9 =	sshll.u32 s25, $0x1;
	[dreg:$0x2] =	wrdreg s8  }
0xb8: {  	[dreg:$0x3] =	wrdreg s9  }
0xb9: {  	[dreg:$0x4] =	wrdreg $0xC0  }
0xba: {  	s26 =	simm.s32 $execute1_lowered;
	_ =	task [dreg:s20], $0x5FFFF  }
0xbb: {  	s8 =	sshll.u32 s26, $0x1;
	[dreg:$0x1] =	wrdreg $0xFFFFFFFF  }
0xbc: {  	s6 =	sadd.s32 s6, s8;
	[dreg:$0x0] =	wrdreg $0x60  }
0xbd: {  	[dreg:$0x2] =	wrdreg s6  }
0xbe: {  	[dreg:$0x3] =	wrdreg s22  }
0xbf: {  	[dreg:$0x4] =	wrdreg $0x9  }
0xc0: {  	_ =	task.clear_ibuf [dreg:s20], $0x5FFFF;
	_ =	strace $0x9000004F  }
0xc1: {  	s28 =	simm.s32 $0x9;
	_ =	strace $0x80000051  }
0xc2: {  	_ =	swait.ge [sflag:s28], $0x1  }
0xc3: {  	[sflag:s28] =	ssyncadd.s32 $0xFFFFFFFF  }
0xc4: {  	_ =	strace $0x90000051  }
0xc5: {  	s6 =	sld [smem:$0x0];
	_ =	sdelay $0x3  }
0xc6: {  	s4 =	sadd.s32 @p0 $0x11BF3, s4;
	s8 =	sshll.u32 @p0 s6, $0x11  }
0xc7: {  	s4 =	sor.u32 @p0 s8, s4  }
0xc8: {  	[sflag:s4] =	ssyncadd.remote.s32 @p0 $0x1;
	_ =	sdelay $0x1  }
0xc9: {  	s4 =	simm.s32 @p0 $0x1BF3  }
0xca: {  	_ =	swait.eq @p0 [sflag:s4], $0x1  }
0xcb: {  	[sflag:s4] =	ssyncadd.s32 @p0 $0xFFFFFFFF;
	_ =	sdelay $0x1  }
0xcc: {  	s4 =	simm.s32 @!p0 $0x1BF3  }
0xcd: {  	s7 =	sadd.s32 @!p0 $0x11BF3, s7;
	s6 =	sshll.u32 @!p0 s6, $0x11;
	_ =	swait.eq @!p0 [sflag:s4], $0x1  }
0xce: {  	[sflag:s4] =	ssyncadd.s32 @!p0 $0xFFFFFFFF;
	s4 =	sor.u32 @!p0 s6, s7  }
0xcf: {  	[sflag:s4] =	ssyncadd.remote.s32 @!p0 $0x1  }
0xd0: {  	_ =	strace $0x80000052;
	[dreg:$0x1] =	wrdreg $0xFFFFFFFF  }
0xd1: {  	[dreg:$0x0] =	wrdreg $0x2030  }
0xd2: {  	[dreg:$0x2] =	wrdreg s22  }
0xd3: {  	[dreg:$0x3] =	wrdreg s1  }
0xd4: {  	[dreg:$0x4] =	wrdreg s3  }
0xd5: {  	[dreg:$0x5] =	wrdreg $0xA  }
0xd6: {  	_ =	task.clear_ibuf [dreg:s20], $0x6FFFF;
	_ =	strace $0x90000052  }
0xd7: {  	s29 =	simm.s32 $0xA;
	_ =	strace $0x80000054  }
0xd8: {  	_ =	swait.ge [sflag:s29], $0x1  }
0xd9: {  	[sflag:s29] =	ssyncadd.s32 $0xFFFFFFFF  }
0xda: {  	_ =	strace $0x90000054  }
0xdb: {  	_ =	sfence  }
0xdc: {  	s30 =	sld [smem:$0x0];
	_ =	sdelay $0x2  }
0xdd: {  	s31 =	sshll.u32 s1, $0xD;
	s1 =	sshrl.u32 s1, $0x2  }
0xde: {  	s4 =	sand.u32 $0x4000, s31;
	s1 =	sadd.s32 s1, s30  }
0xdf: {  	s0 =	sor.u32 s4, s0;
	s1 =	sshll.u32 s1, $0x11  }
0xe0: {  	s0 =	sor.u32 s1, s0  }
0xe1: {  	s0 =	sadd.s32 $0x8F2B, s0  }
0xe2: {  	[sflag:s0] =	ssyncadd.remote.s32 $0x1  }
0xe3: {  	_ =	sfence.sel $0xFFFF  }
0xe4: {  	[dreg:$0x0] =	wrdreg $0xFFFFFFFF;
	(pc) =	sbr.abs _section_cstart, $3  }
0xe5: {  	[dreg:$0x1] =	wrdreg $0xFFFFFFFF  }
0xe6: {  	_ =	task.clear_ibuf [dreg:s20], $0x2FFFF;
	_ =	strace $0x9FFFFFFF  }
0xe7: {  	(tm) =	ssettm $0x7FFFFFFF  }
tec
execute0_lowered:
.L_overlay_start_1:
0x0: {  	(tag) =	ssettag $0x1  }
0x1: {  	s2 =	rddreg [dreg:$0x0]  }
0x2: {  	s4 =	rddreg [dreg:$0x1]  }
0x3: {  	s0 =	rddreg [dreg:$0x2];
	s3 =	stileid.u32;
	[bflag:$0x3] =	sbarrier.arrive $0xFFFF  }
0x4: {  	s1 =	simm.s32 $_size_execute1_lowered;
	s29 =	srdreg.scid;
	p0 =	sne.s32 s3, $0x0  }
0x5: {  	s1 =	sshll.u32 s1, $0x1;
	s5 =	simm.s32 @!p0 $0x1C3F;
	s6 =	simm.s32 @!p0 $0x4060  }
0x6: {  	[timem:s6], [sflag:s5] =	dma.local @!p0 [hbm:s2], s1  }
0x7: {  	s2 =	sshll.u32 s29, $0x7  }
0x8: {  	s7 =	simm.s32 $0x1;
	s3 =	sshll.u32 s3, $0x8;
	s2 =	sand.u32 $0x80, s2  }
0x9: {  	s8 =	simm.s32 $0x2;
	s9 =	simm.s32 $0x0;
	s2 =	sor.u32 s3, s2  }
0xa: {  	s12 =	simm.s32 $0x0;
	s11 =	simm.s32 $0x0;
	s30 =	ssub.s32 $0xC400, s2  }
.Ltmp0:
0xb: {  	s5 =	simm.s32 $0x1;
	s31 =	sand.u32 $0xF80, s30;
	(pc) =	sbr.rel .LBB2_1-.Ltmp0, $4  }
0xc: {  	_ =	strace $0x80000050;
	s3 =	sadd.s32 $0x1EBDC00, s4;
	p1 =	sne.s32 s31, $0x0  }
0xd: {  	[sflag:s5] =	ssyncpa.u1 $0x0;
	s6 =	sshrl.u32 s30, $0xC;
	s7 =	simm.s32 @!p1 $0x0  }
0xe: {  	s4 =	sadd.s32 $0x27FC00, s4;
	[sflag:s8] =	ssyncpa.u1 $0x0;
	s6 =	sadd.s32 s7, s6  }
0xf: {  	s8 =	simm.s32 $0x0;
	s10 =	smov.u32 s2;
	s7 =	sadd.s32 $0x1, s6  }
.LBB2_4:
0x10: {  	_ =	sdelay $0x3  }
0x11: {  	[tilespmem:v0+s14+$0xFFFFFFA0 ss:$0x1] =	vst.idx.msk $0xffff, v6  }
0x12: {  	v56 =	vld.idx.msk [tilespmem:v1+s15+$0x30 ss:$0x1], $0xffff;
	[tilespmem:v0+s14+$0xFFFFFFB0 ss:$0x1] =	vst.idx.msk $0xffff, v4  }
0x13: {  	v57 =	vld.idx.msk [tilespmem:v1+s15+$0xFFFFFFC0 ss:$0x1], $0xffff;
	[tilespmem:v0+s14+$0xFFFFFFC0 ss:$0x1] =	vst.idx.msk $0xffff, v2  }
0x14: {  	v58 =	vld.idx.msk [tilespmem:v1+s15+$0xFFFFFFD0 ss:$0x1], $0xffff;
	[tilespmem:v0+s14+$0xFFFFFFD0 ss:$0x1] =	vst.idx.msk $0xffff, v3  }
0x15: {  	v59 =	vld.idx.msk [tilespmem:v1+s15+$0xFFFFFFE0 ss:$0x1], $0xffff;
	[tilespmem:v0+s14+$0xFFFFFFE0 ss:$0x1] =	vst.idx.msk $0xffff, v5  }
0x16: {  	v60 =	vld.idx.msk [tilespmem:v1+s15+$0xFFFFFFF0 ss:$0x1], $0xffff;
	[tilespmem:v0+s14+$0xFFFFFFF0 ss:$0x1] =	vst.idx.msk $0xffff, v7;
	s12 =	sand.u32 $0x1FFFFFF, s12  }
0x17: {  	v61 =	vld.idx.msk [tilespmem:v1+s15+$0x0 ss:$0x1], $0xffff;
	s31 =	smulhi.u32 $0x14E5E0B, s12;
	[tilespmem:v0+s15+$0x0 ss:$0x1] =	vst.idx.msk $0xffff, v56  }
0x18: {  	v62 =	vld.idx.msk [tilespmem:v1+s15+$0x10 ss:$0x1], $0xffff;
	[tilespmem:v0+s15+$0xFFFFFF90 ss:$0x1] =	vst.idx.msk $0xffff, v57  }
0x19: {  	v63 =	vld.idx.msk [tilespmem:v1+s15+$0x20 ss:$0x1], $0xffff;
	s14 =	sshrl.u32 s31, $0x8;
	[tilespmem:v0+s15+$0xFFFFFFA0 ss:$0x1] =	vst.idx.msk $0xffff, v58  }
0x1a: {  	s14 =	smul.u32 $0xC400, s14;
	[tilespmem:v0+s15+$0xFFFFFFB0 ss:$0x1] =	vst.idx.msk $0xffff, v59  }
0x1b: {  	[tilespmem:v0+s15+$0xFFFFFFC0 ss:$0x1] =	vst.idx.msk $0xffff, v60  }
0x1c: {  	[tilespmem:v0+s15+$0xFFFFFFD0 ss:$0x1] =	vst.idx.msk $0xffff, v61;
	s12 =	ssub.s32 s12, s14  }
0x1d: {  	[tilespmem:v0+s15+$0xFFFFFFE0 ss:$0x1] =	vst.idx.msk $0xffff, v62;
	s12 =	sshll.u32 s12, $0x4  }
0x1e: {  	[tilespmem:v0+s15+$0xFFFFFFF0 ss:$0x1] =	vst.idx.msk $0xffff, v63;
	s12 =	sadd.s32 s4, s12  }
0x1f: {  	[hbm4b:s12+s8] =	stream.linear.scatter [tilespmem:s13], [sflag:$0x2], $0x4000, $0x38;
	[tilespmem:$0x10000] =	vst v63  }
.LBB2_5:
0x20: {  	s14 =	sadd.s32 $0x1000, s10  }
0x21: {  	p2 =	sgt.s32 s14, $0xC3FF  }
0x22: {  	s14 =	smov.u32 @p2 s2;
	p2 =	sne.s32 s11, s7  }
.Ltmp1:
0x23: {  	p1 =	slt.u32 s11, $0x2;
	(pc) =	sbr.rel @!p2 .LBB2_6-.Ltmp1, $4  }
0x24: {  	s13 =	simm.s32 @!p1 $0x2  }
0x25: {  	s15 =	sadd.s32 $0x1, s11;
	_ =	swait.ge @!p1 [sflag:s13], $0x4000  }
0x26: {  	s12 =	smov.u32 s10;
	s9 =	sadd.s32 $0x4000, s9;
	[sflag:s13] =	ssyncset.done @!p1 $0x0  }
0x27: {  	s11 =	smov.u32 s15;
	s10 =	smov.u32 s14;
	[sflag:s13] =	ssyncadd.s32 @!p1 $0xFFFFC000  }
.LBB2_1:
0x28: {  	p1 =	sge.u32 s11, s6  }
0x29: {  	s13 =	sand.u32 @!p1 $0x1FFFFFF, s10  }
0x2a: {  	s14 =	smulhi.u32 @!p1 $0x14E5E0B, s13;
	_ =	sdelay $0x1  }
0x2b: {  	s14 =	sshrl.u32 @!p1 s14, $0x8  }
0x2c: {  	s14 =	smul.u32 @!p1 $0xC400, s14;
	_ =	sdelay $0x1  }
0x2d: {  	s15 =	sxor.u32 @!p1 $0xFFFFFFFF, s11;
	s13 =	ssub.s32 @!p1 s13, s14  }
0x2e: {  	s31 =	sadd.s32 $0xFFFFFFFF, s11;
	s14 =	sshll.u32 @!p1 s15, $0xE;
	s13 =	sshll.u32 @!p1 s13, $0x4  }
0x2f: {  	s15 =	simm.s32 @!p1 $0x0;
	s14 =	sand.u32 @!p1 $0x4000, s14;
	s13 =	sadd.s32 @!p1 s3, s13  }
0x30: {  	[tilespmem:s14], [sflag:$0x1] =	stream.linear.gather @!p1 [hbm4b:s13+s15], $0x4000, $0x38;
	[tilespmem:$0x10000] =	vst v63  }
0x31: {  	p1 =	sge.u32 s31, s6  }
.Ltmp2:
0x32: {  	_ = 	snop;
	(pc) =	sbr.rel @p1 .LBB2_5-.Ltmp2, $1  }
0x33: {  	_ =	sdelay $0x3  }
0x34: {  	s13 =	sand.u32 $0x4000, s9  }
0x35: {  	s14 =	sor.u32 $0x40, s13  }
0x36: {  	v1 =	vmov s14;
	_ =	sdelay $0x1  }
0x37: {  	_ =	swait.ge [sflag:s5], $0x4000  }
0x38: {  	[sflag:s5] =	ssyncset.done $0x0  }
0x39: {  	[sflag:s5] =	ssyncadd.s32 $0xFFFFC000;
	s14 =	simm.s32 $0x0  }
0x3a: {  	s13 =	sor.u32 $0x8070, s13;
	v7 =	vld.idx.msk [tilespmem:v1+s14+$0x30 ss:$0x1], $0xffff  }
0x3b: {  	v0 =	vmov s13;
	v8 =	vld.idx.msk [tilespmem:v1+s14+$0xFFFFFFC0 ss:$0x1], $0xffff  }
0x3c: {  	v6 =	vld.idx.msk [tilespmem:v1+s14+$0xFFFFFFD0 ss:$0x1], $0xffff  }
0x3d: {  	v4 =	vld.idx.msk [tilespmem:v1+s14+$0xFFFFFFE0 ss:$0x1], $0xffff  }
0x3e: {  	v2 =	vld.idx.msk [tilespmem:v1+s14+$0xFFFFFFF0 ss:$0x1], $0xffff  }
0x3f: {  	s31 =	sshll.u32 s11, $0xE;
	v3 =	vld.idx.msk [tilespmem:v1+s14+$0x0 ss:$0x1], $0xffff  }
0x40: {  	s13 =	sand.u32 $0x4000, s31;
	v5 =	vld.idx.msk [tilespmem:v1+s14+$0x10 ss:$0x1], $0xffff;
	[tilespmem:v0+s14+$0x0 ss:$0x1] =	vst.idx.msk $0xffff, v7  }
0x41: {  	s15 =	simm.s32 $0x80;
	s16 =	simm.s32 $0x400;
	s13 =	sor.u32 $0x8000, s13;
	[tilespmem:v0+s14+$0xFFFFFF90 ss:$0x1] =	vst.idx.msk $0xffff, v8;
	v7 =	vld.idx.msk [tilespmem:v1+s14+$0x20 ss:$0x1], $0xffff  }
.LBB2_3:
0x42: {  	p1 =	sne.s32 s16, $0xFE00;
	v8 =	vld.idx.msk [tilespmem:v1+s15+$0x30 ss:$0x1], $0xffff;
	[tilespmem:v0+s14+$0xFFFFFFA0 ss:$0x1] =	vst.idx.msk $0xffff, v6  }
0x43: {  	v9 =	vld.idx.msk [tilespmem:v1+s15+$0xFFFFFFC0 ss:$0x1], $0xffff;
	[tilespmem:v0+s14+$0xFFFFFFB0 ss:$0x1] =	vst.idx.msk $0xffff, v4  }
0x44: {  	v6 =	vld.idx.msk [tilespmem:v1+s15+$0xFFFFFFD0 ss:$0x1], $0xffff;
	[tilespmem:v0+s14+$0xFFFFFFC0 ss:$0x1] =	vst.idx.msk $0xffff, v2  }
.Ltmp3:
0x45: {  	v4 =	vld.idx.msk [tilespmem:v1+s15+$0xFFFFFFE0 ss:$0x1], $0xffff;
	[tilespmem:v0+s14+$0xFFFFFFD0 ss:$0x1] =	vst.idx.msk $0xffff, v3;
	(pc) =	sbr.rel @p1 .LBB2_3-.Ltmp3, $4  }
0x46: {  	v2 =	vld.idx.msk [tilespmem:v1+s15+$0xFFFFFFF0 ss:$0x1], $0xffff;
	[tilespmem:v0+s14+$0xFFFFFFE0 ss:$0x1] =	vst.idx.msk $0xffff, v5  }
0x47: {  	v3 =	vld.idx.msk [tilespmem:v1+s15+$0x0 ss:$0x1], $0xffff;
	[tilespmem:v0+s14+$0xFFFFFFF0 ss:$0x1] =	vst.idx.msk $0xffff, v7;
	s14 =	smov.u32 s15  }
0x48: {  	v5 =	vld.idx.msk [tilespmem:v1+s14+$0x10 ss:$0x1], $0xffff;
	[tilespmem:v0+s14+$0x0 ss:$0x1] =	vst.idx.msk $0xffff, v8  }
0x49: {  	s15 =	sshra.s32 s16, $0x2;
	s16 =	sadd.s32 $0x200, s16;
	[tilespmem:v0+s14+$0xFFFFFF90 ss:$0x1] =	vst.idx.msk $0xffff, v9;
	v7 =	vld.idx.msk [tilespmem:v1+s14+$0x20 ss:$0x1], $0xffff  }
.Ltmp4:
0x4a: {  	_ = 	snop;
	(pc) =	sbr.rel .LBB2_4-.Ltmp4, $1  }
0x4b: {  	_ =	sdelay $0x3  }
.LBB2_6:
0x4c: {  	_ =	sfence.sel $0x180000  }
0x4d: {  	s2 =	simm.s32 $0x1;
	[bflag:$0x0] =	sbarrier.arrive $0xFFFF  }
0x4e: {  	s31 =	simm.s32 $0x2;
	[sflag:s2] =	ssyncpa.u1 $0x1  }
0x4f: {  	[sflag:s31] =	ssyncpa.u1 $0x1  }
0x50: {  	_ =	strace $0x90000050  }
0x51: {  	s0 =	sadd.s32 @!p0 $0x100000, s0;
	[bflag:$0x2] =	sbarrier.arrive $0xFFFF  }
0x52: {  	[sflag:s0] =	ssyncadd.tile.s32 @!p0 $0x1;
	s0 =	simm.s32 @!p0 $0x3F  }
0x53: {  	_ =	swait.ge @!p0 [sflag:s0], s1  }
0x54: {  	s1 =	ssub.s32 @!p0 $0x0, s1;
	[sflag:s0] =	ssyncset.done @!p0 $0x0  }
0x55: {  	[sflag:s0] =	ssyncadd.s32 @!p0 s1  }
0x56: {  	[bflag:$0x3] =	sbarrier.arrive $0xFFFF  }
0x57: {  	_ =	shalt  }
.Lfunc_end2:
execute1_lowered:
.L_overlay_start_2:
0x58: {  	(tag) =	ssettag $0x2  }
0x59: {  	s2 =	rddreg [dreg:$0x0]  }
0x5a: {  	s3 =	rddreg [dreg:$0x1];
	_ =	strace $0x80000053;
	s0 =	simm.s32 $0x1  }
0x5b: {  	v0 =	vimm.s32 $0x0;
	[sflag:s0] =	ssyncpa.u1 $0x0;
	s0 =	simm.s32 $0x108  }
0x5c: {  	[tilespmem:s0+$0x70] =	vst v0  }
0x5d: {  	[tilespmem:s0+$0x60] =	vst v0  }
0x5e: {  	[tilespmem:s0+$0x50] =	vst v0  }
0x5f: {  	[tilespmem:s0+$0x40] =	vst v0  }
0x60: {  	s1 =	sadd.s32 $0x27FC00, s2;
	[tilespmem:s0+$0x30] =	vst v0  }
0x61: {  	s15 =	sadd.s32 $0x65200, s2;
	s6 =	sadd.s32 $0x2045C00, s2;
	[tilespmem:s0+$0x20] =	vst v0  }
0x62: {  	s14 =	sadd.s32 $0x96000, s2;
	s5 =	sand.u32 $0x1, s3;
	s3 =	simm.s32 $0x40;
	[tilespmem:s0+$0x10] =	vst v0  }
.LBB3_1:
0x63: {  	s3 =	sadd.s32 $0x40, s3;
	[tilespmem:s0+$0x0] =	vst v0;
	s0 =	sadd.s32 $0x80, s0  }
0x64: {  	p0 =	slt.u32 s3, $0x3C40;
	[tilespmem:s0+$0x70] =	vst v0  }
0x65: {  	[tilespmem:s0+$0x60] =	vst v0  }
.Ltmp5:
0x66: {  	[tilespmem:s0+$0x50] =	vst v0;
	(pc) =	sbr.rel @p0 .LBB3_1-.Ltmp5, $4  }
0x67: {  	[tilespmem:s0+$0x40] =	vst v0  }
0x68: {  	[tilespmem:s0+$0x30] =	vst v0  }
0x69: {  	[tilespmem:s0+$0x20] =	vst v0  }
0x6a: {  	[tilespmem:s0+$0x10] =	vst v0  }
0x6b: {  	s9 =	stileid.u32  }
0x6c: {  	s2 =	smul.u32 $0xD0, s9  }
0x6d: {  	s3 =	smin.u32 s9, $0x6  }
0x6e: {  	s2 =	sor.u32 s3, s2  }
0x6f: {  	p0 =	slt.u32 s9, $0x6;
	s7 =	smul.u32 $0xF0, s2;
	s2 =	simm.s32 $0xC3F0  }
0x70: {  	s2 =	simm.s32 @!p0 $0xC300  }
0x71: {  	s2 =	sadd.s32 s2, s7  }
0x72: {  	s8 =	smin.u32 s2, $0xC3500  }
0x73: {  	s2 =	ssub.s32 s8, s7  }
0x74: {  	p0 =	sgt.s32 s2, $0x0  }
0x75: {  	s29 =	simm.s32 $0x2;
	s10 =	simm.s32 $0x9;
	s2 =	simm.s32 @!p0 $0x0  }
0x76: {  	s4 =	simm.s32 $0xA;
	s11 =	simm.s32 $0xB;
	s28 =	smulhi.u32 $0x88888889, s2  }
0x77: {  	[dreg:$0x4] =	wrdreg s5;
	s31 =	smul.u32 $0x186A0, s5;
	s12 =	simm.s32 $0x1  }
0x78: {  	s22 =	simm.s32 $0x0;
	s18 =	simm.s32 $0xC;
	s30 =	sshrl.u32 s28, $0x7  }
0x79: {  	s20 =	simm.s32 $0x0;
	s21 =	simm.s32 $0x0;
	s3 =	smul.u32 $0xF0, s30  }
.Ltmp6:
0x7a: {  	[tilespmem:s0+$0x0] =	vst v0;
	v0 =	vimm.s32 $0xFFFFFFFF;
	[sflag:s29] =	ssyncpa.u1 $0x0;
	s16 =	sshll.u32 s9, $0x8;
	(pc) =	sbr.rel .LBB3_3-.Ltmp6, $4  }
0x7b: {  	[tilespmem:$0xF208] =	vst v0;
	[sflag:s10] =	ssyncpa.u1 $0x0;
	p0 =	sne.s32 s2, s3;
	s2 =	simm.s32 $0x1  }
0x7c: {  	s14 =	sadd.s32 s31, s14;
	[sflag:s4] =	ssyncpa.u1 $0x0;
	s2 =	simm.s32 @!p0 $0x0  }
0x7d: {  	s15 =	sadd.s32 s31, s15;
	[sflag:s11] =	ssyncpa.u1 $0x0;
	s13 =	sadd.s32 s2, s30  }
0x7e: {  	v0 =	vlaneseq.u32;
	s19 =	smov.u32 s7;
	p0 =	por $0x0, $0x0;
	s17 =	sadd.s32 $0x1, s13  }
.LBB3_18:
0x7f: {  	s0 =	sshrl.u32 s31, $0x2  }
.LBB3_20:
0x80: {  	_ =	swait.ge [sflag:s18], s0  }
0x81: {  	s31 =	ssub.s32 $0x0, s0;
	v1 =	vmov s24;
	vm0 =	veq.s32 v0, $0x0;
	[sflag:s18] =	ssyncset.done $0x0  }
0x82: {  	vm15 =	veq.s32 v0, $0x2;
	v1 =	vsel vm0, s30, v1;
	[sflag:s18] =	ssyncadd.s32 s31  }
0x83: {  	v1 =	vsel vm15, s22, v1;
	[sflag:s18] =	ssyncpa.u1 $0x1  }
0x84: {  	[tilespmem:$0xF208] =	vst v1  }
.LBB3_21:
0x85: {  	s0 =	sadd.s32 $0xF0, s19  }
0x86: {  	s2 =	smov.u32 s7;
	p1 =	slt.s32 s0, s8  }
0x87: {  	s2 =	smov.u32 @p1 s0;
	p1 =	sne.s32 s21, s17  }
.Ltmp7:
0x88: {  	_ = 	snop;
	(pc) =	sbr.rel @!p1 .LBB3_22-.Ltmp7, $3  }
0x89: {  	_ =	sdelay $0x1  }
0x8a: {  	s22 =	smov.u32 s20;
	s31 =	sadd.s32 $0x1, s21;
	s20 =	smov.u32 s19  }
0x8b: {  	p0 =	por !p0, !p0;
	s21 =	smov.u32 s31;
	s19 =	smov.u32 s2  }
.LBB3_3:
0x8c: {  	p1 =	sge.u32 s21, s13  }
0x8d: {  	s0 =	smulhi.u32 @!p1 $0xAAAAAAAB, s21  }
0x8e: {  	s2 =	smov.u32 s19;
	p2 =	sgt.s32 @!p1 s19, $0xC3410  }
0x8f: {  	s3 =	sshra.s32 @!p1 s19, $0x1F;
	p2 =	por !p2, p1;
	s0 =	sshrl.u32 @!p1 s0, $0x1  }
0x90: {  	s3 =	sand.u32 @!p1 s3, s19;
	s2 =	simm.s32 @p2 $0xC3410;
	s0 =	smul.u32 @!p1 $0x3, s0  }
0x91: {  	s2 =	ssub.s32 @!p1 s2, s3  }
0x92: {  	s2 =	sadd.s32 @!p1 $0xFFF3CBF0, s2;
	s0 =	ssub.s32 @!p1 s21, s0  }
0x93: {  	s3 =	sshll.u32 @!p1 s2, $0x2;
	p2 =	sgt.s32 @!p1 s2, $0xEF;
	s0 =	smul.u32 @!p1 $0x3C0, s0  }
0x94: {  	s4 =	sand.u32 @!p1 $0x7, s19;
	s2 =	ssub.s32 @!p1 $0x3C0, s3;
	p2 =	por !p2, p1  }
0x95: {  	s3 =	sshrl.u32 @!p1 s19, $0x3;
	s2 =	sshrl.u32 @!p1 s2, $0x2;
	s0 =	sshrl.u32 @!p1 s0, $0x2  }
0x96: {  	s3 =	sadd.s32 @!p1 s3, s14;
	s2 =	simm.s32 @!p2 $0x0;
	s0 =	sadd.s32 @!p1 $0x10248, s0  }
0x97: {  	[tilespmem:s0], [sflag:$0xA] =	stream.linear.gather @!p1 [hbm4b:s3+s4], s2, $0x38;
	[tilespmem:$0x1F6F8] =	vst v63  }
0x98: {  	s0 =	sadd.s32 $0xFFFFFFFF, s21  }
0x99: {  	p1 =	sge.u32 s0, s13  }
0x9a: {  	p2 =	sgt.s32 @!p1 s20, $0xC3410  }
0x9b: {  	s2 =	smov.u32 s20;
	s3 =	sshra.s32 @!p1 s20, $0x1F;
	p2 =	por !p2, p1  }
0x9c: {  	s3 =	sand.u32 @!p1 s3, s20;
	s2 =	simm.s32 @p2 $0xC3410  }
0x9d: {  	s2 =	ssub.s32 @!p1 s2, s3  }
0x9e: {  	s2 =	sadd.s32 @!p1 $0xFFF3CBF0, s2  }
0x9f: {  	s4 =	sand.u32 @!p1 $0x1, s0;
	s3 =	sshll.u32 @!p1 s2, $0x2  }
0xa0: {  	p2 =	sgt.s32 @!p1 s2, $0xEF;
	s2 =	ssub.s32 @!p1 $0x3C0, s3;
	s3 =	smulhi.u32 @!p1 $0xAAAAAAAB, s0  }
0xa1: {  	s23 =	smul.u32 @!p1 $0x3C0, s4;
	p2 =	por !p2, p1;
	s2 =	sshrl.u32 @!p1 s2, $0x2  }
0xa2: {  	s5 =	simm.s32 @!p1 $0xA;
	s2 =	simm.s32 @!p2 $0x0;
	s3 =	sshrl.u32 @!p1 s3, $0x1  }
0xa3: {  	s23 =	sshrl.u32 @!p1 s23, $0x2;
	_ =	swait.ge @!p1 [sflag:s5], s2;
	s3 =	smul.u32 @!p1 $0x3, s3  }
0xa4: {  	s23 =	sadd.s32 @!p1 $0x10518, s23;
	s24 =	ssub.s32 @!p1 $0x0, s2;
	[sflag:s5] =	ssyncset.done @!p1 $0x0  }
0xa5: {  	[sflag:s5] =	ssyncadd.s32 @!p1 s24;
	s5 =	sshrl.u32 @!p1 s20, $0x3;
	s0 =	ssub.s32 @!p1 s0, s3  }
0xa6: {  	s24 =	sand.u32 @!p1 $0x7, s20;
	s5 =	sadd.s32 @!p1 s5, s15;
	s0 =	smul.u32 @!p1 $0x3C0, s0  }
0xa7: {  	[tilespmem:s23], [sflag:$0xB] =	stream.linear.gather @!p1 [hbm4b:s5+s24], s2, $0x38;
	[tilespmem:$0x1F6F8] =	vst v63  }
0xa8: {  	s3 =	ssub.s32 @!p1 $0xC3500, s20;
	s2 =	smul.u32 @!p1 $0x1E000, s4  }
0xa9: {  	p2 =	slt.s32 @!p1 s3, $0xF0  }
0xaa: {  	p2 =	por !p2, p1;
	s0 =	sshrl.u32 @!p1 s0, $0x2;
	s2 =	sshrl.u32 @!p1 s2, $0x2  }
0xab: {  	s3 =	simm.s32 @p2 $0xF0;
	s0 =	sadd.s32 @!p1 $0x10248, s0;
	s2 =	sor.u32 @!p1 $0x106F8, s2  }
0xac: {  	[tilespmem:s2], [sflag:$0x9] =	stream.indirect.gather @!p1 [hbm4b:s6+s3], $0x80, s0, s3, $0xb8;
	[tilespmem:$0x1F6F8] =	vst v63  }
0xad: {  	p1 =	slt.u32 s21, $0x2  }
.Ltmp8:
0xae: {  	_ = 	snop;
	(pc) =	sbr.rel @p1 .LBB3_21-.Ltmp8, $1  }
0xaf: {  	_ =	sdelay $0x3  }
0xb0: {  	p1 =	sgt.s32 s22, $0xC3410  }
0xb1: {  	s0 =	smov.u32 s22;
	s2 =	sshra.s32 s22, $0x1F;
	s3 =	ssub.s32 $0xC3500, s22  }
0xb2: {  	s0 =	simm.s32 @!p1 $0xC3410;
	s2 =	sand.u32 s2, s22;
	p1 =	slt.s32 s3, $0xF0  }
0xb3: {  	s0 =	ssub.s32 s0, s2;
	s3 =	simm.s32 @!p1 $0xF0  }
0xb4: {  	s0 =	sadd.s32 $0xFFF3CBF0, s0;
	s25 =	sshll.u32 s3, $0x7  }
0xb5: {  	s26 =	sshll.u32 s0, $0x2;
	s2 =	sand.u32 $0x3FFFFF80, s25  }
0xb6: {  	p1 =	sgt.s32 s0, $0xEF;
	s29 =	ssub.s32 $0x3C0, s26;
	_ =	swait.ge [sflag:s10], s2  }
0xb7: {  	s2 =	ssub.s32 $0x0, s2;
	[sflag:s10] =	ssyncset.done $0x0;
	s0 =	sshrl.u32 s29, $0x2  }
0xb8: {  	[sflag:s10] =	ssyncadd.s32 s2;
	s0 =	simm.s32 @p1 $0x0  }
0xb9: {  	_ =	swait.ge [sflag:s11], s0  }
0xba: {  	s0 =	ssub.s32 $0x0, s0;
	[sflag:s11] =	ssyncset.done $0x0  }
0xbb: {  	[sflag:s11] =	ssyncadd.s32 s0  }
0xbc: {  	v1 =	vld [tilespmem:$0xF208];
	_ =	sdelay $0x4  }
0xbd: {  	(v2sf) =	vpush v1, $0x0  }
0xbe: {  	(v2sf) =	vpush v1, $0x1  }
0xbf: {  	(v2sf) =	vpush v1, $0x2;
	_ =	sdelay $0x3  }
0xc0: {  	s0 =	sadd.s32 $0xF0, s22  }
0xc1: {  	s2 =	ssub.s32 $0x186A00, s22;
	p1 =	slt.s32 s8, s0  }
0xc2: {  	s0 =	smov.u32 @p1 s8;
	p1 =	sgt.s32 s2, $0x0  }
0xc3: {  	s26 =	ssub.s32 s0, s22;
	s2 =	simm.s32 @!p1 $0x0  }
0xc4: {  	p1 =	slt.s32 s2, s26  }
0xc5: {  	s26 =	smov.u32 @p1 s2  }
0xc6: {  	s25 =	simm.s32 $0x1;
	p1 =	slt.s32 s26, $0x1  }
.Ltmp9:
0xc7: {  	s25 =	simm.s32 @!p0 $0x0;
	(pc) =	sbr.rel @p1 .LBB3_8-.Ltmp9, $4  }
0xc8: {  	s31 =	smul.u32 $0x3C0, s25  }
0xc9: {  	s28 =	spop (v2sf)  }
0xca: {  	s0 =	sshrl.u32 s31, $0x2;
	s30 =	spop (v2sf)  }
0xcb: {  	s23 =	sadd.s32 $0x10518, s0;
	s22 =	spop (v2sf)  }
0xcc: {  	s0 =	smin.u32 s26, $0x10  }
0xcd: {  	v1 =	vmov s0  }
0xce: {  	p2 =	sgt.s32 s26, $0x10;
	vm1 =	vgt.u32 v1, v0  }
.Ltmp10:
0xcf: {  	_ = 	snop;
	(pc) =	sbr.rel @!p2 .LBB3_7-.Ltmp10, $2  }
0xd0: {  	_ =	sdelay $0x2  }
0xd1: {  	s4 =	simm.s32 $0x10;
	s24 =	sadd.s32 $0xFFFFFFF0, s26;
	s0 =	smov.u32 s23;
	vm0 =	vmmov vm1  }
.LBB3_6:
0xd2: {  	s2 =	smin.u32 s24, $0x10;
	s4 =	sadd.s32 $0x10, s4;
	v1 =	vld.msk [tilespmem:s0+$0x0 ss:$0x1], vm1  }
0xd3: {  	v2 =	vmov s2;
	p2 =	slt.s32 s4, s26  }
0xd4: {  	vm1 =	vgt.u32 v2, v0  }
.Ltmp11:
0xd5: {  	(pc) =	sbr.rel @p2 .LBB3_6-.Ltmp11, $3  }
0xd6: {  	_ =	sdelay $0x1  }
0xd7: {  	v1 =	vshll.u32 v1, $0x4  }
0xd8: {  	s24 =	sadd.s32 $0xFFFFFFF0, s24;
	[tilespmem:s0+$0x0] =	vst.msk vm0, v1;
	s0 =	sadd.s32 $0x10, s0;
	vm0 =	vmmov vm1  }
.LBB3_7:
0xd9: {  	_ =	sdelay $0x4  }
0xda: {  	v1 =	vld.msk [tilespmem:s0+$0x0 ss:$0x1], vm1;
	_ =	sdelay $0x4  }
0xdb: {  	v1 =	vshll.u32 v1, $0x4  }
0xdc: {  	[tilespmem:s0+$0x0] =	vst.msk vm0, v1  }
.LBB3_8:
0xdd: {  	s0 =	sand.u32 $0x1, s21  }
0xde: {  	s0 =	smul.u32 $0xF0, s0  }
0xdf: {  	p2 =	sne.s32 s30, $0xFFFFFFFF  }
0xe0: {  	v1 =	vld.msk @!p2 [tilespmem:s0+$0x10518], $0x1;
	_ =	sdelay $0x4  }
0xe1: {  	(v2sf) =	vpush @!p2 v1, $0x0;
	_ =	sdelay $0xc  }
.Ltmp12:
0xe2: {  	_ = 	snop;
	(pc) =	sbr.rel @p1 .LBB3_19-.Ltmp12, $4  }
0xe3: {  	_ = 	snop  }
0xe4: {  	s29 =	spop @!p2 (v2sf)  }
0xe5: {  	s22 =	simm.s32 @!p2 $0x0;
	s24 =	smov.u32 s29  }
0xe6: {  	[sflag:s18] =	ssyncpa.u1 $0x0;
	s29 =	smov.u32 @p2 s28;
	s24 =	smov.u32 @p2 s30  }
0xe7: {  	v1 =	vld.msk [tilespmem:s23+$0x0], $0x1;
	_ =	sdelay $0x4  }
0xe8: {  	(v2sf) =	vpush v1, $0x0;
	_ =	sdelay $0xe  }
0xe9: {  	s2 =	smul.u32 $0x1E000, s25;
	s0 =	spop (v2sf)  }
0xea: {  	s26 =	ssub.s32 $0x0, s26;
	p1 =	seq.s32 s29, s0  }
0xeb: {  	s30 =	sadd.s32 $0x1, s26;
	s2 =	sshrl.u32 s2, $0x2;
	p2 =	sgt.s32 @!p1 s29, $0x0  }
0xec: {  	s25 =	sor.u32 $0x10738, s2;
	s2 =	smov.u32 s29;
	p2 =	por !p2, p1  }
0xed: {  	s2 =	simm.s32 @p2 $0x0;
	p2 =	seq.s32 s30, $0x0  }
.Ltmp13:
0xee: {  	_ = 	snop;
	(pc) =	sbr.rel @p2 .LBB3_11-.Ltmp13, $4  }
0xef: {  	_ = 	snop  }
0xf0: {  	s28 =	simm.s32 $0x0;
	s31 =	sadd.s32 $0x1, s23;
	s2 =	smin.u32 @!p1 s2, $0xC3FF0  }
0xf1: {  	s4 =	simm.s32 @!p1 $0x1;
	s5 =	simm.s32 @!p1 $0x7988;
	s3 =	sand.u32 @!p1 $0xFFFF8, s2  }
0xf2: {  	s4 =	smov.u32 @p1 s28;
	s2 =	sand.u32 @!p1 $0x7, s2;
	s3 =	sadd.s32 @!p1 s1, s3  }
.LBB3_10:
0xf3: {  	s9 =	smov.u32 s4  }
0xf4: {  	[tilespmem:s5], [sflag:$0x2] =	stream.linear.gather @!p1 [hbm4b:s3+s2], $0x80, $0x38;
	[tilespmem:$0x1F6F8] =	vst v63  }
0xf5: {  	s30 =	sadd.s32 $0x1, s30;
	s2 =	smov.u32 s0;
	v1 =	vld.msk [tilespmem:s31+$0x0], $0x1  }
0xf6: {  	p2 =	seq.s32 s30, $0x0;
	_ =	sdelay $0x3  }
0xf7: {  	(v2sf) =	vpush v1, $0x0;
	_ =	sdelay $0xe  }
0xf8: {  	s0 =	spop (v2sf)  }
0xf9: {  	p1 =	seq.s32 s2, s0  }
0xfa: {  	p3 =	sgt.s32 @!p1 s2, $0x0;
	s3 =	sshll.u32 @!p1 s4, $0x9;
	s4 =	sadd.s32 @!p1 $0x1, s4  }
.Ltmp14:
0xfb: {  	p3 =	por !p3, p1;
	s3 =	sshra.s32 @!p1 s3, $0x2;
	(pc) =	sbr.rel @!p2 .LBB3_10-.Ltmp14, $4  }
0xfc: {  	s4 =	smov.u32 @p1 s9;
	s2 =	simm.s32 @p3 $0x0;
	s5 =	sadd.s32 @!p1 $0x7988, s3  }
0xfd: {  	s2 =	smin.u32 @!p1 s2, $0xC3FF0  }
0xfe: {  	s3 =	sand.u32 @!p1 $0xFFFF8, s2;
	s2 =	sand.u32 @!p1 $0x7, s2  }
0xff: {  	s31 =	sadd.s32 $0x1, s31;
	s3 =	sadd.s32 @!p1 s1, s3  }
.LBB3_11:
0x100: {  	[tilespmem:s5], [sflag:$0x2] =	stream.linear.gather @!p1 [hbm4b:s3+s2], $0x80, $0x38;
	[tilespmem:$0x1F6F8] =	vst v63  }
.Ltmp15:
0x101: {  	s0 =	sshll.u32 s4, $0x7;
	(pc) =	sbr.rel .LBB3_12-.Ltmp15, $4  }
0x102: {  	s30 =	simm.s32 $0x2;
	s0 =	sand.u32 $0x3FFFFF80, s0  }
0x103: {  	_ =	swait.ge [sflag:s30], s0  }
0x104: {  	s0 =	ssub.s32 $0x0, s0;
	[sflag:s30] =	ssyncset.done $0x0  }
0x105: {  	s31 =	simm.s32 $0x0;
	[sflag:s30] =	ssyncadd.s32 s0  }
.LBB3_13:
0x106: {  	v1 =	vld [tilespmem:s25+$0xFFFFFFC0];
	_ =	sdelay $0x3  }
0x107: {  	s0 =	sshra.s32 s0, $0x2  }
0x108: {  	[tilespmem:s0+$0x108] =	vst.add.f32.msk $0xffff, v1  }
0x109: {  	v1 =	vld [tilespmem:s25+$0xFFFFFFD0];
	_ =	sdelay $0x4  }
0x10a: {  	[tilespmem:s0+$0x118] =	vst.add.f32.msk $0xffff, v1  }
0x10b: {  	v1 =	vld [tilespmem:s25+$0xFFFFFFE0];
	_ =	sdelay $0x4  }
0x10c: {  	[tilespmem:s0+$0x128] =	vst.add.f32.msk $0xffff, v1  }
0x10d: {  	v1 =	vld [tilespmem:s25+$0xFFFFFFF0];
	_ =	sdelay $0x4  }
0x10e: {  	[tilespmem:s0+$0x138] =	vst.add.f32.msk $0xffff, v1  }
0x10f: {  	v1 =	vld [tilespmem:s25+$0x0];
	_ =	sdelay $0x4  }
0x110: {  	[tilespmem:s0+$0x148] =	vst.add.f32.msk $0xffff, v1  }
0x111: {  	v1 =	vld [tilespmem:s25+$0x10];
	_ =	sdelay $0x4  }
0x112: {  	[tilespmem:s0+$0x158] =	vst.add.f32.msk $0xffff, v1  }
0x113: {  	v1 =	vld [tilespmem:s25+$0x20];
	_ =	sdelay $0x4  }
0x114: {  	[tilespmem:s0+$0x168] =	vst.add.f32.msk $0xffff, v1  }
0x115: {  	v1 =	vld [tilespmem:s25+$0x30];
	_ =	sdelay $0x4  }
0x116: {  	[tilespmem:s0+$0x178] =	vst.add.f32.msk $0xffff, v1  }
.LBB3_17:
0x117: {  	s26 =	sadd.s32 $0x1, s26  }
0x118: {  	p1 =	seq.s32 s26, $0x0  }
.Ltmp16:
0x119: {  	_ = 	snop;
	(pc) =	sbr.rel @p1 .LBB3_18-.Ltmp16, $2  }
0x11a: {  	_ =	sdelay $0x2  }
0x11b: {  	s23 =	sadd.s32 $0x1, s23;
	s25 =	sadd.s32 $0x80, s25;
	s29 =	smov.u32 s30  }
.LBB3_12:
0x11c: {  	v1 =	vld.msk [tilespmem:s23+$0x0], $0x1;
	_ =	sdelay $0x4  }
0x11d: {  	(v2sf) =	vpush v1, $0x0;
	_ =	sdelay $0xe  }
0x11e: {  	s30 =	spop (v2sf)  }
0x11f: {  	p1 =	sne.s32 s29, s30  }
.Ltmp17:
0x120: {  	_ = 	snop;
	(pc) =	sbr.rel @!p1 .LBB3_13-.Ltmp17, $2  }
0x121: {  	_ =	sdelay $0x2  }
0x122: {  	s0 =	sshll.u32 s22, $0x9  }
0x123: {  	p1 =	seq.s32 s29, s24  }
.Ltmp18:
0x124: {  	_ = 	snop;
	(pc) =	sbr.rel @!p1 .LBB3_15-.Ltmp18, $1  }
0x125: {  	_ =	sdelay $0x3  }
0x126: {  	s0 =	sshra.s32 s0, $0x2  }
.Ltmp19:
0x127: {  	s0 =	sadd.s32 $0x108, s0;
	(pc) =	sbr.rel .LBB3_16-.Ltmp19, $4  }
0x128: {  	[spmem:s16] =	stream.linear.scatter [tilespmem:s0], [sflag:$0x1], $0x80, $0x38;
	[tilespmem:$0x1F6F8] =	vst v63  }
0x129: {  	_ =	swait.ge [sflag:s12], $0x80  }
0x12a: {  	[sflag:s12] =	ssyncset.done $0x0  }
0x12b: {  	[sflag:s12] =	ssyncadd.s32 $0xFFFFFF80  }
.LBB3_15:
0x12c: {  	s2 =	sshll.u32 s28, $0x9  }
0x12d: {  	s2 =	sshra.s32 s2, $0x2  }
0x12e: {  	v1 =	vld [tilespmem:s2+$0x7988];
	_ =	sdelay $0x3  }
0x12f: {  	s0 =	sshra.s32 s0, $0x2  }
0x130: {  	[tilespmem:s0+$0x108] =	vst.add.f32.msk $0xffff, v1  }
0x131: {  	v1 =	vld [tilespmem:s2+$0x7998];
	_ =	sdelay $0x4  }
0x132: {  	[tilespmem:s0+$0x118] =	vst.add.f32.msk $0xffff, v1  }
0x133: {  	v1 =	vld [tilespmem:s2+$0x79A8];
	_ =	sdelay $0x4  }
0x134: {  	[tilespmem:s0+$0x128] =	vst.add.f32.msk $0xffff, v1  }
0x135: {  	v1 =	vld [tilespmem:s2+$0x79B8];
	_ =	sdelay $0x4  }
0x136: {  	[tilespmem:s0+$0x138] =	vst.add.f32.msk $0xffff, v1  }
0x137: {  	v1 =	vld [tilespmem:s2+$0x79C8];
	_ =	sdelay $0x4  }
0x138: {  	[tilespmem:s0+$0x148] =	vst.add.f32.msk $0xffff, v1  }
0x139: {  	v1 =	vld [tilespmem:s2+$0x79D8];
	_ =	sdelay $0x4  }
0x13a: {  	[tilespmem:s0+$0x158] =	vst.add.f32.msk $0xffff, v1  }
0x13b: {  	v1 =	vld [tilespmem:s2+$0x79E8];
	_ =	sdelay $0x4  }
0x13c: {  	[tilespmem:s0+$0x168] =	vst.add.f32.msk $0xffff, v1  }
0x13d: {  	v1 =	vld [tilespmem:s2+$0x79F8];
	_ =	sdelay $0x2  }
0x13e: {  	p1 =	sgt.u32 s29, $0xC3FF0  }
0x13f: {  	s2 =	sand.u32 @!p1 $0xFFFF8, s29  }
0x140: {  	s3 =	sadd.s32 $0x108, s0;
	[tilespmem:s0+$0x178] =	vst.add.f32.msk $0xffff, v1;
	s0 =	sadd.s32 @!p1 s1, s2;
	s2 =	sand.u32 @!p1 $0x7, s29  }
0x141: {  	[hbm4b:s0+s2] =	stream.linear.scatter @!p1 [tilespmem:s3], [sflag:$0xC], $0x80, $0x38;
	[tilespmem:$0x1F6F8] =	vst v63  }
0x142: {  	s0 =	simm.s32 $0x0  }
0x143: {  	s0 =	simm.s32 @!p1 $0x200  }
0x144: {  	s31 =	sadd.s32 s0, s31  }
.LBB3_16:
0x145: {  	s0 =	sadd.s32 $0x1, s22  }
0x146: {  	s2 =	smulhi.u32 $0x88888889, s0;
	_ =	sdelay $0x1  }
0x147: {  	v1 =	vld [tilespmem:s25+$0xFFFFFFC0];
	s2 =	sshrl.u32 s2, $0x7  }
0x148: {  	s2 =	smul.u32 $0xF0, s2;
	_ =	sdelay $0x1  }
0x149: {  	s22 =	ssub.s32 s0, s2  }
0x14a: {  	s0 =	sshll.u32 s22, $0x7  }
0x14b: {  	[tilespmem:s0+$0x108] =	vst v1  }
0x14c: {  	v1 =	vld [tilespmem:s25+$0xFFFFFFD0];
	_ =	sdelay $0x4  }
0x14d: {  	[tilespmem:s0+$0x118] =	vst v1  }
0x14e: {  	v1 =	vld [tilespmem:s25+$0xFFFFFFE0];
	_ =	sdelay $0x4  }
0x14f: {  	[tilespmem:s0+$0x128] =	vst v1  }
0x150: {  	v1 =	vld [tilespmem:s25+$0xFFFFFFF0];
	_ =	sdelay $0x4  }
0x151: {  	[tilespmem:s0+$0x138] =	vst v1  }
0x152: {  	v1 =	vld [tilespmem:s25+$0x0];
	_ =	sdelay $0x4  }
0x153: {  	[tilespmem:s0+$0x148] =	vst v1  }
0x154: {  	v1 =	vld [tilespmem:s25+$0x10];
	_ =	sdelay $0x4  }
0x155: {  	[tilespmem:s0+$0x158] =	vst v1  }
0x156: {  	v1 =	vld [tilespmem:s25+$0x20];
	_ =	sdelay $0x4  }
0x157: {  	[tilespmem:s0+$0x168] =	vst v1  }
0x158: {  	v1 =	vld [tilespmem:s25+$0x30]  }
.Ltmp20:
0x159: {  	_ = 	snop;
	(pc) =	sbr.rel .LBB3_17-.Ltmp20, $2  }
0x15a: {  	_ =	sdelay $0x2  }
0x15b: {  	s28 =	sadd.s32 $0x1, s28;
	[tilespmem:s0+$0x178] =	vst v1  }
.LBB3_19:
.Ltmp21:
0x15c: {  	(pc) =	sbr.rel .LBB3_20-.Ltmp21, $4  }
0x15d: {  	_ = 	snop  }
0x15e: {  	s0 =	simm.s32 $0x2  }
0x15f: {  	_ =	swait.ge [sflag:s0], $0x0  }
0x160: {  	s30 =	smov.u32 s29;
	[sflag:s0] =	ssyncset.done $0x0;
	s0 =	simm.s32 $0x0  }
.LBB3_22:
0x161: {  	_ =	sfence.sel $0x180000  }
0x162: {  	s0 =	simm.s32 $0x9;
	[bflag:$0x0] =	sbarrier.arrive $0xFFFF  }
0x163: {  	s24 =	simm.s32 $0xA;
	[sflag:s0] =	ssyncpa.u1 $0x1  }
0x164: {  	s25 =	simm.s32 $0xB;
	[sflag:s24] =	ssyncpa.u1 $0x1  }
0x165: {  	s26 =	simm.s32 $0x2;
	[sflag:s25] =	ssyncpa.u1 $0x1  }
0x166: {  	[sflag:s26] =	ssyncpa.u1 $0x1  }
0x167: {  	v0 =	vld [tilespmem:$0xF208];
	_ =	sdelay $0x4  }
0x168: {  	(v2sf) =	vpush v0, $0x0  }
0x169: {  	(v2sf) =	vpush v0, $0x1;
	_ =	sdelay $0x1  }
0x16a: {  	(v2sf) =	vpush v0, $0x2;
	_ =	sdelay $0xb  }
0x16b: {  	s0 =	spop (v2sf)  }
0x16c: {  	s2 =	spop (v2sf)  }
0x16d: {  	s3 =	smov.u32 s0;
	p0 =	sne.s32 s0, s2  }
0x16e: {  	s4 =	spop (v2sf);
	s3 =	simm.s32 @!p0 $0xFFFFFFFF  }
0x16f: {  	v2 =	vimm.s32 $0x1;
	v3 =	vlaneseq.u32;
	p0 =	seq.s32 s4, $0xFFFFFFFF;
	v1 =	vmov s3  }
0x170: {  	s16 =	stileid.u32;
	v0 =	vperm.xlane v0, v2;
	p1 =	sne.s32 @!p0 s0, s2;
	v1 =	vperm.xlane v1, v3  }
0x171: {  	vm0 =	vcmask $0x3F04;
	s6 =	simm.s32 $0xF208;
	s0 =	simm.s32 @!p0 $0x1;
	p1 =	por !p1, p0  }
0x172: {  	s3 =	sshll.u32 s16, $0x1;
	s2 =	sshll.u32 @!p0 s4, $0x9;
	s0 =	simm.s32 @p1 $0x0;
	v0 =	vsel vm0, v1, v0  }
0x173: {  	s5 =	sor.u32 $0x1000, s3;
	s2 =	sshra.s32 @!p0 s2, $0x2;
	s0 =	sor.u32 @!p0 s0, s3;
	[tilespmem:$0xF208] =	vst v0  }
0x174: {  	[spmem:s5] =	stream.linear.scatter [tilespmem:s6], [sflag:$0x1], $0x2, $0x38;
	[tilespmem:$0x1F6F8] =	vst v63  }
0x175: {  	s2 =	sadd.s32 @!p0 $0x108, s2;
	s0 =	sshll.u32 @!p0 s0, $0x7  }
0x176: {  	[spmem:s0] =	stream.linear.scatter @!p0 [tilespmem:s2], [sflag:$0x1], $0x80, $0x38;
	[tilespmem:$0x1F6F8] =	vst v63  }
0x177: {  	s0 =	simm.s32 @!p0 $0x82  }
0x178: {  	s28 =	simm.s32 $0x1;
	s0 =	simm.s32 @p0 $0x2  }
0x179: {  	_ =	swait.ge [sflag:s28], s0  }
0x17a: {  	s0 =	ssub.s32 $0x0, s0;
	[sflag:s28] =	ssyncset.done $0x0  }
0x17b: {  	p0 =	sne.s32 s16, $0x0;
	[sflag:s28] =	ssyncadd.s32 s0  }
.Ltmp22:
0x17c: {  	_ =	sfence.stream.spmem;
	(pc) =	sbr.rel @p0 .LBB3_39-.Ltmp22, $4  }
0x17d: {  	s29 =	simm.s32 $0x3;
	[bflag:$0x0] =	sbarrier.arrive $0xFFFF  }
0x17e: {  	s30 =	simm.s32 $0x4;
	[sflag:s29] =	ssyncpa.u1 $0x1  }
0x17f: {  	s31 =	simm.s32 $0x3C;
	[sflag:s30] =	ssyncpa.u1 $0x1  }
0x180: {  	s15 =	rddreg [dreg:$0x4];
	[sflag:s31] =	ssyncpa.u1 $0x1  }
0x181: {  	_ =	sfence.stream.spmem;
	s0 =	simm.s32 $0x5  }
0x182: {  	s2 =	simm.s32 $0x1000;
	s3 =	simm.s32 $0xF218;
	[sflag:s0] =	ssyncpa.u1 $0x0  }
0x183: {  	[tilespmem:s3], [sflag:$0x5] =	stream.linear.gather [spmem:s2], $0x20, $0x38;
	[tilespmem:$0x1F6F8] =	vst v63  }
0x184: {  	s26 =	simm.s32 $0x0;
	s28 =	simm.s32 $0xF238  }
0x185: {  	[tilespmem:s28], [sflag:$0x5] =	stream.linear.gather [spmem:s26], $0x1000, $0x38;
	[tilespmem:$0x1F6F8] =	vst v63  }
0x186: {  	_ =	swait.ge [sflag:s0], $0x1020  }
0x187: {  	[sflag:s0] =	ssyncset.done $0x0  }
0x188: {  	s29 =	simm.s32 $0x0;
	[sflag:s0] =	ssyncadd.s32 $0xFFFFEFE0  }
0x189: {  	v0 =	vld.msk [tilespmem:s29+$0xF218], $0x1;
	_ =	sdelay $0x1  }
0x18a: {  	s30 =	simm.s32 $0x1  }
0x18b: {  	v1 =	vld.msk [tilespmem:s30+$0xF218], $0x1;
	_ =	sdelay $0x1  }
0x18c: {  	(v2sf) =	vpush v0, $0x0;
	_ =	sdelay $0x2  }
0x18d: {  	(v2sf) =	vpush v1, $0x0;
	_ =	sdelay $0x2  }
0x18e: {  	s31 =	simm.s32 $0x2  }
0x18f: {  	v0 =	vld.msk [tilespmem:s31+$0xF218], $0x1;
	_ =	sdelay $0x2  }
0x190: {  	s4 =	simm.s32 $0xFFFFFFFF;
	s5 =	simm.s32 $0xFFFFFFFF;
	s0 =	simm.s32 $0xC  }
.LBB3_24:
0x191: {  	s2 =	smov.u32 s5;
	s3 =	smov.u32 s4  }
0x192: {  	s4 =	sshra.s32 s0, $0x2;
	p1 =	sne.s32 s0, $0x7C;
	s0 =	sadd.s32 $0x4, s0;
	(v2sf) =	vpush v0, $0x0  }
0x193: {  	v0 =	vld.msk [tilespmem:s4+$0xF218], $0x1  }
.Ltmp23:
0x194: {  	(pc) =	sbr.rel @p1 .LBB3_24-.Ltmp23, $4  }
0x195: {  	s5 =	spop (v2sf)  }
0x196: {  	p2 =	sne.s32 s3, $0xFFFFFFFF;
	s4 =	smov.u32 s5  }
0x197: {  	p3 =	seq.s32 s5, $0xFFFFFFFF;
	s4 =	smov.u32 @p2 s3  }
0x198: {  	s5 =	smov.u32 @p3 s2;
	s4 =	smov.u32 @p3 s3  }
0x199: {  	(v2sf) =	vpush v0, $0x0;
	_ =	sdelay $0x8  }
0x19a: {  	s0 =	spop (v2sf)  }
0x19b: {  	p1 =	sne.s32 s4, $0xFFFFFFFF;
	s2 =	smov.u32 s0  }
0x19c: {  	s9 =	simm.s32 $0x6;
	p2 =	seq.s32 s0, $0xFFFFFFFF;
	s2 =	smov.u32 @p1 s4  }
0x19d: {  	s6 =	simm.s32 $0x0;
	s2 =	smov.u32 @p2 s4;
	s3 =	spop (v2sf)  }
0x19e: {  	s0 =	smov.u32 @p2 s5;
	p1 =	sne.s32 s2, $0xFFFFFFFF;
	s4 =	smov.u32 s3  }
.Ltmp24:
0x19f: {  	p2 =	seq.s32 s3, $0xFFFFFFFF;
	s4 =	smov.u32 @p1 s2;
	(pc) =	sbr.rel .LBB3_26-.Ltmp24, $4  }
0x1a0: {  	s10 =	simm.s32 $0xF188;
	s4 =	smov.u32 @p2 s2;
	s7 =	spop (v2sf)  }
0x1a1: {  	s11 =	simm.s32 $0x0;
	p1 =	sne.s32 s4, $0xFFFFFFFF;
	s8 =	smov.u32 s7  }
0x1a2: {  	s3 =	smov.u32 @p2 s0;
	p2 =	seq.s32 s7, $0xFFFFFFFF;
	s8 =	smov.u32 @p1 s4  }
0x1a3: {  	[sflag:s9] =	ssyncpa.u1 $0x0;
	s7 =	smov.u32 @p2 s3;
	s8 =	smov.u32 @p2 s4  }
.LBB3_32:
0x1a4: {  	p1 =	sgt.u32 s12, $0xC3FF0  }
0x1a5: {  	p2 =	seq.s32 @!p1 s12, s8  }
0x1a6: {  	p1 =	por p1, p2  }
0x1a7: {  	p2 =	sne.s32 @!p1 s12, s7  }
0x1a8: {  	p1 =	por p1, !p2  }
0x1a9: {  	s0 =	sshll.u32 @p1 s11, $0x9  }
0x1aa: {  	s0 =	sand.u32 @!p1 $0xFFFF8, s12  }
0x1ab: {  	s2 =	sand.u32 @!p1 $0x7, s12;
	s0 =	sadd.s32 @!p1 s1, s0  }
0x1ac: {  	[tilespmem:s10], [sflag:$0x6] =	stream.linear.gather @!p1 [hbm4b:s0+s2], $0x80, $0x38;
	[tilespmem:$0x1F6F8] =	vst v63  }
0x1ad: {  	_ =	swait.ge @!p1 [sflag:s9], $0x80  }
0x1ae: {  	[sflag:s9] =	ssyncset.done @!p1 $0x0  }
0x1af: {  	[sflag:s9] =	ssyncadd.s32 @!p1 $0xFFFFFF80  }
0x1b0: {  	v1 =	vld @!p1 [tilespmem:$0xF188];
	_ =	sdelay $0x2  }
0x1b1: {  	s0 =	sshll.u32 @!p1 s11, $0x9  }
0x1b2: {  	s2 =	sshrl.u32 @!p1 s0, $0x2  }
0x1b3: {  	[tilespmem:s2+$0xF238] =	vst.add.f32.msk @!p1 $0xffff, v1  }
0x1b4: {  	v1 =	vld @!p1 [tilespmem:$0xF198];
	_ =	sdelay $0x4  }
0x1b5: {  	[tilespmem:s2+$0xF248] =	vst.add.f32.msk @!p1 $0xffff, v1  }
0x1b6: {  	v1 =	vld @!p1 [tilespmem:$0xF1A8];
	_ =	sdelay $0x4  }
0x1b7: {  	[tilespmem:s2+$0xF258] =	vst.add.f32.msk @!p1 $0xffff, v1  }
0x1b8: {  	v1 =	vld @!p1 [tilespmem:$0xF1B8];
	_ =	sdelay $0x4  }
0x1b9: {  	[tilespmem:s2+$0xF268] =	vst.add.f32.msk @!p1 $0xffff, v1  }
0x1ba: {  	v1 =	vld @!p1 [tilespmem:$0xF1C8];
	_ =	sdelay $0x4  }
0x1bb: {  	[tilespmem:s2+$0xF278] =	vst.add.f32.msk @!p1 $0xffff, v1  }
0x1bc: {  	v1 =	vld @!p1 [tilespmem:$0xF1D8];
	_ =	sdelay $0x4  }
0x1bd: {  	[tilespmem:s2+$0xF288] =	vst.add.f32.msk @!p1 $0xffff, v1  }
0x1be: {  	v1 =	vld @!p1 [tilespmem:$0xF1E8];
	_ =	sdelay $0x4  }
0x1bf: {  	[tilespmem:s2+$0xF298] =	vst.add.f32.msk @!p1 $0xffff, v1  }
0x1c0: {  	v1 =	vld @!p1 [tilespmem:$0xF1F8];
	_ =	sdelay $0x4  }
0x1c1: {  	[tilespmem:s2+$0xF2A8] =	vst.add.f32.msk @!p1 $0xffff, v1  }
0x1c2: {  	s0 =	sshrl.u32 s0, $0x2;
	[tilespmem:s6+$0xF218] =	vst.msk $0x1, v0  }
0x1c3: {  	v0 =	vld [tilespmem:s0+$0xF238];
	_ =	sdelay $0x2  }
0x1c4: {  	s31 =	sshll.u32 s6, $0x9  }
0x1c5: {  	s2 =	sshra.s32 s31, $0x2  }
0x1c6: {  	[tilespmem:s2+$0xF238] =	vst v0  }
0x1c7: {  	v0 =	vld [tilespmem:s0+$0xF248];
	_ =	sdelay $0x4  }
0x1c8: {  	[tilespmem:s2+$0xF248] =	vst v0  }
0x1c9: {  	v0 =	vld [tilespmem:s0+$0xF258];
	_ =	sdelay $0x4  }
0x1ca: {  	[tilespmem:s2+$0xF258] =	vst v0  }
0x1cb: {  	v0 =	vld [tilespmem:s0+$0xF268];
	_ =	sdelay $0x4  }
0x1cc: {  	[tilespmem:s2+$0xF268] =	vst v0  }
0x1cd: {  	v0 =	vld [tilespmem:s0+$0xF278];
	_ =	sdelay $0x4  }
0x1ce: {  	[tilespmem:s2+$0xF278] =	vst v0  }
0x1cf: {  	v0 =	vld [tilespmem:s0+$0xF288];
	_ =	sdelay $0x4  }
0x1d0: {  	[tilespmem:s2+$0xF288] =	vst v0  }
0x1d1: {  	v0 =	vld [tilespmem:s0+$0xF298];
	_ =	sdelay $0x4  }
0x1d2: {  	[tilespmem:s2+$0xF298] =	vst v0  }
0x1d3: {  	v0 =	vld [tilespmem:s0+$0xF2A8];
	_ =	sdelay $0x4  }
0x1d4: {  	s6 =	sadd.s32 $0x1, s6;
	[tilespmem:s2+$0xF2A8] =	vst v0  }
.LBB3_33:
0x1d5: {  	s11 =	sadd.s32 $0x1, s11  }
0x1d6: {  	p1 =	sne.s32 s11, $0x20  }
.Ltmp25:
0x1d7: {  	_ = 	snop;
	(pc) =	sbr.rel @!p1 .LBB3_34-.Ltmp25, $1  }
0x1d8: {  	_ =	sdelay $0x3  }
.LBB3_26:
0x1d9: {  	v0 =	vld.msk [tilespmem:s11+$0xF218], $0x1;
	_ =	sdelay $0x4  }
0x1da: {  	(v2sf) =	vpush v0, $0x0;
	_ =	sdelay $0xe  }
0x1db: {  	s12 =	spop (v2sf)  }
0x1dc: {  	p1 =	seq.s32 s12, $0xFFFFFFFF  }
.Ltmp26:
0x1dd: {  	_ = 	snop;
	(pc) =	sbr.rel @p1 .LBB3_33-.Ltmp26, $1  }
0x1de: {  	_ =	sdelay $0x3  }
0x1df: {  	p1 =	slt.s32 s6, $0x1  }
.Ltmp27:
0x1e0: {  	_ = 	snop;
	(pc) =	sbr.rel @p1 .LBB3_32-.Ltmp27, $1  }
0x1e1: {  	_ =	sdelay $0x3  }
0x1e2: {  	s13 =	simm.s32 $0xF218;
	p1 =	por $0x0, $0x0  }
0x1e3: {  	v1 =	vld.msk @!p1 [tilespmem:s13+$0x0], $0x1;
	_ =	sdelay $0x4  }
0x1e4: {  	(v2sf) =	vpush @!p1 v1, $0x0;
	_ =	sdelay $0xd  }
0x1e5: {  	p3 =	sne.s32 s6, $0x1  }
.Ltmp28:
0x1e6: {  	s0 =	spop @!p1 (v2sf);
	(pc) =	sbr.rel @!p3 .LBB3_30-.Ltmp28, $4  }
0x1e7: {  	p2 =	seq.s32 @!p1 s12, s0  }
0x1e8: {  	s14 =	simm.s32 $0x0;
	p2 =	por !p2, p1  }
0x1e9: {  	s2 =	simm.s32 $0xFFFFFFFF;
	s14 =	simm.s32 @p2 $0xFFFFFFFF  }
0x1ea: {  	s0 =	simm.s32 $0x1;
	s14 =	smov.u32 @p1 s2  }
.LBB3_29:
0x1eb: {  	s2 =	smov.u32 s14;
	p1 =	sne.s32 s14, $0xFFFFFFFF  }
0x1ec: {  	s13 =	sadd.s32 $0x1, s13;
	s14 =	smov.u32 s0;
	s0 =	sadd.s32 $0x1, s0  }
0x1ed: {  	p2 =	sne.s32 s6, s0;
	v1 =	vld.msk @!p1 [tilespmem:s13+$0x0], $0x1;
	_ =	sdelay $0x4  }
0x1ee: {  	(v2sf) =	vpush @!p1 v1, $0x0;
	_ =	sdelay $0xe  }
.Ltmp29:
0x1ef: {  	s3 =	spop @!p1 (v2sf);
	(pc) =	sbr.rel @p2 .LBB3_29-.Ltmp29, $4  }
0x1f0: {  	p3 =	seq.s32 @!p1 s12, s3  }
0x1f1: {  	p3 =	por !p3, p1  }
0x1f2: {  	s14 =	simm.s32 @p3 $0xFFFFFFFF  }
0x1f3: {  	s14 =	smov.u32 @p1 s2  }
.LBB3_30:
0x1f4: {  	p1 =	seq.s32 s14, $0xFFFFFFFF  }
.Ltmp30:
0x1f5: {  	_ = 	snop;
	(pc) =	sbr.rel @p1 .LBB3_32-.Ltmp30, $1  }
0x1f6: {  	_ =	sdelay $0x3  }
0x1f7: {  	s0 =	sshll.u32 s11, $0x7  }
0x1f8: {  	s0 =	sand.u32 $0x3FFFFF80, s0  }
0x1f9: {  	v0 =	vld [tilespmem:s0+$0xF238];
	_ =	sdelay $0x2  }
0x1fa: {  	s2 =	sshll.u32 s14, $0x9  }
0x1fb: {  	s2 =	sshra.s32 s2, $0x2  }
0x1fc: {  	[tilespmem:s2+$0xF238] =	vst.add.f32.msk $0xffff, v0  }
0x1fd: {  	v0 =	vld [tilespmem:s0+$0xF248];
	_ =	sdelay $0x4  }
0x1fe: {  	[tilespmem:s2+$0xF248] =	vst.add.f32.msk $0xffff, v0  }
0x1ff: {  	v0 =	vld [tilespmem:s0+$0xF258];
	_ =	sdelay $0x4  }
0x200: {  	[tilespmem:s2+$0xF258] =	vst.add.f32.msk $0xffff, v0  }
0x201: {  	v0 =	vld [tilespmem:s0+$0xF268];
	_ =	sdelay $0x4  }
0x202: {  	[tilespmem:s2+$0xF268] =	vst.add.f32.msk $0xffff, v0  }
0x203: {  	v0 =	vld [tilespmem:s0+$0xF278];
	_ =	sdelay $0x4  }
0x204: {  	[tilespmem:s2+$0xF278] =	vst.add.f32.msk $0xffff, v0  }
0x205: {  	v0 =	vld [tilespmem:s0+$0xF288];
	_ =	sdelay $0x4  }
0x206: {  	[tilespmem:s2+$0xF288] =	vst.add.f32.msk $0xffff, v0  }
0x207: {  	v0 =	vld [tilespmem:s0+$0xF298];
	_ =	sdelay $0x4  }
0x208: {  	[tilespmem:s2+$0xF298] =	vst.add.f32.msk $0xffff, v0  }
0x209: {  	v0 =	vld [tilespmem:s0+$0xF2A8]  }
.Ltmp31:
0x20a: {  	_ = 	snop;
	(pc) =	sbr.rel .LBB3_33-.Ltmp31, $2  }
0x20b: {  	_ =	sdelay $0x2  }
0x20c: {  	[tilespmem:s2+$0xF2A8] =	vst.add.f32.msk $0xffff, v0  }
.LBB3_34:
0x20d: {  	s0 =	simm.s32 $0x6;
	p1 =	seq.s32 s6, $0x0  }
0x20e: {  	[sflag:s0] =	ssyncpa.u1 $0x1;
	v0 =	vimm.s32 @p1 $0xFFFFFFFF  }
0x20f: {  	s9 =	sadd.s32 $0xFFFFFFFF, s6;
	[tilespmem:$0x10238] =	vst @p1 v0  }
0x210: {  	v0 =	vld.msk @!p1 [tilespmem:s9+$0xF218], $0x1;
	_ =	sdelay $0x1  }
0x211: {  	v1 =	vld.msk @!p1 [tilespmem:$0xF218], $0x1;
	_ =	sdelay $0x2  }
0x212: {  	p2 =	seq.s32 @!p1 s9, $0x0;
	v0 =	vbroadcast @!p1 v0, $0x0  }
0x213: {  	vm0 =	vmmov @!p1 $0x1;
	p2 =	por !p2, p1  }
0x214: {  	v1 =	vnsel @!p1 vm0, $0xFFFFFFFF, v1;
	vm0 =	vcmask @!p1 $0x308;
	v0 =	vpsel !p2, $0xFFFFFFFF, v0  }
0x215: {  	p2 =	sne.s32 @!p1 s8, s7;
	v0 =	vsel @!p1 vm0, v1, v0  }
0x216: {  	s0 =	simm.s32 @!p1 $0xF238;
	s2 =	simm.s32 @!p1 $0x0;
	p3 =	por !p2, p1;
	[tilespmem:$0x10238] =	vst @!p1 v0  }
0x217: {  	[spmem:s2] =	stream.linear.scatter @!p1 [tilespmem:s0], [sflag:$0x1], $0x80, $0x38;
	[tilespmem:$0x1F6F8] =	vst v63  }
0x218: {  	s0 =	sshll.u32 @!p3 s9, $0x9  }
0x219: {  	s0 =	sshra.s32 @!p3 s0, $0x2  }
0x21a: {  	s2 =	simm.s32 @!p3 $0x80;
	s0 =	sadd.s32 @!p3 $0xF238, s0  }
0x21b: {  	[spmem:s2] =	stream.linear.scatter @!p3 [tilespmem:s0], [sflag:$0x1], $0x80, $0x38;
	[tilespmem:$0x1F6F8] =	vst v63  }
0x21c: {  	s0 =	simm.s32 @!p3 $0x1  }
0x21d: {  	_ =	swait.ge @!p3 [sflag:s0], $0x100  }
0x21e: {  	p1 =	por p2, p1;
	[sflag:s0] =	ssyncset.done @!p3 $0x0  }
0x21f: {  	[sflag:s0] =	ssyncadd.s32 @!p3 $0xFFFFFF00;
	s0 =	simm.s32 @!p1 $0x1  }
0x220: {  	_ =	swait.ge @!p1 [sflag:s0], $0x80  }
0x221: {  	s29 =	simm.s32 $0x10238;
	[sflag:s0] =	ssyncset.done @!p1 $0x0  }
0x222: {  	s30 =	simm.s32 $0x1000;
	s31 =	simm.s32 $0x1;
	[sflag:s0] =	ssyncadd.s32 @!p1 $0xFFFFFF80  }
0x223: {  	[spmem:s30] =	stream.linear.scatter [tilespmem:s29], [sflag:$0x1], $0x10, $0x38;
	[tilespmem:$0x1F6F8] =	vst v63  }
0x224: {  	_ =	swait.ge [sflag:s31], $0x10  }
0x225: {  	[sflag:s31] =	ssyncset.done $0x0  }
0x226: {  	p1 =	seq.s32 s15, $0x0;
	s8 =	rddreg [dreg:$0x1];
	[sflag:s31] =	ssyncadd.s32 $0xFFFFFFF0  }
0x227: {  	s2 =	sshll.u32 @p1 s8, $0xE;
	s7 =	rddreg [dreg:$0x2]  }
0x228: {  	s0 =	sadd.s32 @p1 $0x15C3C, s2;
	s2 =	sshll.u32 @p1 s7, $0x11  }
0x229: {  	_ =	sfence.stream.spmem;
	s0 =	sor.u32 @p1 s2, s0  }
0x22a: {  	[sflag:s0] =	ssyncadd.remote.s32 @p1 $0x1;
	s0 =	simm.s32 @p1 $0x4  }
0x22b: {  	s3 =	simm.s32 @!p1 $0x3C;
	s2 =	sand.u32 $0xFFFFFFFE, s8;
	_ =	swait.ge @p1 [sflag:s0], $0x22  }
0x22c: {  	s4 =	simm.s32 @!p1 $0x0;
	s2 =	sadd.s32 @!p1 $0x4, s2;
	[sflag:s0] =	ssyncset.done @p1 $0x0  }
0x22d: {  	s5 =	simm.s32 @!p1 $0x100;
	[sflag:s0] =	ssyncadd.s32 @p1 $0xFFFFFFDE;
	s0 =	sshll.u32 @!p1 s2, $0x1A  }
0x22e: {  	s2 =	sshll.u32 @!p1 s2, $0xD;
	s0 =	sor.u32 @!p1 s0, s7;
	_ =	swait.eq @!p1 [sflag:s3], $0x1  }
0x22f: {  	s2 =	sor.u32 @!p1 $0x1C04, s2;
	s3 =	simm.s32 @!p1 $0x1C03;
	s0 =	sor.u32 @!p1 $0x80004000, s0  }
0x230: {  	[spmem:s5], [sflag:s2] =	dma.general @!p1 [spmem:s4], [sflag:s3], length:$0x20, [dreg:$0x0], stride_count:$0x0, ici_dest:s0, dma_misc:DstOpCode:WRITE  }
0x231: {  	p2 =	slt.s32 s9, $0x2;
	s4 =	simm.s32 @!p1 $0x200;
	s5 =	simm.s32 @!p1 $0x202  }
0x232: {  	[spmem:s5], [sflag:s2] =	dma.general @!p1 [spmem:s4], [sflag:s3], length:$0x2, [dreg:$0x0], stride_count:$0x0, ici_dest:s0, dma_misc:DstOpCode:WRITE  }
.Ltmp32:
0x233: {  	s0 =	simm.s32 @!p1 $0x3;
	(pc) =	sbr.rel @p2 .LBB3_38-.Ltmp32, $4  }
0x234: {  	s2 =	sshll.u32 @!p1 s8, $0xE;
	_ =	swait.ge @!p1 [sflag:s0], $0x22  }
0x235: {  	s3 =	sshll.u32 @!p1 s7, $0x11;
	s2 =	sadd.s32 @!p1 $0x11C3C, s2;
	[sflag:s0] =	ssyncset.done @!p1 $0x0  }
0x236: {  	[sflag:s0] =	ssyncadd.s32 @!p1 $0xFFFFFFDE;
	s0 =	sor.u32 @!p1 s3, s2  }
0x237: {  	[sflag:s0] =	ssyncadd.remote.s32 @!p1 $0xFFFFFFFF;
	s0 =	simm.s32 $0x0  }
0x238: {  	s0 =	simm.s32 $0xF219  }
0x239: {  	v0 =	vld.msk [tilespmem:s0+$0x0], $0x1;
	_ =	sdelay $0x4  }
0x23a: {  	(v2sf) =	vpush v0, $0x0;
	_ =	sdelay $0xb  }
0x23b: {  	s31 =	sadd.s32 $0xFFFFFFFE, s6  }
0x23c: {  	s0 =	sadd.s32 $0xFFFFFFFF, s31  }
0x23d: {  	p2 =	sne.s32 s0, $0x0  }
.Ltmp33:
0x23e: {  	s2 =	spop (v2sf);
	(pc) =	sbr.rel @!p2 .LBB3_37-.Ltmp33, $4  }
0x23f: {  	s4 =	simm.s32 $0xF2B8;
	s7 =	simm.s32 $0x0;
	p1 =	sgt.u32 s2, $0xC3FF0  }
0x240: {  	s5 =	simm.s32 $0x0;
	s6 =	simm.s32 $0xF21A;
	s3 =	sand.u32 @!p1 $0xFFFF8, s2  }
0x241: {  	s2 =	sand.u32 @!p1 $0x7, s2;
	s7 =	simm.s32 @!p1 $0x200;
	s3 =	sadd.s32 @!p1 s1, s3  }
0x242: {  	[hbm4b:s3+s2] =	stream.linear.scatter @!p1 [tilespmem:s4], [sflag:$0x5], $0x80, $0x38;
	[tilespmem:$0x1F6F8] =	vst v63  }
.LBB3_36:
0x243: {  	v0 =	vld.msk [tilespmem:s6+$0x0], $0x1;
	s0 =	sadd.s32 $0xFFFFFFFF, s0;
	s5 =	sadd.s32 s5, s7  }
0x244: {  	p1 =	sne.s32 s0, $0x0;
	_ =	sdelay $0x3  }
0x245: {  	(v2sf) =	vpush v0, $0x0;
	_ =	sdelay $0xe  }
.Ltmp34:
0x246: {  	s2 =	spop (v2sf);
	(pc) =	sbr.rel @p1 .LBB3_36-.Ltmp34, $4  }
0x247: {  	s7 =	simm.s32 $0x0;
	p2 =	sgt.u32 s2, $0xC3FF0  }
0x248: {  	s4 =	sadd.s32 $0x80, s4;
	s7 =	simm.s32 @!p2 $0x200;
	s3 =	sand.u32 @!p2 $0xFFFF8, s2  }
0x249: {  	s6 =	sadd.s32 $0x1, s6;
	s2 =	sand.u32 @!p2 $0x7, s2;
	s3 =	sadd.s32 @!p2 s1, s3  }
0x24a: {  	[hbm4b:s3+s2] =	stream.linear.scatter @!p2 [tilespmem:s4], [sflag:$0x5], $0x80, $0x38;
	[tilespmem:$0x1F6F8] =	vst v63  }
.LBB3_37:
0x24b: {  	s0 =	sadd.s32 s5, s7  }
0x24c: {  	s0 =	sshrl.u32 s0, $0x2  }
.LBB3_38:
0x24d: {  	s2 =	simm.s32 $0x5  }
0x24e: {  	_ =	swait.ge [sflag:s2], s0  }
0x24f: {  	s31 =	ssub.s32 $0x0, s0;
	[sflag:s2] =	ssyncset.done $0x0  }
0x250: {  	[sflag:s2] =	ssyncadd.s32 s31  }
0x251: {  	[sflag:s2] =	ssyncpa.u1 $0x1  }
.LBB3_39:
0x252: {  	s0 =	sor.u32 s15, s16  }
0x253: {  	p1 =	sne.s32 s0, $0x0  }
.Ltmp35:
0x254: {  	_ = 	snop;
	(pc) =	sbr.rel @p1 .LBB3_54-.Ltmp35, $3  }
0x255: {  	_ =	sdelay $0x1  }
0x256: {  	[bflag:$0x0] =	sbarrier.arrive $0xFFFF  }
0x257: {  	_ =	sfence  }
0x258: {  	s0 =	simm.s32 $0x7  }
0x259: {  	s2 =	simm.s32 $0x1000;
	s3 =	simm.s32 $0xF218;
	[sflag:s0] =	ssyncpa.u1 $0x0  }
0x25a: {  	[tilespmem:s3], [sflag:$0x7] =	stream.linear.gather [spmem:s2], $0x20, $0x38;
	[tilespmem:$0x1F6F8] =	vst v63  }
0x25b: {  	s30 =	simm.s32 $0xF238;
	s2 =	simm.s32 $0x0  }
0x25c: {  	[tilespmem:s30], [sflag:$0x7] =	stream.linear.gather [spmem:s2], $0x1000, $0x38;
	[tilespmem:$0x1F6F8] =	vst v63  }
.Ltmp36:
0x25d: {  	_ = 	snop;
	(pc) =	sbr.rel .LBB3_41-.Ltmp36, $4  }
0x25e: {  	_ =	swait.ge [sflag:s0], $0x1020  }
0x25f: {  	[sflag:s0] =	ssyncset.done $0x0  }
0x260: {  	s31 =	simm.s32 $0x8;
	[sflag:s0] =	ssyncadd.s32 $0xFFFFEFE0  }
0x261: {  	s3 =	simm.s32 $0x0;
	[sflag:s31] =	ssyncpa.u1 $0x0  }
.LBB3_47:
0x262: {  	p1 =	slt.u32 s4, $0xC3FF1  }
0x263: {  	s0 =	sand.u32 @p1 $0xFFFF8, s4  }
0x264: {  	s4 =	sand.u32 @p1 $0x7, s4;
	s5 =	simm.s32 @p1 $0xF188;
	s0 =	sadd.s32 @p1 s1, s0  }
0x265: {  	[tilespmem:s5], [sflag:$0x8] =	stream.linear.gather @p1 [hbm4b:s0+s4], $0x80, $0x38;
	[tilespmem:$0x1F6F8] =	vst v63  }
0x266: {  	s0 =	simm.s32 @p1 $0x8  }
0x267: {  	_ =	swait.ge @p1 [sflag:s0], $0x80  }
0x268: {  	[sflag:s0] =	ssyncset.done @p1 $0x0  }
0x269: {  	[sflag:s0] =	ssyncadd.s32 @p1 $0xFFFFFF80  }
0x26a: {  	v1 =	vld @p1 [tilespmem:$0xF188];
	_ =	sdelay $0x2  }
0x26b: {  	s0 =	sshll.u32 @p1 s3, $0x9  }
0x26c: {  	s4 =	sshrl.u32 @p1 s0, $0x2  }
0x26d: {  	[tilespmem:s4+$0xF238] =	vst.add.f32.msk @p1 $0xffff, v1  }
0x26e: {  	v1 =	vld @p1 [tilespmem:$0xF198];
	_ =	sdelay $0x4  }
0x26f: {  	[tilespmem:s4+$0xF248] =	vst.add.f32.msk @p1 $0xffff, v1  }
0x270: {  	v1 =	vld @p1 [tilespmem:$0xF1A8];
	_ =	sdelay $0x4  }
0x271: {  	[tilespmem:s4+$0xF258] =	vst.add.f32.msk @p1 $0xffff, v1  }
0x272: {  	v1 =	vld @p1 [tilespmem:$0xF1B8];
	_ =	sdelay $0x4  }
0x273: {  	[tilespmem:s4+$0xF268] =	vst.add.f32.msk @p1 $0xffff, v1  }
0x274: {  	v1 =	vld @p1 [tilespmem:$0xF1C8];
	_ =	sdelay $0x4  }
0x275: {  	[tilespmem:s4+$0xF278] =	vst.add.f32.msk @p1 $0xffff, v1  }
0x276: {  	v1 =	vld @p1 [tilespmem:$0xF1D8];
	_ =	sdelay $0x4  }
0x277: {  	[tilespmem:s4+$0xF288] =	vst.add.f32.msk @p1 $0xffff, v1  }
0x278: {  	v1 =	vld @p1 [tilespmem:$0xF1E8];
	_ =	sdelay $0x4  }
0x279: {  	[tilespmem:s4+$0xF298] =	vst.add.f32.msk @p1 $0xffff, v1  }
0x27a: {  	v1 =	vld @p1 [tilespmem:$0xF1F8];
	_ =	sdelay $0x3  }
0x27b: {  	s5 =	sshll.u32 @!p1 s3, $0x9  }
0x27c: {  	s5 =	smov.u32 @p1 s0;
	[tilespmem:s4+$0xF2A8] =	vst.add.f32.msk @p1 $0xffff, v1  }
0x27d: {  	s0 =	sshrl.u32 s5, $0x2;
	[tilespmem:s2+$0xF218] =	vst.msk $0x1, v0  }
0x27e: {  	v0 =	vld [tilespmem:s0+$0xF238];
	_ =	sdelay $0x2  }
0x27f: {  	s31 =	sshll.u32 s2, $0x9  }
0x280: {  	s4 =	sshra.s32 s31, $0x2  }
0x281: {  	[tilespmem:s4+$0xF238] =	vst v0  }
0x282: {  	v0 =	vld [tilespmem:s0+$0xF248];
	_ =	sdelay $0x4  }
0x283: {  	[tilespmem:s4+$0xF248] =	vst v0  }
0x284: {  	v0 =	vld [tilespmem:s0+$0xF258];
	_ =	sdelay $0x4  }
0x285: {  	[tilespmem:s4+$0xF258] =	vst v0  }
0x286: {  	v0 =	vld [tilespmem:s0+$0xF268];
	_ =	sdelay $0x4  }
0x287: {  	[tilespmem:s4+$0xF268] =	vst v0  }
0x288: {  	v0 =	vld [tilespmem:s0+$0xF278];
	_ =	sdelay $0x4  }
0x289: {  	[tilespmem:s4+$0xF278] =	vst v0  }
0x28a: {  	v0 =	vld [tilespmem:s0+$0xF288];
	_ =	sdelay $0x4  }
0x28b: {  	[tilespmem:s4+$0xF288] =	vst v0  }
0x28c: {  	v0 =	vld [tilespmem:s0+$0xF298];
	_ =	sdelay $0x4  }
0x28d: {  	[tilespmem:s4+$0xF298] =	vst v0  }
0x28e: {  	v0 =	vld [tilespmem:s0+$0xF2A8];
	_ =	sdelay $0x4  }
0x28f: {  	s2 =	sadd.s32 $0x1, s2;
	[tilespmem:s4+$0xF2A8] =	vst v0  }
.LBB3_48:
0x290: {  	s3 =	sadd.s32 $0x1, s3  }
0x291: {  	p1 =	sne.s32 s3, $0x20  }
.Ltmp37:
0x292: {  	_ = 	snop;
	(pc) =	sbr.rel @!p1 .LBB3_49-.Ltmp37, $1  }
0x293: {  	_ =	sdelay $0x3  }
.LBB3_41:
0x294: {  	v0 =	vld.msk [tilespmem:s3+$0xF218], $0x1;
	_ =	sdelay $0x4  }
0x295: {  	(v2sf) =	vpush v0, $0x0;
	_ =	sdelay $0xe  }
0x296: {  	s4 =	spop (v2sf)  }
0x297: {  	p1 =	seq.s32 s4, $0xFFFFFFFF  }
.Ltmp38:
0x298: {  	_ = 	snop;
	(pc) =	sbr.rel @p1 .LBB3_48-.Ltmp38, $1  }
0x299: {  	_ =	sdelay $0x3  }
0x29a: {  	p1 =	slt.s32 s2, $0x1  }
.Ltmp39:
0x29b: {  	_ = 	snop;
	(pc) =	sbr.rel @p1 .LBB3_47-.Ltmp39, $1  }
0x29c: {  	_ =	sdelay $0x3  }
0x29d: {  	s5 =	simm.s32 $0xF218;
	p1 =	por $0x0, $0x0  }
0x29e: {  	v1 =	vld.msk @!p1 [tilespmem:s5+$0x0], $0x1;
	_ =	sdelay $0x4  }
0x29f: {  	(v2sf) =	vpush @!p1 v1, $0x0;
	_ =	sdelay $0xd  }
0x2a0: {  	p3 =	sne.s32 s2, $0x1  }
.Ltmp40:
0x2a1: {  	s0 =	spop @!p1 (v2sf);
	(pc) =	sbr.rel @!p3 .LBB3_45-.Ltmp40, $4  }
0x2a2: {  	p2 =	seq.s32 @!p1 s4, s0  }
0x2a3: {  	s6 =	simm.s32 $0x0;
	p2 =	por !p2, p1  }
0x2a4: {  	s7 =	simm.s32 $0xFFFFFFFF;
	s6 =	simm.s32 @p2 $0xFFFFFFFF  }
0x2a5: {  	s0 =	simm.s32 $0x1;
	s6 =	smov.u32 @p1 s7  }
.LBB3_44:
0x2a6: {  	s7 =	smov.u32 s6;
	p1 =	sne.s32 s6, $0xFFFFFFFF  }
0x2a7: {  	s5 =	sadd.s32 $0x1, s5;
	s6 =	smov.u32 s0;
	s0 =	sadd.s32 $0x1, s0  }
0x2a8: {  	p2 =	sne.s32 s2, s0;
	v1 =	vld.msk @!p1 [tilespmem:s5+$0x0], $0x1;
	_ =	sdelay $0x4  }
0x2a9: {  	(v2sf) =	vpush @!p1 v1, $0x0;
	_ =	sdelay $0xe  }
.Ltmp41:
0x2aa: {  	s8 =	spop @!p1 (v2sf);
	(pc) =	sbr.rel @p2 .LBB3_44-.Ltmp41, $4  }
0x2ab: {  	p3 =	seq.s32 @!p1 s4, s8  }
0x2ac: {  	p3 =	por !p3, p1  }
0x2ad: {  	s6 =	simm.s32 @p3 $0xFFFFFFFF  }
0x2ae: {  	s6 =	smov.u32 @p1 s7  }
.LBB3_45:
0x2af: {  	p1 =	seq.s32 s6, $0xFFFFFFFF  }
.Ltmp42:
0x2b0: {  	_ = 	snop;
	(pc) =	sbr.rel @p1 .LBB3_47-.Ltmp42, $1  }
0x2b1: {  	_ =	sdelay $0x3  }
0x2b2: {  	s0 =	sshll.u32 s3, $0x7  }
0x2b3: {  	s0 =	sand.u32 $0x3FFFFF80, s0  }
0x2b4: {  	v0 =	vld [tilespmem:s0+$0xF238];
	_ =	sdelay $0x2  }
0x2b5: {  	s4 =	sshll.u32 s6, $0x9  }
0x2b6: {  	s4 =	sshra.s32 s4, $0x2  }
0x2b7: {  	[tilespmem:s4+$0xF238] =	vst.add.f32.msk $0xffff, v0  }
0x2b8: {  	v0 =	vld [tilespmem:s0+$0xF248];
	_ =	sdelay $0x4  }
0x2b9: {  	[tilespmem:s4+$0xF248] =	vst.add.f32.msk $0xffff, v0  }
0x2ba: {  	v0 =	vld [tilespmem:s0+$0xF258];
	_ =	sdelay $0x4  }
0x2bb: {  	[tilespmem:s4+$0xF258] =	vst.add.f32.msk $0xffff, v0  }
0x2bc: {  	v0 =	vld [tilespmem:s0+$0xF268];
	_ =	sdelay $0x4  }
0x2bd: {  	[tilespmem:s4+$0xF268] =	vst.add.f32.msk $0xffff, v0  }
0x2be: {  	v0 =	vld [tilespmem:s0+$0xF278];
	_ =	sdelay $0x4  }
0x2bf: {  	[tilespmem:s4+$0xF278] =	vst.add.f32.msk $0xffff, v0  }
0x2c0: {  	v0 =	vld [tilespmem:s0+$0xF288];
	_ =	sdelay $0x4  }
0x2c1: {  	[tilespmem:s4+$0xF288] =	vst.add.f32.msk $0xffff, v0  }
0x2c2: {  	v0 =	vld [tilespmem:s0+$0xF298];
	_ =	sdelay $0x4  }
0x2c3: {  	[tilespmem:s4+$0xF298] =	vst.add.f32.msk $0xffff, v0  }
0x2c4: {  	v0 =	vld [tilespmem:s0+$0xF2A8]  }
.Ltmp43:
0x2c5: {  	_ = 	snop;
	(pc) =	sbr.rel .LBB3_48-.Ltmp43, $2  }
0x2c6: {  	_ =	sdelay $0x2  }
0x2c7: {  	[tilespmem:s4+$0xF2A8] =	vst.add.f32.msk $0xffff, v0  }
.LBB3_49:
0x2c8: {  	p1 =	slt.s32 s2, $0x1  }
.Ltmp44:
0x2c9: {  	_ = 	snop;
	(pc) =	sbr.rel @p1 .LBB3_53-.Ltmp44, $3  }
0x2ca: {  	_ =	sdelay $0x1  }
0x2cb: {  	s0 =	simm.s32 $0x8  }
0x2cc: {  	s3 =	simm.s32 $0x0;
	[sflag:s0] =	ssyncpa.u1 $0x1  }
0x2cd: {  	s0 =	simm.s32 $0xF218  }
0x2ce: {  	v0 =	vld.msk [tilespmem:s0+$0x0], $0x1;
	_ =	sdelay $0x4  }
0x2cf: {  	(v2sf) =	vpush v0, $0x0;
	_ =	sdelay $0xe  }
0x2d0: {  	s0 =	sadd.s32 $0xFFFFFFFF, s2;
	s5 =	spop (v2sf)  }
0x2d1: {  	p2 =	sne.s32 s0, $0x0;
	p1 =	sgt.u32 s5, $0xC3FF0  }
.Ltmp45:
0x2d2: {  	s6 =	sand.u32 @!p1 $0xFFFF8, s5;
	(pc) =	sbr.rel @!p2 .LBB3_52-.Ltmp45, $4  }
0x2d3: {  	s4 =	simm.s32 $0xF238;
	s5 =	sand.u32 @!p1 $0x7, s5;
	s2 =	sadd.s32 @!p1 s1, s6  }
0x2d4: {  	[hbm4b:s2+s5] =	stream.linear.scatter @!p1 [tilespmem:s4], [sflag:$0x7], $0x80, $0x38;
	[tilespmem:$0x1F6F8] =	vst v63  }
0x2d5: {  	s5 =	simm.s32 $0x0  }
0x2d6: {  	s2 =	simm.s32 $0xF219;
	s5 =	simm.s32 @!p1 $0x200  }
.LBB3_51:
0x2d7: {  	v0 =	vld.msk [tilespmem:s2+$0x0], $0x1;
	s0 =	sadd.s32 $0xFFFFFFFF, s0;
	s3 =	sadd.s32 s3, s5  }
0x2d8: {  	p1 =	sne.s32 s0, $0x0;
	_ =	sdelay $0x3  }
0x2d9: {  	(v2sf) =	vpush v0, $0x0;
	_ =	sdelay $0xe  }
.Ltmp46:
0x2da: {  	s6 =	spop (v2sf);
	(pc) =	sbr.rel @p1 .LBB3_51-.Ltmp46, $4  }
0x2db: {  	s5 =	simm.s32 $0x0;
	p2 =	sgt.u32 s6, $0xC3FF0  }
0x2dc: {  	s4 =	sadd.s32 $0x80, s4;
	s5 =	simm.s32 @!p2 $0x200;
	s7 =	sand.u32 @!p2 $0xFFFF8, s6  }
0x2dd: {  	s2 =	sadd.s32 $0x1, s2;
	s6 =	sand.u32 @!p2 $0x7, s6;
	s7 =	sadd.s32 @!p2 s1, s7  }
0x2de: {  	[hbm4b:s7+s6] =	stream.linear.scatter @!p2 [tilespmem:s4], [sflag:$0x7], $0x80, $0x38;
	[tilespmem:$0x1F6F8] =	vst v63  }
.LBB3_52:
0x2df: {  	s0 =	sadd.s32 s3, s5  }
0x2e0: {  	s3 =	sshrl.u32 s0, $0x2  }
.LBB3_53:
0x2e1: {  	s0 =	simm.s32 $0x7  }
0x2e2: {  	_ =	swait.ge [sflag:s0], s3  }
0x2e3: {  	s1 =	ssub.s32 $0x0, s3;
	[sflag:s0] =	ssyncset.done $0x0  }
0x2e4: {  	[sflag:s0] =	ssyncadd.s32 s1  }
0x2e5: {  	[sflag:s0] =	ssyncpa.u1 $0x1  }
.LBB3_54:
0x2e6: {  	_ =	sfence;
	s0 =	simm.s32 $0x1  }
0x2e7: {  	[sflag:s0] =	ssyncpa.u1 $0x1  }
0x2e8: {  	_ =	strace $0x90000053  }
0x2e9: {  	[bflag:$0x2] =	sbarrier.arrive $0xFFFF  }
0x2ea: {  	s0 =	rddreg [dreg:$0x3]  }
0x2eb: {  	s0 =	sadd.s32 @!p0 $0x100000, s0  }
0x2ec: {  	[sflag:s0] =	ssyncadd.tile.s32 @!p0 $0x1;
	_ =	shalt  }
.Lfunc_end3:
_tile_overlayer_lowered:
.L_overlay_start_3:
0x2ed: {  	(tag) =	ssettag $0x3  }
0x2ee: {  	s0 =	rddreg [dreg:$0x0];
	s2 =	stileid.u32  }
0x2ef: {  	s1 =	rddreg [dreg:$0x1];
	p0 =	sne.s32 s2, $0x0  }
0x2f0: {  	s3 =	rddreg [dreg:$0x2];
	[bflag:$0x3] =	sbarrier.arrive $0xFFFF;
	s2 =	simm.s32 @!p0 $0x1C01  }
0x2f1: {  	[timem:s3], [sflag:s2] =	dma.local @!p0 [hbm:s0], s1  }
0x2f2: {  	s0 =	simm.s32 @!p0 $0x1  }
0x2f3: {  	_ =	swait.ge @!p0 [sflag:s0], s1  }
0x2f4: {  	s1 =	ssub.s32 @!p0 $0x0, s1;
	[sflag:s0] =	ssyncset.done @!p0 $0x0  }
0x2f5: {  	[sflag:s0] =	ssyncadd.s32 @!p0 s1  }
0x2f6: {  	[bflag:$0x3] =	sbarrier.arrive $0xFFFF  }
0x2f7: {  	_ =	shalt  }

</sc_bundles>
